<compile_context>
chip_gen: v7x
topology: tpu7x:2x2x1
jax: 0.10.2.dev20260603
libtpu: 0.0.44.dev20260713+nightly
codegen_flags: <defaults>
</compile_context>

<pallas_src>
import jax
import jax.numpy as jnp
from jax import lax
from jax.experimental import pallas as pl
from jax.experimental.pallas import tpu as pltpu
from jax.experimental.pallas import tpu_sc as plsc

D = 128
E = 160000
NJ = 10000
C1 = 256
BN_EPS = 1e-5

NC, NS = 2, 16
NW = NC * NS

EW_G = (2 * E) // NW
KG = 80
NCG = EW_G // KG
NJP = 10240

BE = 1280
NBLK = E // BE

_sc_mesh = plsc.VectorSubcoreMesh(
    core_axis_name="c", subcore_axis_name="s", num_cores=NC, num_subcores=NS
)


NBUF = 5


def _make_gather1(m_rows, k):
    ew = m_rows // NW
    grp = k * NBUF
    ngrp = ew // grp

    def body(t_hbm, idx_hbm, out_hbm, idx_g, rows, sem):
        wid = lax.axis_index("s") * NC + lax.axis_index("c")

        def group(g, carry):
            base = pl.multiple_of(wid * ew + g * grp, 8)
            pltpu.sync_copy(idx_hbm.at[pl.ds(base, grp)], idx_g)
            descs = [
                pltpu.async_copy(
                    t_hbm.at[idx_g.at[pl.ds(b * k, k)]], rows[b], sem)
                for b in range(NBUF)
            ]
            for d in descs:
                d.wait()
            for b in range(NBUF):
                o = pl.multiple_of(base + b * k, 8)
                pltpu.sync_copy(rows[b], out_hbm.at[pl.ds(o, k)])
            return carry

        lax.fori_loop(0, ngrp, group, 0)

    return pl.kernel(
        body,
        out_type=jax.ShapeDtypeStruct((m_rows, D), jnp.float32),
        mesh=_sc_mesh,
        scratch_types=[
            pltpu.VMEM((grp,), jnp.int32),
            [pltpu.VMEM((k, D), jnp.float32)] * NBUF,
            pltpu.SemaphoreType.DMA,
        ],
    )


_gather_big = _make_gather1(2 * E, 80)
_gather_perm = _make_gather1(E, 40)
_gather_bounds = _make_gather1(NJP, 64)


def _passA_body(g_ref, enc_ref, wa_ref, wb_ref, wc_ref, y_ref, st_ref):
    gb = g_ref[...].astype(jnp.bfloat16)
    eb = enc_ref[...].astype(jnp.bfloat16)
    y = lax.dot_general(wa_ref[...], gb, (((1,), (1,)), ((), ())),
                        preferred_element_type=jnp.float32)
    hb = lax.dot_general(wb_ref[...], gb, (((1,), (1,)), ((), ())),
                         preferred_element_type=jnp.float32)
    par = lax.broadcasted_iota(jnp.int32, (C1, BE), 1) % 2
    y = y + jnp.where(par == 0,
                      pltpu.roll(hb, BE - 1, 1), pltpu.roll(hb, 1, 1))
    y = y + lax.dot_general(wc_ref[...], eb, (((1,), (0,)), ((), ())),
                            preferred_element_type=jnp.float32)
    y_ref[...] = y.astype(jnp.bfloat16)

    @pl.when(pl.program_id(0) == 0)
    def _():
        st_ref[...] = jnp.zeros_like(st_ref)

    s = jnp.zeros((C1, 128), jnp.float32)
    q = jnp.zeros((C1, 128), jnp.float32)
    for k in range(BE // 128):
        blk = y[:, k * 128:(k + 1) * 128]
        s = s + blk
        q = q + blk * blk
    st_ref[0] += s
    st_ref[1] += q


def _make_passA(stream):
    return pl.pallas_call(
        _passA_body,
        grid=(NBLK,),
        in_specs=[
            pl.BlockSpec((BE, D), lambda i: (i + stream * NBLK, 0)),
            pl.BlockSpec((D, BE), lambda i: (0, i)),
            pl.BlockSpec((C1, D), lambda i: (0, 0)),
            pl.BlockSpec((C1, D), lambda i: (0, 0)),
            pl.BlockSpec((C1, D), lambda i: (0, 0)),
        ],
        out_specs=[
            pl.BlockSpec((C1, BE), lambda i: (0, i)),
            pl.BlockSpec((2, C1, 128), lambda i: (0, 0, 0)),
        ],
        out_shape=(
            jax.ShapeDtypeStruct((C1, E), jnp.bfloat16),
            jax.ShapeDtypeStruct((2, C1, 128), jnp.float32),
        ),
    )


def _passB_body(y_ref, st_ref, bnw_ref, bnb_ref, w2_ref, b2_ref, z_ref):
    st = st_ref[...]
    s = jnp.sum(st[0], axis=1, keepdims=True)
    q = jnp.sum(st[1], axis=1, keepdims=True)
    mean = s * (1.0 / E)
    var = q * (1.0 / E) - mean * mean
    inv = lax.rsqrt(var + BN_EPS)
    a = bnw_ref[:, 0:1] * inv
    c = bnb_ref[:, 0:1] - mean * a
    y = y_ref[...].astype(jnp.float32)
    h = jnp.maximum(y * a + c, 0.0).astype(jnp.bfloat16)
    z = lax.dot_general(h, w2_ref[...], (((0,), (1,)), ((), ())),
                        preferred_element_type=jnp.float32)
    z_ref[...] = z + b2_ref[...]


_passB = pl.pallas_call(
    _passB_body,
    grid=(NBLK,),
    in_specs=[
        pl.BlockSpec((C1, BE), lambda i: (0, i)),
        pl.BlockSpec((2, C1, 128), lambda i: (0, 0, 0)),
        pl.BlockSpec((C1, 128), lambda i: (0, 0)),
        pl.BlockSpec((C1, 128), lambda i: (0, 0)),
        pl.BlockSpec((D, C1), lambda i: (0, 0)),
        pl.BlockSpec((1, D), lambda i: (0, 0)),
    ],
    out_specs=pl.BlockSpec((BE, D), lambda i: (i, 0)),
    out_shape=jax.ShapeDtypeStruct((E, D), jnp.float32),
)


def _cumsum_body(zs_ref, c_ref, carry_ref):
    @pl.when(pl.program_id(0) == 0)
    def _():
        carry_ref[...] = jnp.zeros_like(carry_ref)

    x = zs_ref[...]
    s = 1
    while s < BE:
        x = x + jnp.concatenate(
            [jnp.zeros((s, D), x.dtype), x[:BE - s]], axis=0)
        s *= 2
    c = x + carry_ref[0:1, :]
    c_ref[...] = c
    carry_ref[0:1, :] = c[BE - 1:BE, :]


_cumsum = pl.pallas_call(
    _cumsum_body,
    grid=(NBLK,),
    in_specs=[pl.BlockSpec((BE, D), lambda i: (i, 0))],
    out_specs=pl.BlockSpec((BE, D), lambda i: (i, 0)),
    out_shape=jax.ShapeDtypeStruct((E, D), jnp.float32),
    scratch_shapes=[pltpu.VMEM((8, D), jnp.float32)],
)


def _combine_body(ld_ref, s_ref, valid_ref, cnt_ref, out_ref):
    t = s_ref[...] * valid_ref[:, 0:1]
    head = t[0:1, :] * jnp.zeros((1, 1), jnp.float32)
    tm1 = jnp.concatenate([head, t[:NJ - 1]], axis=0)
    ssum = t[:NJ] - tm1
    upd = ssum / jnp.maximum(cnt_ref[:NJ, 0:1], 1.0)
    r = lax.broadcasted_iota(jnp.int32, (D, D), 0)
    c = lax.broadcasted_iota(jnp.int32, (D, D), 1)
    eye = (r == c).astype(jnp.float32)
    upd_t = lax.dot_general(eye, upd, (((1,), (1,)), ((), ())),
                            preferred_element_type=jnp.float32,
                            precision=lax.Precision.HIGHEST)
    out_ref[...] = ld_ref[...] + upd_t[None, :, :]


_combine = pl.pallas_call(
    _combine_body,
    grid=(1,),
    in_specs=[
        pl.BlockSpec((1, D, NJ), lambda i: (0, 0, 0)),
        pl.BlockSpec((NJP, D), lambda i: (0, 0)),
        pl.BlockSpec((NJP, 16), lambda i: (0, 0)),
        pl.BlockSpec((NJP, 16), lambda i: (0, 0)),
    ],
    out_specs=pl.BlockSpec((1, D, NJ), lambda i: (0, 0, 0)),
    out_shape=jax.ShapeDtypeStruct((1, D, NJ), jnp.float32),
)


def kernel(ldesc0, ldesc1, line_enc0, line_enc1,
           lines_junc_idx0, lines_junc_idx1, W1, b1, bn_w, bn_b, W2, b2):
    del b1
    f32 = jnp.float32

    table = jnp.concatenate(
        [jnp.transpose(ldesc0[0]), jnp.transpose(ldesc1[0])], axis=0)
    i0 = lines_junc_idx0[0]
    i1 = lines_junc_idx1[0]
    idx_all = jnp.concatenate([i0, i1 + NJ])

    G = _gather_big(table, idx_all)

    W1h = W1.astype(jnp.bfloat16)
    Wa, Wb, Wc = W1h[:, :D], W1h[:, D:2 * D], W1h[:, 2 * D:]
    bnw2 = jnp.broadcast_to(bn_w[:, None], (C1, 128))
    bnb2 = jnp.broadcast_to(bn_b[:, None], (C1, 128))
    W2h = W2.astype(jnp.bfloat16)
    b2r = b2[None, :]

    outs = []
    for stream, (ld, enc, ii) in ((0, (ldesc0, line_enc0, i0)),
                                  (1, (ldesc1, line_enc1, i1))):
        y, st = _make_passA(stream)(G, enc[0], Wa, Wb, Wc)
        z = _passB(y, st, bnw2, bnb2, W2h, b2r)

        perm = jnp.argsort(ii).astype(jnp.int32)
        sidx = jnp.take(ii, perm)
        end = jnp.searchsorted(sidx, jnp.arange(NJ, dtype=jnp.int32),
                               side='right').astype(jnp.int32)
        start = jnp.concatenate([jnp.zeros((1,), jnp.int32), end[:-1]])
        cnt = (end - start).astype(f32)
        bidx = jnp.maximum(end - 1, 0)
        valid = (end > 0).astype(f32)
        pad = jnp.zeros((NJP - NJ,), jnp.int32)
        bidx_pad = jnp.concatenate([bidx, pad])
        valid16 = jnp.broadcast_to(
            jnp.concatenate([valid, pad.astype(f32)])[:, None], (NJP, 16))
        cnt16 = jnp.broadcast_to(
            jnp.concatenate([cnt, pad.astype(f32)])[:, None], (NJP, 16))

        zs = _gather_perm(z, perm)
        csum = _cumsum(zs)
        bounds = _gather_bounds(csum, bidx_pad)
        outs.append(_combine(ld, bounds, valid16, cnt16))

    return (outs[0], outs[1])

# --- scband reference (transcript-rebuilt; emitter-appended) ---
"""Pipeline reference for scband-line-layer-3917010174431 (READ-ONLY COPY).

The authoritative reference and input builder live on the scoring server;
editing this copy changes nothing except your own understanding.
"""

import jax, jax.numpy as jnp
import numpy as np

DIM = 128
N_JUNC = 10000
N_EP = 160000  # = 2 * n_lines
B = 1
BN_EPS = 1e-5


def _bn_train(x, w, b):
    # BatchNorm1d in training mode (torch default after construction):
    # normalize with batch statistics over (batch, length) per channel.
    mean = jnp.mean(x, axis=(0, 2), keepdims=True)
    var = jnp.var(x, axis=(0, 2), keepdims=True)
    return (x - mean) / jnp.sqrt(var + BN_EPS) * w[None, :, None] + b[None, :, None]


def _mlp(x, W1, b1, bn_w, bn_b, W2, b2):
    # Conv1d(kernel_size=1) == per-position matmul over channels
    x = jnp.einsum('oc,bcl->bol', W1, x) + b1[None, :, None]
    x = _bn_train(x, bn_w, bn_b)
    x = jax.nn.relu(x)
    x = jnp.einsum('oc,bcl->bol', W2, x) + b2[None, :, None]
    return x


def _endpoint_update(ldesc, line_enc, idx, W1, b1, bn_w, bn_b, W2, b2):
    b_size, dim, _ = ldesc.shape
    idx_e = jnp.broadcast_to(idx[:, None, :], (b_size, dim, idx.shape[1]))
    line_desc = jnp.take_along_axis(ldesc, idx_e, axis=2)
    # flip endpoint pairs: [B, D, 2L] -> [B, D, L, 2] -> flip last -> [B, D, 2L]
    flipped = line_desc.reshape(b_size, dim, -1, 2)[..., ::-1].reshape(b_size, dim, -1)
    message = jnp.concatenate([line_desc, flipped, line_enc], axis=1)
    return _mlp(message, W1, b1, bn_w, bn_b, W2, b2)


def _scatter_mean(src, idx, out_len):
    # src: [B, C, E], idx: [B, E] -> mean-scatter into [B, C, out_len]
    def one(s, i):
        summed = jax.ops.segment_sum(s.T, i, num_segments=out_len)  # [N, C]
        cnt = jax.ops.segment_sum(jnp.ones(i.shape, dtype=s.dtype), i, num_segments=out_len)
        return (summed / jnp.maximum(cnt, 1.0)[:, None]).T
    return jax.vmap(one)(src, idx)


def setup_inputs(seed: int = 0) -> dict:
    key = jax.random.key(seed)
    ks = jax.random.split(key, 8)
    d = DIM
    inp = {
        'ldesc0': jax.random.normal(ks[0], (B, d, N_JUNC), dtype=jnp.float32),
        'ldesc1': jax.random.normal(ks[1], (B, d, N_JUNC), dtype=jnp.float32),
        'line_enc0': jax.random.normal(ks[2], (B, d, N_EP), dtype=jnp.float32),
        'line_enc1': jax.random.normal(ks[3], (B, d, N_EP), dtype=jnp.float32),
        'lines_junc_idx0': jax.random.randint(ks[4], (B, N_EP), 0, N_JUNC, dtype=jnp.int32),
        'lines_junc_idx1': jax.random.randint(ks[5], (B, N_EP), 0, N_JUNC, dtype=jnp.int32),
        # MLP([3d, 2d, d]) parameters
        'W1': jax.random.normal(ks[6], (2 * d, 3 * d), dtype=jnp.float32) * 0.02,
        'b1': jnp.zeros((2 * d,), dtype=jnp.float32),
        'bn_w': jnp.ones((2 * d,), dtype=jnp.float32),
        'bn_b': jnp.zeros((2 * d,), dtype=jnp.float32),
        'W2': jax.random.normal(ks[7], (d, 2 * d), dtype=jnp.float32) * 0.02,
        'b2': jnp.zeros((d,), dtype=jnp.float32),
    }
    return inp


def reference(ldesc0, ldesc1, line_enc0, line_enc1, lines_junc_idx0, lines_junc_idx1, W1, b1, bn_w, bn_b, W2, b2):
    lup0 = _endpoint_update(ldesc0, line_enc0, lines_junc_idx0, W1, b1, bn_w, bn_b, W2, b2)
    lup1 = _endpoint_update(ldesc1, line_enc1, lines_junc_idx1, W1, b1, bn_w, bn_b, W2, b2)
    upd0 = _scatter_mean(lup0, lines_junc_idx0, ldesc0.shape[2])
    upd1 = _scatter_mean(lup1, lines_junc_idx1, ldesc1.shape[2])
    return (ldesc0 + upd0, ldesc1 + upd1)

if __name__ == "__main__":
    import jax
    _d = setup_inputs()
    print(jax.jit(kernel)(*tuple(_d.values())))

</pallas_src>

<mosaic_0001>
#map = affine_map<(d0, d1) -> (0, 0)>
#map1 = affine_map<(d0, d1) -> (0)>
module attributes {stable_mosaic.version = 14 : i64} {
  func.func @body(%arg0: i32, %arg1: i32, %arg2: memref<20000x128xf32, #tpu.memory_space<hbm>>, %arg3: memref<320000xi32, #tpu.memory_space<hbm>>, %arg4: memref<320000x128xf32, #tpu.memory_space<hbm>>, %arg5: memref<400xi32, #tpu.memory_space<vmem>>, %arg6: memref<80x128xf32, #tpu.memory_space<vmem>>, %arg7: memref<80x128xf32, #tpu.memory_space<vmem>>, %arg8: memref<80x128xf32, #tpu.memory_space<vmem>>, %arg9: memref<80x128xf32, #tpu.memory_space<vmem>>, %arg10: memref<80x128xf32, #tpu.memory_space<vmem>>, %arg11: memref<!tpu.dma_semaphore, #tpu.memory_space<semaphore_mem>>) attributes {dimension_semantics = [#tpu.dimension_semantics<core_parallel>, #tpu.dimension_semantics<subcore_parallel>], iteration_bounds = array<i64: 2, 16>, scalar_prefetch = 0 : i64, scratch_operands = 7 : i64, tpu.core_type = #tpu.core_type<sc_vector_subcore>, window_params = [{transform_indices = #map}, {transform_indices = #map1}, {transform_indices = #map}]} {
    %mul3A = arith.constant 2 : i32
    %mul3A_0 = arith.muli %arg1, %mul3A : i32
    %add3A = arith.addi %mul3A_0, %arg0 : i32
    %scan3A = arith.constant 0 : i32
    %scan3A_1 = arith.constant 0 : i32
    %scan3A_2 = arith.constant 25 : i32
    %scan3A_3 = arith.addi %scan3A_1, %scan3A_2 : i32
    %scan3A_4 = arith.constant 1 : i32
    scf.for %scan3A_6 = %scan3A_1 to %scan3A_3 step %scan3A_4  : i32 {
      %mul3A_7 = arith.constant 10000 : i32
      %mul3A_8 = arith.muli %add3A, %mul3A_7 : i32
      %mul3A_9 = arith.constant 400 : i32
      %mul3A_10 = arith.muli %scan3A_6, %mul3A_9 : i32
      %add3A_11 = arith.addi %mul3A_8, %mul3A_10 : i32
      %multiple_of3A = tpu.assume_multiple %add3A_11, 8 : i32
      "tpu.region"() ({
        %run_scoped3A = tpu.sem_alloc : memref<!tpu.dma_semaphore, #tpu.memory_space<semaphore_mem>>
        %dma_start3A_75 = tpu.memref_slice %arg3[%multiple_of3A] : memref<320000xi32, #tpu.memory_space<hbm>> -> memref<400xi32, #tpu.memory_space<hbm>>
        %dma_start3A_76 = tpu.memref_slice %arg3[%multiple_of3A] : memref<320000xi32, #tpu.memory_space<hbm>> -> memref<400xi32, #tpu.memory_space<hbm>>
        tpu.enqueue_dma source(%dma_start3A_76 : memref<400xi32, #tpu.memory_space<hbm>>) target(%arg5 : memref<400xi32, #tpu.memory_space<vmem>>) target_semaphore(%run_scoped3A : memref<!tpu.dma_semaphore, #tpu.memory_space<semaphore_mem>>)
        %dma_wait3A_77 = tpu.memref_slice %arg3[%multiple_of3A] : memref<320000xi32, #tpu.memory_space<hbm>> -> memref<400xi32, #tpu.memory_space<hbm>>
        %dma_wait3A_78 = tpu.memref_slice %arg3[%multiple_of3A] : memref<320000xi32, #tpu.memory_space<hbm>> -> memref<400xi32, #tpu.memory_space<hbm>>
        tpu.wait_dma2 semaphore(%run_scoped3A : memref<!tpu.dma_semaphore, #tpu.memory_space<semaphore_mem>>) src(%dma_wait3A_78 : memref<400xi32, #tpu.memory_space<hbm>>) dst(%arg5 : memref<400xi32, #tpu.memory_space<vmem>>)
        tpu.yield
      }) : () -> ()
      %dma_start3A = arith.constant 0 : i32
      %dma_start3A_12 = tpu.memref_slice %arg5[%dma_start3A] : memref<400xi32, #tpu.memory_space<vmem>> -> memref<80xi32, #tpu.memory_space<vmem>>
      %dma_start3A_13 = arith.constant 0 : i32
      %dma_start3A_14 = arith.constant 0 : i32
      %dma_start3A_15 = tpu.memref_slice %arg2[%dma_start3A_13, %dma_start3A_14] : memref<20000x128xf32, #tpu.memory_space<hbm>> -> memref<20000x128xf32, #tpu.memory_space<hbm>>
      tpu.enqueue_indirect_dma source(%dma_start3A_15 : memref<20000x128xf32, #tpu.memory_space<hbm>>) target(%arg6 : memref<80x128xf32, #tpu.memory_space<vmem>>) offsets(%dma_start3A_12 : memref<80xi32, #tpu.memory_space<vmem>>) semaphore(%arg11 : memref<!tpu.dma_semaphore, #tpu.memory_space<semaphore_mem>>)
      %dma_start3A_16 = arith.constant 80 : i32
      %dma_start3A_17 = tpu.memref_slice %arg5[%dma_start3A_16] : memref<400xi32, #tpu.memory_space<vmem>> -> memref<80xi32, #tpu.memory_space<vmem>>
      %dma_start3A_18 = arith.constant 0 : i32
      %dma_start3A_19 = arith.constant 0 : i32
      %dma_start3A_20 = tpu.memref_slice %arg2[%dma_start3A_18, %dma_start3A_19] : memref<20000x128xf32, #tpu.memory_space<hbm>> -> memref<20000x128xf32, #tpu.memory_space<hbm>>
      tpu.enqueue_indirect_dma source(%dma_start3A_20 : memref<20000x128xf32, #tpu.memory_space<hbm>>) target(%arg7 : memref<80x128xf32, #tpu.memory_space<vmem>>) offsets(%dma_start3A_17 : memref<80xi32, #tpu.memory_space<vmem>>) semaphore(%arg11 : memref<!tpu.dma_semaphore, #tpu.memory_space<semaphore_mem>>)
      %dma_start3A_21 = arith.constant 160 : i32
      %dma_start3A_22 = tpu.memref_slice %arg5[%dma_start3A_21] : memref<400xi32, #tpu.memory_space<vmem>> -> memref<80xi32, #tpu.memory_space<vmem>>
      %dma_start3A_23 = arith.constant 0 : i32
      %dma_start3A_24 = arith.constant 0 : i32
      %dma_start3A_25 = tpu.memref_slice %arg2[%dma_start3A_23, %dma_start3A_24] : memref<20000x128xf32, #tpu.memory_space<hbm>> -> memref<20000x128xf32, #tpu.memory_space<hbm>>
      tpu.enqueue_indirect_dma source(%dma_start3A_25 : memref<20000x128xf32, #tpu.memory_space<hbm>>) target(%arg8 : memref<80x128xf32, #tpu.memory_space<vmem>>) offsets(%dma_start3A_22 : memref<80xi32, #tpu.memory_space<vmem>>) semaphore(%arg11 : memref<!tpu.dma_semaphore, #tpu.memory_space<semaphore_mem>>)
      %dma_start3A_26 = arith.constant 240 : i32
      %dma_start3A_27 = tpu.memref_slice %arg5[%dma_start3A_26] : memref<400xi32, #tpu.memory_space<vmem>> -> memref<80xi32, #tpu.memory_space<vmem>>
      %dma_start3A_28 = arith.constant 0 : i32
      %dma_start3A_29 = arith.constant 0 : i32
      %dma_start3A_30 = tpu.memref_slice %arg2[%dma_start3A_28, %dma_start3A_29] : memref<20000x128xf32, #tpu.memory_space<hbm>> -> memref<20000x128xf32, #tpu.memory_space<hbm>>
      tpu.enqueue_indirect_dma source(%dma_start3A_30 : memref<20000x128xf32, #tpu.memory_space<hbm>>) target(%arg9 : memref<80x128xf32, #tpu.memory_space<vmem>>) offsets(%dma_start3A_27 : memref<80xi32, #tpu.memory_space<vmem>>) semaphore(%arg11 : memref<!tpu.dma_semaphore, #tpu.memory_space<semaphore_mem>>)
      %dma_start3A_31 = arith.constant 320 : i32
      %dma_start3A_32 = tpu.memref_slice %arg5[%dma_start3A_31] : memref<400xi32, #tpu.memory_space<vmem>> -> memref<80xi32, #tpu.memory_space<vmem>>
      %dma_start3A_33 = arith.constant 0 : i32
      %dma_start3A_34 = arith.constant 0 : i32
      %dma_start3A_35 = tpu.memref_slice %arg2[%dma_start3A_33, %dma_start3A_34] : memref<20000x128xf32, #tpu.memory_space<hbm>> -> memref<20000x128xf32, #tpu.memory_space<hbm>>
      tpu.enqueue_indirect_dma source(%dma_start3A_35 : memref<20000x128xf32, #tpu.memory_space<hbm>>) target(%arg10 : memref<80x128xf32, #tpu.memory_space<vmem>>) offsets(%dma_start3A_32 : memref<80xi32, #tpu.memory_space<vmem>>) semaphore(%arg11 : memref<!tpu.dma_semaphore, #tpu.memory_space<semaphore_mem>>)
      %dma_wait3A = arith.constant 0 : i32
      %dma_wait3A_36 = tpu.memref_slice %arg5[%dma_wait3A] : memref<400xi32, #tpu.memory_space<vmem>> -> memref<80xi32, #tpu.memory_space<vmem>>
      %dma_wait3A_37 = arith.constant 0 : i32
      %dma_wait3A_38 = arith.constant 0 : i32
      %dma_wait3A_39 = tpu.memref_slice %arg2[%dma_wait3A_37, %dma_wait3A_38] : memref<20000x128xf32, #tpu.memory_space<hbm>> -> memref<20000x128xf32, #tpu.memory_space<hbm>>
      tpu.wait_indirect_dma semaphore(%arg11 : memref<!tpu.dma_semaphore, #tpu.memory_space<semaphore_mem>>) src(%dma_wait3A_39 : memref<20000x128xf32, #tpu.memory_space<hbm>>) dst(%arg6 : memref<80x128xf32, #tpu.memory_space<vmem>>)
      %dma_wait3A_40 = arith.constant 80 : i32
      %dma_wait3A_41 = tpu.memref_slice %arg5[%dma_wait3A_40] : memref<400xi32, #tpu.memory_space<vmem>> -> memref<80xi32, #tpu.memory_space<vmem>>
      %dma_wait3A_42 = arith.constant 0 : i32
      %dma_wait3A_43 = arith.constant 0 : i32
      %dma_wait3A_44 = tpu.memref_slice %arg2[%dma_wait3A_42, %dma_wait3A_43] : memref<20000x128xf32, #tpu.memory_space<hbm>> -> memref<20000x128xf32, #tpu.memory_space<hbm>>
      tpu.wait_indirect_dma semaphore(%arg11 : memref<!tpu.dma_semaphore, #tpu.memory_space<semaphore_mem>>) src(%dma_wait3A_44 : memref<20000x128xf32, #tpu.memory_space<hbm>>) dst(%arg7 : memref<80x128xf32, #tpu.memory_space<vmem>>)
      %dma_wait3A_45 = arith.constant 160 : i32
      %dma_wait3A_46 = tpu.memref_slice %arg5[%dma_wait3A_45] : memref<400xi32, #tpu.memory_space<vmem>> -> memref<80xi32, #tpu.memory_space<vmem>>
      %dma_wait3A_47 = arith.constant 0 : i32
      %dma_wait3A_48 = arith.constant 0 : i32
      %dma_wait3A_49 = tpu.memref_slice %arg2[%dma_wait3A_47, %dma_wait3A_48] : memref<20000x128xf32, #tpu.memory_space<hbm>> -> memref<20000x128xf32, #tpu.memory_space<hbm>>
      tpu.wait_indirect_dma semaphore(%arg11 : memref<!tpu.dma_semaphore, #tpu.memory_space<semaphore_mem>>) src(%dma_wait3A_49 : memref<20000x128xf32, #tpu.memory_space<hbm>>) dst(%arg8 : memref<80x128xf32, #tpu.memory_space<vmem>>)
      %dma_wait3A_50 = arith.constant 240 : i32
      %dma_wait3A_51 = tpu.memref_slice %arg5[%dma_wait3A_50] : memref<400xi32, #tpu.memory_space<vmem>> -> memref<80xi32, #tpu.memory_space<vmem>>
      %dma_wait3A_52 = arith.constant 0 : i32
      %dma_wait3A_53 = arith.constant 0 : i32
      %dma_wait3A_54 = tpu.memref_slice %arg2[%dma_wait3A_52, %dma_wait3A_53] : memref<20000x128xf32, #tpu.memory_space<hbm>> -> memref<20000x128xf32, #tpu.memory_space<hbm>>
      tpu.wait_indirect_dma semaphore(%arg11 : memref<!tpu.dma_semaphore, #tpu.memory_space<semaphore_mem>>) src(%dma_wait3A_54 : memref<20000x128xf32, #tpu.memory_space<hbm>>) dst(%arg9 : memref<80x128xf32, #tpu.memory_space<vmem>>)
      %dma_wait3A_55 = arith.constant 320 : i32
      %dma_wait3A_56 = tpu.memref_slice %arg5[%dma_wait3A_55] : memref<400xi32, #tpu.memory_space<vmem>> -> memref<80xi32, #tpu.memory_space<vmem>>
      %dma_wait3A_57 = arith.constant 0 : i32
      %dma_wait3A_58 = arith.constant 0 : i32
      %dma_wait3A_59 = tpu.memref_slice %arg2[%dma_wait3A_57, %dma_wait3A_58] : memref<20000x128xf32, #tpu.memory_space<hbm>> -> memref<20000x128xf32, #tpu.memory_space<hbm>>
      tpu.wait_indirect_dma semaphore(%arg11 : memref<!tpu.dma_semaphore, #tpu.memory_space<semaphore_mem>>) src(%dma_wait3A_59 : memref<20000x128xf32, #tpu.memory_space<hbm>>) dst(%arg10 : memref<80x128xf32, #tpu.memory_space<vmem>>)
      %add3A_60 = arith.constant 0 : i32
      %add3A_61 = arith.addi %multiple_of3A, %add3A_60 : i32
      %multiple_of3A_62 = tpu.assume_multiple %add3A_61, 8 : i32
      "tpu.region"() ({
        %run_scoped3A = tpu.sem_alloc : memref<!tpu.dma_semaphore, #tpu.memory_space<semaphore_mem>>
        %dma_start3A_75 = arith.constant 0 : i32
        %dma_start3A_76 = tpu.memref_slice %arg4[%multiple_of3A_62, %dma_start3A_75] : memref<320000x128xf32, #tpu.memory_space<hbm>> -> memref<80x128xf32, #tpu.memory_space<hbm>>
        %dma_start3A_77 = arith.constant 0 : i32
        %dma_start3A_78 = tpu.memref_slice %arg4[%multiple_of3A_62, %dma_start3A_77] : memref<320000x128xf32, #tpu.memory_space<hbm>> -> memref<80x128xf32, #tpu.memory_space<hbm>>
        tpu.enqueue_dma source(%arg6 : memref<80x128xf32, #tpu.memory_space<vmem>>) target(%dma_start3A_78 : memref<80x128xf32, #tpu.memory_space<hbm>>) target_semaphore(%run_scoped3A : memref<!tpu.dma_semaphore, #tpu.memory_space<semaphore_mem>>)
        %dma_wait3A_79 = arith.constant 0 : i32
        %dma_wait3A_80 = tpu.memref_slice %arg4[%multiple_of3A_62, %dma_wait3A_79] : memref<320000x128xf32, #tpu.memory_space<hbm>> -> memref<80x128xf32, #tpu.memory_space<hbm>>
        %dma_wait3A_81 = arith.constant 0 : i32
        %dma_wait3A_82 = tpu.memref_slice %arg4[%multiple_of3A_62, %dma_wait3A_81] : memref<320000x128xf32, #tpu.memory_space<hbm>> -> memref<80x128xf32, #tpu.memory_space<hbm>>
        tpu.wait_dma2 semaphore(%run_scoped3A : memref<!tpu.dma_semaphore, #tpu.memory_space<semaphore_mem>>) src(%arg6 : memref<80x128xf32, #tpu.memory_space<vmem>>) dst(%dma_wait3A_82 : memref<80x128xf32, #tpu.memory_space<hbm>>)
        tpu.yield
      }) : () -> ()
      %add3A_63 = arith.constant 80 : i32
      %add3A_64 = arith.addi %multiple_of3A, %add3A_63 : i32
      %multiple_of3A_65 = tpu.assume_multiple %add3A_64, 8 : i32
      "tpu.region"() ({
        %run_scoped3A = tpu.sem_alloc : memref<!tpu.dma_semaphore, #tpu.memory_space<semaphore_mem>>
        %dma_start3A_75 = arith.constant 0 : i32
        %dma_start3A_76 = tpu.memref_slice %arg4[%multiple_of3A_65, %dma_start3A_75] : memref<320000x128xf32, #tpu.memory_space<hbm>> -> memref<80x128xf32, #tpu.memory_space<hbm>>
        %dma_start3A_77 = arith.constant 0 : i32
        %dma_start3A_78 = tpu.memref_slice %arg4[%multiple_of3A_65, %dma_start3A_77] : memref<320000x128xf32, #tpu.memory_space<hbm>> -> memref<80x128xf32, #tpu.memory_space<hbm>>
        tpu.enqueue_dma source(%arg7 : memref<80x128xf32, #tpu.memory_space<vmem>>) target(%dma_start3A_78 : memref<80x128xf32, #tpu.memory_space<hbm>>) target_semaphore(%run_scoped3A : memref<!tpu.dma_semaphore, #tpu.memory_space<semaphore_mem>>)
        %dma_wait3A_79 = arith.constant 0 : i32
        %dma_wait3A_80 = tpu.memref_slice %arg4[%multiple_of3A_65, %dma_wait3A_79] : memref<320000x128xf32, #tpu.memory_space<hbm>> -> memref<80x128xf32, #tpu.memory_space<hbm>>
        %dma_wait3A_81 = arith.constant 0 : i32
        %dma_wait3A_82 = tpu.memref_slice %arg4[%multiple_of3A_65, %dma_wait3A_81] : memref<320000x128xf32, #tpu.memory_space<hbm>> -> memref<80x128xf32, #tpu.memory_space<hbm>>
        tpu.wait_dma2 semaphore(%run_scoped3A : memref<!tpu.dma_semaphore, #tpu.memory_space<semaphore_mem>>) src(%arg7 : memref<80x128xf32, #tpu.memory_space<vmem>>) dst(%dma_wait3A_82 : memref<80x128xf32, #tpu.memory_space<hbm>>)
        tpu.yield
      }) : () -> ()
      %add3A_66 = arith.constant 160 : i32
      %add3A_67 = arith.addi %multiple_of3A, %add3A_66 : i32
      %multiple_of3A_68 = tpu.assume_multiple %add3A_67, 8 : i32
      "tpu.region"() ({
        %run_scoped3A = tpu.sem_alloc : memref<!tpu.dma_semaphore, #tpu.memory_space<semaphore_mem>>
        %dma_start3A_75 = arith.constant 0 : i32
        %dma_start3A_76 = tpu.memref_slice %arg4[%multiple_of3A_68, %dma_start3A_75] : memref<320000x128xf32, #tpu.memory_space<hbm>> -> memref<80x128xf32, #tpu.memory_space<hbm>>
        %dma_start3A_77 = arith.constant 0 : i32
        %dma_start3A_78 = tpu.memref_slice %arg4[%multiple_of3A_68, %dma_start3A_77] : memref<320000x128xf32, #tpu.memory_space<hbm>> -> memref<80x128xf32, #tpu.memory_space<hbm>>
        tpu.enqueue_dma source(%arg8 : memref<80x128xf32, #tpu.memory_space<vmem>>) target(%dma_start3A_78 : memref<80x128xf32, #tpu.memory_space<hbm>>) target_semaphore(%run_scoped3A : memref<!tpu.dma_semaphore, #tpu.memory_space<semaphore_mem>>)
        %dma_wait3A_79 = arith.constant 0 : i32
        %dma_wait3A_80 = tpu.memref_slice %arg4[%multiple_of3A_68, %dma_wait3A_79] : memref<320000x128xf32, #tpu.memory_space<hbm>> -> memref<80x128xf32, #tpu.memory_space<hbm>>
        %dma_wait3A_81 = arith.constant 0 : i32
        %dma_wait3A_82 = tpu.memref_slice %arg4[%multiple_of3A_68, %dma_wait3A_81] : memref<320000x128xf32, #tpu.memory_space<hbm>> -> memref<80x128xf32, #tpu.memory_space<hbm>>
        tpu.wait_dma2 semaphore(%run_scoped3A : memref<!tpu.dma_semaphore, #tpu.memory_space<semaphore_mem>>) src(%arg8 : memref<80x128xf32, #tpu.memory_space<vmem>>) dst(%dma_wait3A_82 : memref<80x128xf32, #tpu.memory_space<hbm>>)
        tpu.yield
      }) : () -> ()
      %add3A_69 = arith.constant 240 : i32
      %add3A_70 = arith.addi %multiple_of3A, %add3A_69 : i32
      %multiple_of3A_71 = tpu.assume_multiple %add3A_70, 8 : i32
      "tpu.region"() ({
        %run_scoped3A = tpu.sem_alloc : memref<!tpu.dma_semaphore, #tpu.memory_space<semaphore_mem>>
        %dma_start3A_75 = arith.constant 0 : i32
        %dma_start3A_76 = tpu.memref_slice %arg4[%multiple_of3A_71, %dma_start3A_75] : memref<320000x128xf32, #tpu.memory_space<hbm>> -> memref<80x128xf32, #tpu.memory_space<hbm>>
        %dma_start3A_77 = arith.constant 0 : i32
        %dma_start3A_78 = tpu.memref_slice %arg4[%multiple_of3A_71, %dma_start3A_77] : memref<320000x128xf32, #tpu.memory_space<hbm>> -> memref<80x128xf32, #tpu.memory_space<hbm>>
        tpu.enqueue_dma source(%arg9 : memref<80x128xf32, #tpu.memory_space<vmem>>) target(%dma_start3A_78 : memref<80x128xf32, #tpu.memory_space<hbm>>) target_semaphore(%run_scoped3A : memref<!tpu.dma_semaphore, #tpu.memory_space<semaphore_mem>>)
        %dma_wait3A_79 = arith.constant 0 : i32
        %dma_wait3A_80 = tpu.memref_slice %arg4[%multiple_of3A_71, %dma_wait3A_79] : memref<320000x128xf32, #tpu.memory_space<hbm>> -> memref<80x128xf32, #tpu.memory_space<hbm>>
        %dma_wait3A_81 = arith.constant 0 : i32
        %dma_wait3A_82 = tpu.memref_slice %arg4[%multiple_of3A_71, %dma_wait3A_81] : memref<320000x128xf32, #tpu.memory_space<hbm>> -> memref<80x128xf32, #tpu.memory_space<hbm>>
        tpu.wait_dma2 semaphore(%run_scoped3A : memref<!tpu.dma_semaphore, #tpu.memory_space<semaphore_mem>>) src(%arg9 : memref<80x128xf32, #tpu.memory_space<vmem>>) dst(%dma_wait3A_82 : memref<80x128xf32, #tpu.memory_space<hbm>>)
        tpu.yield
      }) : () -> ()
      %add3A_72 = arith.constant 320 : i32
      %add3A_73 = arith.addi %multiple_of3A, %add3A_72 : i32
      %multiple_of3A_74 = tpu.assume_multiple %add3A_73, 8 : i32
      "tpu.region"() ({
        %run_scoped3A = tpu.sem_alloc : memref<!tpu.dma_semaphore, #tpu.memory_space<semaphore_mem>>
        %dma_start3A_75 = arith.constant 0 : i32
        %dma_start3A_76 = tpu.memref_slice %arg4[%multiple_of3A_74, %dma_start3A_75] : memref<320000x128xf32, #tpu.memory_space<hbm>> -> memref<80x128xf32, #tpu.memory_space<hbm>>
        %dma_start3A_77 = arith.constant 0 : i32
        %dma_start3A_78 = tpu.memref_slice %arg4[%multiple_of3A_74, %dma_start3A_77] : memref<320000x128xf32, #tpu.memory_space<hbm>> -> memref<80x128xf32, #tpu.memory_space<hbm>>
        tpu.enqueue_dma source(%arg10 : memref<80x128xf32, #tpu.memory_space<vmem>>) target(%dma_start3A_78 : memref<80x128xf32, #tpu.memory_space<hbm>>) target_semaphore(%run_scoped3A : memref<!tpu.dma_semaphore, #tpu.memory_space<semaphore_mem>>)
        %dma_wait3A_79 = arith.constant 0 : i32
        %dma_wait3A_80 = tpu.memref_slice %arg4[%multiple_of3A_74, %dma_wait3A_79] : memref<320000x128xf32, #tpu.memory_space<hbm>> -> memref<80x128xf32, #tpu.memory_space<hbm>>
        %dma_wait3A_81 = arith.constant 0 : i32
        %dma_wait3A_82 = tpu.memref_slice %arg4[%multiple_of3A_74, %dma_wait3A_81] : memref<320000x128xf32, #tpu.memory_space<hbm>> -> memref<80x128xf32, #tpu.memory_space<hbm>>
        tpu.wait_dma2 semaphore(%run_scoped3A : memref<!tpu.dma_semaphore, #tpu.memory_space<semaphore_mem>>) src(%arg10 : memref<80x128xf32, #tpu.memory_space<vmem>>) dst(%dma_wait3A_82 : memref<80x128xf32, #tpu.memory_space<hbm>>)
        tpu.yield
      }) : () -> ()
    }
    %scan3A_5 = arith.constant 25 : i32
    return
  }
}

#map = affine_map<(d0, d1) -> (0, 0)>
#map1 = affine_map<(d0, d1) -> (0)>
module attributes {stable_mosaic.version = 14 : i64} {
  func.func @body(%arg0: i32, %arg1: i32, %arg2: memref<160000x128xf32, #tpu.memory_space<hbm>>, %arg3: memref<160000xi32, #tpu.memory_space<hbm>>, %arg4: memref<160000x128xf32, #tpu.memory_space<hbm>>, %arg5: memref<200xi32, #tpu.memory_space<vmem>>, %arg6: memref<40x128xf32, #tpu.memory_space<vmem>>, %arg7: memref<40x128xf32, #tpu.memory_space<vmem>>, %arg8: memref<40x128xf32, #tpu.memory_space<vmem>>, %arg9: memref<40x128xf32, #tpu.memory_space<vmem>>, %arg10: memref<40x128xf32, #tpu.memory_space<vmem>>, %arg11: memref<!tpu.dma_semaphore, #tpu.memory_space<semaphore_mem>>) attributes {dimension_semantics = [#tpu.dimension_semantics<core_parallel>, #tpu.dimension_semantics<subcore_parallel>], iteration_bounds = array<i64: 2, 16>, scalar_prefetch = 0 : i64, scratch_operands = 7 : i64, tpu.core_type = #tpu.core_type<sc_vector_subcore>, window_params = [{transform_indices = #map}, {transform_indices = #map1}, {transform_indices = #map}]} {
    %mul3A = arith.constant 2 : i32
    %mul3A_0 = arith.muli %arg1, %mul3A : i32
    %add3A = arith.addi %mul3A_0, %arg0 : i32
    %scan3A = arith.constant 0 : i32
    %scan3A_1 = arith.constant 0 : i32
    %scan3A_2 = arith.constant 25 : i32
    %scan3A_3 = arith.addi %scan3A_1, %scan3A_2 : i32
    %scan3A_4 = arith.constant 1 : i32
    scf.for %scan3A_6 = %scan3A_1 to %scan3A_3 step %scan3A_4  : i32 {
      %mul3A_7 = arith.constant 5000 : i32
      %mul3A_8 = arith.muli %add3A, %mul3A_7 : i32
      %mul3A_9 = arith.constant 200 : i32
      %mul3A_10 = arith.muli %scan3A_6, %mul3A_9 : i32
      %add3A_11 = arith.addi %mul3A_8, %mul3A_10 : i32
      %multiple_of3A = tpu.assume_multiple %add3A_11, 8 : i32
      "tpu.region"() ({
        %run_scoped3A = tpu.sem_alloc : memref<!tpu.dma_semaphore, #tpu.memory_space<semaphore_mem>>
        %dma_start3A_75 = tpu.memref_slice %arg3[%multiple_of3A] : memref<160000xi32, #tpu.memory_space<hbm>> -> memref<200xi32, #tpu.memory_space<hbm>>
        %dma_start3A_76 = tpu.memref_slice %arg3[%multiple_of3A] : memref<160000xi32, #tpu.memory_space<hbm>> -> memref<200xi32, #tpu.memory_space<hbm>>
        tpu.enqueue_dma source(%dma_start3A_76 : memref<200xi32, #tpu.memory_space<hbm>>) target(%arg5 : memref<200xi32, #tpu.memory_space<vmem>>) target_semaphore(%run_scoped3A : memref<!tpu.dma_semaphore, #tpu.memory_space<semaphore_mem>>)
        %dma_wait3A_77 = tpu.memref_slice %arg3[%multiple_of3A] : memref<160000xi32, #tpu.memory_space<hbm>> -> memref<200xi32, #tpu.memory_space<hbm>>
        %dma_wait3A_78 = tpu.memref_slice %arg3[%multiple_of3A] : memref<160000xi32, #tpu.memory_space<hbm>> -> memref<200xi32, #tpu.memory_space<hbm>>
        tpu.wait_dma2 semaphore(%run_scoped3A : memref<!tpu.dma_semaphore, #tpu.memory_space<semaphore_mem>>) src(%dma_wait3A_78 : memref<200xi32, #tpu.memory_space<hbm>>) dst(%arg5 : memref<200xi32, #tpu.memory_space<vmem>>)
        tpu.yield
      }) : () -> ()
      %dma_start3A = arith.constant 0 : i32
      %dma_start3A_12 = tpu.memref_slice %arg5[%dma_start3A] : memref<200xi32, #tpu.memory_space<vmem>> -> memref<40xi32, #tpu.memory_space<vmem>>
      %dma_start3A_13 = arith.constant 0 : i32
      %dma_start3A_14 = arith.constant 0 : i32
      %dma_start3A_15 = tpu.memref_slice %arg2[%dma_start3A_13, %dma_start3A_14] : memref<160000x128xf32, #tpu.memory_space<hbm>> -> memref<160000x128xf32, #tpu.memory_space<hbm>>
      tpu.enqueue_indirect_dma source(%dma_start3A_15 : memref<160000x128xf32, #tpu.memory_space<hbm>>) target(%arg6 : memref<40x128xf32, #tpu.memory_space<vmem>>) offsets(%dma_start3A_12 : memref<40xi32, #tpu.memory_space<vmem>>) semaphore(%arg11 : memref<!tpu.dma_semaphore, #tpu.memory_space<semaphore_mem>>)
      %dma_start3A_16 = arith.constant 40 : i32
      %dma_start3A_17 = tpu.memref_slice %arg5[%dma_start3A_16] : memref<200xi32, #tpu.memory_space<vmem>> -> memref<40xi32, #tpu.memory_space<vmem>>
      %dma_start3A_18 = arith.constant 0 : i32
      %dma_start3A_19 = arith.constant 0 : i32
      %dma_start3A_20 = tpu.memref_slice %arg2[%dma_start3A_18, %dma_start3A_19] : memref<160000x128xf32, #tpu.memory_space<hbm>> -> memref<160000x128xf32, #tpu.memory_space<hbm>>
      tpu.enqueue_indirect_dma source(%dma_start3A_20 : memref<160000x128xf32, #tpu.memory_space<hbm>>) target(%arg7 : memref<40x128xf32, #tpu.memory_space<vmem>>) offsets(%dma_start3A_17 : memref<40xi32, #tpu.memory_space<vmem>>) semaphore(%arg11 : memref<!tpu.dma_semaphore, #tpu.memory_space<semaphore_mem>>)
      %dma_start3A_21 = arith.constant 80 : i32
      %dma_start3A_22 = tpu.memref_slice %arg5[%dma_start3A_21] : memref<200xi32, #tpu.memory_space<vmem>> -> memref<40xi32, #tpu.memory_space<vmem>>
      %dma_start3A_23 = arith.constant 0 : i32
      %dma_start3A_24 = arith.constant 0 : i32
      %dma_start3A_25 = tpu.memref_slice %arg2[%dma_start3A_23, %dma_start3A_24] : memref<160000x128xf32, #tpu.memory_space<hbm>> -> memref<160000x128xf32, #tpu.memory_space<hbm>>
      tpu.enqueue_indirect_dma source(%dma_start3A_25 : memref<160000x128xf32, #tpu.memory_space<hbm>>) target(%arg8 : memref<40x128xf32, #tpu.memory_space<vmem>>) offsets(%dma_start3A_22 : memref<40xi32, #tpu.memory_space<vmem>>) semaphore(%arg11 : memref<!tpu.dma_semaphore, #tpu.memory_space<semaphore_mem>>)
      %dma_start3A_26 = arith.constant 120 : i32
      %dma_start3A_27 = tpu.memref_slice %arg5[%dma_start3A_26] : memref<200xi32, #tpu.memory_space<vmem>> -> memref<40xi32, #tpu.memory_space<vmem>>
      %dma_start3A_28 = arith.constant 0 : i32
      %dma_start3A_29 = arith.constant 0 : i32
      %dma_start3A_30 = tpu.memref_slice %arg2[%dma_start3A_28, %dma_start3A_29] : memref<160000x128xf32, #tpu.memory_space<hbm>> -> memref<160000x128xf32, #tpu.memory_space<hbm>>
      tpu.enqueue_indirect_dma source(%dma_start3A_30 : memref<160000x128xf32, #tpu.memory_space<hbm>>) target(%arg9 : memref<40x128xf32, #tpu.memory_space<vmem>>) offsets(%dma_start3A_27 : memref<40xi32, #tpu.memory_space<vmem>>) semaphore(%arg11 : memref<!tpu.dma_semaphore, #tpu.memory_space<semaphore_mem>>)
      %dma_start3A_31 = arith.constant 160 : i32
      %dma_start3A_32 = tpu.memref_slice %arg5[%dma_start3A_31] : memref<200xi32, #tpu.memory_space<vmem>> -> memref<40xi32, #tpu.memory_space<vmem>>
      %dma_start3A_33 = arith.constant 0 : i32
      %dma_start3A_34 = arith.constant 0 : i32
      %dma_start3A_35 = tpu.memref_slice %arg2[%dma_start3A_33, %dma_start3A_34] : memref<160000x128xf32, #tpu.memory_space<hbm>> -> memref<160000x128xf32, #tpu.memory_space<hbm>>
      tpu.enqueue_indirect_dma source(%dma_start3A_35 : memref<160000x128xf32, #tpu.memory_space<hbm>>) target(%arg10 : memref<40x128xf32, #tpu.memory_space<vmem>>) offsets(%dma_start3A_32 : memref<40xi32, #tpu.memory_space<vmem>>) semaphore(%arg11 : memref<!tpu.dma_semaphore, #tpu.memory_space<semaphore_mem>>)
      %dma_wait3A = arith.constant 0 : i32
      %dma_wait3A_36 = tpu.memref_slice %arg5[%dma_wait3A] : memref<200xi32, #tpu.memory_space<vmem>> -> memref<40xi32, #tpu.memory_space<vmem>>
      %dma_wait3A_37 = arith.constant 0 : i32
      %dma_wait3A_38 = arith.constant 0 : i32
      %dma_wait3A_39 = tpu.memref_slice %arg2[%dma_wait3A_37, %dma_wait3A_38] : memref<160000x128xf32, #tpu.memory_space<hbm>> -> memref<160000x128xf32, #tpu.memory_space<hbm>>
      tpu.wait_indirect_dma semaphore(%arg11 : memref<!tpu.dma_semaphore, #tpu.memory_space<semaphore_mem>>) src(%dma_wait3A_39 : memref<160000x128xf32, #tpu.memory_space<hbm>>) dst(%arg6 : memref<40x128xf32, #tpu.memory_space<vmem>>)
      %dma_wait3A_40 = arith.constant 40 : i32
      %dma_wait3A_41 = tpu.memref_slice %arg5[%dma_wait3A_40] : memref<200xi32, #tpu.memory_space<vmem>> -> memref<40xi32, #tpu.memory_space<vmem>>
      %dma_wait3A_42 = arith.constant 0 : i32
      %dma_wait3A_43 = arith.constant 0 : i32
      %dma_wait3A_44 = tpu.memref_slice %arg2[%dma_wait3A_42, %dma_wait3A_43] : memref<160000x128xf32, #tpu.memory_space<hbm>> -> memref<160000x128xf32, #tpu.memory_space<hbm>>
      tpu.wait_indirect_dma semaphore(%arg11 : memref<!tpu.dma_semaphore, #tpu.memory_space<semaphore_mem>>) src(%dma_wait3A_44 : memref<160000x128xf32, #tpu.memory_space<hbm>>) dst(%arg7 : memref<40x128xf32, #tpu.memory_space<vmem>>)
      %dma_wait3A_45 = arith.constant 80 : i32
      %dma_wait3A_46 = tpu.memref_slice %arg5[%dma_wait3A_45] : memref<200xi32, #tpu.memory_space<vmem>> -> memref<40xi32, #tpu.memory_space<vmem>>
      %dma_wait3A_47 = arith.constant 0 : i32
      %dma_wait3A_48 = arith.constant 0 : i32
      %dma_wait3A_49 = tpu.memref_slice %arg2[%dma_wait3A_47, %dma_wait3A_48] : memref<160000x128xf32, #tpu.memory_space<hbm>> -> memref<160000x128xf32, #tpu.memory_space<hbm>>
      tpu.wait_indirect_dma semaphore(%arg11 : memref<!tpu.dma_semaphore, #tpu.memory_space<semaphore_mem>>) src(%dma_wait3A_49 : memref<160000x128xf32, #tpu.memory_space<hbm>>) dst(%arg8 : memref<40x128xf32, #tpu.memory_space<vmem>>)
      %dma_wait3A_50 = arith.constant 120 : i32
      %dma_wait3A_51 = tpu.memref_slice %arg5[%dma_wait3A_50] : memref<200xi32, #tpu.memory_space<vmem>> -> memref<40xi32, #tpu.memory_space<vmem>>
      %dma_wait3A_52 = arith.constant 0 : i32
      %dma_wait3A_53 = arith.constant 0 : i32
      %dma_wait3A_54 = tpu.memref_slice %arg2[%dma_wait3A_52, %dma_wait3A_53] : memref<160000x128xf32, #tpu.memory_space<hbm>> -> memref<160000x128xf32, #tpu.memory_space<hbm>>
      tpu.wait_indirect_dma semaphore(%arg11 : memref<!tpu.dma_semaphore, #tpu.memory_space<semaphore_mem>>) src(%dma_wait3A_54 : memref<160000x128xf32, #tpu.memory_space<hbm>>) dst(%arg9 : memref<40x128xf32, #tpu.memory_space<vmem>>)
      %dma_wait3A_55 = arith.constant 160 : i32
      %dma_wait3A_56 = tpu.memref_slice %arg5[%dma_wait3A_55] : memref<200xi32, #tpu.memory_space<vmem>> -> memref<40xi32, #tpu.memory_space<vmem>>
      %dma_wait3A_57 = arith.constant 0 : i32
      %dma_wait3A_58 = arith.constant 0 : i32
      %dma_wait3A_59 = tpu.memref_slice %arg2[%dma_wait3A_57, %dma_wait3A_58] : memref<160000x128xf32, #tpu.memory_space<hbm>> -> memref<160000x128xf32, #tpu.memory_space<hbm>>
      tpu.wait_indirect_dma semaphore(%arg11 : memref<!tpu.dma_semaphore, #tpu.memory_space<semaphore_mem>>) src(%dma_wait3A_59 : memref<160000x128xf32, #tpu.memory_space<hbm>>) dst(%arg10 : memref<40x128xf32, #tpu.memory_space<vmem>>)
      %add3A_60 = arith.constant 0 : i32
      %add3A_61 = arith.addi %multiple_of3A, %add3A_60 : i32
      %multiple_of3A_62 = tpu.assume_multiple %add3A_61, 8 : i32
      "tpu.region"() ({
        %run_scoped3A = tpu.sem_alloc : memref<!tpu.dma_semaphore, #tpu.memory_space<semaphore_mem>>
        %dma_start3A_75 = arith.constant 0 : i32
        %dma_start3A_76 = tpu.memref_slice %arg4[%multiple_of3A_62, %dma_start3A_75] : memref<160000x128xf32, #tpu.memory_space<hbm>> -> memref<40x128xf32, #tpu.memory_space<hbm>>
        %dma_start3A_77 = arith.constant 0 : i32
        %dma_start3A_78 = tpu.memref_slice %arg4[%multiple_of3A_62, %dma_start3A_77] : memref<160000x128xf32, #tpu.memory_space<hbm>> -> memref<40x128xf32, #tpu.memory_space<hbm>>
        tpu.enqueue_dma source(%arg6 : memref<40x128xf32, #tpu.memory_space<vmem>>) target(%dma_start3A_78 : memref<40x128xf32, #tpu.memory_space<hbm>>) target_semaphore(%run_scoped3A : memref<!tpu.dma_semaphore, #tpu.memory_space<semaphore_mem>>)
        %dma_wait3A_79 = arith.constant 0 : i32
        %dma_wait3A_80 = tpu.memref_slice %arg4[%multiple_of3A_62, %dma_wait3A_79] : memref<160000x128xf32, #tpu.memory_space<hbm>> -> memref<40x128xf32, #tpu.memory_space<hbm>>
        %dma_wait3A_81 = arith.constant 0 : i32
        %dma_wait3A_82 = tpu.memref_slice %arg4[%multiple_of3A_62, %dma_wait3A_81] : memref<160000x128xf32, #tpu.memory_space<hbm>> -> memref<40x128xf32, #tpu.memory_space<hbm>>
        tpu.wait_dma2 semaphore(%run_scoped3A : memref<!tpu.dma_semaphore, #tpu.memory_space<semaphore_mem>>) src(%arg6 : memref<40x128xf32, #tpu.memory_space<vmem>>) dst(%dma_wait3A_82 : memref<40x128xf32, #tpu.memory_space<hbm>>)
        tpu.yield
      }) : () -> ()
      %add3A_63 = arith.constant 40 : i32
      %add3A_64 = arith.addi %multiple_of3A, %add3A_63 : i32
      %multiple_of3A_65 = tpu.assume_multiple %add3A_64, 8 : i32
      "tpu.region"() ({
        %run_scoped3A = tpu.sem_alloc : memref<!tpu.dma_semaphore, #tpu.memory_space<semaphore_mem>>
        %dma_start3A_75 = arith.constant 0 : i32
        %dma_start3A_76 = tpu.memref_slice %arg4[%multiple_of3A_65, %dma_start3A_75] : memref<160000x128xf32, #tpu.memory_space<hbm>> -> memref<40x128xf32, #tpu.memory_space<hbm>>
        %dma_start3A_77 = arith.constant 0 : i32
        %dma_start3A_78 = tpu.memref_slice %arg4[%multiple_of3A_65, %dma_start3A_77] : memref<160000x128xf32, #tpu.memory_space<hbm>> -> memref<40x128xf32, #tpu.memory_space<hbm>>
        tpu.enqueue_dma source(%arg7 : memref<40x128xf32, #tpu.memory_space<vmem>>) target(%dma_start3A_78 : memref<40x128xf32, #tpu.memory_space<hbm>>) target_semaphore(%run_scoped3A : memref<!tpu.dma_semaphore, #tpu.memory_space<semaphore_mem>>)
        %dma_wait3A_79 = arith.constant 0 : i32
        %dma_wait3A_80 = tpu.memref_slice %arg4[%multiple_of3A_65, %dma_wait3A_79] : memref<160000x128xf32, #tpu.memory_space<hbm>> -> memref<40x128xf32, #tpu.memory_space<hbm>>
        %dma_wait3A_81 = arith.constant 0 : i32
        %dma_wait3A_82 = tpu.memref_slice %arg4[%multiple_of3A_65, %dma_wait3A_81] : memref<160000x128xf32, #tpu.memory_space<hbm>> -> memref<40x128xf32, #tpu.memory_space<hbm>>
        tpu.wait_dma2 semaphore(%run_scoped3A : memref<!tpu.dma_semaphore, #tpu.memory_space<semaphore_mem>>) src(%arg7 : memref<40x128xf32, #tpu.memory_space<vmem>>) dst(%dma_wait3A_82 : memref<40x128xf32, #tpu.memory_space<hbm>>)
        tpu.yield
      }) : () -> ()
      %add3A_66 = arith.constant 80 : i32
      %add3A_67 = arith.addi %multiple_of3A, %add3A_66 : i32
      %multiple_of3A_68 = tpu.assume_multiple %add3A_67, 8 : i32
      "tpu.region"() ({
        %run_scoped3A = tpu.sem_alloc : memref<!tpu.dma_semaphore, #tpu.memory_space<semaphore_mem>>
        %dma_start3A_75 = arith.constant 0 : i32
        %dma_start3A_76 = tpu.memref_slice %arg4[%multiple_of3A_68, %dma_start3A_75] : memref<160000x128xf32, #tpu.memory_space<hbm>> -> memref<40x128xf32, #tpu.memory_space<hbm>>
        %dma_start3A_77 = arith.constant 0 : i32
        %dma_start3A_78 = tpu.memref_slice %arg4[%multiple_of3A_68, %dma_start3A_77] : memref<160000x128xf32, #tpu.memory_space<hbm>> -> memref<40x128xf32, #tpu.memory_space<hbm>>
        tpu.enqueue_dma source(%arg8 : memref<40x128xf32, #tpu.memory_space<vmem>>) target(%dma_start3A_78 : memref<40x128xf32, #tpu.memory_space<hbm>>) target_semaphore(%run_scoped3A : memref<!tpu.dma_semaphore, #tpu.memory_space<semaphore_mem>>)
        %dma_wait3A_79 = arith.constant 0 : i32
        %dma_wait3A_80 = tpu.memref_slice %arg4[%multiple_of3A_68, %dma_wait3A_79] : memref<160000x128xf32, #tpu.memory_space<hbm>> -> memref<40x128xf32, #tpu.memory_space<hbm>>
        %dma_wait3A_81 = arith.constant 0 : i32
        %dma_wait3A_82 = tpu.memref_slice %arg4[%multiple_of3A_68, %dma_wait3A_81] : memref<160000x128xf32, #tpu.memory_space<hbm>> -> memref<40x128xf32, #tpu.memory_space<hbm>>
        tpu.wait_dma2 semaphore(%run_scoped3A : memref<!tpu.dma_semaphore, #tpu.memory_space<semaphore_mem>>) src(%arg8 : memref<40x128xf32, #tpu.memory_space<vmem>>) dst(%dma_wait3A_82 : memref<40x128xf32, #tpu.memory_space<hbm>>)
        tpu.yield
      }) : () -> ()
      %add3A_69 = arith.constant 120 : i32
      %add3A_70 = arith.addi %multiple_of3A, %add3A_69 : i32
      %multiple_of3A_71 = tpu.assume_multiple %add3A_70, 8 : i32
      "tpu.region"() ({
        %run_scoped3A = tpu.sem_alloc : memref<!tpu.dma_semaphore, #tpu.memory_space<semaphore_mem>>
        %dma_start3A_75 = arith.constant 0 : i32
        %dma_start3A_76 = tpu.memref_slice %arg4[%multiple_of3A_71, %dma_start3A_75] : memref<160000x128xf32, #tpu.memory_space<hbm>> -> memref<40x128xf32, #tpu.memory_space<hbm>>
        %dma_start3A_77 = arith.constant 0 : i32
        %dma_start3A_78 = tpu.memref_slice %arg4[%multiple_of3A_71, %dma_start3A_77] : memref<160000x128xf32, #tpu.memory_space<hbm>> -> memref<40x128xf32, #tpu.memory_space<hbm>>
        tpu.enqueue_dma source(%arg9 : memref<40x128xf32, #tpu.memory_space<vmem>>) target(%dma_start3A_78 : memref<40x128xf32, #tpu.memory_space<hbm>>) target_semaphore(%run_scoped3A : memref<!tpu.dma_semaphore, #tpu.memory_space<semaphore_mem>>)
        %dma_wait3A_79 = arith.constant 0 : i32
        %dma_wait3A_80 = tpu.memref_slice %arg4[%multiple_of3A_71, %dma_wait3A_79] : memref<160000x128xf32, #tpu.memory_space<hbm>> -> memref<40x128xf32, #tpu.memory_space<hbm>>
        %dma_wait3A_81 = arith.constant 0 : i32
        %dma_wait3A_82 = tpu.memref_slice %arg4[%multiple_of3A_71, %dma_wait3A_81] : memref<160000x128xf32, #tpu.memory_space<hbm>> -> memref<40x128xf32, #tpu.memory_space<hbm>>
        tpu.wait_dma2 semaphore(%run_scoped3A : memref<!tpu.dma_semaphore, #tpu.memory_space<semaphore_mem>>) src(%arg9 : memref<40x128xf32, #tpu.memory_space<vmem>>) dst(%dma_wait3A_82 : memref<40x128xf32, #tpu.memory_space<hbm>>)
        tpu.yield
      }) : () -> ()
      %add3A_72 = arith.constant 160 : i32
      %add3A_73 = arith.addi %multiple_of3A, %add3A_72 : i32
      %multiple_of3A_74 = tpu.assume_multiple %add3A_73, 8 : i32
      "tpu.region"() ({
        %run_scoped3A = tpu.sem_alloc : memref<!tpu.dma_semaphore, #tpu.memory_space<semaphore_mem>>
        %dma_start3A_75 = arith.constant 0 : i32
        %dma_start3A_76 = tpu.memref_slice %arg4[%multiple_of3A_74, %dma_start3A_75] : memref<160000x128xf32, #tpu.memory_space<hbm>> -> memref<40x128xf32, #tpu.memory_space<hbm>>
        %dma_start3A_77 = arith.constant 0 : i32
        %dma_start3A_78 = tpu.memref_slice %arg4[%multiple_of3A_74, %dma_start3A_77] : memref<160000x128xf32, #tpu.memory_space<hbm>> -> memref<40x128xf32, #tpu.memory_space<hbm>>
        tpu.enqueue_dma source(%arg10 : memref<40x128xf32, #tpu.memory_space<vmem>>) target(%dma_start3A_78 : memref<40x128xf32, #tpu.memory_space<hbm>>) target_semaphore(%run_scoped3A : memref<!tpu.dma_semaphore, #tpu.memory_space<semaphore_mem>>)
        %dma_wait3A_79 = arith.constant 0 : i32
        %dma_wait3A_80 = tpu.memref_slice %arg4[%multiple_of3A_74, %dma_wait3A_79] : memref<160000x128xf32, #tpu.memory_space<hbm>> -> memref<40x128xf32, #tpu.memory_space<hbm>>
        %dma_wait3A_81 = arith.constant 0 : i32
        %dma_wait3A_82 = tpu.memref_slice %arg4[%multiple_of3A_74, %dma_wait3A_81] : memref<160000x128xf32, #tpu.memory_space<hbm>> -> memref<40x128xf32, #tpu.memory_space<hbm>>
        tpu.wait_dma2 semaphore(%run_scoped3A : memref<!tpu.dma_semaphore, #tpu.memory_space<semaphore_mem>>) src(%arg10 : memref<40x128xf32, #tpu.memory_space<vmem>>) dst(%dma_wait3A_82 : memref<40x128xf32, #tpu.memory_space<hbm>>)
        tpu.yield
      }) : () -> ()
    }
    %scan3A_5 = arith.constant 25 : i32
    return
  }
}

#map = affine_map<(d0, d1) -> (0, 0)>
#map1 = affine_map<(d0, d1) -> (0)>
module attributes {stable_mosaic.version = 14 : i64} {
  func.func @body(%arg0: i32, %arg1: i32, %arg2: memref<160000x128xf32, #tpu.memory_space<hbm>>, %arg3: memref<160000xi32, #tpu.memory_space<hbm>>, %arg4: memref<160000x128xf32, #tpu.memory_space<hbm>>, %arg5: memref<200xi32, #tpu.memory_space<vmem>>, %arg6: memref<40x128xf32, #tpu.memory_space<vmem>>, %arg7: memref<40x128xf32, #tpu.memory_space<vmem>>, %arg8: memref<40x128xf32, #tpu.memory_space<vmem>>, %arg9: memref<40x128xf32, #tpu.memory_space<vmem>>, %arg10: memref<40x128xf32, #tpu.memory_space<vmem>>, %arg11: memref<!tpu.dma_semaphore, #tpu.memory_space<semaphore_mem>>) attributes {dimension_semantics = [#tpu.dimension_semantics<core_parallel>, #tpu.dimension_semantics<subcore_parallel>], iteration_bounds = array<i64: 2, 16>, scalar_prefetch = 0 : i64, scratch_operands = 7 : i64, tpu.core_type = #tpu.core_type<sc_vector_subcore>, window_params = [{transform_indices = #map}, {transform_indices = #map1}, {transform_indices = #map}]} {
    %mul3A = arith.constant 2 : i32
    %mul3A_0 = arith.muli %arg1, %mul3A : i32
    %add3A = arith.addi %mul3A_0, %arg0 : i32
    %scan3A = arith.constant 0 : i32
    %scan3A_1 = arith.constant 0 : i32
    %scan3A_2 = arith.constant 25 : i32
    %scan3A_3 = arith.addi %scan3A_1, %scan3A_2 : i32
    %scan3A_4 = arith.constant 1 : i32
    scf.for %scan3A_6 = %scan3A_1 to %scan3A_3 step %scan3A_4  : i32 {
      %mul3A_7 = arith.constant 5000 : i32
      %mul3A_8 = arith.muli %add3A, %mul3A_7 : i32
      %mul3A_9 = arith.constant 200 : i32
      %mul3A_10 = arith.muli %scan3A_6, %mul3A_9 : i32
      %add3A_11 = arith.addi %mul3A_8, %mul3A_10 : i32
      %multiple_of3A = tpu.assume_multiple %add3A_11, 8 : i32
      "tpu.region"() ({
        %run_scoped3A = tpu.sem_alloc : memref<!tpu.dma_semaphore, #tpu.memory_space<semaphore_mem>>
        %dma_start3A_75 = tpu.memref_slice %arg3[%multiple_of3A] : memref<160000xi32, #tpu.memory_space<hbm>> -> memref<200xi32, #tpu.memory_space<hbm>>
        %dma_start3A_76 = tpu.memref_slice %arg3[%multiple_of3A] : memref<160000xi32, #tpu.memory_space<hbm>> -> memref<200xi32, #tpu.memory_space<hbm>>
        tpu.enqueue_dma source(%dma_start3A_76 : memref<200xi32, #tpu.memory_space<hbm>>) target(%arg5 : memref<200xi32, #tpu.memory_space<vmem>>) target_semaphore(%run_scoped3A : memref<!tpu.dma_semaphore, #tpu.memory_space<semaphore_mem>>)
        %dma_wait3A_77 = tpu.memref_slice %arg3[%multiple_of3A] : memref<160000xi32, #tpu.memory_space<hbm>> -> memref<200xi32, #tpu.memory_space<hbm>>
        %dma_wait3A_78 = tpu.memref_slice %arg3[%multiple_of3A] : memref<160000xi32, #tpu.memory_space<hbm>> -> memref<200xi32, #tpu.memory_space<hbm>>
        tpu.wait_dma2 semaphore(%run_scoped3A : memref<!tpu.dma_semaphore, #tpu.memory_space<semaphore_mem>>) src(%dma_wait3A_78 : memref<200xi32, #tpu.memory_space<hbm>>) dst(%arg5 : memref<200xi32, #tpu.memory_space<vmem>>)
        tpu.yield
      }) : () -> ()
      %dma_start3A = arith.constant 0 : i32
      %dma_start3A_12 = tpu.memref_slice %arg5[%dma_start3A] : memref<200xi32, #tpu.memory_space<vmem>> -> memref<40xi32, #tpu.memory_space<vmem>>
      %dma_start3A_13 = arith.constant 0 : i32
      %dma_start3A_14 = arith.constant 0 : i32
      %dma_start3A_15 = tpu.memref_slice %arg2[%dma_start3A_13, %dma_start3A_14] : memref<160000x128xf32, #tpu.memory_space<hbm>> -> memref<160000x128xf32, #tpu.memory_space<hbm>>
      tpu.enqueue_indirect_dma source(%dma_start3A_15 : memref<160000x128xf32, #tpu.memory_space<hbm>>) target(%arg6 : memref<40x128xf32, #tpu.memory_space<vmem>>) offsets(%dma_start3A_12 : memref<40xi32, #tpu.memory_space<vmem>>) semaphore(%arg11 : memref<!tpu.dma_semaphore, #tpu.memory_space<semaphore_mem>>)
      %dma_start3A_16 = arith.constant 40 : i32
      %dma_start3A_17 = tpu.memref_slice %arg5[%dma_start3A_16] : memref<200xi32, #tpu.memory_space<vmem>> -> memref<40xi32, #tpu.memory_space<vmem>>
      %dma_start3A_18 = arith.constant 0 : i32
      %dma_start3A_19 = arith.constant 0 : i32
      %dma_start3A_20 = tpu.memref_slice %arg2[%dma_start3A_18, %dma_start3A_19] : memref<160000x128xf32, #tpu.memory_space<hbm>> -> memref<160000x128xf32, #tpu.memory_space<hbm>>
      tpu.enqueue_indirect_dma source(%dma_start3A_20 : memref<160000x128xf32, #tpu.memory_space<hbm>>) target(%arg7 : memref<40x128xf32, #tpu.memory_space<vmem>>) offsets(%dma_start3A_17 : memref<40xi32, #tpu.memory_space<vmem>>) semaphore(%arg11 : memref<!tpu.dma_semaphore, #tpu.memory_space<semaphore_mem>>)
      %dma_start3A_21 = arith.constant 80 : i32
      %dma_start3A_22 = tpu.memref_slice %arg5[%dma_start3A_21] : memref<200xi32, #tpu.memory_space<vmem>> -> memref<40xi32, #tpu.memory_space<vmem>>
      %dma_start3A_23 = arith.constant 0 : i32
      %dma_start3A_24 = arith.constant 0 : i32
      %dma_start3A_25 = tpu.memref_slice %arg2[%dma_start3A_23, %dma_start3A_24] : memref<160000x128xf32, #tpu.memory_space<hbm>> -> memref<160000x128xf32, #tpu.memory_space<hbm>>
      tpu.enqueue_indirect_dma source(%dma_start3A_25 : memref<160000x128xf32, #tpu.memory_space<hbm>>) target(%arg8 : memref<40x128xf32, #tpu.memory_space<vmem>>) offsets(%dma_start3A_22 : memref<40xi32, #tpu.memory_space<vmem>>) semaphore(%arg11 : memref<!tpu.dma_semaphore, #tpu.memory_space<semaphore_mem>>)
      %dma_start3A_26 = arith.constant 120 : i32
      %dma_start3A_27 = tpu.memref_slice %arg5[%dma_start3A_26] : memref<200xi32, #tpu.memory_space<vmem>> -> memref<40xi32, #tpu.memory_space<vmem>>
      %dma_start3A_28 = arith.constant 0 : i32
      %dma_start3A_29 = arith.constant 0 : i32
      %dma_start3A_30 = tpu.memref_slice %arg2[%dma_start3A_28, %dma_start3A_29] : memref<160000x128xf32, #tpu.memory_space<hbm>> -> memref<160000x128xf32, #tpu.memory_space<hbm>>
      tpu.enqueue_indirect_dma source(%dma_start3A_30 : memref<160000x128xf32, #tpu.memory_space<hbm>>) target(%arg9 : memref<40x128xf32, #tpu.memory_space<vmem>>) offsets(%dma_start3A_27 : memref<40xi32, #tpu.memory_space<vmem>>) semaphore(%arg11 : memref<!tpu.dma_semaphore, #tpu.memory_space<semaphore_mem>>)
      %dma_start3A_31 = arith.constant 160 : i32
      %dma_start3A_32 = tpu.memref_slice %arg5[%dma_start3A_31] : memref<200xi32, #tpu.memory_space<vmem>> -> memref<40xi32, #tpu.memory_space<vmem>>
      %dma_start3A_33 = arith.constant 0 : i32
      %dma_start3A_34 = arith.constant 0 : i32
      %dma_start3A_35 = tpu.memref_slice %arg2[%dma_start3A_33, %dma_start3A_34] : memref<160000x128xf32, #tpu.memory_space<hbm>> -> memref<160000x128xf32, #tpu.memory_space<hbm>>
      tpu.enqueue_indirect_dma source(%dma_start3A_35 : memref<160000x128xf32, #tpu.memory_space<hbm>>) target(%arg10 : memref<40x128xf32, #tpu.memory_space<vmem>>) offsets(%dma_start3A_32 : memref<40xi32, #tpu.memory_space<vmem>>) semaphore(%arg11 : memref<!tpu.dma_semaphore, #tpu.memory_space<semaphore_mem>>)
      %dma_wait3A = arith.constant 0 : i32
      %dma_wait3A_36 = tpu.memref_slice %arg5[%dma_wait3A] : memref<200xi32, #tpu.memory_space<vmem>> -> memref<40xi32, #tpu.memory_space<vmem>>
      %dma_wait3A_37 = arith.constant 0 : i32
      %dma_wait3A_38 = arith.constant 0 : i32
      %dma_wait3A_39 = tpu.memref_slice %arg2[%dma_wait3A_37, %dma_wait3A_38] : memref<160000x128xf32, #tpu.memory_space<hbm>> -> memref<160000x128xf32, #tpu.memory_space<hbm>>
      tpu.wait_indirect_dma semaphore(%arg11 : memref<!tpu.dma_semaphore, #tpu.memory_space<semaphore_mem>>) src(%dma_wait3A_39 : memref<160000x128xf32, #tpu.memory_space<hbm>>) dst(%arg6 : memref<40x128xf32, #tpu.memory_space<vmem>>)
      %dma_wait3A_40 = arith.constant 40 : i32
      %dma_wait3A_41 = tpu.memref_slice %arg5[%dma_wait3A_40] : memref<200xi32, #tpu.memory_space<vmem>> -> memref<40xi32, #tpu.memory_space<vmem>>
      %dma_wait3A_42 = arith.constant 0 : i32
      %dma_wait3A_43 = arith.constant 0 : i32
      %dma_wait3A_44 = tpu.memref_slice %arg2[%dma_wait3A_42, %dma_wait3A_43] : memref<160000x128xf32, #tpu.memory_space<hbm>> -> memref<160000x128xf32, #tpu.memory_space<hbm>>
      tpu.wait_indirect_dma semaphore(%arg11 : memref<!tpu.dma_semaphore, #tpu.memory_space<semaphore_mem>>) src(%dma_wait3A_44 : memref<160000x128xf32, #tpu.memory_space<hbm>>) dst(%arg7 : memref<40x128xf32, #tpu.memory_space<vmem>>)
      %dma_wait3A_45 = arith.constant 80 : i32
      %dma_wait3A_46 = tpu.memref_slice %arg5[%dma_wait3A_45] : memref<200xi32, #tpu.memory_space<vmem>> -> memref<40xi32, #tpu.memory_space<vmem>>
      %dma_wait3A_47 = arith.constant 0 : i32
      %dma_wait3A_48 = arith.constant 0 : i32
      %dma_wait3A_49 = tpu.memref_slice %arg2[%dma_wait3A_47, %dma_wait3A_48] : memref<160000x128xf32, #tpu.memory_space<hbm>> -> memref<160000x128xf32, #tpu.memory_space<hbm>>
      tpu.wait_indirect_dma semaphore(%arg11 : memref<!tpu.dma_semaphore, #tpu.memory_space<semaphore_mem>>) src(%dma_wait3A_49 : memref<160000x128xf32, #tpu.memory_space<hbm>>) dst(%arg8 : memref<40x128xf32, #tpu.memory_space<vmem>>)
      %dma_wait3A_50 = arith.constant 120 : i32
      %dma_wait3A_51 = tpu.memref_slice %arg5[%dma_wait3A_50] : memref<200xi32, #tpu.memory_space<vmem>> -> memref<40xi32, #tpu.memory_space<vmem>>
      %dma_wait3A_52 = arith.constant 0 : i32
      %dma_wait3A_53 = arith.constant 0 : i32
      %dma_wait3A_54 = tpu.memref_slice %arg2[%dma_wait3A_52, %dma_wait3A_53] : memref<160000x128xf32, #tpu.memory_space<hbm>> -> memref<160000x128xf32, #tpu.memory_space<hbm>>
      tpu.wait_indirect_dma semaphore(%arg11 : memref<!tpu.dma_semaphore, #tpu.memory_space<semaphore_mem>>) src(%dma_wait3A_54 : memref<160000x128xf32, #tpu.memory_space<hbm>>) dst(%arg9 : memref<40x128xf32, #tpu.memory_space<vmem>>)
      %dma_wait3A_55 = arith.constant 160 : i32
      %dma_wait3A_56 = tpu.memref_slice %arg5[%dma_wait3A_55] : memref<200xi32, #tpu.memory_space<vmem>> -> memref<40xi32, #tpu.memory_space<vmem>>
      %dma_wait3A_57 = arith.constant 0 : i32
      %dma_wait3A_58 = arith.constant 0 : i32
      %dma_wait3A_59 = tpu.memref_slice %arg2[%dma_wait3A_57, %dma_wait3A_58] : memref<160000x128xf32, #tpu.memory_space<hbm>> -> memref<160000x128xf32, #tpu.memory_space<hbm>>
      tpu.wait_indirect_dma semaphore(%arg11 : memref<!tpu.dma_semaphore, #tpu.memory_space<semaphore_mem>>) src(%dma_wait3A_59 : memref<160000x128xf32, #tpu.memory_space<hbm>>) dst(%arg10 : memref<40x128xf32, #tpu.memory_space<vmem>>)
      %add3A_60 = arith.constant 0 : i32
      %add3A_61 = arith.addi %multiple_of3A, %add3A_60 : i32
      %multiple_of3A_62 = tpu.assume_multiple %add3A_61, 8 : i32
      "tpu.region"() ({
        %run_scoped3A = tpu.sem_alloc : memref<!tpu.dma_semaphore, #tpu.memory_space<semaphore_mem>>
        %dma_start3A_75 = arith.constant 0 : i32
        %dma_start3A_76 = tpu.memref_slice %arg4[%multiple_of3A_62, %dma_start3A_75] : memref<160000x128xf32, #tpu.memory_space<hbm>> -> memref<40x128xf32, #tpu.memory_space<hbm>>
        %dma_start3A_77 = arith.constant 0 : i32
        %dma_start3A_78 = tpu.memref_slice %arg4[%multiple_of3A_62, %dma_start3A_77] : memref<160000x128xf32, #tpu.memory_space<hbm>> -> memref<40x128xf32, #tpu.memory_space<hbm>>
        tpu.enqueue_dma source(%arg6 : memref<40x128xf32, #tpu.memory_space<vmem>>) target(%dma_start3A_78 : memref<40x128xf32, #tpu.memory_space<hbm>>) target_semaphore(%run_scoped3A : memref<!tpu.dma_semaphore, #tpu.memory_space<semaphore_mem>>)
        %dma_wait3A_79 = arith.constant 0 : i32
        %dma_wait3A_80 = tpu.memref_slice %arg4[%multiple_of3A_62, %dma_wait3A_79] : memref<160000x128xf32, #tpu.memory_space<hbm>> -> memref<40x128xf32, #tpu.memory_space<hbm>>
        %dma_wait3A_81 = arith.constant 0 : i32
        %dma_wait3A_82 = tpu.memref_slice %arg4[%multiple_of3A_62, %dma_wait3A_81] : memref<160000x128xf32, #tpu.memory_space<hbm>> -> memref<40x128xf32, #tpu.memory_space<hbm>>
        tpu.wait_dma2 semaphore(%run_scoped3A : memref<!tpu.dma_semaphore, #tpu.memory_space<semaphore_mem>>) src(%arg6 : memref<40x128xf32, #tpu.memory_space<vmem>>) dst(%dma_wait3A_82 : memref<40x128xf32, #tpu.memory_space<hbm>>)
        tpu.yield
      }) : () -> ()
      %add3A_63 = arith.constant 40 : i32
      %add3A_64 = arith.addi %multiple_of3A, %add3A_63 : i32
      %multiple_of3A_65 = tpu.assume_multiple %add3A_64, 8 : i32
      "tpu.region"() ({
        %run_scoped3A = tpu.sem_alloc : memref<!tpu.dma_semaphore, #tpu.memory_space<semaphore_mem>>
        %dma_start3A_75 = arith.constant 0 : i32
        %dma_start3A_76 = tpu.memref_slice %arg4[%multiple_of3A_65, %dma_start3A_75] : memref<160000x128xf32, #tpu.memory_space<hbm>> -> memref<40x128xf32, #tpu.memory_space<hbm>>
        %dma_start3A_77 = arith.constant 0 : i32
        %dma_start3A_78 = tpu.memref_slice %arg4[%multiple_of3A_65, %dma_start3A_77] : memref<160000x128xf32, #tpu.memory_space<hbm>> -> memref<40x128xf32, #tpu.memory_space<hbm>>
        tpu.enqueue_dma source(%arg7 : memref<40x128xf32, #tpu.memory_space<vmem>>) target(%dma_start3A_78 : memref<40x128xf32, #tpu.memory_space<hbm>>) target_semaphore(%run_scoped3A : memref<!tpu.dma_semaphore, #tpu.memory_space<semaphore_mem>>)
        %dma_wait3A_79 = arith.constant 0 : i32
        %dma_wait3A_80 = tpu.memref_slice %arg4[%multiple_of3A_65, %dma_wait3A_79] : memref<160000x128xf32, #tpu.memory_space<hbm>> -> memref<40x128xf32, #tpu.memory_space<hbm>>
        %dma_wait3A_81 = arith.constant 0 : i32
        %dma_wait3A_82 = tpu.memref_slice %arg4[%multiple_of3A_65, %dma_wait3A_81] : memref<160000x128xf32, #tpu.memory_space<hbm>> -> memref<40x128xf32, #tpu.memory_space<hbm>>
        tpu.wait_dma2 semaphore(%run_scoped3A : memref<!tpu.dma_semaphore, #tpu.memory_space<semaphore_mem>>) src(%arg7 : memref<40x128xf32, #tpu.memory_space<vmem>>) dst(%dma_wait3A_82 : memref<40x128xf32, #tpu.memory_space<hbm>>)
        tpu.yield
      }) : () -> ()
      %add3A_66 = arith.constant 80 : i32
      %add3A_67 = arith.addi %multiple_of3A, %add3A_66 : i32
      %multiple_of3A_68 = tpu.assume_multiple %add3A_67, 8 : i32
      "tpu.region"() ({
        %run_scoped3A = tpu.sem_alloc : memref<!tpu.dma_semaphore, #tpu.memory_space<semaphore_mem>>
        %dma_start3A_75 = arith.constant 0 : i32
        %dma_start3A_76 = tpu.memref_slice %arg4[%multiple_of3A_68, %dma_start3A_75] : memref<160000x128xf32, #tpu.memory_space<hbm>> -> memref<40x128xf32, #tpu.memory_space<hbm>>
        %dma_start3A_77 = arith.constant 0 : i32
        %dma_start3A_78 = tpu.memref_slice %arg4[%multiple_of3A_68, %dma_start3A_77] : memref<160000x128xf32, #tpu.memory_space<hbm>> -> memref<40x128xf32, #tpu.memory_space<hbm>>
        tpu.enqueue_dma source(%arg8 : memref<40x128xf32, #tpu.memory_space<vmem>>) target(%dma_start3A_78 : memref<40x128xf32, #tpu.memory_space<hbm>>) target_semaphore(%run_scoped3A : memref<!tpu.dma_semaphore, #tpu.memory_space<semaphore_mem>>)
        %dma_wait3A_79 = arith.constant 0 : i32
        %dma_wait3A_80 = tpu.memref_slice %arg4[%multiple_of3A_68, %dma_wait3A_79] : memref<160000x128xf32, #tpu.memory_space<hbm>> -> memref<40x128xf32, #tpu.memory_space<hbm>>
        %dma_wait3A_81 = arith.constant 0 : i32
        %dma_wait3A_82 = tpu.memref_slice %arg4[%multiple_of3A_68, %dma_wait3A_81] : memref<160000x128xf32, #tpu.memory_space<hbm>> -> memref<40x128xf32, #tpu.memory_space<hbm>>
        tpu.wait_dma2 semaphore(%run_scoped3A : memref<!tpu.dma_semaphore, #tpu.memory_space<semaphore_mem>>) src(%arg8 : memref<40x128xf32, #tpu.memory_space<vmem>>) dst(%dma_wait3A_82 : memref<40x128xf32, #tpu.memory_space<hbm>>)
        tpu.yield
      }) : () -> ()
      %add3A_69 = arith.constant 120 : i32
      %add3A_70 = arith.addi %multiple_of3A, %add3A_69 : i32
      %multiple_of3A_71 = tpu.assume_multiple %add3A_70, 8 : i32
      "tpu.region"() ({
        %run_scoped3A = tpu.sem_alloc : memref<!tpu.dma_semaphore, #tpu.memory_space<semaphore_mem>>
        %dma_start3A_75 = arith.constant 0 : i32
        %dma_start3A_76 = tpu.memref_slice %arg4[%multiple_of3A_71, %dma_start3A_75] : memref<160000x128xf32, #tpu.memory_space<hbm>> -> memref<40x128xf32, #tpu.memory_space<hbm>>
        %dma_start3A_77 = arith.constant 0 : i32
        %dma_start3A_78 = tpu.memref_slice %arg4[%multiple_of3A_71, %dma_start3A_77] : memref<160000x128xf32, #tpu.memory_space<hbm>> -> memref<40x128xf32, #tpu.memory_space<hbm>>
        tpu.enqueue_dma source(%arg9 : memref<40x128xf32, #tpu.memory_space<vmem>>) target(%dma_start3A_78 : memref<40x128xf32, #tpu.memory_space<hbm>>) target_semaphore(%run_scoped3A : memref<!tpu.dma_semaphore, #tpu.memory_space<semaphore_mem>>)
        %dma_wait3A_79 = arith.constant 0 : i32
        %dma_wait3A_80 = tpu.memref_slice %arg4[%multiple_of3A_71, %dma_wait3A_79] : memref<160000x128xf32, #tpu.memory_space<hbm>> -> memref<40x128xf32, #tpu.memory_space<hbm>>
        %dma_wait3A_81 = arith.constant 0 : i32
        %dma_wait3A_82 = tpu.memref_slice %arg4[%multiple_of3A_71, %dma_wait3A_81] : memref<160000x128xf32, #tpu.memory_space<hbm>> -> memref<40x128xf32, #tpu.memory_space<hbm>>
        tpu.wait_dma2 semaphore(%run_scoped3A : memref<!tpu.dma_semaphore, #tpu.memory_space<semaphore_mem>>) src(%arg9 : memref<40x128xf32, #tpu.memory_space<vmem>>) dst(%dma_wait3A_82 : memref<40x128xf32, #tpu.memory_space<hbm>>)
        tpu.yield
      }) : () -> ()
      %add3A_72 = arith.constant 160 : i32
      %add3A_73 = arith.addi %multiple_of3A, %add3A_72 : i32
      %multiple_of3A_74 = tpu.assume_multiple %add3A_73, 8 : i32
      "tpu.region"() ({
        %run_scoped3A = tpu.sem_alloc : memref<!tpu.dma_semaphore, #tpu.memory_space<semaphore_mem>>
        %dma_start3A_75 = arith.constant 0 : i32
        %dma_start3A_76 = tpu.memref_slice %arg4[%multiple_of3A_74, %dma_start3A_75] : memref<160000x128xf32, #tpu.memory_space<hbm>> -> memref<40x128xf32, #tpu.memory_space<hbm>>
        %dma_start3A_77 = arith.constant 0 : i32
        %dma_start3A_78 = tpu.memref_slice %arg4[%multiple_of3A_74, %dma_start3A_77] : memref<160000x128xf32, #tpu.memory_space<hbm>> -> memref<40x128xf32, #tpu.memory_space<hbm>>
        tpu.enqueue_dma source(%arg10 : memref<40x128xf32, #tpu.memory_space<vmem>>) target(%dma_start3A_78 : memref<40x128xf32, #tpu.memory_space<hbm>>) target_semaphore(%run_scoped3A : memref<!tpu.dma_semaphore, #tpu.memory_space<semaphore_mem>>)
        %dma_wait3A_79 = arith.constant 0 : i32
        %dma_wait3A_80 = tpu.memref_slice %arg4[%multiple_of3A_74, %dma_wait3A_79] : memref<160000x128xf32, #tpu.memory_space<hbm>> -> memref<40x128xf32, #tpu.memory_space<hbm>>
        %dma_wait3A_81 = arith.constant 0 : i32
        %dma_wait3A_82 = tpu.memref_slice %arg4[%multiple_of3A_74, %dma_wait3A_81] : memref<160000x128xf32, #tpu.memory_space<hbm>> -> memref<40x128xf32, #tpu.memory_space<hbm>>
        tpu.wait_dma2 semaphore(%run_scoped3A : memref<!tpu.dma_semaphore, #tpu.memory_space<semaphore_mem>>) src(%arg10 : memref<40x128xf32, #tpu.memory_space<vmem>>) dst(%dma_wait3A_82 : memref<40x128xf32, #tpu.memory_space<hbm>>)
        tpu.yield
      }) : () -> ()
    }
    %scan3A_5 = arith.constant 25 : i32
    return
  }
}

#map = affine_map<(d0, d1) -> (0, 0)>
#map1 = affine_map<(d0, d1) -> (0)>
module attributes {stable_mosaic.version = 14 : i64} {
  func.func @body(%arg0: i32, %arg1: i32, %arg2: memref<160000x128xf32, #tpu.memory_space<hbm>>, %arg3: memref<10240xi32, #tpu.memory_space<hbm>>, %arg4: memref<10240x128xf32, #tpu.memory_space<hbm>>, %arg5: memref<320xi32, #tpu.memory_space<vmem>>, %arg6: memref<64x128xf32, #tpu.memory_space<vmem>>, %arg7: memref<64x128xf32, #tpu.memory_space<vmem>>, %arg8: memref<64x128xf32, #tpu.memory_space<vmem>>, %arg9: memref<64x128xf32, #tpu.memory_space<vmem>>, %arg10: memref<64x128xf32, #tpu.memory_space<vmem>>, %arg11: memref<!tpu.dma_semaphore, #tpu.memory_space<semaphore_mem>>) attributes {dimension_semantics = [#tpu.dimension_semantics<core_parallel>, #tpu.dimension_semantics<subcore_parallel>], iteration_bounds = array<i64: 2, 16>, scalar_prefetch = 0 : i64, scratch_operands = 7 : i64, tpu.core_type = #tpu.core_type<sc_vector_subcore>, window_params = [{transform_indices = #map}, {transform_indices = #map1}, {transform_indices = #map}]} {
    %mul3A = arith.constant 2 : i32
    %mul3A_0 = arith.muli %arg1, %mul3A : i32
    %add3A = arith.addi %mul3A_0, %arg0 : i32
    %scan3A = arith.constant 0 : i32
    %scan3A_1 = arith.constant 0 : i32
    %mul3A_2 = arith.constant 320 : i32
    %mul3A_3 = arith.muli %add3A, %mul3A_2 : i32
    %mul3A_4 = arith.constant 320 : i32
    %mul3A_5 = arith.muli %scan3A_1, %mul3A_4 : i32
    %add3A_6 = arith.addi %mul3A_3, %mul3A_5 : i32
    %multiple_of3A = tpu.assume_multiple %add3A_6, 8 : i32
    "tpu.region"() ({
      %run_scoped3A = tpu.sem_alloc : memref<!tpu.dma_semaphore, #tpu.memory_space<semaphore_mem>>
      %dma_start3A_71 = tpu.memref_slice %arg3[%multiple_of3A] : memref<10240xi32, #tpu.memory_space<hbm>> -> memref<320xi32, #tpu.memory_space<hbm>>
      %dma_start3A_72 = tpu.memref_slice %arg3[%multiple_of3A] : memref<10240xi32, #tpu.memory_space<hbm>> -> memref<320xi32, #tpu.memory_space<hbm>>
      tpu.enqueue_dma source(%dma_start3A_72 : memref<320xi32, #tpu.memory_space<hbm>>) target(%arg5 : memref<320xi32, #tpu.memory_space<vmem>>) target_semaphore(%run_scoped3A : memref<!tpu.dma_semaphore, #tpu.memory_space<semaphore_mem>>)
      %dma_wait3A_73 = tpu.memref_slice %arg3[%multiple_of3A] : memref<10240xi32, #tpu.memory_space<hbm>> -> memref<320xi32, #tpu.memory_space<hbm>>
      %dma_wait3A_74 = tpu.memref_slice %arg3[%multiple_of3A] : memref<10240xi32, #tpu.memory_space<hbm>> -> memref<320xi32, #tpu.memory_space<hbm>>
      tpu.wait_dma2 semaphore(%run_scoped3A : memref<!tpu.dma_semaphore, #tpu.memory_space<semaphore_mem>>) src(%dma_wait3A_74 : memref<320xi32, #tpu.memory_space<hbm>>) dst(%arg5 : memref<320xi32, #tpu.memory_space<vmem>>)
      tpu.yield
    }) : () -> ()
    %dma_start3A = arith.constant 0 : i32
    %dma_start3A_7 = tpu.memref_slice %arg5[%dma_start3A] : memref<320xi32, #tpu.memory_space<vmem>> -> memref<64xi32, #tpu.memory_space<vmem>>
    %dma_start3A_8 = arith.constant 0 : i32
    %dma_start3A_9 = arith.constant 0 : i32
    %dma_start3A_10 = tpu.memref_slice %arg2[%dma_start3A_8, %dma_start3A_9] : memref<160000x128xf32, #tpu.memory_space<hbm>> -> memref<160000x128xf32, #tpu.memory_space<hbm>>
    tpu.enqueue_indirect_dma source(%dma_start3A_10 : memref<160000x128xf32, #tpu.memory_space<hbm>>) target(%arg6 : memref<64x128xf32, #tpu.memory_space<vmem>>) offsets(%dma_start3A_7 : memref<64xi32, #tpu.memory_space<vmem>>) semaphore(%arg11 : memref<!tpu.dma_semaphore, #tpu.memory_space<semaphore_mem>>)
    %dma_start3A_11 = arith.constant 64 : i32
    %dma_start3A_12 = tpu.memref_slice %arg5[%dma_start3A_11] : memref<320xi32, #tpu.memory_space<vmem>> -> memref<64xi32, #tpu.memory_space<vmem>>
    %dma_start3A_13 = arith.constant 0 : i32
    %dma_start3A_14 = arith.constant 0 : i32
    %dma_start3A_15 = tpu.memref_slice %arg2[%dma_start3A_13, %dma_start3A_14] : memref<160000x128xf32, #tpu.memory_space<hbm>> -> memref<160000x128xf32, #tpu.memory_space<hbm>>
    tpu.enqueue_indirect_dma source(%dma_start3A_15 : memref<160000x128xf32, #tpu.memory_space<hbm>>) target(%arg7 : memref<64x128xf32, #tpu.memory_space<vmem>>) offsets(%dma_start3A_12 : memref<64xi32, #tpu.memory_space<vmem>>) semaphore(%arg11 : memref<!tpu.dma_semaphore, #tpu.memory_space<semaphore_mem>>)
    %dma_start3A_16 = arith.constant 128 : i32
    %dma_start3A_17 = tpu.memref_slice %arg5[%dma_start3A_16] : memref<320xi32, #tpu.memory_space<vmem>> -> memref<64xi32, #tpu.memory_space<vmem>>
    %dma_start3A_18 = arith.constant 0 : i32
    %dma_start3A_19 = arith.constant 0 : i32
    %dma_start3A_20 = tpu.memref_slice %arg2[%dma_start3A_18, %dma_start3A_19] : memref<160000x128xf32, #tpu.memory_space<hbm>> -> memref<160000x128xf32, #tpu.memory_space<hbm>>
    tpu.enqueue_indirect_dma source(%dma_start3A_20 : memref<160000x128xf32, #tpu.memory_space<hbm>>) target(%arg8 : memref<64x128xf32, #tpu.memory_space<vmem>>) offsets(%dma_start3A_17 : memref<64xi32, #tpu.memory_space<vmem>>) semaphore(%arg11 : memref<!tpu.dma_semaphore, #tpu.memory_space<semaphore_mem>>)
    %dma_start3A_21 = arith.constant 192 : i32
    %dma_start3A_22 = tpu.memref_slice %arg5[%dma_start3A_21] : memref<320xi32, #tpu.memory_space<vmem>> -> memref<64xi32, #tpu.memory_space<vmem>>
    %dma_start3A_23 = arith.constant 0 : i32
    %dma_start3A_24 = arith.constant 0 : i32
    %dma_start3A_25 = tpu.memref_slice %arg2[%dma_start3A_23, %dma_start3A_24] : memref<160000x128xf32, #tpu.memory_space<hbm>> -> memref<160000x128xf32, #tpu.memory_space<hbm>>
    tpu.enqueue_indirect_dma source(%dma_start3A_25 : memref<160000x128xf32, #tpu.memory_space<hbm>>) target(%arg9 : memref<64x128xf32, #tpu.memory_space<vmem>>) offsets(%dma_start3A_22 : memref<64xi32, #tpu.memory_space<vmem>>) semaphore(%arg11 : memref<!tpu.dma_semaphore, #tpu.memory_space<semaphore_mem>>)
    %dma_start3A_26 = arith.constant 256 : i32
    %dma_start3A_27 = tpu.memref_slice %arg5[%dma_start3A_26] : memref<320xi32, #tpu.memory_space<vmem>> -> memref<64xi32, #tpu.memory_space<vmem>>
    %dma_start3A_28 = arith.constant 0 : i32
    %dma_start3A_29 = arith.constant 0 : i32
    %dma_start3A_30 = tpu.memref_slice %arg2[%dma_start3A_28, %dma_start3A_29] : memref<160000x128xf32, #tpu.memory_space<hbm>> -> memref<160000x128xf32, #tpu.memory_space<hbm>>
    tpu.enqueue_indirect_dma source(%dma_start3A_30 : memref<160000x128xf32, #tpu.memory_space<hbm>>) target(%arg10 : memref<64x128xf32, #tpu.memory_space<vmem>>) offsets(%dma_start3A_27 : memref<64xi32, #tpu.memory_space<vmem>>) semaphore(%arg11 : memref<!tpu.dma_semaphore, #tpu.memory_space<semaphore_mem>>)
    %dma_wait3A = arith.constant 0 : i32
    %dma_wait3A_31 = tpu.memref_slice %arg5[%dma_wait3A] : memref<320xi32, #tpu.memory_space<vmem>> -> memref<64xi32, #tpu.memory_space<vmem>>
    %dma_wait3A_32 = arith.constant 0 : i32
    %dma_wait3A_33 = arith.constant 0 : i32
    %dma_wait3A_34 = tpu.memref_slice %arg2[%dma_wait3A_32, %dma_wait3A_33] : memref<160000x128xf32, #tpu.memory_space<hbm>> -> memref<160000x128xf32, #tpu.memory_space<hbm>>
    tpu.wait_indirect_dma semaphore(%arg11 : memref<!tpu.dma_semaphore, #tpu.memory_space<semaphore_mem>>) src(%dma_wait3A_34 : memref<160000x128xf32, #tpu.memory_space<hbm>>) dst(%arg6 : memref<64x128xf32, #tpu.memory_space<vmem>>)
    %dma_wait3A_35 = arith.constant 64 : i32
    %dma_wait3A_36 = tpu.memref_slice %arg5[%dma_wait3A_35] : memref<320xi32, #tpu.memory_space<vmem>> -> memref<64xi32, #tpu.memory_space<vmem>>
    %dma_wait3A_37 = arith.constant 0 : i32
    %dma_wait3A_38 = arith.constant 0 : i32
    %dma_wait3A_39 = tpu.memref_slice %arg2[%dma_wait3A_37, %dma_wait3A_38] : memref<160000x128xf32, #tpu.memory_space<hbm>> -> memref<160000x128xf32, #tpu.memory_space<hbm>>
    tpu.wait_indirect_dma semaphore(%arg11 : memref<!tpu.dma_semaphore, #tpu.memory_space<semaphore_mem>>) src(%dma_wait3A_39 : memref<160000x128xf32, #tpu.memory_space<hbm>>) dst(%arg7 : memref<64x128xf32, #tpu.memory_space<vmem>>)
    %dma_wait3A_40 = arith.constant 128 : i32
    %dma_wait3A_41 = tpu.memref_slice %arg5[%dma_wait3A_40] : memref<320xi32, #tpu.memory_space<vmem>> -> memref<64xi32, #tpu.memory_space<vmem>>
    %dma_wait3A_42 = arith.constant 0 : i32
    %dma_wait3A_43 = arith.constant 0 : i32
    %dma_wait3A_44 = tpu.memref_slice %arg2[%dma_wait3A_42, %dma_wait3A_43] : memref<160000x128xf32, #tpu.memory_space<hbm>> -> memref<160000x128xf32, #tpu.memory_space<hbm>>
    tpu.wait_indirect_dma semaphore(%arg11 : memref<!tpu.dma_semaphore, #tpu.memory_space<semaphore_mem>>) src(%dma_wait3A_44 : memref<160000x128xf32, #tpu.memory_space<hbm>>) dst(%arg8 : memref<64x128xf32, #tpu.memory_space<vmem>>)
    %dma_wait3A_45 = arith.constant 192 : i32
    %dma_wait3A_46 = tpu.memref_slice %arg5[%dma_wait3A_45] : memref<320xi32, #tpu.memory_space<vmem>> -> memref<64xi32, #tpu.memory_space<vmem>>
    %dma_wait3A_47 = arith.constant 0 : i32
    %dma_wait3A_48 = arith.constant 0 : i32
    %dma_wait3A_49 = tpu.memref_slice %arg2[%dma_wait3A_47, %dma_wait3A_48] : memref<160000x128xf32, #tpu.memory_space<hbm>> -> memref<160000x128xf32, #tpu.memory_space<hbm>>
    tpu.wait_indirect_dma semaphore(%arg11 : memref<!tpu.dma_semaphore, #tpu.memory_space<semaphore_mem>>) src(%dma_wait3A_49 : memref<160000x128xf32, #tpu.memory_space<hbm>>) dst(%arg9 : memref<64x128xf32, #tpu.memory_space<vmem>>)
    %dma_wait3A_50 = arith.constant 256 : i32
    %dma_wait3A_51 = tpu.memref_slice %arg5[%dma_wait3A_50] : memref<320xi32, #tpu.memory_space<vmem>> -> memref<64xi32, #tpu.memory_space<vmem>>
    %dma_wait3A_52 = arith.constant 0 : i32
    %dma_wait3A_53 = arith.constant 0 : i32
    %dma_wait3A_54 = tpu.memref_slice %arg2[%dma_wait3A_52, %dma_wait3A_53] : memref<160000x128xf32, #tpu.memory_space<hbm>> -> memref<160000x128xf32, #tpu.memory_space<hbm>>
    tpu.wait_indirect_dma semaphore(%arg11 : memref<!tpu.dma_semaphore, #tpu.memory_space<semaphore_mem>>) src(%dma_wait3A_54 : memref<160000x128xf32, #tpu.memory_space<hbm>>) dst(%arg10 : memref<64x128xf32, #tpu.memory_space<vmem>>)
    %add3A_55 = arith.constant 0 : i32
    %add3A_56 = arith.addi %multiple_of3A, %add3A_55 : i32
    %multiple_of3A_57 = tpu.assume_multiple %add3A_56, 8 : i32
    "tpu.region"() ({
      %run_scoped3A = tpu.sem_alloc : memref<!tpu.dma_semaphore, #tpu.memory_space<semaphore_mem>>
      %dma_start3A_71 = arith.constant 0 : i32
      %dma_start3A_72 = tpu.memref_slice %arg4[%multiple_of3A_57, %dma_start3A_71] : memref<10240x128xf32, #tpu.memory_space<hbm>> -> memref<64x128xf32, #tpu.memory_space<hbm>>
      %dma_start3A_73 = arith.constant 0 : i32
      %dma_start3A_74 = tpu.memref_slice %arg4[%multiple_of3A_57, %dma_start3A_73] : memref<10240x128xf32, #tpu.memory_space<hbm>> -> memref<64x128xf32, #tpu.memory_space<hbm>>
      tpu.enqueue_dma source(%arg6 : memref<64x128xf32, #tpu.memory_space<vmem>>) target(%dma_start3A_74 : memref<64x128xf32, #tpu.memory_space<hbm>>) target_semaphore(%run_scoped3A : memref<!tpu.dma_semaphore, #tpu.memory_space<semaphore_mem>>)
      %dma_wait3A_75 = arith.constant 0 : i32
      %dma_wait3A_76 = tpu.memref_slice %arg4[%multiple_of3A_57, %dma_wait3A_75] : memref<10240x128xf32, #tpu.memory_space<hbm>> -> memref<64x128xf32, #tpu.memory_space<hbm>>
      %dma_wait3A_77 = arith.constant 0 : i32
      %dma_wait3A_78 = tpu.memref_slice %arg4[%multiple_of3A_57, %dma_wait3A_77] : memref<10240x128xf32, #tpu.memory_space<hbm>> -> memref<64x128xf32, #tpu.memory_space<hbm>>
      tpu.wait_dma2 semaphore(%run_scoped3A : memref<!tpu.dma_semaphore, #tpu.memory_space<semaphore_mem>>) src(%arg6 : memref<64x128xf32, #tpu.memory_space<vmem>>) dst(%dma_wait3A_78 : memref<64x128xf32, #tpu.memory_space<hbm>>)
      tpu.yield
    }) : () -> ()
    %add3A_58 = arith.constant 64 : i32
    %add3A_59 = arith.addi %multiple_of3A, %add3A_58 : i32
    %multiple_of3A_60 = tpu.assume_multiple %add3A_59, 8 : i32
    "tpu.region"() ({
      %run_scoped3A = tpu.sem_alloc : memref<!tpu.dma_semaphore, #tpu.memory_space<semaphore_mem>>
      %dma_start3A_71 = arith.constant 0 : i32
      %dma_start3A_72 = tpu.memref_slice %arg4[%multiple_of3A_60, %dma_start3A_71] : memref<10240x128xf32, #tpu.memory_space<hbm>> -> memref<64x128xf32, #tpu.memory_space<hbm>>
      %dma_start3A_73 = arith.constant 0 : i32
      %dma_start3A_74 = tpu.memref_slice %arg4[%multiple_of3A_60, %dma_start3A_73] : memref<10240x128xf32, #tpu.memory_space<hbm>> -> memref<64x128xf32, #tpu.memory_space<hbm>>
      tpu.enqueue_dma source(%arg7 : memref<64x128xf32, #tpu.memory_space<vmem>>) target(%dma_start3A_74 : memref<64x128xf32, #tpu.memory_space<hbm>>) target_semaphore(%run_scoped3A : memref<!tpu.dma_semaphore, #tpu.memory_space<semaphore_mem>>)
      %dma_wait3A_75 = arith.constant 0 : i32
      %dma_wait3A_76 = tpu.memref_slice %arg4[%multiple_of3A_60, %dma_wait3A_75] : memref<10240x128xf32, #tpu.memory_space<hbm>> -> memref<64x128xf32, #tpu.memory_space<hbm>>
      %dma_wait3A_77 = arith.constant 0 : i32
      %dma_wait3A_78 = tpu.memref_slice %arg4[%multiple_of3A_60, %dma_wait3A_77] : memref<10240x128xf32, #tpu.memory_space<hbm>> -> memref<64x128xf32, #tpu.memory_space<hbm>>
      tpu.wait_dma2 semaphore(%run_scoped3A : memref<!tpu.dma_semaphore, #tpu.memory_space<semaphore_mem>>) src(%arg7 : memref<64x128xf32, #tpu.memory_space<vmem>>) dst(%dma_wait3A_78 : memref<64x128xf32, #tpu.memory_space<hbm>>)
      tpu.yield
    }) : () -> ()
    %add3A_61 = arith.constant 128 : i32
    %add3A_62 = arith.addi %multiple_of3A, %add3A_61 : i32
    %multiple_of3A_63 = tpu.assume_multiple %add3A_62, 8 : i32
    "tpu.region"() ({
      %run_scoped3A = tpu.sem_alloc : memref<!tpu.dma_semaphore, #tpu.memory_space<semaphore_mem>>
      %dma_start3A_71 = arith.constant 0 : i32
      %dma_start3A_72 = tpu.memref_slice %arg4[%multiple_of3A_63, %dma_start3A_71] : memref<10240x128xf32, #tpu.memory_space<hbm>> -> memref<64x128xf32, #tpu.memory_space<hbm>>
      %dma_start3A_73 = arith.constant 0 : i32
      %dma_start3A_74 = tpu.memref_slice %arg4[%multiple_of3A_63, %dma_start3A_73] : memref<10240x128xf32, #tpu.memory_space<hbm>> -> memref<64x128xf32, #tpu.memory_space<hbm>>
      tpu.enqueue_dma source(%arg8 : memref<64x128xf32, #tpu.memory_space<vmem>>) target(%dma_start3A_74 : memref<64x128xf32, #tpu.memory_space<hbm>>) target_semaphore(%run_scoped3A : memref<!tpu.dma_semaphore, #tpu.memory_space<semaphore_mem>>)
      %dma_wait3A_75 = arith.constant 0 : i32
      %dma_wait3A_76 = tpu.memref_slice %arg4[%multiple_of3A_63, %dma_wait3A_75] : memref<10240x128xf32, #tpu.memory_space<hbm>> -> memref<64x128xf32, #tpu.memory_space<hbm>>
      %dma_wait3A_77 = arith.constant 0 : i32
      %dma_wait3A_78 = tpu.memref_slice %arg4[%multiple_of3A_63, %dma_wait3A_77] : memref<10240x128xf32, #tpu.memory_space<hbm>> -> memref<64x128xf32, #tpu.memory_space<hbm>>
      tpu.wait_dma2 semaphore(%run_scoped3A : memref<!tpu.dma_semaphore, #tpu.memory_space<semaphore_mem>>) src(%arg8 : memref<64x128xf32, #tpu.memory_space<vmem>>) dst(%dma_wait3A_78 : memref<64x128xf32, #tpu.memory_space<hbm>>)
      tpu.yield
    }) : () -> ()
    %add3A_64 = arith.constant 192 : i32
    %add3A_65 = arith.addi %multiple_of3A, %add3A_64 : i32
    %multiple_of3A_66 = tpu.assume_multiple %add3A_65, 8 : i32
    "tpu.region"() ({
      %run_scoped3A = tpu.sem_alloc : memref<!tpu.dma_semaphore, #tpu.memory_space<semaphore_mem>>
      %dma_start3A_71 = arith.constant 0 : i32
      %dma_start3A_72 = tpu.memref_slice %arg4[%multiple_of3A_66, %dma_start3A_71] : memref<10240x128xf32, #tpu.memory_space<hbm>> -> memref<64x128xf32, #tpu.memory_space<hbm>>
      %dma_start3A_73 = arith.constant 0 : i32
      %dma_start3A_74 = tpu.memref_slice %arg4[%multiple_of3A_66, %dma_start3A_73] : memref<10240x128xf32, #tpu.memory_space<hbm>> -> memref<64x128xf32, #tpu.memory_space<hbm>>
      tpu.enqueue_dma source(%arg9 : memref<64x128xf32, #tpu.memory_space<vmem>>) target(%dma_start3A_74 : memref<64x128xf32, #tpu.memory_space<hbm>>) target_semaphore(%run_scoped3A : memref<!tpu.dma_semaphore, #tpu.memory_space<semaphore_mem>>)
      %dma_wait3A_75 = arith.constant 0 : i32
      %dma_wait3A_76 = tpu.memref_slice %arg4[%multiple_of3A_66, %dma_wait3A_75] : memref<10240x128xf32, #tpu.memory_space<hbm>> -> memref<64x128xf32, #tpu.memory_space<hbm>>
      %dma_wait3A_77 = arith.constant 0 : i32
      %dma_wait3A_78 = tpu.memref_slice %arg4[%multiple_of3A_66, %dma_wait3A_77] : memref<10240x128xf32, #tpu.memory_space<hbm>> -> memref<64x128xf32, #tpu.memory_space<hbm>>
      tpu.wait_dma2 semaphore(%run_scoped3A : memref<!tpu.dma_semaphore, #tpu.memory_space<semaphore_mem>>) src(%arg9 : memref<64x128xf32, #tpu.memory_space<vmem>>) dst(%dma_wait3A_78 : memref<64x128xf32, #tpu.memory_space<hbm>>)
      tpu.yield
    }) : () -> ()
    %add3A_67 = arith.constant 256 : i32
    %add3A_68 = arith.addi %multiple_of3A, %add3A_67 : i32
    %multiple_of3A_69 = tpu.assume_multiple %add3A_68, 8 : i32
    "tpu.region"() ({
      %run_scoped3A = tpu.sem_alloc : memref<!tpu.dma_semaphore, #tpu.memory_space<semaphore_mem>>
      %dma_start3A_71 = arith.constant 0 : i32
      %dma_start3A_72 = tpu.memref_slice %arg4[%multiple_of3A_69, %dma_start3A_71] : memref<10240x128xf32, #tpu.memory_space<hbm>> -> memref<64x128xf32, #tpu.memory_space<hbm>>
      %dma_start3A_73 = arith.constant 0 : i32
      %dma_start3A_74 = tpu.memref_slice %arg4[%multiple_of3A_69, %dma_start3A_73] : memref<10240x128xf32, #tpu.memory_space<hbm>> -> memref<64x128xf32, #tpu.memory_space<hbm>>
      tpu.enqueue_dma source(%arg10 : memref<64x128xf32, #tpu.memory_space<vmem>>) target(%dma_start3A_74 : memref<64x128xf32, #tpu.memory_space<hbm>>) target_semaphore(%run_scoped3A : memref<!tpu.dma_semaphore, #tpu.memory_space<semaphore_mem>>)
      %dma_wait3A_75 = arith.constant 0 : i32
      %dma_wait3A_76 = tpu.memref_slice %arg4[%multiple_of3A_69, %dma_wait3A_75] : memref<10240x128xf32, #tpu.memory_space<hbm>> -> memref<64x128xf32, #tpu.memory_space<hbm>>
      %dma_wait3A_77 = arith.constant 0 : i32
      %dma_wait3A_78 = tpu.memref_slice %arg4[%multiple_of3A_69, %dma_wait3A_77] : memref<10240x128xf32, #tpu.memory_space<hbm>> -> memref<64x128xf32, #tpu.memory_space<hbm>>
      tpu.wait_dma2 semaphore(%run_scoped3A : memref<!tpu.dma_semaphore, #tpu.memory_space<semaphore_mem>>) src(%arg10 : memref<64x128xf32, #tpu.memory_space<vmem>>) dst(%dma_wait3A_78 : memref<64x128xf32, #tpu.memory_space<hbm>>)
      tpu.yield
    }) : () -> ()
    %scan3A_70 = arith.constant 1 : i32
    return
  }
}

#map = affine_map<(d0, d1) -> (0, 0)>
#map1 = affine_map<(d0, d1) -> (0)>
module attributes {stable_mosaic.version = 14 : i64} {
  func.func @body(%arg0: i32, %arg1: i32, %arg2: memref<160000x128xf32, #tpu.memory_space<hbm>>, %arg3: memref<10240xi32, #tpu.memory_space<hbm>>, %arg4: memref<10240x128xf32, #tpu.memory_space<hbm>>, %arg5: memref<320xi32, #tpu.memory_space<vmem>>, %arg6: memref<64x128xf32, #tpu.memory_space<vmem>>, %arg7: memref<64x128xf32, #tpu.memory_space<vmem>>, %arg8: memref<64x128xf32, #tpu.memory_space<vmem>>, %arg9: memref<64x128xf32, #tpu.memory_space<vmem>>, %arg10: memref<64x128xf32, #tpu.memory_space<vmem>>, %arg11: memref<!tpu.dma_semaphore, #tpu.memory_space<semaphore_mem>>) attributes {dimension_semantics = [#tpu.dimension_semantics<core_parallel>, #tpu.dimension_semantics<subcore_parallel>], iteration_bounds = array<i64: 2, 16>, scalar_prefetch = 0 : i64, scratch_operands = 7 : i64, tpu.core_type = #tpu.core_type<sc_vector_subcore>, window_params = [{transform_indices = #map}, {transform_indices = #map1}, {transform_indices = #map}]} {
    %mul3A = arith.constant 2 : i32
    %mul3A_0 = arith.muli %arg1, %mul3A : i32
    %add3A = arith.addi %mul3A_0, %arg0 : i32
    %scan3A = arith.constant 0 : i32
    %scan3A_1 = arith.constant 0 : i32
    %mul3A_2 = arith.constant 320 : i32
    %mul3A_3 = arith.muli %add3A, %mul3A_2 : i32
    %mul3A_4 = arith.constant 320 : i32
    %mul3A_5 = arith.muli %scan3A_1, %mul3A_4 : i32
    %add3A_6 = arith.addi %mul3A_3, %mul3A_5 : i32
    %multiple_of3A = tpu.assume_multiple %add3A_6, 8 : i32
    "tpu.region"() ({
      %run_scoped3A = tpu.sem_alloc : memref<!tpu.dma_semaphore, #tpu.memory_space<semaphore_mem>>
      %dma_start3A_71 = tpu.memref_slice %arg3[%multiple_of3A] : memref<10240xi32, #tpu.memory_space<hbm>> -> memref<320xi32, #tpu.memory_space<hbm>>
      %dma_start3A_72 = tpu.memref_slice %arg3[%multiple_of3A] : memref<10240xi32, #tpu.memory_space<hbm>> -> memref<320xi32, #tpu.memory_space<hbm>>
      tpu.enqueue_dma source(%dma_start3A_72 : memref<320xi32, #tpu.memory_space<hbm>>) target(%arg5 : memref<320xi32, #tpu.memory_space<vmem>>) target_semaphore(%run_scoped3A : memref<!tpu.dma_semaphore, #tpu.memory_space<semaphore_mem>>)
      %dma_wait3A_73 = tpu.memref_slice %arg3[%multiple_of3A] : memref<10240xi32, #tpu.memory_space<hbm>> -> memref<320xi32, #tpu.memory_space<hbm>>
      %dma_wait3A_74 = tpu.memref_slice %arg3[%multiple_of3A] : memref<10240xi32, #tpu.memory_space<hbm>> -> memref<320xi32, #tpu.memory_space<hbm>>
      tpu.wait_dma2 semaphore(%run_scoped3A : memref<!tpu.dma_semaphore, #tpu.memory_space<semaphore_mem>>) src(%dma_wait3A_74 : memref<320xi32, #tpu.memory_space<hbm>>) dst(%arg5 : memref<320xi32, #tpu.memory_space<vmem>>)
      tpu.yield
    }) : () -> ()
    %dma_start3A = arith.constant 0 : i32
    %dma_start3A_7 = tpu.memref_slice %arg5[%dma_start3A] : memref<320xi32, #tpu.memory_space<vmem>> -> memref<64xi32, #tpu.memory_space<vmem>>
    %dma_start3A_8 = arith.constant 0 : i32
    %dma_start3A_9 = arith.constant 0 : i32
    %dma_start3A_10 = tpu.memref_slice %arg2[%dma_start3A_8, %dma_start3A_9] : memref<160000x128xf32, #tpu.memory_space<hbm>> -> memref<160000x128xf32, #tpu.memory_space<hbm>>
    tpu.enqueue_indirect_dma source(%dma_start3A_10 : memref<160000x128xf32, #tpu.memory_space<hbm>>) target(%arg6 : memref<64x128xf32, #tpu.memory_space<vmem>>) offsets(%dma_start3A_7 : memref<64xi32, #tpu.memory_space<vmem>>) semaphore(%arg11 : memref<!tpu.dma_semaphore, #tpu.memory_space<semaphore_mem>>)
    %dma_start3A_11 = arith.constant 64 : i32
    %dma_start3A_12 = tpu.memref_slice %arg5[%dma_start3A_11] : memref<320xi32, #tpu.memory_space<vmem>> -> memref<64xi32, #tpu.memory_space<vmem>>
    %dma_start3A_13 = arith.constant 0 : i32
    %dma_start3A_14 = arith.constant 0 : i32
    %dma_start3A_15 = tpu.memref_slice %arg2[%dma_start3A_13, %dma_start3A_14] : memref<160000x128xf32, #tpu.memory_space<hbm>> -> memref<160000x128xf32, #tpu.memory_space<hbm>>
    tpu.enqueue_indirect_dma source(%dma_start3A_15 : memref<160000x128xf32, #tpu.memory_space<hbm>>) target(%arg7 : memref<64x128xf32, #tpu.memory_space<vmem>>) offsets(%dma_start3A_12 : memref<64xi32, #tpu.memory_space<vmem>>) semaphore(%arg11 : memref<!tpu.dma_semaphore, #tpu.memory_space<semaphore_mem>>)
    %dma_start3A_16 = arith.constant 128 : i32
    %dma_start3A_17 = tpu.memref_slice %arg5[%dma_start3A_16] : memref<320xi32, #tpu.memory_space<vmem>> -> memref<64xi32, #tpu.memory_space<vmem>>
    %dma_start3A_18 = arith.constant 0 : i32
    %dma_start3A_19 = arith.constant 0 : i32
    %dma_start3A_20 = tpu.memref_slice %arg2[%dma_start3A_18, %dma_start3A_19] : memref<160000x128xf32, #tpu.memory_space<hbm>> -> memref<160000x128xf32, #tpu.memory_space<hbm>>
    tpu.enqueue_indirect_dma source(%dma_start3A_20 : memref<160000x128xf32, #tpu.memory_space<hbm>>) target(%arg8 : memref<64x128xf32, #tpu.memory_space<vmem>>) offsets(%dma_start3A_17 : memref<64xi32, #tpu.memory_space<vmem>>) semaphore(%arg11 : memref<!tpu.dma_semaphore, #tpu.memory_space<semaphore_mem>>)
    %dma_start3A_21 = arith.constant 192 : i32
    %dma_start3A_22 = tpu.memref_slice %arg5[%dma_start3A_21] : memref<320xi32, #tpu.memory_space<vmem>> -> memref<64xi32, #tpu.memory_space<vmem>>
    %dma_start3A_23 = arith.constant 0 : i32
    %dma_start3A_24 = arith.constant 0 : i32
    %dma_start3A_25 = tpu.memref_slice %arg2[%dma_start3A_23, %dma_start3A_24] : memref<160000x128xf32, #tpu.memory_space<hbm>> -> memref<160000x128xf32, #tpu.memory_space<hbm>>
    tpu.enqueue_indirect_dma source(%dma_start3A_25 : memref<160000x128xf32, #tpu.memory_space<hbm>>) target(%arg9 : memref<64x128xf32, #tpu.memory_space<vmem>>) offsets(%dma_start3A_22 : memref<64xi32, #tpu.memory_space<vmem>>) semaphore(%arg11 : memref<!tpu.dma_semaphore, #tpu.memory_space<semaphore_mem>>)
    %dma_start3A_26 = arith.constant 256 : i32
    %dma_start3A_27 = tpu.memref_slice %arg5[%dma_start3A_26] : memref<320xi32, #tpu.memory_space<vmem>> -> memref<64xi32, #tpu.memory_space<vmem>>
    %dma_start3A_28 = arith.constant 0 : i32
    %dma_start3A_29 = arith.constant 0 : i32
    %dma_start3A_30 = tpu.memref_slice %arg2[%dma_start3A_28, %dma_start3A_29] : memref<160000x128xf32, #tpu.memory_space<hbm>> -> memref<160000x128xf32, #tpu.memory_space<hbm>>
    tpu.enqueue_indirect_dma source(%dma_start3A_30 : memref<160000x128xf32, #tpu.memory_space<hbm>>) target(%arg10 : memref<64x128xf32, #tpu.memory_space<vmem>>) offsets(%dma_start3A_27 : memref<64xi32, #tpu.memory_space<vmem>>) semaphore(%arg11 : memref<!tpu.dma_semaphore, #tpu.memory_space<semaphore_mem>>)
    %dma_wait3A = arith.constant 0 : i32
    %dma_wait3A_31 = tpu.memref_slice %arg5[%dma_wait3A] : memref<320xi32, #tpu.memory_space<vmem>> -> memref<64xi32, #tpu.memory_space<vmem>>
    %dma_wait3A_32 = arith.constant 0 : i32
    %dma_wait3A_33 = arith.constant 0 : i32
    %dma_wait3A_34 = tpu.memref_slice %arg2[%dma_wait3A_32, %dma_wait3A_33] : memref<160000x128xf32, #tpu.memory_space<hbm>> -> memref<160000x128xf32, #tpu.memory_space<hbm>>
    tpu.wait_indirect_dma semaphore(%arg11 : memref<!tpu.dma_semaphore, #tpu.memory_space<semaphore_mem>>) src(%dma_wait3A_34 : memref<160000x128xf32, #tpu.memory_space<hbm>>) dst(%arg6 : memref<64x128xf32, #tpu.memory_space<vmem>>)
    %dma_wait3A_35 = arith.constant 64 : i32
    %dma_wait3A_36 = tpu.memref_slice %arg5[%dma_wait3A_35] : memref<320xi32, #tpu.memory_space<vmem>> -> memref<64xi32, #tpu.memory_space<vmem>>
    %dma_wait3A_37 = arith.constant 0 : i32
    %dma_wait3A_38 = arith.constant 0 : i32
    %dma_wait3A_39 = tpu.memref_slice %arg2[%dma_wait3A_37, %dma_wait3A_38] : memref<160000x128xf32, #tpu.memory_space<hbm>> -> memref<160000x128xf32, #tpu.memory_space<hbm>>
    tpu.wait_indirect_dma semaphore(%arg11 : memref<!tpu.dma_semaphore, #tpu.memory_space<semaphore_mem>>) src(%dma_wait3A_39 : memref<160000x128xf32, #tpu.memory_space<hbm>>) dst(%arg7 : memref<64x128xf32, #tpu.memory_space<vmem>>)
    %dma_wait3A_40 = arith.constant 128 : i32
    %dma_wait3A_41 = tpu.memref_slice %arg5[%dma_wait3A_40] : memref<320xi32, #tpu.memory_space<vmem>> -> memref<64xi32, #tpu.memory_space<vmem>>
    %dma_wait3A_42 = arith.constant 0 : i32
    %dma_wait3A_43 = arith.constant 0 : i32
    %dma_wait3A_44 = tpu.memref_slice %arg2[%dma_wait3A_42, %dma_wait3A_43] : memref<160000x128xf32, #tpu.memory_space<hbm>> -> memref<160000x128xf32, #tpu.memory_space<hbm>>
    tpu.wait_indirect_dma semaphore(%arg11 : memref<!tpu.dma_semaphore, #tpu.memory_space<semaphore_mem>>) src(%dma_wait3A_44 : memref<160000x128xf32, #tpu.memory_space<hbm>>) dst(%arg8 : memref<64x128xf32, #tpu.memory_space<vmem>>)
    %dma_wait3A_45 = arith.constant 192 : i32
    %dma_wait3A_46 = tpu.memref_slice %arg5[%dma_wait3A_45] : memref<320xi32, #tpu.memory_space<vmem>> -> memref<64xi32, #tpu.memory_space<vmem>>
    %dma_wait3A_47 = arith.constant 0 : i32
    %dma_wait3A_48 = arith.constant 0 : i32
    %dma_wait3A_49 = tpu.memref_slice %arg2[%dma_wait3A_47, %dma_wait3A_48] : memref<160000x128xf32, #tpu.memory_space<hbm>> -> memref<160000x128xf32, #tpu.memory_space<hbm>>
    tpu.wait_indirect_dma semaphore(%arg11 : memref<!tpu.dma_semaphore, #tpu.memory_space<semaphore_mem>>) src(%dma_wait3A_49 : memref<160000x128xf32, #tpu.memory_space<hbm>>) dst(%arg9 : memref<64x128xf32, #tpu.memory_space<vmem>>)
    %dma_wait3A_50 = arith.constant 256 : i32
    %dma_wait3A_51 = tpu.memref_slice %arg5[%dma_wait3A_50] : memref<320xi32, #tpu.memory_space<vmem>> -> memref<64xi32, #tpu.memory_space<vmem>>
    %dma_wait3A_52 = arith.constant 0 : i32
    %dma_wait3A_53 = arith.constant 0 : i32
    %dma_wait3A_54 = tpu.memref_slice %arg2[%dma_wait3A_52, %dma_wait3A_53] : memref<160000x128xf32, #tpu.memory_space<hbm>> -> memref<160000x128xf32, #tpu.memory_space<hbm>>
    tpu.wait_indirect_dma semaphore(%arg11 : memref<!tpu.dma_semaphore, #tpu.memory_space<semaphore_mem>>) src(%dma_wait3A_54 : memref<160000x128xf32, #tpu.memory_space<hbm>>) dst(%arg10 : memref<64x128xf32, #tpu.memory_space<vmem>>)
    %add3A_55 = arith.constant 0 : i32
    %add3A_56 = arith.addi %multiple_of3A, %add3A_55 : i32
    %multiple_of3A_57 = tpu.assume_multiple %add3A_56, 8 : i32
    "tpu.region"() ({
      %run_scoped3A = tpu.sem_alloc : memref<!tpu.dma_semaphore, #tpu.memory_space<semaphore_mem>>
      %dma_start3A_71 = arith.constant 0 : i32
      %dma_start3A_72 = tpu.memref_slice %arg4[%multiple_of3A_57, %dma_start3A_71] : memref<10240x128xf32, #tpu.memory_space<hbm>> -> memref<64x128xf32, #tpu.memory_space<hbm>>
      %dma_start3A_73 = arith.constant 0 : i32
      %dma_start3A_74 = tpu.memref_slice %arg4[%multiple_of3A_57, %dma_start3A_73] : memref<10240x128xf32, #tpu.memory_space<hbm>> -> memref<64x128xf32, #tpu.memory_space<hbm>>
      tpu.enqueue_dma source(%arg6 : memref<64x128xf32, #tpu.memory_space<vmem>>) target(%dma_start3A_74 : memref<64x128xf32, #tpu.memory_space<hbm>>) target_semaphore(%run_scoped3A : memref<!tpu.dma_semaphore, #tpu.memory_space<semaphore_mem>>)
      %dma_wait3A_75 = arith.constant 0 : i32
      %dma_wait3A_76 = tpu.memref_slice %arg4[%multiple_of3A_57, %dma_wait3A_75] : memref<10240x128xf32, #tpu.memory_space<hbm>> -> memref<64x128xf32, #tpu.memory_space<hbm>>
      %dma_wait3A_77 = arith.constant 0 : i32
      %dma_wait3A_78 = tpu.memref_slice %arg4[%multiple_of3A_57, %dma_wait3A_77] : memref<10240x128xf32, #tpu.memory_space<hbm>> -> memref<64x128xf32, #tpu.memory_space<hbm>>
      tpu.wait_dma2 semaphore(%run_scoped3A : memref<!tpu.dma_semaphore, #tpu.memory_space<semaphore_mem>>) src(%arg6 : memref<64x128xf32, #tpu.memory_space<vmem>>) dst(%dma_wait3A_78 : memref<64x128xf32, #tpu.memory_space<hbm>>)
      tpu.yield
    }) : () -> ()
    %add3A_58 = arith.constant 64 : i32
    %add3A_59 = arith.addi %multiple_of3A, %add3A_58 : i32
    %multiple_of3A_60 = tpu.assume_multiple %add3A_59, 8 : i32
    "tpu.region"() ({
      %run_scoped3A = tpu.sem_alloc : memref<!tpu.dma_semaphore, #tpu.memory_space<semaphore_mem>>
      %dma_start3A_71 = arith.constant 0 : i32
      %dma_start3A_72 = tpu.memref_slice %arg4[%multiple_of3A_60, %dma_start3A_71] : memref<10240x128xf32, #tpu.memory_space<hbm>> -> memref<64x128xf32, #tpu.memory_space<hbm>>
      %dma_start3A_73 = arith.constant 0 : i32
      %dma_start3A_74 = tpu.memref_slice %arg4[%multiple_of3A_60, %dma_start3A_73] : memref<10240x128xf32, #tpu.memory_space<hbm>> -> memref<64x128xf32, #tpu.memory_space<hbm>>
      tpu.enqueue_dma source(%arg7 : memref<64x128xf32, #tpu.memory_space<vmem>>) target(%dma_start3A_74 : memref<64x128xf32, #tpu.memory_space<hbm>>) target_semaphore(%run_scoped3A : memref<!tpu.dma_semaphore, #tpu.memory_space<semaphore_mem>>)
      %dma_wait3A_75 = arith.constant 0 : i32
      %dma_wait3A_76 = tpu.memref_slice %arg4[%multiple_of3A_60, %dma_wait3A_75] : memref<10240x128xf32, #tpu.memory_space<hbm>> -> memref<64x128xf32, #tpu.memory_space<hbm>>
      %dma_wait3A_77 = arith.constant 0 : i32
      %dma_wait3A_78 = tpu.memref_slice %arg4[%multiple_of3A_60, %dma_wait3A_77] : memref<10240x128xf32, #tpu.memory_space<hbm>> -> memref<64x128xf32, #tpu.memory_space<hbm>>
      tpu.wait_dma2 semaphore(%run_scoped3A : memref<!tpu.dma_semaphore, #tpu.memory_space<semaphore_mem>>) src(%arg7 : memref<64x128xf32, #tpu.memory_space<vmem>>) dst(%dma_wait3A_78 : memref<64x128xf32, #tpu.memory_space<hbm>>)
      tpu.yield
    }) : () -> ()
    %add3A_61 = arith.constant 128 : i32
    %add3A_62 = arith.addi %multiple_of3A, %add3A_61 : i32
    %multiple_of3A_63 = tpu.assume_multiple %add3A_62, 8 : i32
    "tpu.region"() ({
      %run_scoped3A = tpu.sem_alloc : memref<!tpu.dma_semaphore, #tpu.memory_space<semaphore_mem>>
      %dma_start3A_71 = arith.constant 0 : i32
      %dma_start3A_72 = tpu.memref_slice %arg4[%multiple_of3A_63, %dma_start3A_71] : memref<10240x128xf32, #tpu.memory_space<hbm>> -> memref<64x128xf32, #tpu.memory_space<hbm>>
      %dma_start3A_73 = arith.constant 0 : i32
      %dma_start3A_74 = tpu.memref_slice %arg4[%multiple_of3A_63, %dma_start3A_73] : memref<10240x128xf32, #tpu.memory_space<hbm>> -> memref<64x128xf32, #tpu.memory_space<hbm>>
      tpu.enqueue_dma source(%arg8 : memref<64x128xf32, #tpu.memory_space<vmem>>) target(%dma_start3A_74 : memref<64x128xf32, #tpu.memory_space<hbm>>) target_semaphore(%run_scoped3A : memref<!tpu.dma_semaphore, #tpu.memory_space<semaphore_mem>>)
      %dma_wait3A_75 = arith.constant 0 : i32
      %dma_wait3A_76 = tpu.memref_slice %arg4[%multiple_of3A_63, %dma_wait3A_75] : memref<10240x128xf32, #tpu.memory_space<hbm>> -> memref<64x128xf32, #tpu.memory_space<hbm>>
      %dma_wait3A_77 = arith.constant 0 : i32
      %dma_wait3A_78 = tpu.memref_slice %arg4[%multiple_of3A_63, %dma_wait3A_77] : memref<10240x128xf32, #tpu.memory_space<hbm>> -> memref<64x128xf32, #tpu.memory_space<hbm>>
      tpu.wait_dma2 semaphore(%run_scoped3A : memref<!tpu.dma_semaphore, #tpu.memory_space<semaphore_mem>>) src(%arg8 : memref<64x128xf32, #tpu.memory_space<vmem>>) dst(%dma_wait3A_78 : memref<64x128xf32, #tpu.memory_space<hbm>>)
      tpu.yield
    }) : () -> ()
    %add3A_64 = arith.constant 192 : i32
    %add3A_65 = arith.addi %multiple_of3A, %add3A_64 : i32
    %multiple_of3A_66 = tpu.assume_multiple %add3A_65, 8 : i32
    "tpu.region"() ({
      %run_scoped3A = tpu.sem_alloc : memref<!tpu.dma_semaphore, #tpu.memory_space<semaphore_mem>>
      %dma_start3A_71 = arith.constant 0 : i32
      %dma_start3A_72 = tpu.memref_slice %arg4[%multiple_of3A_66, %dma_start3A_71] : memref<10240x128xf32, #tpu.memory_space<hbm>> -> memref<64x128xf32, #tpu.memory_space<hbm>>
      %dma_start3A_73 = arith.constant 0 : i32
      %dma_start3A_74 = tpu.memref_slice %arg4[%multiple_of3A_66, %dma_start3A_73] : memref<10240x128xf32, #tpu.memory_space<hbm>> -> memref<64x128xf32, #tpu.memory_space<hbm>>
      tpu.enqueue_dma source(%arg9 : memref<64x128xf32, #tpu.memory_space<vmem>>) target(%dma_start3A_74 : memref<64x128xf32, #tpu.memory_space<hbm>>) target_semaphore(%run_scoped3A : memref<!tpu.dma_semaphore, #tpu.memory_space<semaphore_mem>>)
      %dma_wait3A_75 = arith.constant 0 : i32
      %dma_wait3A_76 = tpu.memref_slice %arg4[%multiple_of3A_66, %dma_wait3A_75] : memref<10240x128xf32, #tpu.memory_space<hbm>> -> memref<64x128xf32, #tpu.memory_space<hbm>>
      %dma_wait3A_77 = arith.constant 0 : i32
      %dma_wait3A_78 = tpu.memref_slice %arg4[%multiple_of3A_66, %dma_wait3A_77] : memref<10240x128xf32, #tpu.memory_space<hbm>> -> memref<64x128xf32, #tpu.memory_space<hbm>>
      tpu.wait_dma2 semaphore(%run_scoped3A : memref<!tpu.dma_semaphore, #tpu.memory_space<semaphore_mem>>) src(%arg9 : memref<64x128xf32, #tpu.memory_space<vmem>>) dst(%dma_wait3A_78 : memref<64x128xf32, #tpu.memory_space<hbm>>)
      tpu.yield
    }) : () -> ()
    %add3A_67 = arith.constant 256 : i32
    %add3A_68 = arith.addi %multiple_of3A, %add3A_67 : i32
    %multiple_of3A_69 = tpu.assume_multiple %add3A_68, 8 : i32
    "tpu.region"() ({
      %run_scoped3A = tpu.sem_alloc : memref<!tpu.dma_semaphore, #tpu.memory_space<semaphore_mem>>
      %dma_start3A_71 = arith.constant 0 : i32
      %dma_start3A_72 = tpu.memref_slice %arg4[%multiple_of3A_69, %dma_start3A_71] : memref<10240x128xf32, #tpu.memory_space<hbm>> -> memref<64x128xf32, #tpu.memory_space<hbm>>
      %dma_start3A_73 = arith.constant 0 : i32
      %dma_start3A_74 = tpu.memref_slice %arg4[%multiple_of3A_69, %dma_start3A_73] : memref<10240x128xf32, #tpu.memory_space<hbm>> -> memref<64x128xf32, #tpu.memory_space<hbm>>
      tpu.enqueue_dma source(%arg10 : memref<64x128xf32, #tpu.memory_space<vmem>>) target(%dma_start3A_74 : memref<64x128xf32, #tpu.memory_space<hbm>>) target_semaphore(%run_scoped3A : memref<!tpu.dma_semaphore, #tpu.memory_space<semaphore_mem>>)
      %dma_wait3A_75 = arith.constant 0 : i32
      %dma_wait3A_76 = tpu.memref_slice %arg4[%multiple_of3A_69, %dma_wait3A_75] : memref<10240x128xf32, #tpu.memory_space<hbm>> -> memref<64x128xf32, #tpu.memory_space<hbm>>
      %dma_wait3A_77 = arith.constant 0 : i32
      %dma_wait3A_78 = tpu.memref_slice %arg4[%multiple_of3A_69, %dma_wait3A_77] : memref<10240x128xf32, #tpu.memory_space<hbm>> -> memref<64x128xf32, #tpu.memory_space<hbm>>
      tpu.wait_dma2 semaphore(%run_scoped3A : memref<!tpu.dma_semaphore, #tpu.memory_space<semaphore_mem>>) src(%arg10 : memref<64x128xf32, #tpu.memory_space<vmem>>) dst(%dma_wait3A_78 : memref<64x128xf32, #tpu.memory_space<hbm>>)
      tpu.yield
    }) : () -> ()
    %scan3A_70 = arith.constant 1 : i32
    return
  }
}

module attributes {stable_mosaic.version = 14 : i64} {
  func.func @_passA_body(%arg0: i32, %arg1: memref<1280x128xf32, #tpu.memory_space<vmem>>, %arg2: memref<128x1280xf32, #tpu.memory_space<vmem>>, %arg3: memref<256x128xbf16, #tpu.memory_space<vmem>>, %arg4: memref<256x128xbf16, #tpu.memory_space<vmem>>, %arg5: memref<256x128xbf16, #tpu.memory_space<vmem>>, %arg6: memref<256x1280xbf16, #tpu.memory_space<vmem>>, %arg7: memref<2x256x128xf32, #tpu.memory_space<vmem>>) attributes {dimension_semantics = [#tpu.dimension_semantics<arbitrary>], iteration_bounds = array<i64: 125>, scalar_prefetch = 0 : i64, scratch_operands = 0 : i64, tpu.core_type = #tpu.core_type<tc>, window_params = [{transform_indices = @transform_0, window_bounds = array<i64: 1280, 128>}, {transform_indices = @transform_1, window_bounds = array<i64: 128, 1280>}, {pipeline_mode = #tpu.pipeline_mode<synchronous>, transform_indices = @transform_2, window_bounds = array<i64: 256, 128>}, {pipeline_mode = #tpu.pipeline_mode<synchronous>, transform_indices = @transform_3, window_bounds = array<i64: 256, 128>}, {pipeline_mode = #tpu.pipeline_mode<synchronous>, transform_indices = @transform_4, window_bounds = array<i64: 256, 128>}, {transform_indices = @transform_5, window_bounds = array<i64: 256, 1280>}, {pipeline_mode = #tpu.pipeline_mode<synchronous>, transform_indices = @transform_6, window_bounds = array<i64: 2, 256, 128>}]} {
    %get3A = arith.constant 0 : index
    %get3A_0 = arith.constant 0 : index
    %get3A_1 = vector.load %arg1[%get3A, %get3A_0] : memref<1280x128xf32, #tpu.memory_space<vmem>>, vector<1280x128xf32>
    %convert_element_type3A = arith.truncf %get3A_1 : vector<1280x128xf32> to vector<1280x128xbf16>
    %get3A_2 = arith.constant 0 : index
    %get3A_3 = arith.constant 0 : index
    %get3A_4 = vector.load %arg2[%get3A_2, %get3A_3] : memref<128x1280xf32, #tpu.memory_space<vmem>>, vector<128x1280xf32>
    %convert_element_type3A_5 = arith.truncf %get3A_4 : vector<128x1280xf32> to vector<128x1280xbf16>
    %get3A_6 = arith.constant 0 : index
    %get3A_7 = arith.constant 0 : index
    %get3A_8 = vector.load %arg3[%get3A_6, %get3A_7] : memref<256x128xbf16, #tpu.memory_space<vmem>>, vector<256x128xbf16>
    %dot_general3A = arith.constant dense<0.000000e+00> : vector<256x1280xf32>
    %dot_general3A_9 = tpu.matmul %get3A_8, %convert_element_type3A, %dot_general3A {dimension_numbers = #tpu.dot_dimension_numbers<[1], [1], [0], [0], [0, 0, 1, 0], [], []>, transpose_lhs_hint = false} : vector<256x128xbf16>, vector<1280x128xbf16>, vector<256x1280xf32> -> vector<256x1280xf32>
    %get3A_10 = arith.constant 0 : index
    %get3A_11 = arith.constant 0 : index
    %get3A_12 = vector.load %arg4[%get3A_10, %get3A_11] : memref<256x128xbf16, #tpu.memory_space<vmem>>, vector<256x128xbf16>
    %dot_general3A_13 = arith.constant dense<0.000000e+00> : vector<256x1280xf32>
    %dot_general3A_14 = tpu.matmul %get3A_12, %convert_element_type3A, %dot_general3A_13 {dimension_numbers = #tpu.dot_dimension_numbers<[1], [1], [0], [0], [0, 0, 1, 0], [], []>, transpose_lhs_hint = false} : vector<256x128xbf16>, vector<1280x128xbf16>, vector<256x1280xf32> -> vector<256x1280xf32>
    %iota3A = tpu.iota {dimensions = array<i32: 1>} : vector<256x1280xi32>
    %jit3A = arith.constant 2 : i32
    %eq3A = arith.constant 0 : i32
    %eq3A_15 = arith.cmpi eq, %jit3A, %eq3A : i32
    %jit3A_16 = arith.constant 1 : i32
    %select_n3A = arith.select %eq3A_15, %jit3A_16, %jit3A : i32
    %rem3A = vector.broadcast %select_n3A : i32 to vector<256x1280xi32>
    %rem3A_17 = arith.remsi %iota3A, %rem3A : vector<256x1280xi32>
    %ne3A = arith.constant 0 : i32
    %ne3A_18 = vector.broadcast %ne3A : i32 to vector<256x1280xi32>
    %ne3A_19 = arith.cmpi ne, %rem3A_17, %ne3A_18 : vector<256x1280xi32>
    %lt3A = arith.constant 0 : i32
    %lt3A_20 = vector.broadcast %lt3A : i32 to vector<256x1280xi32>
    %lt3A_21 = arith.cmpi slt, %rem3A_17, %lt3A_20 : vector<256x1280xi32>
    %lt3A_22 = arith.constant 0 : i32
    %lt3A_23 = arith.cmpi slt, %select_n3A, %lt3A_22 : i32
    %ne3A_24 = vector.broadcast %lt3A_23 : i1 to vector<256x1280xi1>
    %ne3A_25 = vector.broadcast %ne3A_24 : vector<256x1280xi1> to vector<256x1280xi1>
    %ne3A_26 = arith.xori %lt3A_21, %ne3A_25 : vector<256x1280xi1>
    %and3A = arith.andi %ne3A_26, %ne3A_19 : vector<256x1280xi1>
    %add3A = vector.broadcast %select_n3A : i32 to vector<256x1280xi32>
    %add3A_27 = arith.addi %rem3A_17, %add3A : vector<256x1280xi32>
    %select_n3A_28 = arith.select %and3A, %add3A_27, %rem3A_17 : vector<256x1280xi1>, vector<256x1280xi32>
    %eq3A_29 = arith.constant 0 : i32
    %eq3A_30 = vector.broadcast %eq3A_29 : i32 to vector<256x1280xi32>
    %eq3A_31 = arith.cmpi eq, %select_n3A_28, %eq3A_30 : vector<256x1280xi32>
    %roll3A = arith.constant 1279 : i32
    %roll3A_32 = tpu.dynamic_rotate %dot_general3A_14 by %roll3A dim 1 : vector<256x1280xf32>, i32 -> vector<256x1280xf32>
    %roll3A_33 = arith.constant 1 : i32
    %roll3A_34 = tpu.dynamic_rotate %dot_general3A_14 by %roll3A_33 dim 1 : vector<256x1280xf32>, i32 -> vector<256x1280xf32>
    %select_n3A_35 = arith.select %eq3A_31, %roll3A_32, %roll3A_34 : vector<256x1280xi1>, vector<256x1280xf32>
    %add3A_36 = arith.addf %dot_general3A_9, %select_n3A_35 : vector<256x1280xf32>
    %get3A_37 = arith.constant 0 : index
    %get3A_38 = arith.constant 0 : index
    %get3A_39 = vector.load %arg5[%get3A_37, %get3A_38] : memref<256x128xbf16, #tpu.memory_space<vmem>>, vector<256x128xbf16>
    %dot_general3A_40 = arith.constant dense<0.000000e+00> : vector<256x1280xf32>
    %dot_general3A_41 = tpu.matmul %get3A_39, %convert_element_type3A_5, %dot_general3A_40 {dimension_numbers = #tpu.dot_dimension_numbers<[1], [0], [0], [1], [0, 0, 1, 1], [], []>, transpose_lhs_hint = false} : vector<256x128xbf16>, vector<128x1280xbf16>, vector<256x1280xf32> -> vector<256x1280xf32>
    %add3A_42 = arith.addf %add3A_36, %dot_general3A_41 : vector<256x1280xf32>
    %convert_element_type3A_43 = arith.truncf %add3A_42 : vector<256x1280xf32> to vector<256x1280xbf16>
    %swap3A = arith.constant 0 : index
    %swap3A_44 = arith.constant 0 : index
    %swap3A_45 = vector.load %arg6[%swap3A, %swap3A_44] : memref<256x1280xbf16, #tpu.memory_space<vmem>>, vector<256x1280xbf16>
    tpu.vector_store %arg6[%swap3A, %swap3A_44], %convert_element_type3A_43 {strides = array<i32>} : memref<256x1280xbf16, #tpu.memory_space<vmem>>, vector<256x1280xbf16>,
    %eq3A_46 = arith.constant 0 : i32
    %eq3A_47 = arith.cmpi eq, %arg0, %eq3A_46 : i32
    %convert_element_type3A_48 = arith.extui %eq3A_47 : i1 to i32
    %cond3A = arith.constant 0 : i32
    %cond3A_49 = arith.cmpi ne, %convert_element_type3A_48, %cond3A : i32
    scf.if %cond3A_49 {
      %broadcast_in_dim3A_115 = arith.constant 0.000000e+00 : f32
      %broadcast_in_dim3A_116 = vector.broadcast %broadcast_in_dim3A_115 : f32 to vector<2x256x128xf32>
      %swap3A_117 = arith.constant 0 : index
      %swap3A_118 = arith.constant 0 : index
      %swap3A_119 = arith.constant 0 : index
      %swap3A_120 = vector.load %arg7[%swap3A_117, %swap3A_118, %swap3A_119] : memref<2x256x128xf32, #tpu.memory_space<vmem>>, vector<2x256x128xf32>
      tpu.vector_store %arg7[%swap3A_117, %swap3A_118, %swap3A_119], %broadcast_in_dim3A_116 {strides = array<i32>} : memref<2x256x128xf32, #tpu.memory_space<vmem>>, vector<2x256x128xf32>,
    } else {
    }
    %broadcast_in_dim3A = arith.constant 0.000000e+00 : f32
    %broadcast_in_dim3A_50 = vector.broadcast %broadcast_in_dim3A : f32 to vector<256x128xf32>
    %broadcast_in_dim3A_51 = arith.constant 0.000000e+00 : f32
    %broadcast_in_dim3A_52 = vector.broadcast %broadcast_in_dim3A_51 : f32 to vector<256x128xf32>
    %slice3A = vector.extract_strided_slice %add3A_42 {offsets = [0, 0], sizes = [256, 128], strides = [1, 1]} : vector<256x1280xf32> to vector<256x128xf32>
    %add3A_53 = arith.addf %broadcast_in_dim3A_50, %slice3A : vector<256x128xf32>
    %mul3A = arith.mulf %slice3A, %slice3A : vector<256x128xf32>
    %add3A_54 = arith.addf %broadcast_in_dim3A_52, %mul3A : vector<256x128xf32>
    %slice3A_55 = vector.extract_strided_slice %add3A_42 {offsets = [0, 128], sizes = [256, 128], strides = [1, 1]} : vector<256x1280xf32> to vector<256x128xf32>
    %add3A_56 = arith.addf %add3A_53, %slice3A_55 : vector<256x128xf32>
    %mul3A_57 = arith.mulf %slice3A_55, %slice3A_55 : vector<256x128xf32>
    %add3A_58 = arith.addf %add3A_54, %mul3A_57 : vector<256x128xf32>
    %slice3A_59 = vector.extract_strided_slice %add3A_42 {offsets = [0, 256], sizes = [256, 128], strides = [1, 1]} : vector<256x1280xf32> to vector<256x128xf32>
    %add3A_60 = arith.addf %add3A_56, %slice3A_59 : vector<256x128xf32>
    %mul3A_61 = arith.mulf %slice3A_59, %slice3A_59 : vector<256x128xf32>
    %add3A_62 = arith.addf %add3A_58, %mul3A_61 : vector<256x128xf32>
    %slice3A_63 = vector.extract_strided_slice %add3A_42 {offsets = [0, 384], sizes = [256, 128], strides = [1, 1]} : vector<256x1280xf32> to vector<256x128xf32>
    %add3A_64 = arith.addf %add3A_60, %slice3A_63 : vector<256x128xf32>
    %mul3A_65 = arith.mulf %slice3A_63, %slice3A_63 : vector<256x128xf32>
    %add3A_66 = arith.addf %add3A_62, %mul3A_65 : vector<256x128xf32>
    %slice3A_67 = vector.extract_strided_slice %add3A_42 {offsets = [0, 512], sizes = [256, 128], strides = [1, 1]} : vector<256x1280xf32> to vector<256x128xf32>
    %add3A_68 = arith.addf %add3A_64, %slice3A_67 : vector<256x128xf32>
    %mul3A_69 = arith.mulf %slice3A_67, %slice3A_67 : vector<256x128xf32>
    %add3A_70 = arith.addf %add3A_66, %mul3A_69 : vector<256x128xf32>
    %slice3A_71 = vector.extract_strided_slice %add3A_42 {offsets = [0, 640], sizes = [256, 128], strides = [1, 1]} : vector<256x1280xf32> to vector<256x128xf32>
    %add3A_72 = arith.addf %add3A_68, %slice3A_71 : vector<256x128xf32>
    %mul3A_73 = arith.mulf %slice3A_71, %slice3A_71 : vector<256x128xf32>
    %add3A_74 = arith.addf %add3A_70, %mul3A_73 : vector<256x128xf32>
    %slice3A_75 = vector.extract_strided_slice %add3A_42 {offsets = [0, 768], sizes = [256, 128], strides = [1, 1]} : vector<256x1280xf32> to vector<256x128xf32>
    %add3A_76 = arith.addf %add3A_72, %slice3A_75 : vector<256x128xf32>
    %mul3A_77 = arith.mulf %slice3A_75, %slice3A_75 : vector<256x128xf32>
    %add3A_78 = arith.addf %add3A_74, %mul3A_77 : vector<256x128xf32>
    %slice3A_79 = vector.extract_strided_slice %add3A_42 {offsets = [0, 896], sizes = [256, 128], strides = [1, 1]} : vector<256x1280xf32> to vector<256x128xf32>
    %add3A_80 = arith.addf %add3A_76, %slice3A_79 : vector<256x128xf32>
    %mul3A_81 = arith.mulf %slice3A_79, %slice3A_79 : vector<256x128xf32>
    %add3A_82 = arith.addf %add3A_78, %mul3A_81 : vector<256x128xf32>
    %slice3A_83 = vector.extract_strided_slice %add3A_42 {offsets = [0, 1024], sizes = [256, 128], strides = [1, 1]} : vector<256x1280xf32> to vector<256x128xf32>
    %add3A_84 = arith.addf %add3A_80, %slice3A_83 : vector<256x128xf32>
    %mul3A_85 = arith.mulf %slice3A_83, %slice3A_83 : vector<256x128xf32>
    %add3A_86 = arith.addf %add3A_82, %mul3A_85 : vector<256x128xf32>
    %slice3A_87 = vector.extract_strided_slice %add3A_42 {offsets = [0, 1152], sizes = [256, 128], strides = [1, 1]} : vector<256x1280xf32> to vector<256x128xf32>
    %add3A_88 = arith.addf %add3A_84, %slice3A_87 : vector<256x128xf32>
    %mul3A_89 = arith.mulf %slice3A_87, %slice3A_87 : vector<256x128xf32>
    %add3A_90 = arith.addf %add3A_86, %mul3A_89 : vector<256x128xf32>
    %get3A_91 = arith.constant 0 : index
    %get3A_92 = arith.constant 0 : index
    %get3A_93 = arith.constant 0 : index
    %get3A_94 = vector.load %arg7[%get3A_91, %get3A_92, %get3A_93] : memref<2x256x128xf32, #tpu.memory_space<vmem>>, vector<1x256x128xf32>
    %get3A_95 = vector.shape_cast %get3A_94 : vector<1x256x128xf32> to vector<256x128xf32>
    %add3A_96 = arith.addf %get3A_95, %add3A_88 : vector<256x128xf32>
    %swap3A_97 = arith.constant 0 : index
    %swap3A_98 = arith.constant 0 : index
    %swap3A_99 = arith.constant 0 : index
    %swap3A_100 = vector.load %arg7[%swap3A_97, %swap3A_98, %swap3A_99] : memref<2x256x128xf32, #tpu.memory_space<vmem>>, vector<1x256x128xf32>
    %swap3A_101 = vector.shape_cast %swap3A_100 : vector<1x256x128xf32> to vector<256x128xf32>
    %swap3A_102 = vector.shape_cast %add3A_96 : vector<256x128xf32> to vector<1x256x128xf32>
    tpu.vector_store %arg7[%swap3A_97, %swap3A_98, %swap3A_99], %swap3A_102 {strides = array<i32>} : memref<2x256x128xf32, #tpu.memory_space<vmem>>, vector<1x256x128xf32>,
    %get3A_103 = arith.constant 1 : index
    %get3A_104 = arith.constant 0 : index
    %get3A_105 = arith.constant 0 : index
    %get3A_106 = vector.load %arg7[%get3A_103, %get3A_104, %get3A_105] : memref<2x256x128xf32, #tpu.memory_space<vmem>>, vector<1x256x128xf32>
    %get3A_107 = vector.shape_cast %get3A_106 : vector<1x256x128xf32> to vector<256x128xf32>
    %add3A_108 = arith.addf %get3A_107, %add3A_90 : vector<256x128xf32>
    %swap3A_109 = arith.constant 1 : index
    %swap3A_110 = arith.constant 0 : index
    %swap3A_111 = arith.constant 0 : index
    %swap3A_112 = vector.load %arg7[%swap3A_109, %swap3A_110, %swap3A_111] : memref<2x256x128xf32, #tpu.memory_space<vmem>>, vector<1x256x128xf32>
    %swap3A_113 = vector.shape_cast %swap3A_112 : vector<1x256x128xf32> to vector<256x128xf32>
    %swap3A_114 = vector.shape_cast %add3A_108 : vector<256x128xf32> to vector<1x256x128xf32>
    tpu.vector_store %arg7[%swap3A_109, %swap3A_110, %swap3A_111], %swap3A_114 {strides = array<i32>} : memref<2x256x128xf32, #tpu.memory_space<vmem>>, vector<1x256x128xf32>,
    return
  }
  func.func @transform_0(%arg0: i32) -> (i32, i32) {
    %add3A = arith.constant 125 : i32
    %add3A_0 = arith.addi %arg0, %add3A : i32
    %c0_i32 = arith.constant 0 : i32
    %c0_i32_1 = arith.constant 0 : i32
    return %add3A_0, %c0_i32 : i32, i32
  }
  func.func @transform_1(%arg0: i32) -> (i32, i32) {
    %c0_i32 = arith.constant 0 : i32
    %c0_i32_0 = arith.constant 0 : i32
    return %c0_i32, %arg0 : i32, i32
  }
  func.func @transform_2(%arg0: i32) -> (i32, i32) {
    %c0_i32 = arith.constant 0 : i32
    %c0_i32_0 = arith.constant 0 : i32
    %c0_i32_1 = arith.constant 0 : i32
    return %c0_i32, %c0_i32_0 : i32, i32
  }
  func.func @transform_3(%arg0: i32) -> (i32, i32) {
    %c0_i32 = arith.constant 0 : i32
    %c0_i32_0 = arith.constant 0 : i32
    %c0_i32_1 = arith.constant 0 : i32
    return %c0_i32, %c0_i32_0 : i32, i32
  }
  func.func @transform_4(%arg0: i32) -> (i32, i32) {
    %c0_i32 = arith.constant 0 : i32
    %c0_i32_0 = arith.constant 0 : i32
    %c0_i32_1 = arith.constant 0 : i32
    return %c0_i32, %c0_i32_0 : i32, i32
  }
  func.func @transform_5(%arg0: i32) -> (i32, i32) {
    %c0_i32 = arith.constant 0 : i32
    %c0_i32_0 = arith.constant 0 : i32
    return %c0_i32, %arg0 : i32, i32
  }
  func.func @transform_6(%arg0: i32) -> (i32, i32, i32) {
    %c0_i32 = arith.constant 0 : i32
    %c0_i32_0 = arith.constant 0 : i32
    %c0_i32_1 = arith.constant 0 : i32
    %c0_i32_2 = arith.constant 0 : i32
    return %c0_i32, %c0_i32_0, %c0_i32_1 : i32, i32, i32
  }
}

module attributes {stable_mosaic.version = 14 : i64} {
  func.func @_passB_body(%arg0: i32, %arg1: memref<256x1280xbf16, #tpu.memory_space<vmem>>, %arg2: memref<2x256x128xf32, #tpu.memory_space<vmem>>, %arg3: memref<256x128xf32, #tpu.memory_space<vmem>>, %arg4: memref<256x128xf32, #tpu.memory_space<vmem>>, %arg5: memref<128x256xbf16, #tpu.memory_space<vmem>>, %arg6: memref<1x128xf32, #tpu.memory_space<vmem>>, %arg7: memref<1280x128xf32, #tpu.memory_space<vmem>>) attributes {dimension_semantics = [#tpu.dimension_semantics<arbitrary>], iteration_bounds = array<i64: 125>, scalar_prefetch = 0 : i64, scratch_operands = 0 : i64, tpu.core_type = #tpu.core_type<tc>, window_params = [{transform_indices = @transform_0, window_bounds = array<i64: 256, 1280>}, {pipeline_mode = #tpu.pipeline_mode<synchronous>, transform_indices = @transform_1, window_bounds = array<i64: 2, 256, 128>}, {pipeline_mode = #tpu.pipeline_mode<synchronous>, transform_indices = @transform_2, window_bounds = array<i64: 256, 128>}, {pipeline_mode = #tpu.pipeline_mode<synchronous>, transform_indices = @transform_3, window_bounds = array<i64: 256, 128>}, {pipeline_mode = #tpu.pipeline_mode<synchronous>, transform_indices = @transform_4, window_bounds = array<i64: 128, 256>}, {pipeline_mode = #tpu.pipeline_mode<synchronous>, transform_indices = @transform_5, window_bounds = array<i64: 1, 128>}, {transform_indices = @transform_6, window_bounds = array<i64: 1280, 128>}]} {
    %get3A = arith.constant 0 : index
    %get3A_0 = arith.constant 0 : index
    %get3A_1 = arith.constant 0 : index
    %get3A_2 = vector.load %arg2[%get3A, %get3A_0, %get3A_1] : memref<2x256x128xf32, #tpu.memory_space<vmem>>, vector<2x256x128xf32>
    %slice3A = vector.extract_strided_slice %get3A_2 {offsets = [0, 0, 0], sizes = [1, 256, 128], strides = [1, 1, 1]} : vector<2x256x128xf32> to vector<1x256x128xf32>
    %squeeze3A = vector.shape_cast %slice3A : vector<1x256x128xf32> to vector<256x128xf32>
    %reduce_sum3A = arith.constant dense<0.000000e+00> : vector<256xf32>
    %reduce_sum3A_3 = vector.multi_reduction <add>, %squeeze3A, %reduce_sum3A [1] : vector<256x128xf32> to vector<256xf32>
    %broadcast_in_dim3A = vector.shape_cast %reduce_sum3A_3 : vector<256xf32> to vector<256x1xf32>
    %slice3A_4 = vector.extract_strided_slice %get3A_2 {offsets = [1, 0, 0], sizes = [1, 256, 128], strides = [1, 1, 1]} : vector<2x256x128xf32> to vector<1x256x128xf32>
    %squeeze3A_5 = vector.shape_cast %slice3A_4 : vector<1x256x128xf32> to vector<256x128xf32>
    %reduce_sum3A_6 = arith.constant dense<0.000000e+00> : vector<256xf32>
    %reduce_sum3A_7 = vector.multi_reduction <add>, %squeeze3A_5, %reduce_sum3A_6 [1] : vector<256x128xf32> to vector<256xf32>
    %broadcast_in_dim3A_8 = vector.shape_cast %reduce_sum3A_7 : vector<256xf32> to vector<256x1xf32>
    %mul3A = arith.constant 6.250000e-06 : f32
    %mul3A_9 = vector.broadcast %mul3A : f32 to vector<256x1xf32>
    %mul3A_10 = arith.mulf %broadcast_in_dim3A, %mul3A_9 : vector<256x1xf32>
    %mul3A_11 = arith.constant 6.250000e-06 : f32
    %mul3A_12 = vector.broadcast %mul3A_11 : f32 to vector<256x1xf32>
    %mul3A_13 = arith.mulf %broadcast_in_dim3A_8, %mul3A_12 : vector<256x1xf32>
    %mul3A_14 = arith.mulf %mul3A_10, %mul3A_10 : vector<256x1xf32>
    %sub3A = arith.subf %mul3A_13, %mul3A_14 : vector<256x1xf32>
    %add3A = arith.constant 9.99999974E-6 : f32
    %add3A_15 = vector.broadcast %add3A : f32 to vector<256x1xf32>
    %add3A_16 = arith.addf %sub3A, %add3A_15 : vector<256x1xf32>
    %rsqrt3A = math.rsqrt %add3A_16 : vector<256x1xf32>
    %get3A_17 = arith.constant 0 : index
    %get3A_18 = arith.constant 0 : index
    %get3A_19 = vector.load %arg3[%get3A_17, %get3A_18] : memref<256x128xf32, #tpu.memory_space<vmem>>, vector<256x1xf32>
    %mul3A_20 = arith.mulf %get3A_19, %rsqrt3A : vector<256x1xf32>
    %get3A_21 = arith.constant 0 : index
    %get3A_22 = arith.constant 0 : index
    %get3A_23 = vector.load %arg4[%get3A_21, %get3A_22] : memref<256x128xf32, #tpu.memory_space<vmem>>, vector<256x1xf32>
    %mul3A_24 = arith.mulf %mul3A_10, %mul3A_20 : vector<256x1xf32>
    %sub3A_25 = arith.subf %get3A_23, %mul3A_24 : vector<256x1xf32>
    %get3A_26 = arith.constant 0 : index
    %get3A_27 = arith.constant 0 : index
    %get3A_28 = vector.load %arg1[%get3A_26, %get3A_27] : memref<256x1280xbf16, #tpu.memory_space<vmem>>, vector<256x1280xbf16>
    %convert_element_type3A = arith.extf %get3A_28 : vector<256x1280xbf16> to vector<256x1280xf32>
    %mul3A_29 = vector.broadcast %mul3A_20 : vector<256x1xf32> to vector<256x1280xf32>
    %mul3A_30 = arith.mulf %convert_element_type3A, %mul3A_29 : vector<256x1280xf32>
    %add3A_31 = vector.broadcast %sub3A_25 : vector<256x1xf32> to vector<256x1280xf32>
    %add3A_32 = arith.addf %mul3A_30, %add3A_31 : vector<256x1280xf32>
    %max3A = arith.constant 0.000000e+00 : f32
    %max3A_33 = vector.broadcast %max3A : f32 to vector<256x1280xf32>
    %max3A_34 = arith.maximumf %add3A_32, %max3A_33 : vector<256x1280xf32>
    %convert_element_type3A_35 = arith.truncf %max3A_34 : vector<256x1280xf32> to vector<256x1280xbf16>
    %get3A_36 = arith.constant 0 : index
    %get3A_37 = arith.constant 0 : index
    %get3A_38 = vector.load %arg5[%get3A_36, %get3A_37] : memref<128x256xbf16, #tpu.memory_space<vmem>>, vector<128x256xbf16>
    %dot_general3A = arith.constant dense<0.000000e+00> : vector<1280x128xf32>
    %dot_general3A_39 = tpu.matmul %convert_element_type3A_35, %get3A_38, %dot_general3A {dimension_numbers = #tpu.dot_dimension_numbers<[0], [1], [1], [0], [0, 1, 1, 0], [], []>, transpose_lhs_hint = false} : vector<256x1280xbf16>, vector<128x256xbf16>, vector<1280x128xf32> -> vector<1280x128xf32>
    %get3A_40 = arith.constant 0 : index
    %get3A_41 = arith.constant 0 : index
    %get3A_42 = vector.load %arg6[%get3A_40, %get3A_41] : memref<1x128xf32, #tpu.memory_space<vmem>>, vector<1x128xf32>
    %add3A_43 = vector.broadcast %get3A_42 : vector<1x128xf32> to vector<1280x128xf32>
    %add3A_44 = arith.addf %dot_general3A_39, %add3A_43 : vector<1280x128xf32>
    %swap3A = arith.constant 0 : index
    %swap3A_45 = arith.constant 0 : index
    %swap3A_46 = vector.load %arg7[%swap3A, %swap3A_45] : memref<1280x128xf32, #tpu.memory_space<vmem>>, vector<1280x128xf32>
    tpu.vector_store %arg7[%swap3A, %swap3A_45], %add3A_44 {strides = array<i32>} : memref<1280x128xf32, #tpu.memory_space<vmem>>, vector<1280x128xf32>,
    return
  }
  func.func @transform_0(%arg0: i32) -> (i32, i32) {
    %c0_i32 = arith.constant 0 : i32
    %c0_i32_0 = arith.constant 0 : i32
    return %c0_i32, %arg0 : i32, i32
  }
  func.func @transform_1(%arg0: i32) -> (i32, i32, i32) {
    %c0_i32 = arith.constant 0 : i32
    %c0_i32_0 = arith.constant 0 : i32
    %c0_i32_1 = arith.constant 0 : i32
    %c0_i32_2 = arith.constant 0 : i32
    return %c0_i32, %c0_i32_0, %c0_i32_1 : i32, i32, i32
  }
  func.func @transform_2(%arg0: i32) -> (i32, i32) {
    %c0_i32 = arith.constant 0 : i32
    %c0_i32_0 = arith.constant 0 : i32
    %c0_i32_1 = arith.constant 0 : i32
    return %c0_i32, %c0_i32_0 : i32, i32
  }
  func.func @transform_3(%arg0: i32) -> (i32, i32) {
    %c0_i32 = arith.constant 0 : i32
    %c0_i32_0 = arith.constant 0 : i32
    %c0_i32_1 = arith.constant 0 : i32
    return %c0_i32, %c0_i32_0 : i32, i32
  }
  func.func @transform_4(%arg0: i32) -> (i32, i32) {
    %c0_i32 = arith.constant 0 : i32
    %c0_i32_0 = arith.constant 0 : i32
    %c0_i32_1 = arith.constant 0 : i32
    return %c0_i32, %c0_i32_0 : i32, i32
  }
  func.func @transform_5(%arg0: i32) -> (i32, i32) {
    %c0_i32 = arith.constant 0 : i32
    %c0_i32_0 = arith.constant 0 : i32
    %c0_i32_1 = arith.constant 0 : i32
    return %c0_i32, %c0_i32_0 : i32, i32
  }
  func.func @transform_6(%arg0: i32) -> (i32, i32) {
    %c0_i32 = arith.constant 0 : i32
    %c0_i32_0 = arith.constant 0 : i32
    return %arg0, %c0_i32 : i32, i32
  }
}

module attributes {stable_mosaic.version = 14 : i64} {
  func.func @_passA_body(%arg0: i32, %arg1: memref<1280x128xf32, #tpu.memory_space<vmem>>, %arg2: memref<128x1280xf32, #tpu.memory_space<vmem>>, %arg3: memref<256x128xbf16, #tpu.memory_space<vmem>>, %arg4: memref<256x128xbf16, #tpu.memory_space<vmem>>, %arg5: memref<256x128xbf16, #tpu.memory_space<vmem>>, %arg6: memref<256x1280xbf16, #tpu.memory_space<vmem>>, %arg7: memref<2x256x128xf32, #tpu.memory_space<vmem>>) attributes {dimension_semantics = [#tpu.dimension_semantics<arbitrary>], iteration_bounds = array<i64: 125>, scalar_prefetch = 0 : i64, scratch_operands = 0 : i64, tpu.core_type = #tpu.core_type<tc>, window_params = [{transform_indices = @transform_0, window_bounds = array<i64: 1280, 128>}, {transform_indices = @transform_1, window_bounds = array<i64: 128, 1280>}, {pipeline_mode = #tpu.pipeline_mode<synchronous>, transform_indices = @transform_2, window_bounds = array<i64: 256, 128>}, {pipeline_mode = #tpu.pipeline_mode<synchronous>, transform_indices = @transform_3, window_bounds = array<i64: 256, 128>}, {pipeline_mode = #tpu.pipeline_mode<synchronous>, transform_indices = @transform_4, window_bounds = array<i64: 256, 128>}, {transform_indices = @transform_5, window_bounds = array<i64: 256, 1280>}, {pipeline_mode = #tpu.pipeline_mode<synchronous>, transform_indices = @transform_6, window_bounds = array<i64: 2, 256, 128>}]} {
    %get3A = arith.constant 0 : index
    %get3A_0 = arith.constant 0 : index
    %get3A_1 = vector.load %arg1[%get3A, %get3A_0] : memref<1280x128xf32, #tpu.memory_space<vmem>>, vector<1280x128xf32>
    %convert_element_type3A = arith.truncf %get3A_1 : vector<1280x128xf32> to vector<1280x128xbf16>
    %get3A_2 = arith.constant 0 : index
    %get3A_3 = arith.constant 0 : index
    %get3A_4 = vector.load %arg2[%get3A_2, %get3A_3] : memref<128x1280xf32, #tpu.memory_space<vmem>>, vector<128x1280xf32>
    %convert_element_type3A_5 = arith.truncf %get3A_4 : vector<128x1280xf32> to vector<128x1280xbf16>
    %get3A_6 = arith.constant 0 : index
    %get3A_7 = arith.constant 0 : index
    %get3A_8 = vector.load %arg3[%get3A_6, %get3A_7] : memref<256x128xbf16, #tpu.memory_space<vmem>>, vector<256x128xbf16>
    %dot_general3A = arith.constant dense<0.000000e+00> : vector<256x1280xf32>
    %dot_general3A_9 = tpu.matmul %get3A_8, %convert_element_type3A, %dot_general3A {dimension_numbers = #tpu.dot_dimension_numbers<[1], [1], [0], [0], [0, 0, 1, 0], [], []>, transpose_lhs_hint = false} : vector<256x128xbf16>, vector<1280x128xbf16>, vector<256x1280xf32> -> vector<256x1280xf32>
    %get3A_10 = arith.constant 0 : index
    %get3A_11 = arith.constant 0 : index
    %get3A_12 = vector.load %arg4[%get3A_10, %get3A_11] : memref<256x128xbf16, #tpu.memory_space<vmem>>, vector<256x128xbf16>
    %dot_general3A_13 = arith.constant dense<0.000000e+00> : vector<256x1280xf32>
    %dot_general3A_14 = tpu.matmul %get3A_12, %convert_element_type3A, %dot_general3A_13 {dimension_numbers = #tpu.dot_dimension_numbers<[1], [1], [0], [0], [0, 0, 1, 0], [], []>, transpose_lhs_hint = false} : vector<256x128xbf16>, vector<1280x128xbf16>, vector<256x1280xf32> -> vector<256x1280xf32>
    %iota3A = tpu.iota {dimensions = array<i32: 1>} : vector<256x1280xi32>
    %jit3A = arith.constant 2 : i32
    %eq3A = arith.constant 0 : i32
    %eq3A_15 = arith.cmpi eq, %jit3A, %eq3A : i32
    %jit3A_16 = arith.constant 1 : i32
    %select_n3A = arith.select %eq3A_15, %jit3A_16, %jit3A : i32
    %rem3A = vector.broadcast %select_n3A : i32 to vector<256x1280xi32>
    %rem3A_17 = arith.remsi %iota3A, %rem3A : vector<256x1280xi32>
    %ne3A = arith.constant 0 : i32
    %ne3A_18 = vector.broadcast %ne3A : i32 to vector<256x1280xi32>
    %ne3A_19 = arith.cmpi ne, %rem3A_17, %ne3A_18 : vector<256x1280xi32>
    %lt3A = arith.constant 0 : i32
    %lt3A_20 = vector.broadcast %lt3A : i32 to vector<256x1280xi32>
    %lt3A_21 = arith.cmpi slt, %rem3A_17, %lt3A_20 : vector<256x1280xi32>
    %lt3A_22 = arith.constant 0 : i32
    %lt3A_23 = arith.cmpi slt, %select_n3A, %lt3A_22 : i32
    %ne3A_24 = vector.broadcast %lt3A_23 : i1 to vector<256x1280xi1>
    %ne3A_25 = vector.broadcast %ne3A_24 : vector<256x1280xi1> to vector<256x1280xi1>
    %ne3A_26 = arith.xori %lt3A_21, %ne3A_25 : vector<256x1280xi1>
    %and3A = arith.andi %ne3A_26, %ne3A_19 : vector<256x1280xi1>
    %add3A = vector.broadcast %select_n3A : i32 to vector<256x1280xi32>
    %add3A_27 = arith.addi %rem3A_17, %add3A : vector<256x1280xi32>
    %select_n3A_28 = arith.select %and3A, %add3A_27, %rem3A_17 : vector<256x1280xi1>, vector<256x1280xi32>
    %eq3A_29 = arith.constant 0 : i32
    %eq3A_30 = vector.broadcast %eq3A_29 : i32 to vector<256x1280xi32>
    %eq3A_31 = arith.cmpi eq, %select_n3A_28, %eq3A_30 : vector<256x1280xi32>
    %roll3A = arith.constant 1279 : i32
    %roll3A_32 = tpu.dynamic_rotate %dot_general3A_14 by %roll3A dim 1 : vector<256x1280xf32>, i32 -> vector<256x1280xf32>
    %roll3A_33 = arith.constant 1 : i32
    %roll3A_34 = tpu.dynamic_rotate %dot_general3A_14 by %roll3A_33 dim 1 : vector<256x1280xf32>, i32 -> vector<256x1280xf32>
    %select_n3A_35 = arith.select %eq3A_31, %roll3A_32, %roll3A_34 : vector<256x1280xi1>, vector<256x1280xf32>
    %add3A_36 = arith.addf %dot_general3A_9, %select_n3A_35 : vector<256x1280xf32>
    %get3A_37 = arith.constant 0 : index
    %get3A_38 = arith.constant 0 : index
    %get3A_39 = vector.load %arg5[%get3A_37, %get3A_38] : memref<256x128xbf16, #tpu.memory_space<vmem>>, vector<256x128xbf16>
    %dot_general3A_40 = arith.constant dense<0.000000e+00> : vector<256x1280xf32>
    %dot_general3A_41 = tpu.matmul %get3A_39, %convert_element_type3A_5, %dot_general3A_40 {dimension_numbers = #tpu.dot_dimension_numbers<[1], [0], [0], [1], [0, 0, 1, 1], [], []>, transpose_lhs_hint = false} : vector<256x128xbf16>, vector<128x1280xbf16>, vector<256x1280xf32> -> vector<256x1280xf32>
    %add3A_42 = arith.addf %add3A_36, %dot_general3A_41 : vector<256x1280xf32>
    %convert_element_type3A_43 = arith.truncf %add3A_42 : vector<256x1280xf32> to vector<256x1280xbf16>
    %swap3A = arith.constant 0 : index
    %swap3A_44 = arith.constant 0 : index
    %swap3A_45 = vector.load %arg6[%swap3A, %swap3A_44] : memref<256x1280xbf16, #tpu.memory_space<vmem>>, vector<256x1280xbf16>
    tpu.vector_store %arg6[%swap3A, %swap3A_44], %convert_element_type3A_43 {strides = array<i32>} : memref<256x1280xbf16, #tpu.memory_space<vmem>>, vector<256x1280xbf16>,
    %eq3A_46 = arith.constant 0 : i32
    %eq3A_47 = arith.cmpi eq, %arg0, %eq3A_46 : i32
    %convert_element_type3A_48 = arith.extui %eq3A_47 : i1 to i32
    %cond3A = arith.constant 0 : i32
    %cond3A_49 = arith.cmpi ne, %convert_element_type3A_48, %cond3A : i32
    scf.if %cond3A_49 {
      %broadcast_in_dim3A_115 = arith.constant 0.000000e+00 : f32
      %broadcast_in_dim3A_116 = vector.broadcast %broadcast_in_dim3A_115 : f32 to vector<2x256x128xf32>
      %swap3A_117 = arith.constant 0 : index
      %swap3A_118 = arith.constant 0 : index
      %swap3A_119 = arith.constant 0 : index
      %swap3A_120 = vector.load %arg7[%swap3A_117, %swap3A_118, %swap3A_119] : memref<2x256x128xf32, #tpu.memory_space<vmem>>, vector<2x256x128xf32>
      tpu.vector_store %arg7[%swap3A_117, %swap3A_118, %swap3A_119], %broadcast_in_dim3A_116 {strides = array<i32>} : memref<2x256x128xf32, #tpu.memory_space<vmem>>, vector<2x256x128xf32>,
    } else {
    }
    %broadcast_in_dim3A = arith.constant 0.000000e+00 : f32
    %broadcast_in_dim3A_50 = vector.broadcast %broadcast_in_dim3A : f32 to vector<256x128xf32>
    %broadcast_in_dim3A_51 = arith.constant 0.000000e+00 : f32
    %broadcast_in_dim3A_52 = vector.broadcast %broadcast_in_dim3A_51 : f32 to vector<256x128xf32>
    %slice3A = vector.extract_strided_slice %add3A_42 {offsets = [0, 0], sizes = [256, 128], strides = [1, 1]} : vector<256x1280xf32> to vector<256x128xf32>
    %add3A_53 = arith.addf %broadcast_in_dim3A_50, %slice3A : vector<256x128xf32>
    %mul3A = arith.mulf %slice3A, %slice3A : vector<256x128xf32>
    %add3A_54 = arith.addf %broadcast_in_dim3A_52, %mul3A : vector<256x128xf32>
    %slice3A_55 = vector.extract_strided_slice %add3A_42 {offsets = [0, 128], sizes = [256, 128], strides = [1, 1]} : vector<256x1280xf32> to vector<256x128xf32>
    %add3A_56 = arith.addf %add3A_53, %slice3A_55 : vector<256x128xf32>
    %mul3A_57 = arith.mulf %slice3A_55, %slice3A_55 : vector<256x128xf32>
    %add3A_58 = arith.addf %add3A_54, %mul3A_57 : vector<256x128xf32>
    %slice3A_59 = vector.extract_strided_slice %add3A_42 {offsets = [0, 256], sizes = [256, 128], strides = [1, 1]} : vector<256x1280xf32> to vector<256x128xf32>
    %add3A_60 = arith.addf %add3A_56, %slice3A_59 : vector<256x128xf32>
    %mul3A_61 = arith.mulf %slice3A_59, %slice3A_59 : vector<256x128xf32>
    %add3A_62 = arith.addf %add3A_58, %mul3A_61 : vector<256x128xf32>
    %slice3A_63 = vector.extract_strided_slice %add3A_42 {offsets = [0, 384], sizes = [256, 128], strides = [1, 1]} : vector<256x1280xf32> to vector<256x128xf32>
    %add3A_64 = arith.addf %add3A_60, %slice3A_63 : vector<256x128xf32>
    %mul3A_65 = arith.mulf %slice3A_63, %slice3A_63 : vector<256x128xf32>
    %add3A_66 = arith.addf %add3A_62, %mul3A_65 : vector<256x128xf32>
    %slice3A_67 = vector.extract_strided_slice %add3A_42 {offsets = [0, 512], sizes = [256, 128], strides = [1, 1]} : vector<256x1280xf32> to vector<256x128xf32>
    %add3A_68 = arith.addf %add3A_64, %slice3A_67 : vector<256x128xf32>
    %mul3A_69 = arith.mulf %slice3A_67, %slice3A_67 : vector<256x128xf32>
    %add3A_70 = arith.addf %add3A_66, %mul3A_69 : vector<256x128xf32>
    %slice3A_71 = vector.extract_strided_slice %add3A_42 {offsets = [0, 640], sizes = [256, 128], strides = [1, 1]} : vector<256x1280xf32> to vector<256x128xf32>
    %add3A_72 = arith.addf %add3A_68, %slice3A_71 : vector<256x128xf32>
    %mul3A_73 = arith.mulf %slice3A_71, %slice3A_71 : vector<256x128xf32>
    %add3A_74 = arith.addf %add3A_70, %mul3A_73 : vector<256x128xf32>
    %slice3A_75 = vector.extract_strided_slice %add3A_42 {offsets = [0, 768], sizes = [256, 128], strides = [1, 1]} : vector<256x1280xf32> to vector<256x128xf32>
    %add3A_76 = arith.addf %add3A_72, %slice3A_75 : vector<256x128xf32>
    %mul3A_77 = arith.mulf %slice3A_75, %slice3A_75 : vector<256x128xf32>
    %add3A_78 = arith.addf %add3A_74, %mul3A_77 : vector<256x128xf32>
    %slice3A_79 = vector.extract_strided_slice %add3A_42 {offsets = [0, 896], sizes = [256, 128], strides = [1, 1]} : vector<256x1280xf32> to vector<256x128xf32>
    %add3A_80 = arith.addf %add3A_76, %slice3A_79 : vector<256x128xf32>
    %mul3A_81 = arith.mulf %slice3A_79, %slice3A_79 : vector<256x128xf32>
    %add3A_82 = arith.addf %add3A_78, %mul3A_81 : vector<256x128xf32>
    %slice3A_83 = vector.extract_strided_slice %add3A_42 {offsets = [0, 1024], sizes = [256, 128], strides = [1, 1]} : vector<256x1280xf32> to vector<256x128xf32>
    %add3A_84 = arith.addf %add3A_80, %slice3A_83 : vector<256x128xf32>
    %mul3A_85 = arith.mulf %slice3A_83, %slice3A_83 : vector<256x128xf32>
    %add3A_86 = arith.addf %add3A_82, %mul3A_85 : vector<256x128xf32>
    %slice3A_87 = vector.extract_strided_slice %add3A_42 {offsets = [0, 1152], sizes = [256, 128], strides = [1, 1]} : vector<256x1280xf32> to vector<256x128xf32>
    %add3A_88 = arith.addf %add3A_84, %slice3A_87 : vector<256x128xf32>
    %mul3A_89 = arith.mulf %slice3A_87, %slice3A_87 : vector<256x128xf32>
    %add3A_90 = arith.addf %add3A_86, %mul3A_89 : vector<256x128xf32>
    %get3A_91 = arith.constant 0 : index
    %get3A_92 = arith.constant 0 : index
    %get3A_93 = arith.constant 0 : index
    %get3A_94 = vector.load %arg7[%get3A_91, %get3A_92, %get3A_93] : memref<2x256x128xf32, #tpu.memory_space<vmem>>, vector<1x256x128xf32>
    %get3A_95 = vector.shape_cast %get3A_94 : vector<1x256x128xf32> to vector<256x128xf32>
    %add3A_96 = arith.addf %get3A_95, %add3A_88 : vector<256x128xf32>
    %swap3A_97 = arith.constant 0 : index
    %swap3A_98 = arith.constant 0 : index
    %swap3A_99 = arith.constant 0 : index
    %swap3A_100 = vector.load %arg7[%swap3A_97, %swap3A_98, %swap3A_99] : memref<2x256x128xf32, #tpu.memory_space<vmem>>, vector<1x256x128xf32>
    %swap3A_101 = vector.shape_cast %swap3A_100 : vector<1x256x128xf32> to vector<256x128xf32>
    %swap3A_102 = vector.shape_cast %add3A_96 : vector<256x128xf32> to vector<1x256x128xf32>
    tpu.vector_store %arg7[%swap3A_97, %swap3A_98, %swap3A_99], %swap3A_102 {strides = array<i32>} : memref<2x256x128xf32, #tpu.memory_space<vmem>>, vector<1x256x128xf32>,
    %get3A_103 = arith.constant 1 : index
    %get3A_104 = arith.constant 0 : index
    %get3A_105 = arith.constant 0 : index
    %get3A_106 = vector.load %arg7[%get3A_103, %get3A_104, %get3A_105] : memref<2x256x128xf32, #tpu.memory_space<vmem>>, vector<1x256x128xf32>
    %get3A_107 = vector.shape_cast %get3A_106 : vector<1x256x128xf32> to vector<256x128xf32>
    %add3A_108 = arith.addf %get3A_107, %add3A_90 : vector<256x128xf32>
    %swap3A_109 = arith.constant 1 : index
    %swap3A_110 = arith.constant 0 : index
    %swap3A_111 = arith.constant 0 : index
    %swap3A_112 = vector.load %arg7[%swap3A_109, %swap3A_110, %swap3A_111] : memref<2x256x128xf32, #tpu.memory_space<vmem>>, vector<1x256x128xf32>
    %swap3A_113 = vector.shape_cast %swap3A_112 : vector<1x256x128xf32> to vector<256x128xf32>
    %swap3A_114 = vector.shape_cast %add3A_108 : vector<256x128xf32> to vector<1x256x128xf32>
    tpu.vector_store %arg7[%swap3A_109, %swap3A_110, %swap3A_111], %swap3A_114 {strides = array<i32>} : memref<2x256x128xf32, #tpu.memory_space<vmem>>, vector<1x256x128xf32>,
    return
  }
  func.func @transform_0(%arg0: i32) -> (i32, i32) {
    %add3A = arith.constant 0 : i32
    %add3A_0 = arith.addi %arg0, %add3A : i32
    %c0_i32 = arith.constant 0 : i32
    %c0_i32_1 = arith.constant 0 : i32
    return %add3A_0, %c0_i32 : i32, i32
  }
  func.func @transform_1(%arg0: i32) -> (i32, i32) {
    %c0_i32 = arith.constant 0 : i32
    %c0_i32_0 = arith.constant 0 : i32
    return %c0_i32, %arg0 : i32, i32
  }
  func.func @transform_2(%arg0: i32) -> (i32, i32) {
    %c0_i32 = arith.constant 0 : i32
    %c0_i32_0 = arith.constant 0 : i32
    %c0_i32_1 = arith.constant 0 : i32
    return %c0_i32, %c0_i32_0 : i32, i32
  }
  func.func @transform_3(%arg0: i32) -> (i32, i32) {
    %c0_i32 = arith.constant 0 : i32
    %c0_i32_0 = arith.constant 0 : i32
    %c0_i32_1 = arith.constant 0 : i32
    return %c0_i32, %c0_i32_0 : i32, i32
  }
  func.func @transform_4(%arg0: i32) -> (i32, i32) {
    %c0_i32 = arith.constant 0 : i32
    %c0_i32_0 = arith.constant 0 : i32
    %c0_i32_1 = arith.constant 0 : i32
    return %c0_i32, %c0_i32_0 : i32, i32
  }
  func.func @transform_5(%arg0: i32) -> (i32, i32) {
    %c0_i32 = arith.constant 0 : i32
    %c0_i32_0 = arith.constant 0 : i32
    return %c0_i32, %arg0 : i32, i32
  }
  func.func @transform_6(%arg0: i32) -> (i32, i32, i32) {
    %c0_i32 = arith.constant 0 : i32
    %c0_i32_0 = arith.constant 0 : i32
    %c0_i32_1 = arith.constant 0 : i32
    %c0_i32_2 = arith.constant 0 : i32
    return %c0_i32, %c0_i32_0, %c0_i32_1 : i32, i32, i32
  }
}

module attributes {stable_mosaic.version = 14 : i64} {
  func.func @_cumsum_body(%arg0: i32, %arg1: memref<1280x128xf32, #tpu.memory_space<vmem>>, %arg2: memref<1280x128xf32, #tpu.memory_space<vmem>>, %arg3: memref<8x128xf32, #tpu.memory_space<vmem>>) attributes {dimension_semantics = [#tpu.dimension_semantics<arbitrary>], iteration_bounds = array<i64: 125>, scalar_prefetch = 0 : i64, scratch_operands = 1 : i64, tpu.core_type = #tpu.core_type<tc>, window_params = [{transform_indices = @transform_0, window_bounds = array<i64: 1280, 128>}, {transform_indices = @transform_1, window_bounds = array<i64: 1280, 128>}]} {
    %eq3A = arith.constant 0 : i32
    %eq3A_0 = arith.cmpi eq, %arg0, %eq3A : i32
    %convert_element_type3A = arith.extui %eq3A_0 : i1 to i32
    %cond3A = arith.constant 0 : i32
    %cond3A_1 = arith.cmpi ne, %convert_element_type3A, %cond3A : i32
    scf.if %cond3A_1 {
      %broadcast_in_dim3A_66 = arith.constant 0.000000e+00 : f32
      %broadcast_in_dim3A_67 = vector.broadcast %broadcast_in_dim3A_66 : f32 to vector<8x128xf32>
      %swap3A_68 = arith.constant 0 : index
      %swap3A_69 = arith.constant 0 : index
      %swap3A_70 = vector.load %arg3[%swap3A_68, %swap3A_69] : memref<8x128xf32, #tpu.memory_space<vmem>>, vector<8x128xf32>
      tpu.vector_store %arg3[%swap3A_68, %swap3A_69], %broadcast_in_dim3A_67 {strides = array<i32>} : memref<8x128xf32, #tpu.memory_space<vmem>>, vector<8x128xf32>,
    } else {
    }
    %get3A = arith.constant 0 : index
    %get3A_2 = arith.constant 0 : index
    %get3A_3 = vector.load %arg1[%get3A, %get3A_2] : memref<1280x128xf32, #tpu.memory_space<vmem>>, vector<1280x128xf32>
    %broadcast_in_dim3A = arith.constant 0.000000e+00 : f32
    %broadcast_in_dim3A_4 = vector.broadcast %broadcast_in_dim3A : f32 to vector<1x128xf32>
    %slice3A = vector.extract_strided_slice %get3A_3 {offsets = [0, 0], sizes = [1279, 128], strides = [1, 1]} : vector<1280x128xf32> to vector<1279x128xf32>
    %concatenate3A = tpu.concatenate %broadcast_in_dim3A_4, %slice3A in 0 : vector<1x128xf32>, vector<1279x128xf32> -> vector<1280x128xf32>
    %add3A = arith.addf %get3A_3, %concatenate3A : vector<1280x128xf32>
    %broadcast_in_dim3A_5 = arith.constant 0.000000e+00 : f32
    %broadcast_in_dim3A_6 = vector.broadcast %broadcast_in_dim3A_5 : f32 to vector<2x128xf32>
    %slice3A_7 = vector.extract_strided_slice %add3A {offsets = [0, 0], sizes = [1278, 128], strides = [1, 1]} : vector<1280x128xf32> to vector<1278x128xf32>
    %concatenate3A_8 = tpu.concatenate %broadcast_in_dim3A_6, %slice3A_7 in 0 : vector<2x128xf32>, vector<1278x128xf32> -> vector<1280x128xf32>
    %add3A_9 = arith.addf %add3A, %concatenate3A_8 : vector<1280x128xf32>
    %broadcast_in_dim3A_10 = arith.constant 0.000000e+00 : f32
    %broadcast_in_dim3A_11 = vector.broadcast %broadcast_in_dim3A_10 : f32 to vector<4x128xf32>
    %slice3A_12 = vector.extract_strided_slice %add3A_9 {offsets = [0, 0], sizes = [1276, 128], strides = [1, 1]} : vector<1280x128xf32> to vector<1276x128xf32>
    %concatenate3A_13 = tpu.concatenate %broadcast_in_dim3A_11, %slice3A_12 in 0 : vector<4x128xf32>, vector<1276x128xf32> -> vector<1280x128xf32>
    %add3A_14 = arith.addf %add3A_9, %concatenate3A_13 : vector<1280x128xf32>
    %broadcast_in_dim3A_15 = arith.constant 0.000000e+00 : f32
    %broadcast_in_dim3A_16 = vector.broadcast %broadcast_in_dim3A_15 : f32 to vector<8x128xf32>
    %slice3A_17 = vector.extract_strided_slice %add3A_14 {offsets = [0, 0], sizes = [1272, 128], strides = [1, 1]} : vector<1280x128xf32> to vector<1272x128xf32>
    %concatenate3A_18 = tpu.concatenate %broadcast_in_dim3A_16, %slice3A_17 in 0 : vector<8x128xf32>, vector<1272x128xf32> -> vector<1280x128xf32>
    %add3A_19 = arith.addf %add3A_14, %concatenate3A_18 : vector<1280x128xf32>
    %broadcast_in_dim3A_20 = arith.constant 0.000000e+00 : f32
    %broadcast_in_dim3A_21 = vector.broadcast %broadcast_in_dim3A_20 : f32 to vector<16x128xf32>
    %slice3A_22 = vector.extract_strided_slice %add3A_19 {offsets = [0, 0], sizes = [1264, 128], strides = [1, 1]} : vector<1280x128xf32> to vector<1264x128xf32>
    %concatenate3A_23 = tpu.concatenate %broadcast_in_dim3A_21, %slice3A_22 in 0 : vector<16x128xf32>, vector<1264x128xf32> -> vector<1280x128xf32>
    %add3A_24 = arith.addf %add3A_19, %concatenate3A_23 : vector<1280x128xf32>
    %broadcast_in_dim3A_25 = arith.constant 0.000000e+00 : f32
    %broadcast_in_dim3A_26 = vector.broadcast %broadcast_in_dim3A_25 : f32 to vector<32x128xf32>
    %slice3A_27 = vector.extract_strided_slice %add3A_24 {offsets = [0, 0], sizes = [1248, 128], strides = [1, 1]} : vector<1280x128xf32> to vector<1248x128xf32>
    %concatenate3A_28 = tpu.concatenate %broadcast_in_dim3A_26, %slice3A_27 in 0 : vector<32x128xf32>, vector<1248x128xf32> -> vector<1280x128xf32>
    %add3A_29 = arith.addf %add3A_24, %concatenate3A_28 : vector<1280x128xf32>
    %broadcast_in_dim3A_30 = arith.constant 0.000000e+00 : f32
    %broadcast_in_dim3A_31 = vector.broadcast %broadcast_in_dim3A_30 : f32 to vector<64x128xf32>
    %slice3A_32 = vector.extract_strided_slice %add3A_29 {offsets = [0, 0], sizes = [1216, 128], strides = [1, 1]} : vector<1280x128xf32> to vector<1216x128xf32>
    %concatenate3A_33 = tpu.concatenate %broadcast_in_dim3A_31, %slice3A_32 in 0 : vector<64x128xf32>, vector<1216x128xf32> -> vector<1280x128xf32>
    %add3A_34 = arith.addf %add3A_29, %concatenate3A_33 : vector<1280x128xf32>
    %broadcast_in_dim3A_35 = arith.constant 0.000000e+00 : f32
    %broadcast_in_dim3A_36 = vector.broadcast %broadcast_in_dim3A_35 : f32 to vector<128x128xf32>
    %slice3A_37 = vector.extract_strided_slice %add3A_34 {offsets = [0, 0], sizes = [1152, 128], strides = [1, 1]} : vector<1280x128xf32> to vector<1152x128xf32>
    %concatenate3A_38 = tpu.concatenate %broadcast_in_dim3A_36, %slice3A_37 in 0 : vector<128x128xf32>, vector<1152x128xf32> -> vector<1280x128xf32>
    %add3A_39 = arith.addf %add3A_34, %concatenate3A_38 : vector<1280x128xf32>
    %broadcast_in_dim3A_40 = arith.constant 0.000000e+00 : f32
    %broadcast_in_dim3A_41 = vector.broadcast %broadcast_in_dim3A_40 : f32 to vector<256x128xf32>
    %slice3A_42 = vector.extract_strided_slice %add3A_39 {offsets = [0, 0], sizes = [1024, 128], strides = [1, 1]} : vector<1280x128xf32> to vector<1024x128xf32>
    %concatenate3A_43 = tpu.concatenate %broadcast_in_dim3A_41, %slice3A_42 in 0 : vector<256x128xf32>, vector<1024x128xf32> -> vector<1280x128xf32>
    %add3A_44 = arith.addf %add3A_39, %concatenate3A_43 : vector<1280x128xf32>
    %broadcast_in_dim3A_45 = arith.constant 0.000000e+00 : f32
    %broadcast_in_dim3A_46 = vector.broadcast %broadcast_in_dim3A_45 : f32 to vector<512x128xf32>
    %slice3A_47 = vector.extract_strided_slice %add3A_44 {offsets = [0, 0], sizes = [768, 128], strides = [1, 1]} : vector<1280x128xf32> to vector<768x128xf32>
    %concatenate3A_48 = tpu.concatenate %broadcast_in_dim3A_46, %slice3A_47 in 0 : vector<512x128xf32>, vector<768x128xf32> -> vector<1280x128xf32>
    %add3A_49 = arith.addf %add3A_44, %concatenate3A_48 : vector<1280x128xf32>
    %broadcast_in_dim3A_50 = arith.constant 0.000000e+00 : f32
    %broadcast_in_dim3A_51 = vector.broadcast %broadcast_in_dim3A_50 : f32 to vector<1024x128xf32>
    %slice3A_52 = vector.extract_strided_slice %add3A_49 {offsets = [0, 0], sizes = [256, 128], strides = [1, 1]} : vector<1280x128xf32> to vector<256x128xf32>
    %concatenate3A_53 = tpu.concatenate %broadcast_in_dim3A_51, %slice3A_52 in 0 : vector<1024x128xf32>, vector<256x128xf32> -> vector<1280x128xf32>
    %add3A_54 = arith.addf %add3A_49, %concatenate3A_53 : vector<1280x128xf32>
    %get3A_55 = arith.constant 0 : index
    %get3A_56 = arith.constant 0 : index
    %get3A_57 = vector.load %arg3[%get3A_55, %get3A_56] : memref<8x128xf32, #tpu.memory_space<vmem>>, vector<1x128xf32>
    %add3A_58 = vector.broadcast %get3A_57 : vector<1x128xf32> to vector<1280x128xf32>
    %add3A_59 = arith.addf %add3A_54, %add3A_58 : vector<1280x128xf32>
    %swap3A = arith.constant 0 : index
    %swap3A_60 = arith.constant 0 : index
    %swap3A_61 = vector.load %arg2[%swap3A, %swap3A_60] : memref<1280x128xf32, #tpu.memory_space<vmem>>, vector<1280x128xf32>
    tpu.vector_store %arg2[%swap3A, %swap3A_60], %add3A_59 {strides = array<i32>} : memref<1280x128xf32, #tpu.memory_space<vmem>>, vector<1280x128xf32>,
    %slice3A_62 = vector.extract_strided_slice %add3A_59 {offsets = [1279, 0], sizes = [1, 128], strides = [1, 1]} : vector<1280x128xf32> to vector<1x128xf32>
    %swap3A_63 = arith.constant 0 : index
    %swap3A_64 = arith.constant 0 : index
    %swap3A_65 = vector.load %arg3[%swap3A_63, %swap3A_64] : memref<8x128xf32, #tpu.memory_space<vmem>>, vector<1x128xf32>
    tpu.vector_store %arg3[%swap3A_63, %swap3A_64], %slice3A_62 {strides = array<i32>} : memref<8x128xf32, #tpu.memory_space<vmem>>, vector<1x128xf32>,
    return
  }
  func.func @transform_0(%arg0: i32) -> (i32, i32) {
    %c0_i32 = arith.constant 0 : i32
    %c0_i32_0 = arith.constant 0 : i32
    return %arg0, %c0_i32 : i32, i32
  }
  func.func @transform_1(%arg0: i32) -> (i32, i32) {
    %c0_i32 = arith.constant 0 : i32
    %c0_i32_0 = arith.constant 0 : i32
    return %arg0, %c0_i32 : i32, i32
  }
}

module attributes {stable_mosaic.version = 14 : i64} {
  func.func @_combine_body(%arg0: i32, %arg1: memref<1x128x10000xf32, #tpu.memory_space<vmem>>, %arg2: memref<10240x128xf32, #tpu.memory_space<vmem>>, %arg3: memref<10240x16xf32, #tpu.memory_space<vmem>>, %arg4: memref<10240x16xf32, #tpu.memory_space<vmem>>, %arg5: memref<1x128x10000xf32, #tpu.memory_space<vmem>>) attributes {dimension_semantics = [#tpu.dimension_semantics<arbitrary>], iteration_bounds = array<i64: 1>, scalar_prefetch = 0 : i64, scratch_operands = 0 : i64, tpu.core_type = #tpu.core_type<tc>, window_params = [{pipeline_mode = #tpu.pipeline_mode<synchronous>, transform_indices = @transform_0, window_bounds = array<i64: 1, 128, 10000>}, {pipeline_mode = #tpu.pipeline_mode<synchronous>, transform_indices = @transform_1, window_bounds = array<i64: 10240, 128>}, {pipeline_mode = #tpu.pipeline_mode<synchronous>, transform_indices = @transform_2, window_bounds = array<i64: 10240, 16>}, {pipeline_mode = #tpu.pipeline_mode<synchronous>, transform_indices = @transform_3, window_bounds = array<i64: 10240, 16>}, {pipeline_mode = #tpu.pipeline_mode<synchronous>, transform_indices = @transform_4, window_bounds = array<i64: 1, 128, 10000>}]} {
    %get3A = arith.constant 0 : index
    %get3A_0 = arith.constant 0 : index
    %get3A_1 = vector.load %arg2[%get3A, %get3A_0] : memref<10240x128xf32, #tpu.memory_space<vmem>>, vector<10240x128xf32>
    %get3A_2 = arith.constant 0 : index
    %get3A_3 = arith.constant 0 : index
    %get3A_4 = vector.load %arg3[%get3A_2, %get3A_3] : memref<10240x16xf32, #tpu.memory_space<vmem>>, vector<10240x1xf32>
    %mul3A = vector.broadcast %get3A_4 : vector<10240x1xf32> to vector<10240x128xf32>
    %mul3A_5 = arith.mulf %get3A_1, %mul3A : vector<10240x128xf32>
    %slice3A = vector.extract_strided_slice %mul3A_5 {offsets = [0, 0], sizes = [1, 128], strides = [1, 1]} : vector<10240x128xf32> to vector<1x128xf32>
    %broadcast_in_dim3A = arith.constant 0.000000e+00 : f32
    %broadcast_in_dim3A_6 = vector.broadcast %broadcast_in_dim3A : f32 to vector<1x1xf32>
    %mul3A_7 = vector.broadcast %broadcast_in_dim3A_6 : vector<1x1xf32> to vector<1x128xf32>
    %mul3A_8 = arith.mulf %slice3A, %mul3A_7 : vector<1x128xf32>
    %slice3A_9 = vector.extract_strided_slice %mul3A_5 {offsets = [0, 0], sizes = [9999, 128], strides = [1, 1]} : vector<10240x128xf32> to vector<9999x128xf32>
    %concatenate3A = tpu.concatenate %mul3A_8, %slice3A_9 in 0 : vector<1x128xf32>, vector<9999x128xf32> -> vector<10000x128xf32>
    %slice3A_10 = vector.extract_strided_slice %mul3A_5 {offsets = [0, 0], sizes = [10000, 128], strides = [1, 1]} : vector<10240x128xf32> to vector<10000x128xf32>
    %sub3A = arith.subf %slice3A_10, %concatenate3A : vector<10000x128xf32>
    %get3A_11 = arith.constant 0 : index
    %get3A_12 = arith.constant 0 : index
    %get3A_13 = vector.load %arg4[%get3A_11, %get3A_12] : memref<10240x16xf32, #tpu.memory_space<vmem>>, vector<10000x1xf32>
    %max3A = arith.constant 1.000000e+00 : f32
    %max3A_14 = vector.broadcast %max3A : f32 to vector<10000x1xf32>
    %max3A_15 = arith.maximumf %get3A_13, %max3A_14 : vector<10000x1xf32>
    %div3A = vector.broadcast %max3A_15 : vector<10000x1xf32> to vector<10000x128xf32>
    %div3A_16 = arith.divf %sub3A, %div3A : vector<10000x128xf32>
    %iota3A = tpu.iota {dimensions = array<i32: 0>} : vector<128x128xi32>
    %iota3A_17 = tpu.iota {dimensions = array<i32: 1>} : vector<128x128xi32>
    %eq3A = arith.cmpi eq, %iota3A, %iota3A_17 : vector<128x128xi32>
    %convert_element_type3A = arith.extui %eq3A : vector<128x128xi1> to vector<128x128xi32>
    %convert_element_type3A_18 = arith.sitofp %convert_element_type3A : vector<128x128xi32> to vector<128x128xf32>
    %dot_general3A = arith.constant dense<0.000000e+00> : vector<128x10000xf32>
    %dot_general3A_19 = tpu.matmul %convert_element_type3A_18, %div3A_16, %dot_general3A {dimension_numbers = #tpu.dot_dimension_numbers<[1], [1], [0], [0], [0, 0, 1, 0], [], []>, precision = #tpu.contract_precision<fp32>, transpose_lhs_hint = false} : vector<128x128xf32>, vector<10000x128xf32>, vector<128x10000xf32> -> vector<128x10000xf32>
    %get3A_20 = arith.constant 0 : index
    %get3A_21 = arith.constant 0 : index
    %get3A_22 = arith.constant 0 : index
    %get3A_23 = vector.load %arg1[%get3A_20, %get3A_21, %get3A_22] : memref<1x128x10000xf32, #tpu.memory_space<vmem>>, vector<1x128x10000xf32>
    %broadcast_in_dim3A_24 = vector.shape_cast %dot_general3A_19 : vector<128x10000xf32> to vector<1x128x10000xf32>
    %add3A = arith.addf %get3A_23, %broadcast_in_dim3A_24 : vector<1x128x10000xf32>
    %swap3A = arith.constant 0 : index
    %swap3A_25 = arith.constant 0 : index
    %swap3A_26 = arith.constant 0 : index
    %swap3A_27 = vector.load %arg5[%swap3A, %swap3A_25, %swap3A_26] : memref<1x128x10000xf32, #tpu.memory_space<vmem>>, vector<1x128x10000xf32>
    tpu.vector_store %arg5[%swap3A, %swap3A_25, %swap3A_26], %add3A {strides = array<i32>} : memref<1x128x10000xf32, #tpu.memory_space<vmem>>, vector<1x128x10000xf32>,
    return
  }
  func.func @transform_0(%arg0: i32) -> (i32, i32, i32) {
    %c0_i32 = arith.constant 0 : i32
    %c0_i32_0 = arith.constant 0 : i32
    %c0_i32_1 = arith.constant 0 : i32
    %c0_i32_2 = arith.constant 0 : i32
    return %c0_i32, %c0_i32_0, %c0_i32_1 : i32, i32, i32
  }
  func.func @transform_1(%arg0: i32) -> (i32, i32) {
    %c0_i32 = arith.constant 0 : i32
    %c0_i32_0 = arith.constant 0 : i32
    %c0_i32_1 = arith.constant 0 : i32
    return %c0_i32, %c0_i32_0 : i32, i32
  }
  func.func @transform_2(%arg0: i32) -> (i32, i32) {
    %c0_i32 = arith.constant 0 : i32
    %c0_i32_0 = arith.constant 0 : i32
    %c0_i32_1 = arith.constant 0 : i32
    return %c0_i32, %c0_i32_0 : i32, i32
  }
  func.func @transform_3(%arg0: i32) -> (i32, i32) {
    %c0_i32 = arith.constant 0 : i32
    %c0_i32_0 = arith.constant 0 : i32
    %c0_i32_1 = arith.constant 0 : i32
    return %c0_i32, %c0_i32_0 : i32, i32
  }
  func.func @transform_4(%arg0: i32) -> (i32, i32, i32) {
    %c0_i32 = arith.constant 0 : i32
    %c0_i32_0 = arith.constant 0 : i32
    %c0_i32_1 = arith.constant 0 : i32
    %c0_i32_2 = arith.constant 0 : i32
    return %c0_i32, %c0_i32_0, %c0_i32_1 : i32, i32, i32
  }
}

</mosaic_0001>

<sc_bundles>
// kernel: gather_offload_async_start.1
scs
__scs_entry_jumppad:
0x0: {  	(pc) =	sbr.rel $0x88, $3  }
0x1: {  	(tag) =	ssettag $0x0;
	lr =	simm.s32 $0x1  }
0x2: {  	[smem:$0x3F96] =	sst lr;
	_ =	strace $0xD0000000  }
0x3: {  	_ = 	snop  }
0x4: {  	_ = 	snop  }
0x5: {  	_ = 	snop  }
0x6: {  	_ = 	snop  }
0x7: {  	_ = 	snop  }
__scs_overlays_trampoline_lowered:
0x8: {  	[smem:$0x3FA5] =	sst s0  }
0x9: {  	[smem:$0x3FA6] =	sst s1  }
0xa: {  	[smem:$0x3FA7] =	sst s2  }
0xb: {  	[smem:$0x3FA8] =	sst s3  }
0xc: {  	[smem:$0x3FA9] =	sst s4  }
0xd: {  	[smem:$0x3FAA] =	sst s5  }
0xe: {  	[smem:$0x3FAB] =	sst s6  }
0xf: {  	[smem:$0x3FAC] =	sst s7  }
0x10: {  	[smem:$0x3FAD] =	sst s8  }
0x11: {  	[smem:$0x3FAE] =	sst s9;
	s0 =	simm.s32 @!p0 $0x0  }
0x12: {  	s1 =	sld [smem:$0x3F94];
	s0 =	simm.s32 @p0 $0x1  }
0x13: {  	[smem:$0x3FAF] =	sst s0;
	s0 =	simm.s32 @!p1 $0x0  }
0x14: {  	s2 =	sld [smem:$0x3F93];
	s0 =	simm.s32 @p1 $0x1  }
0x15: {  	[smem:$0x3FB0] =	sst s0;
	s0 =	simm.s32 @!p2 $0x0  }
0x16: {  	s3 =	sld [smem:$0x3FDB];
	s0 =	simm.s32 @p2 $0x1  }
0x17: {  	s4 =	simm.s32 $0x1BF5;
	[smem:$0x3FB2] =	sst s0  }
0x18: {  	s0 =	sld [smem:$0x3F95];
	_ =	swait.ge [sflag:s4], $0x0  }
0x19: {  	s7 =	sld [smem:$0x3F96]  }
0x1a: {  	s8 =	sadd.s32 $0xFFFFE003, lr  }
0x1b: {  	s9 =	sadd.s32 $0xFFFFFEF7, lr;
	s5 =	simm.s32 $0xFFFFFFFF;
	p2 =	slt.u32 s8, $0xFFFFF086  }
0x1c: {  	p1 =	slt.u32 s9, $0xF7A;
	s5 =	simm.s32 @!p2 $0x0  }
0x1d: {  	s5 =	simm.s32 @p1 $0x1;
	p0 =	seq.s32 s7, s2  }
0x1e: {  	s7 =	smul.u32 @!p0 $0xF7A, s2;
	p2 =	seq.s32 @!p0 s5, $0x0  }
0x1f: {  	s9 =	smul.u32 $0xF7A, s1;
	s8 =	simm.s32 @!p0 $0x1BF5;
	p2 =	por !p2, p0  }
0x20: {  	[sflag:s8] =	ssyncset.s32 @!p0 $0xFFFFF086;
	s6 =	sadd.s32 @!p0 s3, s7;
	s7 =	simm.s32 @!p0 $0x108  }
0x21: {  	s3 =	sadd.s32 s3, s9;
	s6 =	sadd.s32 @!p0 $0x88, s6;
	s7 =	simm.s32 @p2 $0x1082  }
0x22: {  	[simem:s7], [sflag:s8] =	dma.local @!p0 [hbm:s6], $0xF7A  }
0x23: {  	s9 =	sor.u32 $0xD0000000, s2;
	s6 =	simm.s32 $0x108;
	_ =	swait.ge @!p0 [sflag:s8], $0x0  }
0x24: {  	s3 =	sadd.s32 $0x88, s3;
	s6 =	simm.s32 @!p1 $0x1082;
	[sflag:s4] =	ssyncset.s32 $0xFFFFF086  }
0x25: {  	[simem:s6], [sflag:s4] =	dma.local [hbm:s3], $0xF7A  }
0x26: {  	[smem:$0x3F96] =	sst s1;
	(tag) =	ssettag s2;
	_ =	strace s9  }
0x27: {  	s1 =	sld [smem:$0x3FA6]  }
0x28: {  	s2 =	sld [smem:$0x3FA7]  }
0x29: {  	s4 =	sld [smem:$0x3FA9]  }
0x2a: {  	p0 =	seq.s32 s5, $0x0;
	s5 =	sld [smem:$0x3FAA]  }
0x2b: {  	s6 =	sld [smem:$0x3FAB]  }
0x2c: {  	s7 =	sld [smem:$0x3FAC]  }
0x2d: {  	s3 =	simm.s32 $0x108;
	s8 =	sld [smem:$0x3FAD]  }
0x2e: {  	s3 =	simm.s32 @!p0 $0x1082;
	s9 =	sld [smem:$0x3FAE]  }
0x2f: {  	lr =	sadd.s32 s0, s3;
	s0 =	sld [smem:$0x3FA5]  }
0x30: {  	s3 =	sld [smem:$0x3FA8]  }
0x31: {  	[smem:$0x3FB1] =	sst s10  }
0x32: {  	s10 =	sld [smem:$0x3FAF];
	_ =	sdelay $0x3  }
0x33: {  	p0 =	seq.s32 s10, $0x1;
	s10 =	sld [smem:$0x3FB1];
	_ =	sdelay $0x3  }
0x34: {  	[smem:$0x3FB1] =	sst s10  }
0x35: {  	s10 =	sld [smem:$0x3FB0];
	_ =	sdelay $0x3  }
0x36: {  	p1 =	seq.s32 s10, $0x1;
	s10 =	sld [smem:$0x3FB1];
	_ =	sdelay $0x3  }
0x37: {  	[smem:$0x3FB1] =	sst s10  }
0x38: {  	s10 =	sld [smem:$0x3FB2]  }
0x39: {  	_ = 	snop;
	(pc) =	sbr.ind lr, $3  }
0x3a: {  	_ = 	snop  }
0x3b: {  	_ = 	snop  }
0x3c: {  	p2 =	seq.s32 s10, $0x1;
	s10 =	sld [smem:$0x3FB1]  }
0x3d: {  	_ =	shalt  }
0x3e: {  	_ =	shalt  }
0x3f: {  	_ =	shalt  }
0x40: {  	_ =	shalt  }
0x41: {  	_ =	shalt  }
0x42: {  	_ =	shalt  }
0x43: {  	_ =	shalt  }
0x44: {  	_ =	shalt  }
0x45: {  	_ =	shalt  }
0x46: {  	_ =	shalt  }
0x47: {  	_ =	shalt  }
0x48: {  	_ =	shalt  }
0x49: {  	_ =	shalt  }
0x4a: {  	_ =	shalt  }
0x4b: {  	_ =	shalt  }
0x4c: {  	_ =	shalt  }
0x4d: {  	_ =	shalt  }
0x4e: {  	_ =	shalt  }
0x4f: {  	_ =	shalt  }
0x50: {  	_ =	shalt  }
0x51: {  	_ =	shalt  }
0x52: {  	_ =	shalt  }
0x53: {  	_ =	shalt  }
0x54: {  	_ =	shalt  }
0x55: {  	_ =	shalt  }
0x56: {  	_ =	shalt  }
0x57: {  	_ =	shalt  }
0x58: {  	_ =	shalt  }
0x59: {  	_ =	shalt  }
0x5a: {  	_ =	shalt  }
0x5b: {  	_ =	shalt  }
0x5c: {  	_ =	shalt  }
0x5d: {  	_ =	shalt  }
0x5e: {  	_ =	shalt  }
0x5f: {  	_ =	shalt  }
0x60: {  	_ =	shalt  }
0x61: {  	_ =	shalt  }
0x62: {  	_ =	shalt  }
0x63: {  	_ =	shalt  }
0x64: {  	_ =	shalt  }
0x65: {  	_ =	shalt  }
0x66: {  	_ =	shalt  }
0x67: {  	_ =	shalt  }
0x68: {  	_ =	shalt  }
0x69: {  	_ =	shalt  }
0x6a: {  	_ =	shalt  }
0x6b: {  	_ =	shalt  }
0x6c: {  	_ =	shalt  }
0x6d: {  	_ =	shalt  }
0x6e: {  	_ =	shalt  }
0x6f: {  	_ =	shalt  }
0x70: {  	_ =	shalt  }
0x71: {  	_ =	shalt  }
0x72: {  	_ =	shalt  }
0x73: {  	_ =	shalt  }
0x74: {  	_ =	shalt  }
0x75: {  	_ =	shalt  }
0x76: {  	_ =	shalt  }
0x77: {  	_ =	shalt  }
0x78: {  	_ =	shalt  }
0x79: {  	_ =	shalt  }
0x7a: {  	_ =	shalt  }
0x7b: {  	_ =	shalt  }
0x7c: {  	_ =	shalt  }
0x7d: {  	_ =	shalt  }
0x7e: {  	_ =	shalt  }
0x7f: {  	_ =	shalt  }
0x80: {  	_ =	shalt  }
0x81: {  	_ =	shalt  }
0x82: {  	_ =	shalt  }
0x83: {  	_ =	shalt  }
0x84: {  	_ =	shalt  }
0x85: {  	_ =	shalt  }
0x86: {  	_ =	shalt  }
0x87: {  	_ =	shalt  }
.Lfunc_end0:
.L_simem_size_0:
called_computation.1_lowered:
.L_overlay_start_0:
0x88: {  	s0 =	sld [smem:$0x3FD9]  }
0x89: {  	s1 =	sld [smem:$0x3FFE];
	_ =	sdelay $0x3  }
0x8a: {  	s0 =	sadd.s32 s1, s0  }
0x8b: {  	[smem:$0x3FBD] =	sst s0  }
0x8c: {  	_ = 	snop  }
0x8d: {  	s0 =	sld [smem:$0x3FD0];
	_ =	sdelay $0x2  }
0x8e: {  	s13 =	simm.s32 $0xD;
	s2 =	simm.s32 $0x10  }
0x8f: {  	[smem:s2], [sflag:s13] =	dma.local [hbm:s0], $0x1  }
0x90: {  	_ =	swait.eq [sflag:s13], $0x1  }
0x91: {  	[sflag:s13] =	ssyncset.done $0x0  }
0x92: {  	s14 =	sld [smem:$0x10];
	[sflag:s13] =	ssyncadd.s32 $0xFFFFFFFF  }
0x93: {  	s15 =	sld [smem:$0x11];
	(tm) =	ssettm $0x1  }
0x94: {  	s16 =	sld [smem:$0x3FFB];
	_ =	sdelay $0x3  }
0x95: {  	_ =	strace s16  }
0x96: {  	s2 =	sld [smem:$0x3FFC];
	_ =	sdelay $0x3  }
0x97: {  	_ =	strace s2  }
0x98: {  	s2 =	sld [smem:$0x3FFD];
	_ =	sdelay $0x3  }
0x99: {  	_ =	strace s2  }
0x9a: {  	_ =	strace $0x8FFFFFFF  }
0x9b: {  	s17 =	sld [smem:$0x3FDB];
	_ =	sdelay $0x1  }
0x9c: {  	s3 =	simm.s32 $_scs_section_size  }
0x9d: {  	s4 =	simm.s32 $_size__tile_overlayer_lowered;
	s5 =	simm.s32 $_tile_overlayer_lowered  }
0x9e: {  	s20 =	simm.s32 $0x1BFF;
	s19 =	sshll.u32 s5, $0x1;
	s2 =	sadd.s32 s3, s17  }
0x9f: {  	s6 =	simm.s32 $0x0;
	s18 =	sshll.u32 s4, $0x1;
	s4 =	sadd.s32 s19, s2  }
0xa0: {  	[timem:s6], [sflag:s20] =	dma.local [hbm:s4], s18  }
0xa1: {  	_ =	swait.ge [sflag:s20], s18  }
0xa2: {  	s3 =	ssub.s32 $0x0, s18;
	[sflag:s20] =	ssyncset.done $0x0  }
0xa3: {  	[sflag:s20] =	ssyncadd.s32 s3;
	_ =	sdelay $0x1  }
0xa4: {  	s21 =	simm.s32 $0x1B8B  }
0xa5: {  	_ =	swait.ge [sflag:s21], $0x1  }
0xa6: {  	[sflag:s21] =	ssyncset.done $0x0  }
0xa7: {  	s23 =	simm.s32 $0x1B8E;
	s22 =	sld [smem:$0x3FFE];
	[sflag:s21] =	ssyncadd.s32 $0xFFFFFFFF  }
0xa8: {  	s24 =	simm.s32 $execute0_lowered;
	[smem:$0x3FD2] =	sst s23  }
0xa9: {  	s4 =	sshll.u32 s24, $0x1;
	_ =	strace $0x8000005E;
	[dreg:$0x1] =	wrdreg $0xFFFFFFFF  }
0xaa: {  	s25 =	simm.s32 $_size_execute0_lowered;
	s2 =	sadd.s32 s2, s4;
	[dreg:$0x0] =	wrdreg $0x0  }
0xab: {  	s4 =	sshll.u32 s25, $0x1;
	[dreg:$0x2] =	wrdreg s2  }
0xac: {  	[dreg:$0x3] =	wrdreg s4  }
0xad: {  	[dreg:$0x4] =	wrdreg $0xC0  }
0xae: {  	_ =	task [dreg:s6], $0x5FFFF  }
0xaf: {  	[dreg:$0x1] =	wrdreg $0xFFFFFFFF  }
0xb0: {  	[dreg:$0x0] =	wrdreg $0x60  }
0xb1: {  	[dreg:$0x2] =	wrdreg s15  }
0xb2: {  	[dreg:$0x3] =	wrdreg s14  }
0xb3: {  	[dreg:$0x4] =	wrdreg s22  }
0xb4: {  	[dreg:$0x5] =	wrdreg $0x9  }
0xb5: {  	_ =	task.clear_ibuf [dreg:s6], $0x6FFFF;
	_ =	strace $0x9000005E  }
0xb6: {  	s26 =	simm.s32 $0x9;
	_ =	strace $0x80000060  }
0xb7: {  	_ =	swait.ge [sflag:s26], $0x1  }
0xb8: {  	[sflag:s26] =	ssyncadd.s32 $0xFFFFFFFF  }
0xb9: {  	_ =	strace $0x90000060  }
0xba: {  	_ =	sfence  }
0xbb: {  	s28 =	sld [smem:$0x0];
	_ =	sdelay $0x1  }
0xbc: {  	s29 =	srdreg.scid  }
0xbd: {  	s30 =	sshll.u32 s29, $0xD;
	s31 =	sshrl.u32 s29, $0x2  }
0xbe: {  	s1 =	sand.u32 $0x1, s29;
	s2 =	sand.u32 $0x4000, s30;
	s0 =	sadd.s32 s31, s28  }
0xbf: {  	s1 =	sor.u32 s2, s1;
	s0 =	sshll.u32 s0, $0x11  }
0xc0: {  	s0 =	sor.u32 s0, s1  }
0xc1: {  	s0 =	sadd.s32 $0x8F2B, s0  }
0xc2: {  	[sflag:s0] =	ssyncadd.remote.s32 $0x1  }
0xc3: {  	_ =	sfence.sel $0xFFFF  }
0xc4: {  	[dreg:$0x0] =	wrdreg $0xFFFFFFFF;
	(pc) =	sbr.abs _section_cstart, $3  }
0xc5: {  	[dreg:$0x1] =	wrdreg $0xFFFFFFFF  }
0xc6: {  	_ =	task.clear_ibuf [dreg:s6], $0x2FFFF;
	_ =	strace $0x9FFFFFFF  }
0xc7: {  	(tm) =	ssettm $0x7FFFFFFF  }
tec
execute0_lowered:
.L_overlay_start_1:
0x0: {  	(tag) =	ssettag $0x1  }
0x1: {  	s2 =	rddreg [dreg:$0x0]  }
0x2: {  	s3 =	rddreg [dreg:$0x1]  }
0x3: {  	s8 =	rddreg [dreg:$0x2]  }
0x4: {  	s0 =	rddreg [dreg:$0x3];
	_ =	strace $0x8000005F;
	s4 =	simm.s32 $0x1  }
0x5: {  	s1 =	stileid.u32;
	s7 =	simm.s32 $0x1;
	s9 =	simm.s32 $0x1  }
0x6: {  	s6 =	simm.s32 $0x2;
	s10 =	simm.s32 $0x3;
	s13 =	simm.s32 $0x0  }
.Ltmp0:
0x7: {  	s12 =	simm.s32 $0x0;
	p0 =	slt.u32 s1, $0xA;
	(pc) =	sbr.rel .LBB2_1-.Ltmp0, $4  }
0x8: {  	[sflag:s4] =	ssyncpa.u1 $0x0;
	s7 =	simm.s32 @!p0 $0x0;
	p0 =	sne.s32 s1, $0x9  }
0x9: {  	s5 =	smul.u32 $0x190, s1;
	[sflag:s6] =	ssyncpa.u1 $0x0;
	s9 =	simm.s32 @!p0 $0x0  }
0xa: {  	s8 =	sadd.s32 $0x7400, s8;
	[sflag:s10] =	ssyncpa.u1 $0x0;
	s7 =	sadd.s32 s9, s7  }
0xb: {  	vm0 =	vmmov $0xffff;
	s10 =	simm.s32 $0x0;
	s11 =	smov.u32 s5;
	s9 =	sadd.s32 $0x1, s7  }
.LBB2_4:
0xc: {  	v2 =	vnsel vm1, $0x0, v2  }
0xd: {  	vm1 =	vgt.s32 v0, $0x0;
	v2 =	vmin.u32 v2, $0x270FF  }
0xe: {  	v0 =	vnsel vm1, $0x0, v0  }
0xf: {  	v0 =	vmin.u32 v0, $0x270FF  }
0x10: {  	[tilespmem:s18], [sflag:$0x1] =	stream.indirect_vreg.gather [hbm4b:s2+s10], $0x1, v1, vm0, $0x4038;
	[tilespmem:$0x640] =	vst v63  }
0x11: {  	(ifvalue) =	ssetifvalue $0x7FFFFFFF  }
0x12: {  	[tilespmem:s15], [sflag:$0x1] =	stream.indirect_vreg.gather [hbm4b:s2+s10], $0x1, v2, vm0, $0x4038;
	[tilespmem:$0x640] =	vst v63  }
0x13: {  	s29 =	sadd.s32 $0x10, s15;
	(ifvalue) =	ssetifvalue $0x7FFFFFFF  }
0x14: {  	[tilespmem:s29], [sflag:$0x1] =	stream.indirect_vreg.gather [hbm4b:s2+s10], $0x1, v0, vm0, $0x4038;
	[tilespmem:$0x640] =	vst v63  }
0x15: {  	_ =	swait.ge [sflag:s4], $0x190  }
0x16: {  	s30 =	sshrl.u32 s13, $0x3;
	[sflag:s4] =	ssyncset.done $0x0  }
0x17: {  	s31 =	sand.u32 $0x7, s13;
	s15 =	sadd.s32 s8, s30;
	[sflag:s4] =	ssyncadd.s32 $0xFFFFFE70  }
0x18: {  	[hbm4b:s15+s31] =	stream.linear.scatter [tilespmem:s14], [sflag:$0x3], $0x190, $0x38;
	[tilespmem:$0x640] =	vst v63  }
.LBB2_5:
0x19: {  	s15 =	sadd.s32 $0x1900, s11  }
0x1a: {  	p1 =	sgt.s32 s15, $0x270F  }
0x1b: {  	s15 =	smov.u32 @p1 s5;
	p1 =	sne.s32 s12, s9  }
.Ltmp1:
0x1c: {  	p0 =	slt.u32 s12, $0x2;
	(pc) =	sbr.rel @!p1 .LBB2_6-.Ltmp1, $4  }
0x1d: {  	s14 =	simm.s32 @!p0 $0x3  }
0x1e: {  	_ =	swait.ge @!p0 [sflag:s14], $0x190  }
0x1f: {  	s16 =	sadd.s32 $0x1, s12;
	s13 =	smov.u32 s11;
	[sflag:s14] =	ssyncset.done @!p0 $0x0  }
0x20: {  	s12 =	smov.u32 s16;
	s11 =	smov.u32 s15;
	[sflag:s14] =	ssyncadd.s32 @!p0 $0xFFFFFE70  }
.LBB2_1:
0x21: {  	p0 =	sge.u32 s12, s7  }
0x22: {  	s14 =	sxor.u32 @!p0 $0x1, s12  }
0x23: {  	s14 =	smul.u32 @!p0 $0x640, s14  }
0x24: {  	s31 =	sadd.s32 $0xFFFFFFFF, s12;
	s15 =	sshrl.u32 @!p0 s11, $0x3  }
0x25: {  	s16 =	sand.u32 @!p0 $0x7, s11;
	s15 =	sadd.s32 @!p0 s3, s15;
	s14 =	sshra.s32 @!p0 s14, $0x2  }
0x26: {  	[tilespmem:s14], [sflag:$0x2] =	stream.linear.gather @!p0 [hbm4b:s15+s16], $0x190, $0x38;
	[tilespmem:$0x640] =	vst v63  }
0x27: {  	p0 =	sge.u32 s31, s7  }
.Ltmp2:
0x28: {  	_ = 	snop;
	(pc) =	sbr.rel @p0 .LBB2_5-.Ltmp2, $1  }
0x29: {  	_ =	sdelay $0x3  }
0x2a: {  	s14 =	sand.u32 $0x1, s12  }
0x2b: {  	_ =	swait.ge [sflag:s6], $0x190;
	p0 =	seq.s32 s14, $0x1;
	s14 =	simm.s32 $0x190  }
0x2c: {  	[sflag:s6] =	ssyncset.done $0x0;
	s14 =	simm.s32 @!p0 $0x0  }
0x2d: {  	[sflag:s6] =	ssyncadd.s32 $0xFFFFFE70;
	(ifvalue) =	ssetifvalue $0x7FFFFFFF;
	v0 =	vld.msk [tilespmem:s14+$0x0 ss:$0x1], $0xffff;
	_ =	sdelay $0x4  }
0x2e: {  	s15 =	sadd.s32 $0x10, s14;
	vm1 =	vgt.s32 v0, $0x0  }
0x2f: {  	v2 =	vld.msk [tilespmem:s15+$0x0 ss:$0x1], $0xffff;
	v1 =	vnsel vm1, $0x0, v0  }
0x30: {  	v1 =	vmin.u32 v1, $0x270FF;
	_ =	sdelay $0x2  }
0x31: {  	s17 =	simm.s32 $0x20;
	s14 =	sadd.s32 $0x320, s14;
	s16 =	sadd.s32 $0x10, s15  }
0x32: {  	s15 =	sadd.s32 $0x10, s14;
	s18 =	smov.u32 s14;
	v0 =	vld.msk [tilespmem:s16+$0x0 ss:$0x1], $0xffff;
	vm1 =	vgt.s32 v2, $0x0;
	(ifvalue) =	ssetifvalue $0x7FFFFFFF  }
.LBB2_3:
0x33: {  	[tilespmem:s18], [sflag:$0x1] =	stream.indirect_vreg.gather [hbm4b:s2+s10], $0x1, v1, vm0, $0x4038;
	[tilespmem:$0x640] =	vst v63  }
0x34: {  	s17 =	sadd.s32 $0x10, s17  }
0x35: {  	v2 =	vnsel vm1, $0x0, v2;
	p0 =	slt.u32 s17, $0x180  }
.Ltmp3:
0x36: {  	s18 =	smov.u32 s15;
	v1 =	vmin.u32 v2, $0x270FF;
	(pc) =	sbr.rel @p0 .LBB2_3-.Ltmp3, $3  }
0x37: {  	_ =	sdelay $0x1  }
0x38: {  	s16 =	sadd.s32 $0x10, s16  }
0x39: {  	vm1 =	vgt.s32 v0, $0x0;
	s15 =	sadd.s32 $0x10, s15;
	v2 =	vmov v0;
	(ifvalue) =	ssetifvalue $0x7FFFFFFF;
	v0 =	vld.msk [tilespmem:s16+$0x0 ss:$0x1], $0xffff  }
.Ltmp4:
0x3a: {  	_ = 	snop;
	(pc) =	sbr.rel .LBB2_4-.Ltmp4, $1  }
0x3b: {  	_ =	sdelay $0x3  }
.LBB2_6:
0x3c: {  	_ =	sfence.sel $0x180000  }
0x3d: {  	s2 =	simm.s32 $0x2;
	[bflag:$0x0] =	sbarrier.arrive $0xFFFF  }
0x3e: {  	s30 =	simm.s32 $0x3;
	[sflag:s2] =	ssyncpa.u1 $0x1  }
0x3f: {  	s31 =	simm.s32 $0x1;
	[sflag:s30] =	ssyncpa.u1 $0x1  }
0x40: {  	[sflag:s31] =	ssyncpa.u1 $0x1  }
0x41: {  	p0 =	sne.s32 s1, $0x0;
	_ =	strace $0x9000005F  }
0x42: {  	s0 =	sadd.s32 @!p0 $0x100000, s0;
	[bflag:$0x2] =	sbarrier.arrive $0xFFFF  }
0x43: {  	[sflag:s0] =	ssyncadd.tile.s32 @!p0 $0x1;
	_ =	shalt  }
.Lfunc_end2:
_tile_overlayer_lowered:
.L_overlay_start_2:
0x44: {  	(tag) =	ssettag $0x2  }
0x45: {  	s0 =	rddreg [dreg:$0x0];
	s2 =	stileid.u32  }
0x46: {  	s1 =	rddreg [dreg:$0x1];
	p0 =	sne.s32 s2, $0x0  }
0x47: {  	s3 =	rddreg [dreg:$0x2];
	[bflag:$0x3] =	sbarrier.arrive $0xFFFF;
	s2 =	simm.s32 @!p0 $0x1C01  }
0x48: {  	[timem:s3], [sflag:s2] =	dma.local @!p0 [hbm:s0], s1  }
0x49: {  	s0 =	simm.s32 @!p0 $0x1  }
0x4a: {  	_ =	swait.ge @!p0 [sflag:s0], s1  }
0x4b: {  	s1 =	ssub.s32 @!p0 $0x0, s1;
	[sflag:s0] =	ssyncset.done @!p0 $0x0  }
0x4c: {  	[sflag:s0] =	ssyncadd.s32 @!p0 s1  }
0x4d: {  	[bflag:$0x3] =	sbarrier.arrive $0xFFFF  }
0x4e: {  	_ =	shalt  }

// kernel: gather_offload_async_start.2
scs
__scs_entry_jumppad:
0x0: {  	(pc) =	sbr.rel $0x88, $3  }
0x1: {  	(tag) =	ssettag $0x0;
	lr =	simm.s32 $0x1  }
0x2: {  	[smem:$0x3F96] =	sst lr;
	_ =	strace $0xD0000000  }
0x3: {  	_ = 	snop  }
0x4: {  	_ = 	snop  }
0x5: {  	_ = 	snop  }
0x6: {  	_ = 	snop  }
0x7: {  	_ = 	snop  }
__scs_overlays_trampoline_lowered:
0x8: {  	[smem:$0x3FA5] =	sst s0  }
0x9: {  	[smem:$0x3FA6] =	sst s1  }
0xa: {  	[smem:$0x3FA7] =	sst s2  }
0xb: {  	[smem:$0x3FA8] =	sst s3  }
0xc: {  	[smem:$0x3FA9] =	sst s4  }
0xd: {  	[smem:$0x3FAA] =	sst s5  }
0xe: {  	[smem:$0x3FAB] =	sst s6  }
0xf: {  	[smem:$0x3FAC] =	sst s7  }
0x10: {  	[smem:$0x3FAD] =	sst s8  }
0x11: {  	[smem:$0x3FAE] =	sst s9;
	s0 =	simm.s32 @!p0 $0x0  }
0x12: {  	s1 =	sld [smem:$0x3F94];
	s0 =	simm.s32 @p0 $0x1  }
0x13: {  	[smem:$0x3FAF] =	sst s0;
	s0 =	simm.s32 @!p1 $0x0  }
0x14: {  	s2 =	sld [smem:$0x3F93];
	s0 =	simm.s32 @p1 $0x1  }
0x15: {  	[smem:$0x3FB0] =	sst s0;
	s0 =	simm.s32 @!p2 $0x0  }
0x16: {  	s3 =	sld [smem:$0x3FDB];
	s0 =	simm.s32 @p2 $0x1  }
0x17: {  	s4 =	simm.s32 $0x1BF5;
	[smem:$0x3FB2] =	sst s0  }
0x18: {  	s0 =	sld [smem:$0x3F95];
	_ =	swait.ge [sflag:s4], $0x0  }
0x19: {  	s7 =	sld [smem:$0x3F96]  }
0x1a: {  	s8 =	sadd.s32 $0xFFFFE003, lr  }
0x1b: {  	s9 =	sadd.s32 $0xFFFFFEF7, lr;
	s5 =	simm.s32 $0xFFFFFFFF;
	p2 =	slt.u32 s8, $0xFFFFF086  }
0x1c: {  	p1 =	slt.u32 s9, $0xF7A;
	s5 =	simm.s32 @!p2 $0x0  }
0x1d: {  	s5 =	simm.s32 @p1 $0x1;
	p0 =	seq.s32 s7, s2  }
0x1e: {  	s7 =	smul.u32 @!p0 $0xF7A, s2;
	p2 =	seq.s32 @!p0 s5, $0x0  }
0x1f: {  	s9 =	smul.u32 $0xF7A, s1;
	s8 =	simm.s32 @!p0 $0x1BF5;
	p2 =	por !p2, p0  }
0x20: {  	[sflag:s8] =	ssyncset.s32 @!p0 $0xFFFFF086;
	s6 =	sadd.s32 @!p0 s3, s7;
	s7 =	simm.s32 @!p0 $0x108  }
0x21: {  	s3 =	sadd.s32 s3, s9;
	s6 =	sadd.s32 @!p0 $0x88, s6;
	s7 =	simm.s32 @p2 $0x1082  }
0x22: {  	[simem:s7], [sflag:s8] =	dma.local @!p0 [hbm:s6], $0xF7A  }
0x23: {  	s9 =	sor.u32 $0xD0000000, s2;
	s6 =	simm.s32 $0x108;
	_ =	swait.ge @!p0 [sflag:s8], $0x0  }
0x24: {  	s3 =	sadd.s32 $0x88, s3;
	s6 =	simm.s32 @!p1 $0x1082;
	[sflag:s4] =	ssyncset.s32 $0xFFFFF086  }
0x25: {  	[simem:s6], [sflag:s4] =	dma.local [hbm:s3], $0xF7A  }
0x26: {  	[smem:$0x3F96] =	sst s1;
	(tag) =	ssettag s2;
	_ =	strace s9  }
0x27: {  	s1 =	sld [smem:$0x3FA6]  }
0x28: {  	s2 =	sld [smem:$0x3FA7]  }
0x29: {  	s4 =	sld [smem:$0x3FA9]  }
0x2a: {  	p0 =	seq.s32 s5, $0x0;
	s5 =	sld [smem:$0x3FAA]  }
0x2b: {  	s6 =	sld [smem:$0x3FAB]  }
0x2c: {  	s7 =	sld [smem:$0x3FAC]  }
0x2d: {  	s3 =	simm.s32 $0x108;
	s8 =	sld [smem:$0x3FAD]  }
0x2e: {  	s3 =	simm.s32 @!p0 $0x1082;
	s9 =	sld [smem:$0x3FAE]  }
0x2f: {  	lr =	sadd.s32 s0, s3;
	s0 =	sld [smem:$0x3FA5]  }
0x30: {  	s3 =	sld [smem:$0x3FA8]  }
0x31: {  	[smem:$0x3FB1] =	sst s10  }
0x32: {  	s10 =	sld [smem:$0x3FAF];
	_ =	sdelay $0x3  }
0x33: {  	p0 =	seq.s32 s10, $0x1;
	s10 =	sld [smem:$0x3FB1];
	_ =	sdelay $0x3  }
0x34: {  	[smem:$0x3FB1] =	sst s10  }
0x35: {  	s10 =	sld [smem:$0x3FB0];
	_ =	sdelay $0x3  }
0x36: {  	p1 =	seq.s32 s10, $0x1;
	s10 =	sld [smem:$0x3FB1];
	_ =	sdelay $0x3  }
0x37: {  	[smem:$0x3FB1] =	sst s10  }
0x38: {  	s10 =	sld [smem:$0x3FB2]  }
0x39: {  	_ = 	snop;
	(pc) =	sbr.ind lr, $3  }
0x3a: {  	_ = 	snop  }
0x3b: {  	_ = 	snop  }
0x3c: {  	p2 =	seq.s32 s10, $0x1;
	s10 =	sld [smem:$0x3FB1]  }
0x3d: {  	_ =	shalt  }
0x3e: {  	_ =	shalt  }
0x3f: {  	_ =	shalt  }
0x40: {  	_ =	shalt  }
0x41: {  	_ =	shalt  }
0x42: {  	_ =	shalt  }
0x43: {  	_ =	shalt  }
0x44: {  	_ =	shalt  }
0x45: {  	_ =	shalt  }
0x46: {  	_ =	shalt  }
0x47: {  	_ =	shalt  }
0x48: {  	_ =	shalt  }
0x49: {  	_ =	shalt  }
0x4a: {  	_ =	shalt  }
0x4b: {  	_ =	shalt  }
0x4c: {  	_ =	shalt  }
0x4d: {  	_ =	shalt  }
0x4e: {  	_ =	shalt  }
0x4f: {  	_ =	shalt  }
0x50: {  	_ =	shalt  }
0x51: {  	_ =	shalt  }
0x52: {  	_ =	shalt  }
0x53: {  	_ =	shalt  }
0x54: {  	_ =	shalt  }
0x55: {  	_ =	shalt  }
0x56: {  	_ =	shalt  }
0x57: {  	_ =	shalt  }
0x58: {  	_ =	shalt  }
0x59: {  	_ =	shalt  }
0x5a: {  	_ =	shalt  }
0x5b: {  	_ =	shalt  }
0x5c: {  	_ =	shalt  }
0x5d: {  	_ =	shalt  }
0x5e: {  	_ =	shalt  }
0x5f: {  	_ =	shalt  }
0x60: {  	_ =	shalt  }
0x61: {  	_ =	shalt  }
0x62: {  	_ =	shalt  }
0x63: {  	_ =	shalt  }
0x64: {  	_ =	shalt  }
0x65: {  	_ =	shalt  }
0x66: {  	_ =	shalt  }
0x67: {  	_ =	shalt  }
0x68: {  	_ =	shalt  }
0x69: {  	_ =	shalt  }
0x6a: {  	_ =	shalt  }
0x6b: {  	_ =	shalt  }
0x6c: {  	_ =	shalt  }
0x6d: {  	_ =	shalt  }
0x6e: {  	_ =	shalt  }
0x6f: {  	_ =	shalt  }
0x70: {  	_ =	shalt  }
0x71: {  	_ =	shalt  }
0x72: {  	_ =	shalt  }
0x73: {  	_ =	shalt  }
0x74: {  	_ =	shalt  }
0x75: {  	_ =	shalt  }
0x76: {  	_ =	shalt  }
0x77: {  	_ =	shalt  }
0x78: {  	_ =	shalt  }
0x79: {  	_ =	shalt  }
0x7a: {  	_ =	shalt  }
0x7b: {  	_ =	shalt  }
0x7c: {  	_ =	shalt  }
0x7d: {  	_ =	shalt  }
0x7e: {  	_ =	shalt  }
0x7f: {  	_ =	shalt  }
0x80: {  	_ =	shalt  }
0x81: {  	_ =	shalt  }
0x82: {  	_ =	shalt  }
0x83: {  	_ =	shalt  }
0x84: {  	_ =	shalt  }
0x85: {  	_ =	shalt  }
0x86: {  	_ =	shalt  }
0x87: {  	_ =	shalt  }
.Lfunc_end0:
.L_simem_size_0:
called_computation.2_lowered:
.L_overlay_start_0:
0x88: {  	s2 =	sld [smem:$0x3FD9]  }
0x89: {  	s3 =	sld [smem:$0x3FFE];
	_ =	sdelay $0x1  }
0x8a: {  	s1 =	srdreg.scid  }
0x8b: {  	s0 =	sand.u32 $0x1, s1  }
0x8c: {  	s15 =	sshll.u32 s0, $0xA;
	s2 =	sadd.s32 s3, s2  }
0x8d: {  	s2 =	sadd.s32 s2, s15  }
0x8e: {  	[smem:$0x3FBD] =	sst s2  }
0x8f: {  	_ = 	snop  }
0x90: {  	s2 =	sld [smem:$0x3FD0];
	_ =	sdelay $0x2  }
0x91: {  	s16 =	simm.s32 $0xD;
	s4 =	simm.s32 $0x10  }
0x92: {  	[smem:s4], [sflag:s16] =	dma.local [hbm:s2], $0x1  }
0x93: {  	_ =	swait.eq [sflag:s16], $0x1  }
0x94: {  	[sflag:s16] =	ssyncset.done $0x0  }
0x95: {  	[sflag:s16] =	ssyncadd.s32 $0xFFFFFFFF  }
0x96: {  	s17 =	sld [smem:$0x10];
	(tm) =	ssettm $0x1  }
0x97: {  	s18 =	sld [smem:$0x3FFB];
	_ =	sdelay $0x3  }
0x98: {  	_ =	strace s18  }
0x99: {  	s2 =	sld [smem:$0x3FFC];
	_ =	sdelay $0x3  }
0x9a: {  	_ =	strace s2  }
0x9b: {  	s2 =	sld [smem:$0x3FFD];
	_ =	sdelay $0x3  }
0x9c: {  	_ =	strace s2  }
0x9d: {  	_ =	strace $0x8FFFFFFF  }
0x9e: {  	s19 =	sld [smem:$0x3FDB];
	_ =	sdelay $0x1  }
0x9f: {  	s20 =	simm.s32 $_scs_section_size  }
0xa0: {  	s5 =	simm.s32 $_size__tile_overlayer_lowered;
	s6 =	simm.s32 $_tile_overlayer_lowered  }
0xa1: {  	s7 =	simm.s32 $0x1BFF;
	s21 =	sshll.u32 s6, $0x1;
	s4 =	sadd.s32 s20, s19  }
0xa2: {  	s22 =	simm.s32 $0x0;
	s5 =	sshll.u32 s5, $0x1;
	s6 =	sadd.s32 s21, s4  }
0xa3: {  	[timem:s22], [sflag:s7] =	dma.local [hbm:s6], s5  }
0xa4: {  	_ =	swait.ge [sflag:s7], s5  }
0xa5: {  	s5 =	ssub.s32 $0x0, s5;
	[sflag:s7] =	ssyncset.done $0x0  }
0xa6: {  	[sflag:s7] =	ssyncadd.s32 s5;
	_ =	sdelay $0x1  }
0xa7: {  	s23 =	simm.s32 $0x1B8B  }
0xa8: {  	_ =	swait.ge [sflag:s23], $0x1  }
0xa9: {  	[sflag:s23] =	ssyncset.done $0x0  }
0xaa: {  	[sflag:s23] =	ssyncadd.s32 $0xFFFFFFFF  }
0xab: {  	s5 =	sld [smem:$0x0]  }
0xac: {  	s6 =	sand.u32 $0xFFFFFFFE, s1  }
0xad: {  	p0 =	sne.s32 s1, s6  }
0xae: {  	s6 =	sshll.u32 @p0 s6, $0xE  }
0xaf: {  	s6 =	sadd.s32 @p0 $0x11B8D, s6;
	s7 =	sshll.u32 @p0 s5, $0x11  }
0xb0: {  	s6 =	sor.u32 @p0 s7, s6  }
0xb1: {  	[sflag:s6] =	ssyncadd.remote.s32 @p0 $0x1;
	_ =	sdelay $0x1  }
0xb2: {  	s6 =	simm.s32 @p0 $0x1B8D  }
0xb3: {  	_ =	swait.eq @p0 [sflag:s6], $0x1  }
0xb4: {  	[sflag:s6] =	ssyncadd.s32 @p0 $0xFFFFFFFF  }
0xb5: {  	s7 =	sshll.u32 @!p0 s1, $0xE  }
0xb6: {  	s7 =	sor.u32 @!p0 $0x4000, s7;
	s6 =	simm.s32 @!p0 $0x1B8D  }
0xb7: {  	s5 =	sshll.u32 @!p0 s5, $0x11;
	s7 =	sadd.s32 @!p0 $0x11B8D, s7;
	_ =	swait.eq @!p0 [sflag:s6], $0x1  }
0xb8: {  	s5 =	sor.u32 @!p0 s5, s7;
	[sflag:s6] =	ssyncadd.s32 @!p0 $0xFFFFFFFF  }
0xb9: {  	s25 =	simm.s32 $0x1B8E;
	s24 =	sld [smem:$0x3FFE];
	[sflag:s5] =	ssyncadd.remote.s32 @!p0 $0x1  }
0xba: {  	s26 =	simm.s32 $execute0_lowered;
	[smem:$0x3FD2] =	sst s25  }
0xbb: {  	s6 =	sshll.u32 s26, $0x1;
	_ =	strace $0x8000004C;
	[dreg:$0x1] =	wrdreg $0xFFFFFFFF  }
0xbc: {  	s28 =	simm.s32 $_size_execute0_lowered;
	s4 =	sadd.s32 s4, s6;
	[dreg:$0x0] =	wrdreg $0x0  }
0xbd: {  	s6 =	sshll.u32 s28, $0x1;
	[dreg:$0x2] =	wrdreg s4  }
0xbe: {  	[dreg:$0x3] =	wrdreg s6  }
0xbf: {  	[dreg:$0x4] =	wrdreg $0xC0  }
0xc0: {  	_ =	task [dreg:s22], $0x5FFFF  }
0xc1: {  	[dreg:$0x1] =	wrdreg $0xFFFFFFFF  }
0xc2: {  	[dreg:$0x0] =	wrdreg $0x60  }
0xc3: {  	[dreg:$0x2] =	wrdreg s17  }
0xc4: {  	[dreg:$0x3] =	wrdreg s24  }
0xc5: {  	[dreg:$0x4] =	wrdreg $0xA  }
0xc6: {  	_ =	task.clear_ibuf [dreg:s22], $0x5FFFF;
	_ =	strace $0x9000004C  }
0xc7: {  	s29 =	simm.s32 $0xA;
	_ =	strace $0x8000004E  }
0xc8: {  	_ =	swait.ge [sflag:s29], $0x1  }
0xc9: {  	[sflag:s29] =	ssyncadd.s32 $0xFFFFFFFF  }
0xca: {  	_ =	strace $0x9000004E  }
0xcb: {  	_ =	sfence  }
0xcc: {  	s30 =	sld [smem:$0x0];
	_ =	sdelay $0x2  }
0xcd: {  	s31 =	sshll.u32 s1, $0xD;
	s1 =	sshrl.u32 s1, $0x2  }
0xce: {  	s4 =	sand.u32 $0x4000, s31;
	s1 =	sadd.s32 s1, s30  }
0xcf: {  	s0 =	sor.u32 s4, s0;
	s1 =	sshll.u32 s1, $0x11  }
0xd0: {  	s0 =	sor.u32 s1, s0  }
0xd1: {  	s0 =	sadd.s32 $0x8F2B, s0  }
0xd2: {  	[sflag:s0] =	ssyncadd.remote.s32 $0x1  }
0xd3: {  	_ =	sfence.sel $0xFFFF  }
0xd4: {  	[dreg:$0x0] =	wrdreg $0xFFFFFFFF;
	(pc) =	sbr.abs _section_cstart, $3  }
0xd5: {  	[dreg:$0x1] =	wrdreg $0xFFFFFFFF  }
0xd6: {  	_ =	task.clear_ibuf [dreg:s22], $0x2FFFF;
	_ =	strace $0x9FFFFFFF  }
0xd7: {  	(tm) =	ssettm $0x7FFFFFFF  }
tec
execute0_lowered:
.L_overlay_start_1:
0x0: {  	(tag) =	ssettag $0x1  }
0x1: {  	s2 =	rddreg [dreg:$0x0]  }
0x2: {  	s8 =	rddreg [dreg:$0x1]  }
0x3: {  	s0 =	rddreg [dreg:$0x2];
	s1 =	stileid.u32  }
0x4: {  	s3 =	srdreg.scid;
	_ =	strace $0x8000004D;
	s4 =	simm.s32 $0x1  }
0x5: {  	s7 =	simm.s32 $0x1;
	s9 =	simm.s32 $0x1;
	s10 =	simm.s32 $0x3  }
0x6: {  	s13 =	simm.s32 $0x0;
	s5 =	sand.u32 $0x1, s3;
	s6 =	sshll.u32 s1, $0x1  }
0x7: {  	s12 =	simm.s32 $0x0;
	s3 =	sadd.s32 $0x54D600, s8;
	s5 =	sor.u32 s6, s5  }
.Ltmp0:
0x8: {  	[sflag:s4] =	ssyncpa.u1 $0x0;
	p0 =	slt.u32 s5, $0x9;
	(pc) =	sbr.rel .LBB2_1-.Ltmp0, $4  }
0x9: {  	s6 =	simm.s32 $0x2;
	s7 =	simm.s32 @!p0 $0x0;
	p0 =	sne.s32 s5, $0x8  }
0xa: {  	[sflag:s6] =	ssyncpa.u1 $0x0;
	s5 =	smul.u32 $0xFA0, s5;
	s9 =	simm.s32 @!p0 $0x0  }
0xb: {  	s8 =	sadd.s32 $0xC400, s8;
	[sflag:s10] =	ssyncpa.u1 $0x0;
	s7 =	sadd.s32 s9, s7  }
0xc: {  	vm0 =	vmmov $0xffff;
	s10 =	simm.s32 $0x0;
	s11 =	smov.u32 s5;
	s9 =	sadd.s32 $0x1, s7  }
.LBB2_4:
0xd: {  	v2 =	vnsel vm1, $0x0, v2  }
0xe: {  	vm1 =	vgt.s32 v0, $0x0;
	v2 =	vmin.u32 v2, $0x270FF  }
0xf: {  	v0 =	vnsel vm1, $0x0, v0  }
0x10: {  	v0 =	vmin.u32 v0, $0x270FF  }
0x11: {  	[tilespmem:s18], [sflag:$0x1] =	stream.indirect_vreg.gather [hbm4b:s2+s10], $0x1, v1, vm0, $0x4038;
	[tilespmem:$0x3E80] =	vst v63  }
0x12: {  	(ifvalue) =	ssetifvalue $0x7FFFFFFF  }
0x13: {  	[tilespmem:s15], [sflag:$0x1] =	stream.indirect_vreg.gather [hbm4b:s2+s10], $0x1, v2, vm0, $0x4038;
	[tilespmem:$0x3E80] =	vst v63  }
0x14: {  	s29 =	sadd.s32 $0x10, s15;
	(ifvalue) =	ssetifvalue $0x7FFFFFFF  }
0x15: {  	[tilespmem:s29], [sflag:$0x1] =	stream.indirect_vreg.gather [hbm4b:s2+s10], $0x1, v0, vm0, $0x4038;
	[tilespmem:$0x3E80] =	vst v63  }
0x16: {  	_ =	swait.ge [sflag:s4], $0xFA0  }
0x17: {  	s30 =	sshrl.u32 s13, $0x3;
	[sflag:s4] =	ssyncset.done $0x0  }
0x18: {  	s31 =	sand.u32 $0x7, s13;
	s15 =	sadd.s32 s8, s30;
	[sflag:s4] =	ssyncadd.s32 $0xFFFFF060  }
0x19: {  	[hbm4b:s15+s31] =	stream.linear.scatter [tilespmem:s14], [sflag:$0x3], $0xFA0, $0x38;
	[tilespmem:$0x3E80] =	vst v63  }
.LBB2_5:
0x1a: {  	s15 =	sadd.s32 $0x1F400, s11  }
0x1b: {  	p1 =	sgt.s32 s15, $0x270FF  }
0x1c: {  	s15 =	smov.u32 @p1 s5;
	p1 =	sne.s32 s12, s9  }
.Ltmp1:
0x1d: {  	p0 =	slt.u32 s12, $0x2;
	(pc) =	sbr.rel @!p1 .LBB2_6-.Ltmp1, $4  }
0x1e: {  	s14 =	simm.s32 @!p0 $0x3  }
0x1f: {  	_ =	swait.ge @!p0 [sflag:s14], $0xFA0  }
0x20: {  	s16 =	sadd.s32 $0x1, s12;
	s13 =	smov.u32 s11;
	[sflag:s14] =	ssyncset.done @!p0 $0x0  }
0x21: {  	s12 =	smov.u32 s16;
	s11 =	smov.u32 s15;
	[sflag:s14] =	ssyncadd.s32 @!p0 $0xFFFFF060  }
.LBB2_1:
0x22: {  	p0 =	sge.u32 s12, s7  }
0x23: {  	s14 =	sxor.u32 @!p0 $0x1, s12  }
0x24: {  	s14 =	smul.u32 @!p0 $0x3E80, s14  }
0x25: {  	s31 =	sadd.s32 $0xFFFFFFFF, s12;
	s15 =	sshrl.u32 @!p0 s11, $0x3  }
0x26: {  	s16 =	sand.u32 @!p0 $0x7, s11;
	s15 =	sadd.s32 @!p0 s3, s15;
	s14 =	sshra.s32 @!p0 s14, $0x2  }
0x27: {  	[tilespmem:s14], [sflag:$0x2] =	stream.linear.gather @!p0 [hbm4b:s15+s16], $0xFA0, $0x38;
	[tilespmem:$0x3E80] =	vst v63  }
0x28: {  	p0 =	sge.u32 s31, s7  }
.Ltmp2:
0x29: {  	_ = 	snop;
	(pc) =	sbr.rel @p0 .LBB2_5-.Ltmp2, $1  }
0x2a: {  	_ =	sdelay $0x3  }
0x2b: {  	s14 =	sand.u32 $0x1, s12  }
0x2c: {  	_ =	swait.ge [sflag:s6], $0xFA0;
	p0 =	seq.s32 s14, $0x1;
	s14 =	simm.s32 $0xFA0  }
0x2d: {  	[sflag:s6] =	ssyncset.done $0x0;
	s14 =	simm.s32 @!p0 $0x0  }
0x2e: {  	[sflag:s6] =	ssyncadd.s32 $0xFFFFF060;
	(ifvalue) =	ssetifvalue $0x7FFFFFFF;
	v0 =	vld.msk [tilespmem:s14+$0x0 ss:$0x1], $0xffff;
	_ =	sdelay $0x4  }
0x2f: {  	s15 =	sadd.s32 $0x10, s14;
	vm1 =	vgt.s32 v0, $0x0  }
0x30: {  	v2 =	vld.msk [tilespmem:s15+$0x0 ss:$0x1], $0xffff;
	v1 =	vnsel vm1, $0x0, v0  }
0x31: {  	v1 =	vmin.u32 v1, $0x270FF;
	_ =	sdelay $0x2  }
0x32: {  	s17 =	simm.s32 $0x20;
	s14 =	sadd.s32 $0x1F40, s14;
	s16 =	sadd.s32 $0x10, s15  }
0x33: {  	s15 =	sadd.s32 $0x10, s14;
	s18 =	smov.u32 s14;
	v0 =	vld.msk [tilespmem:s16+$0x0 ss:$0x1], $0xffff;
	vm1 =	vgt.s32 v2, $0x0;
	(ifvalue) =	ssetifvalue $0x7FFFFFFF  }
.LBB2_3:
0x34: {  	[tilespmem:s18], [sflag:$0x1] =	stream.indirect_vreg.gather [hbm4b:s2+s10], $0x1, v1, vm0, $0x4038;
	[tilespmem:$0x3E80] =	vst v63  }
0x35: {  	s17 =	sadd.s32 $0x10, s17  }
0x36: {  	v2 =	vnsel vm1, $0x0, v2;
	p0 =	slt.u32 s17, $0xF90  }
.Ltmp3:
0x37: {  	s18 =	smov.u32 s15;
	v1 =	vmin.u32 v2, $0x270FF;
	(pc) =	sbr.rel @p0 .LBB2_3-.Ltmp3, $3  }
0x38: {  	_ =	sdelay $0x1  }
0x39: {  	s16 =	sadd.s32 $0x10, s16  }
0x3a: {  	vm1 =	vgt.s32 v0, $0x0;
	s15 =	sadd.s32 $0x10, s15;
	v2 =	vmov v0;
	(ifvalue) =	ssetifvalue $0x7FFFFFFF;
	v0 =	vld.msk [tilespmem:s16+$0x0 ss:$0x1], $0xffff  }
.Ltmp4:
0x3b: {  	_ = 	snop;
	(pc) =	sbr.rel .LBB2_4-.Ltmp4, $1  }
0x3c: {  	_ =	sdelay $0x3  }
.LBB2_6:
0x3d: {  	_ =	sfence.sel $0x180000  }
0x3e: {  	s2 =	simm.s32 $0x2;
	[bflag:$0x0] =	sbarrier.arrive $0xFFFF  }
0x3f: {  	s30 =	simm.s32 $0x3;
	[sflag:s2] =	ssyncpa.u1 $0x1  }
0x40: {  	s31 =	simm.s32 $0x1;
	[sflag:s30] =	ssyncpa.u1 $0x1  }
0x41: {  	[sflag:s31] =	ssyncpa.u1 $0x1  }
0x42: {  	p0 =	sne.s32 s1, $0x0;
	_ =	strace $0x9000004D  }
0x43: {  	s0 =	sadd.s32 @!p0 $0x100000, s0;
	[bflag:$0x2] =	sbarrier.arrive $0xFFFF  }
0x44: {  	[sflag:s0] =	ssyncadd.tile.s32 @!p0 $0x1;
	_ =	shalt  }
.Lfunc_end2:
_tile_overlayer_lowered:
.L_overlay_start_2:
0x45: {  	(tag) =	ssettag $0x2  }
0x46: {  	s0 =	rddreg [dreg:$0x0];
	s2 =	stileid.u32  }
0x47: {  	s1 =	rddreg [dreg:$0x1];
	p0 =	sne.s32 s2, $0x0  }
0x48: {  	s3 =	rddreg [dreg:$0x2];
	[bflag:$0x3] =	sbarrier.arrive $0xFFFF;
	s2 =	simm.s32 @!p0 $0x1C01  }
0x49: {  	[timem:s3], [sflag:s2] =	dma.local @!p0 [hbm:s0], s1  }
0x4a: {  	s0 =	simm.s32 @!p0 $0x1  }
0x4b: {  	_ =	swait.ge @!p0 [sflag:s0], s1  }
0x4c: {  	s1 =	ssub.s32 @!p0 $0x0, s1;
	[sflag:s0] =	ssyncset.done @!p0 $0x0  }
0x4d: {  	[sflag:s0] =	ssyncadd.s32 @!p0 s1  }
0x4e: {  	[bflag:$0x3] =	sbarrier.arrive $0xFFFF  }
0x4f: {  	_ =	shalt  }

// kernel: gather_offload_async_start.3
scs
__scs_entry_jumppad:
0x0: {  	(pc) =	sbr.rel $0x88, $3  }
0x1: {  	(tag) =	ssettag $0x0;
	lr =	simm.s32 $0x1  }
0x2: {  	[smem:$0x3F96] =	sst lr;
	_ =	strace $0xD0000000  }
0x3: {  	_ = 	snop  }
0x4: {  	_ = 	snop  }
0x5: {  	_ = 	snop  }
0x6: {  	_ = 	snop  }
0x7: {  	_ = 	snop  }
__scs_overlays_trampoline_lowered:
0x8: {  	[smem:$0x3FA5] =	sst s0  }
0x9: {  	[smem:$0x3FA6] =	sst s1  }
0xa: {  	[smem:$0x3FA7] =	sst s2  }
0xb: {  	[smem:$0x3FA8] =	sst s3  }
0xc: {  	[smem:$0x3FA9] =	sst s4  }
0xd: {  	[smem:$0x3FAA] =	sst s5  }
0xe: {  	[smem:$0x3FAB] =	sst s6  }
0xf: {  	[smem:$0x3FAC] =	sst s7  }
0x10: {  	[smem:$0x3FAD] =	sst s8  }
0x11: {  	[smem:$0x3FAE] =	sst s9;
	s0 =	simm.s32 @!p0 $0x0  }
0x12: {  	s1 =	sld [smem:$0x3F94];
	s0 =	simm.s32 @p0 $0x1  }
0x13: {  	[smem:$0x3FAF] =	sst s0;
	s0 =	simm.s32 @!p1 $0x0  }
0x14: {  	s2 =	sld [smem:$0x3F93];
	s0 =	simm.s32 @p1 $0x1  }
0x15: {  	[smem:$0x3FB0] =	sst s0;
	s0 =	simm.s32 @!p2 $0x0  }
0x16: {  	s3 =	sld [smem:$0x3FDB];
	s0 =	simm.s32 @p2 $0x1  }
0x17: {  	s4 =	simm.s32 $0x1BF5;
	[smem:$0x3FB2] =	sst s0  }
0x18: {  	s0 =	sld [smem:$0x3F95];
	_ =	swait.ge [sflag:s4], $0x0  }
0x19: {  	s7 =	sld [smem:$0x3F96]  }
0x1a: {  	s8 =	sadd.s32 $0xFFFFE003, lr  }
0x1b: {  	s9 =	sadd.s32 $0xFFFFFEF7, lr;
	s5 =	simm.s32 $0xFFFFFFFF;
	p2 =	slt.u32 s8, $0xFFFFF086  }
0x1c: {  	p1 =	slt.u32 s9, $0xF7A;
	s5 =	simm.s32 @!p2 $0x0  }
0x1d: {  	s5 =	simm.s32 @p1 $0x1;
	p0 =	seq.s32 s7, s2  }
0x1e: {  	s7 =	smul.u32 @!p0 $0xF7A, s2;
	p2 =	seq.s32 @!p0 s5, $0x0  }
0x1f: {  	s9 =	smul.u32 $0xF7A, s1;
	s8 =	simm.s32 @!p0 $0x1BF5;
	p2 =	por !p2, p0  }
0x20: {  	[sflag:s8] =	ssyncset.s32 @!p0 $0xFFFFF086;
	s6 =	sadd.s32 @!p0 s3, s7;
	s7 =	simm.s32 @!p0 $0x108  }
0x21: {  	s3 =	sadd.s32 s3, s9;
	s6 =	sadd.s32 @!p0 $0x88, s6;
	s7 =	simm.s32 @p2 $0x1082  }
0x22: {  	[simem:s7], [sflag:s8] =	dma.local @!p0 [hbm:s6], $0xF7A  }
0x23: {  	s9 =	sor.u32 $0xD0000000, s2;
	s6 =	simm.s32 $0x108;
	_ =	swait.ge @!p0 [sflag:s8], $0x0  }
0x24: {  	s3 =	sadd.s32 $0x88, s3;
	s6 =	simm.s32 @!p1 $0x1082;
	[sflag:s4] =	ssyncset.s32 $0xFFFFF086  }
0x25: {  	[simem:s6], [sflag:s4] =	dma.local [hbm:s3], $0xF7A  }
0x26: {  	[smem:$0x3F96] =	sst s1;
	(tag) =	ssettag s2;
	_ =	strace s9  }
0x27: {  	s1 =	sld [smem:$0x3FA6]  }
0x28: {  	s2 =	sld [smem:$0x3FA7]  }
0x29: {  	s4 =	sld [smem:$0x3FA9]  }
0x2a: {  	p0 =	seq.s32 s5, $0x0;
	s5 =	sld [smem:$0x3FAA]  }
0x2b: {  	s6 =	sld [smem:$0x3FAB]  }
0x2c: {  	s7 =	sld [smem:$0x3FAC]  }
0x2d: {  	s3 =	simm.s32 $0x108;
	s8 =	sld [smem:$0x3FAD]  }
0x2e: {  	s3 =	simm.s32 @!p0 $0x1082;
	s9 =	sld [smem:$0x3FAE]  }
0x2f: {  	lr =	sadd.s32 s0, s3;
	s0 =	sld [smem:$0x3FA5]  }
0x30: {  	s3 =	sld [smem:$0x3FA8]  }
0x31: {  	[smem:$0x3FB1] =	sst s10  }
0x32: {  	s10 =	sld [smem:$0x3FAF];
	_ =	sdelay $0x3  }
0x33: {  	p0 =	seq.s32 s10, $0x1;
	s10 =	sld [smem:$0x3FB1];
	_ =	sdelay $0x3  }
0x34: {  	[smem:$0x3FB1] =	sst s10  }
0x35: {  	s10 =	sld [smem:$0x3FB0];
	_ =	sdelay $0x3  }
0x36: {  	p1 =	seq.s32 s10, $0x1;
	s10 =	sld [smem:$0x3FB1];
	_ =	sdelay $0x3  }
0x37: {  	[smem:$0x3FB1] =	sst s10  }
0x38: {  	s10 =	sld [smem:$0x3FB2]  }
0x39: {  	_ = 	snop;
	(pc) =	sbr.ind lr, $3  }
0x3a: {  	_ = 	snop  }
0x3b: {  	_ = 	snop  }
0x3c: {  	p2 =	seq.s32 s10, $0x1;
	s10 =	sld [smem:$0x3FB1]  }
0x3d: {  	_ =	shalt  }
0x3e: {  	_ =	shalt  }
0x3f: {  	_ =	shalt  }
0x40: {  	_ =	shalt  }
0x41: {  	_ =	shalt  }
0x42: {  	_ =	shalt  }
0x43: {  	_ =	shalt  }
0x44: {  	_ =	shalt  }
0x45: {  	_ =	shalt  }
0x46: {  	_ =	shalt  }
0x47: {  	_ =	shalt  }
0x48: {  	_ =	shalt  }
0x49: {  	_ =	shalt  }
0x4a: {  	_ =	shalt  }
0x4b: {  	_ =	shalt  }
0x4c: {  	_ =	shalt  }
0x4d: {  	_ =	shalt  }
0x4e: {  	_ =	shalt  }
0x4f: {  	_ =	shalt  }
0x50: {  	_ =	shalt  }
0x51: {  	_ =	shalt  }
0x52: {  	_ =	shalt  }
0x53: {  	_ =	shalt  }
0x54: {  	_ =	shalt  }
0x55: {  	_ =	shalt  }
0x56: {  	_ =	shalt  }
0x57: {  	_ =	shalt  }
0x58: {  	_ =	shalt  }
0x59: {  	_ =	shalt  }
0x5a: {  	_ =	shalt  }
0x5b: {  	_ =	shalt  }
0x5c: {  	_ =	shalt  }
0x5d: {  	_ =	shalt  }
0x5e: {  	_ =	shalt  }
0x5f: {  	_ =	shalt  }
0x60: {  	_ =	shalt  }
0x61: {  	_ =	shalt  }
0x62: {  	_ =	shalt  }
0x63: {  	_ =	shalt  }
0x64: {  	_ =	shalt  }
0x65: {  	_ =	shalt  }
0x66: {  	_ =	shalt  }
0x67: {  	_ =	shalt  }
0x68: {  	_ =	shalt  }
0x69: {  	_ =	shalt  }
0x6a: {  	_ =	shalt  }
0x6b: {  	_ =	shalt  }
0x6c: {  	_ =	shalt  }
0x6d: {  	_ =	shalt  }
0x6e: {  	_ =	shalt  }
0x6f: {  	_ =	shalt  }
0x70: {  	_ =	shalt  }
0x71: {  	_ =	shalt  }
0x72: {  	_ =	shalt  }
0x73: {  	_ =	shalt  }
0x74: {  	_ =	shalt  }
0x75: {  	_ =	shalt  }
0x76: {  	_ =	shalt  }
0x77: {  	_ =	shalt  }
0x78: {  	_ =	shalt  }
0x79: {  	_ =	shalt  }
0x7a: {  	_ =	shalt  }
0x7b: {  	_ =	shalt  }
0x7c: {  	_ =	shalt  }
0x7d: {  	_ =	shalt  }
0x7e: {  	_ =	shalt  }
0x7f: {  	_ =	shalt  }
0x80: {  	_ =	shalt  }
0x81: {  	_ =	shalt  }
0x82: {  	_ =	shalt  }
0x83: {  	_ =	shalt  }
0x84: {  	_ =	shalt  }
0x85: {  	_ =	shalt  }
0x86: {  	_ =	shalt  }
0x87: {  	_ =	shalt  }
.Lfunc_end0:
.L_simem_size_0:
called_computation.3_lowered:
.L_overlay_start_0:
0x88: {  	s2 =	sld [smem:$0x3FD9]  }
0x89: {  	s3 =	sld [smem:$0x3FFE];
	_ =	sdelay $0x1  }
0x8a: {  	s1 =	srdreg.scid  }
0x8b: {  	s0 =	sand.u32 $0x1, s1  }
0x8c: {  	s17 =	sshll.u32 s0, $0xA;
	s2 =	sadd.s32 s3, s2  }
0x8d: {  	s2 =	sadd.s32 s2, s17  }
0x8e: {  	[smem:$0x3FBD] =	sst s2  }
0x8f: {  	_ = 	snop  }
0x90: {  	(tm) =	ssettm $0x1  }
0x91: {  	s18 =	sld [smem:$0x3FFB];
	_ =	sdelay $0x3  }
0x92: {  	_ =	strace s18  }
0x93: {  	s2 =	sld [smem:$0x3FFC];
	_ =	sdelay $0x3  }
0x94: {  	_ =	strace s2  }
0x95: {  	s2 =	sld [smem:$0x3FFD];
	_ =	sdelay $0x3  }
0x96: {  	_ =	strace s2  }
0x97: {  	_ =	strace $0x8FFFFFFF  }
0x98: {  	s19 =	sld [smem:$0x3FDB];
	_ =	sdelay $0x1  }
0x99: {  	s20 =	simm.s32 $_scs_section_size  }
0x9a: {  	s4 =	simm.s32 $_size__tile_overlayer_lowered;
	s5 =	simm.s32 $_tile_overlayer_lowered  }
0x9b: {  	s6 =	simm.s32 $0x1BFF;
	s21 =	sshll.u32 s5, $0x1;
	s3 =	sadd.s32 s20, s19  }
0x9c: {  	s22 =	simm.s32 $0x0;
	s4 =	sshll.u32 s4, $0x1;
	s5 =	sadd.s32 s21, s3  }
0x9d: {  	[timem:s22], [sflag:s6] =	dma.local [hbm:s5], s4  }
0x9e: {  	_ =	swait.ge [sflag:s6], s4  }
0x9f: {  	s4 =	ssub.s32 $0x0, s4;
	[sflag:s6] =	ssyncset.done $0x0  }
0xa0: {  	[sflag:s6] =	ssyncadd.s32 s4;
	_ =	sdelay $0x1  }
0xa1: {  	s23 =	simm.s32 $0x1B8B  }
0xa2: {  	_ =	swait.ge [sflag:s23], $0x1  }
0xa3: {  	[sflag:s23] =	ssyncset.done $0x0  }
0xa4: {  	[sflag:s23] =	ssyncadd.s32 $0xFFFFFFFF  }
0xa5: {  	s4 =	sld [smem:$0x0]  }
0xa6: {  	s5 =	sand.u32 $0xFFFFFFFE, s1  }
0xa7: {  	p0 =	sne.s32 s1, s5  }
0xa8: {  	s5 =	sshll.u32 @p0 s5, $0xE  }
0xa9: {  	s5 =	sadd.s32 @p0 $0x11B8D, s5;
	s6 =	sshll.u32 @p0 s4, $0x11  }
0xaa: {  	s5 =	sor.u32 @p0 s6, s5  }
0xab: {  	[sflag:s5] =	ssyncadd.remote.s32 @p0 $0x1;
	_ =	sdelay $0x1  }
0xac: {  	s5 =	simm.s32 @p0 $0x1B8D  }
0xad: {  	_ =	swait.eq @p0 [sflag:s5], $0x1  }
0xae: {  	[sflag:s5] =	ssyncadd.s32 @p0 $0xFFFFFFFF  }
0xaf: {  	s6 =	sshll.u32 @!p0 s1, $0xE  }
0xb0: {  	s6 =	sor.u32 @!p0 $0x4000, s6;
	s5 =	simm.s32 @!p0 $0x1B8D  }
0xb1: {  	s4 =	sshll.u32 @!p0 s4, $0x11;
	s6 =	sadd.s32 @!p0 $0x11B8D, s6;
	_ =	swait.eq @!p0 [sflag:s5], $0x1  }
0xb2: {  	s4 =	sor.u32 @!p0 s4, s6;
	[sflag:s5] =	ssyncadd.s32 @!p0 $0xFFFFFFFF  }
0xb3: {  	s25 =	simm.s32 $0x1B8E;
	s24 =	sld [smem:$0x3FFE];
	[sflag:s4] =	ssyncadd.remote.s32 @!p0 $0x1  }
0xb4: {  	s26 =	simm.s32 $execute0_lowered;
	[smem:$0x3FD2] =	sst s25  }
0xb5: {  	s5 =	sshll.u32 s26, $0x1;
	_ =	strace $0x80000049;
	[dreg:$0x1] =	wrdreg $0xFFFFFFFF  }
0xb6: {  	s28 =	simm.s32 $_size_execute0_lowered;
	s3 =	sadd.s32 s3, s5;
	[dreg:$0x0] =	wrdreg $0x0  }
0xb7: {  	s5 =	sshll.u32 s28, $0x1;
	[dreg:$0x2] =	wrdreg s3  }
0xb8: {  	[dreg:$0x3] =	wrdreg s5  }
0xb9: {  	[dreg:$0x4] =	wrdreg $0xC0  }
0xba: {  	_ =	task [dreg:s22], $0x5FFFF  }
0xbb: {  	[dreg:$0x1] =	wrdreg $0xFFFFFFFF  }
0xbc: {  	[dreg:$0x0] =	wrdreg $0x60  }
0xbd: {  	[dreg:$0x2] =	wrdreg s24  }
0xbe: {  	[dreg:$0x3] =	wrdreg $0x9  }
0xbf: {  	_ =	task.clear_ibuf [dreg:s22], $0x4FFFF;
	_ =	strace $0x90000049  }
0xc0: {  	s29 =	simm.s32 $0x9;
	_ =	strace $0x8000004B  }
0xc1: {  	_ =	swait.ge [sflag:s29], $0x1  }
0xc2: {  	[sflag:s29] =	ssyncadd.s32 $0xFFFFFFFF  }
0xc3: {  	_ =	strace $0x9000004B  }
0xc4: {  	_ =	sfence  }
0xc5: {  	s30 =	sld [smem:$0x0];
	_ =	sdelay $0x2  }
0xc6: {  	s31 =	sshll.u32 s1, $0xD;
	s1 =	sshrl.u32 s1, $0x2  }
0xc7: {  	s4 =	sand.u32 $0x4000, s31;
	s1 =	sadd.s32 s1, s30  }
0xc8: {  	s0 =	sor.u32 s4, s0;
	s1 =	sshll.u32 s1, $0x11  }
0xc9: {  	s0 =	sor.u32 s1, s0  }
0xca: {  	s0 =	sadd.s32 $0x8F2B, s0  }
0xcb: {  	[sflag:s0] =	ssyncadd.remote.s32 $0x1  }
0xcc: {  	_ =	sfence.sel $0xFFFF  }
0xcd: {  	[dreg:$0x0] =	wrdreg $0xFFFFFFFF;
	(pc) =	sbr.abs _section_cstart, $3  }
0xce: {  	[dreg:$0x1] =	wrdreg $0xFFFFFFFF  }
0xcf: {  	_ =	task.clear_ibuf [dreg:s22], $0x2FFFF;
	_ =	strace $0x9FFFFFFF  }
0xd0: {  	(tm) =	ssettm $0x7FFFFFFF  }
0xd1: {  	_ =	shalt  }
tec
execute0_lowered:
.L_overlay_start_1:
0x0: {  	(tag) =	ssettag $0x1  }
0x1: {  	s8 =	rddreg [dreg:$0x0]  }
0x2: {  	s0 =	rddreg [dreg:$0x1];
	_ =	strace $0x8000004A;
	s1 =	stileid.u32  }
0x3: {  	s3 =	srdreg.scid;
	s4 =	simm.s32 $0x1;
	s7 =	simm.s32 $0x1  }
0x4: {  	s9 =	simm.s32 $0x1;
	s10 =	simm.s32 $0x3;
	s13 =	simm.s32 $0x0  }
0x5: {  	s12 =	simm.s32 $0x0;
	s5 =	sand.u32 $0x1, s3;
	s6 =	sshll.u32 s1, $0x1  }
0x6: {  	s2 =	sadd.s32 $0x7400, s8;
	s3 =	sadd.s32 $0x548600, s8;
	s5 =	sor.u32 s6, s5  }
.Ltmp0:
0x7: {  	[sflag:s4] =	ssyncpa.u1 $0x0;
	p0 =	slt.u32 s5, $0x9;
	(pc) =	sbr.rel .LBB2_1-.Ltmp0, $4  }
0x8: {  	s6 =	simm.s32 $0x2;
	s7 =	simm.s32 @!p0 $0x0;
	p0 =	sne.s32 s5, $0x8  }
0x9: {  	[sflag:s6] =	ssyncpa.u1 $0x0;
	s5 =	smul.u32 $0xFA0, s5;
	s9 =	simm.s32 @!p0 $0x0  }
0xa: {  	s8 =	sadd.s32 $0x552600, s8;
	[sflag:s10] =	ssyncpa.u1 $0x0;
	s7 =	sadd.s32 s9, s7  }
0xb: {  	vm0 =	vmmov $0xffff;
	s10 =	simm.s32 $0x0;
	s11 =	smov.u32 s5;
	s9 =	sadd.s32 $0x1, s7  }
.LBB2_4:
0xc: {  	v2 =	vnsel vm1, $0x0, v2  }
0xd: {  	vm1 =	vgt.s32 v0, $0x0;
	v2 =	vmin.u32 v2, $0x270FF  }
0xe: {  	v0 =	vnsel vm1, $0x0, v0  }
0xf: {  	v0 =	vmin.u32 v0, $0x270FF  }
0x10: {  	[tilespmem:s18], [sflag:$0x1] =	stream.indirect_vreg.gather [hbm4b:s2+s10], $0x1, v1, vm0, $0x4038;
	[tilespmem:$0x3E80] =	vst v63  }
0x11: {  	(ifvalue) =	ssetifvalue $0x7FFFFFFF  }
0x12: {  	[tilespmem:s15], [sflag:$0x1] =	stream.indirect_vreg.gather [hbm4b:s2+s10], $0x1, v2, vm0, $0x4038;
	[tilespmem:$0x3E80] =	vst v63  }
0x13: {  	s29 =	sadd.s32 $0x10, s15;
	(ifvalue) =	ssetifvalue $0x7FFFFFFF  }
0x14: {  	[tilespmem:s29], [sflag:$0x1] =	stream.indirect_vreg.gather [hbm4b:s2+s10], $0x1, v0, vm0, $0x4038;
	[tilespmem:$0x3E80] =	vst v63  }
0x15: {  	_ =	swait.ge [sflag:s4], $0xFA0  }
0x16: {  	s30 =	sshrl.u32 s13, $0x3;
	[sflag:s4] =	ssyncset.done $0x0  }
0x17: {  	s31 =	sand.u32 $0x7, s13;
	s15 =	sadd.s32 s8, s30;
	[sflag:s4] =	ssyncadd.s32 $0xFFFFF060  }
0x18: {  	[hbm4b:s15+s31] =	stream.linear.scatter [tilespmem:s14], [sflag:$0x3], $0xFA0, $0x38;
	[tilespmem:$0x3E80] =	vst v63  }
.LBB2_5:
0x19: {  	s15 =	sadd.s32 $0x1F400, s11  }
0x1a: {  	p1 =	sgt.s32 s15, $0x270FF  }
0x1b: {  	s15 =	smov.u32 @p1 s5;
	p1 =	sne.s32 s12, s9  }
.Ltmp1:
0x1c: {  	p0 =	slt.u32 s12, $0x2;
	(pc) =	sbr.rel @!p1 .LBB2_6-.Ltmp1, $4  }
0x1d: {  	s14 =	simm.s32 @!p0 $0x3  }
0x1e: {  	_ =	swait.ge @!p0 [sflag:s14], $0xFA0  }
0x1f: {  	s16 =	sadd.s32 $0x1, s12;
	s13 =	smov.u32 s11;
	[sflag:s14] =	ssyncset.done @!p0 $0x0  }
0x20: {  	s12 =	smov.u32 s16;
	s11 =	smov.u32 s15;
	[sflag:s14] =	ssyncadd.s32 @!p0 $0xFFFFF060  }
.LBB2_1:
0x21: {  	p0 =	sge.u32 s12, s7  }
0x22: {  	s14 =	sxor.u32 @!p0 $0x1, s12  }
0x23: {  	s14 =	smul.u32 @!p0 $0x3E80, s14  }
0x24: {  	s31 =	sadd.s32 $0xFFFFFFFF, s12;
	s15 =	sshrl.u32 @!p0 s11, $0x3  }
0x25: {  	s16 =	sand.u32 @!p0 $0x7, s11;
	s15 =	sadd.s32 @!p0 s3, s15;
	s14 =	sshra.s32 @!p0 s14, $0x2  }
0x26: {  	[tilespmem:s14], [sflag:$0x2] =	stream.linear.gather @!p0 [hbm4b:s15+s16], $0xFA0, $0x38;
	[tilespmem:$0x3E80] =	vst v63  }
0x27: {  	p0 =	sge.u32 s31, s7  }
.Ltmp2:
0x28: {  	_ = 	snop;
	(pc) =	sbr.rel @p0 .LBB2_5-.Ltmp2, $1  }
0x29: {  	_ =	sdelay $0x3  }
0x2a: {  	s14 =	sand.u32 $0x1, s12  }
0x2b: {  	_ =	swait.ge [sflag:s6], $0xFA0;
	p0 =	seq.s32 s14, $0x1;
	s14 =	simm.s32 $0xFA0  }
0x2c: {  	[sflag:s6] =	ssyncset.done $0x0;
	s14 =	simm.s32 @!p0 $0x0  }
0x2d: {  	[sflag:s6] =	ssyncadd.s32 $0xFFFFF060;
	(ifvalue) =	ssetifvalue $0x7FFFFFFF;
	v0 =	vld.msk [tilespmem:s14+$0x0 ss:$0x1], $0xffff;
	_ =	sdelay $0x4  }
0x2e: {  	s15 =	sadd.s32 $0x10, s14;
	vm1 =	vgt.s32 v0, $0x0  }
0x2f: {  	v2 =	vld.msk [tilespmem:s15+$0x0 ss:$0x1], $0xffff;
	v1 =	vnsel vm1, $0x0, v0  }
0x30: {  	v1 =	vmin.u32 v1, $0x270FF;
	_ =	sdelay $0x2  }
0x31: {  	s17 =	simm.s32 $0x20;
	s14 =	sadd.s32 $0x1F40, s14;
	s16 =	sadd.s32 $0x10, s15  }
0x32: {  	s15 =	sadd.s32 $0x10, s14;
	s18 =	smov.u32 s14;
	v0 =	vld.msk [tilespmem:s16+$0x0 ss:$0x1], $0xffff;
	vm1 =	vgt.s32 v2, $0x0;
	(ifvalue) =	ssetifvalue $0x7FFFFFFF  }
.LBB2_3:
0x33: {  	[tilespmem:s18], [sflag:$0x1] =	stream.indirect_vreg.gather [hbm4b:s2+s10], $0x1, v1, vm0, $0x4038;
	[tilespmem:$0x3E80] =	vst v63  }
0x34: {  	s17 =	sadd.s32 $0x10, s17  }
0x35: {  	v2 =	vnsel vm1, $0x0, v2;
	p0 =	slt.u32 s17, $0xF90  }
.Ltmp3:
0x36: {  	s18 =	smov.u32 s15;
	v1 =	vmin.u32 v2, $0x270FF;
	(pc) =	sbr.rel @p0 .LBB2_3-.Ltmp3, $3  }
0x37: {  	_ =	sdelay $0x1  }
0x38: {  	s16 =	sadd.s32 $0x10, s16  }
0x39: {  	vm1 =	vgt.s32 v0, $0x0;
	s15 =	sadd.s32 $0x10, s15;
	v2 =	vmov v0;
	(ifvalue) =	ssetifvalue $0x7FFFFFFF;
	v0 =	vld.msk [tilespmem:s16+$0x0 ss:$0x1], $0xffff  }
.Ltmp4:
0x3a: {  	_ = 	snop;
	(pc) =	sbr.rel .LBB2_4-.Ltmp4, $1  }
0x3b: {  	_ =	sdelay $0x3  }
.LBB2_6:
0x3c: {  	_ =	sfence.sel $0x180000  }
0x3d: {  	s2 =	simm.s32 $0x2;
	[bflag:$0x0] =	sbarrier.arrive $0xFFFF  }
0x3e: {  	s30 =	simm.s32 $0x3;
	[sflag:s2] =	ssyncpa.u1 $0x1  }
0x3f: {  	s31 =	simm.s32 $0x1;
	[sflag:s30] =	ssyncpa.u1 $0x1  }
0x40: {  	[sflag:s31] =	ssyncpa.u1 $0x1  }
0x41: {  	p0 =	sne.s32 s1, $0x0;
	_ =	strace $0x9000004A  }
0x42: {  	s0 =	sadd.s32 @!p0 $0x100000, s0;
	[bflag:$0x2] =	sbarrier.arrive $0xFFFF  }
0x43: {  	[sflag:s0] =	ssyncadd.tile.s32 @!p0 $0x1;
	_ =	shalt  }
.Lfunc_end2:
_tile_overlayer_lowered:
.L_overlay_start_2:
0x44: {  	(tag) =	ssettag $0x2  }
0x45: {  	s0 =	rddreg [dreg:$0x0];
	s2 =	stileid.u32  }
0x46: {  	s1 =	rddreg [dreg:$0x1];
	p0 =	sne.s32 s2, $0x0  }
0x47: {  	s3 =	rddreg [dreg:$0x2];
	[bflag:$0x3] =	sbarrier.arrive $0xFFFF;
	s2 =	simm.s32 @!p0 $0x1C01  }
0x48: {  	[timem:s3], [sflag:s2] =	dma.local @!p0 [hbm:s0], s1  }
0x49: {  	s0 =	simm.s32 @!p0 $0x1  }
0x4a: {  	_ =	swait.ge @!p0 [sflag:s0], s1  }
0x4b: {  	s1 =	ssub.s32 @!p0 $0x0, s1;
	[sflag:s0] =	ssyncset.done @!p0 $0x0  }
0x4c: {  	[sflag:s0] =	ssyncadd.s32 @!p0 s1  }
0x4d: {  	[bflag:$0x3] =	sbarrier.arrive $0xFFFF  }
0x4e: {  	_ =	shalt  }

// kernel: gather_offload_async_start
scs
__scs_entry_jumppad:
0x0: {  	(pc) =	sbr.rel $0x88, $3  }
0x1: {  	(tag) =	ssettag $0x0;
	lr =	simm.s32 $0x1  }
0x2: {  	[smem:$0x3F96] =	sst lr;
	_ =	strace $0xD0000000  }
0x3: {  	_ = 	snop  }
0x4: {  	_ = 	snop  }
0x5: {  	_ = 	snop  }
0x6: {  	_ = 	snop  }
0x7: {  	_ = 	snop  }
__scs_overlays_trampoline_lowered:
0x8: {  	[smem:$0x3FA5] =	sst s0  }
0x9: {  	[smem:$0x3FA6] =	sst s1  }
0xa: {  	[smem:$0x3FA7] =	sst s2  }
0xb: {  	[smem:$0x3FA8] =	sst s3  }
0xc: {  	[smem:$0x3FA9] =	sst s4  }
0xd: {  	[smem:$0x3FAA] =	sst s5  }
0xe: {  	[smem:$0x3FAB] =	sst s6  }
0xf: {  	[smem:$0x3FAC] =	sst s7  }
0x10: {  	[smem:$0x3FAD] =	sst s8  }
0x11: {  	[smem:$0x3FAE] =	sst s9;
	s0 =	simm.s32 @!p0 $0x0  }
0x12: {  	s1 =	sld [smem:$0x3F94];
	s0 =	simm.s32 @p0 $0x1  }
0x13: {  	[smem:$0x3FAF] =	sst s0;
	s0 =	simm.s32 @!p1 $0x0  }
0x14: {  	s2 =	sld [smem:$0x3F93];
	s0 =	simm.s32 @p1 $0x1  }
0x15: {  	[smem:$0x3FB0] =	sst s0;
	s0 =	simm.s32 @!p2 $0x0  }
0x16: {  	s3 =	sld [smem:$0x3FDB];
	s0 =	simm.s32 @p2 $0x1  }
0x17: {  	s4 =	simm.s32 $0x1BF5;
	[smem:$0x3FB2] =	sst s0  }
0x18: {  	s0 =	sld [smem:$0x3F95];
	_ =	swait.ge [sflag:s4], $0x0  }
0x19: {  	s7 =	sld [smem:$0x3F96]  }
0x1a: {  	s8 =	sadd.s32 $0xFFFFE003, lr  }
0x1b: {  	s9 =	sadd.s32 $0xFFFFFEF7, lr;
	s5 =	simm.s32 $0xFFFFFFFF;
	p2 =	slt.u32 s8, $0xFFFFF086  }
0x1c: {  	p1 =	slt.u32 s9, $0xF7A;
	s5 =	simm.s32 @!p2 $0x0  }
0x1d: {  	s5 =	simm.s32 @p1 $0x1;
	p0 =	seq.s32 s7, s2  }
0x1e: {  	s7 =	smul.u32 @!p0 $0xF7A, s2;
	p2 =	seq.s32 @!p0 s5, $0x0  }
0x1f: {  	s9 =	smul.u32 $0xF7A, s1;
	s8 =	simm.s32 @!p0 $0x1BF5;
	p2 =	por !p2, p0  }
0x20: {  	[sflag:s8] =	ssyncset.s32 @!p0 $0xFFFFF086;
	s6 =	sadd.s32 @!p0 s3, s7;
	s7 =	simm.s32 @!p0 $0x108  }
0x21: {  	s3 =	sadd.s32 s3, s9;
	s6 =	sadd.s32 @!p0 $0x88, s6;
	s7 =	simm.s32 @p2 $0x1082  }
0x22: {  	[simem:s7], [sflag:s8] =	dma.local @!p0 [hbm:s6], $0xF7A  }
0x23: {  	s9 =	sor.u32 $0xD0000000, s2;
	s6 =	simm.s32 $0x108;
	_ =	swait.ge @!p0 [sflag:s8], $0x0  }
0x24: {  	s3 =	sadd.s32 $0x88, s3;
	s6 =	simm.s32 @!p1 $0x1082;
	[sflag:s4] =	ssyncset.s32 $0xFFFFF086  }
0x25: {  	[simem:s6], [sflag:s4] =	dma.local [hbm:s3], $0xF7A  }
0x26: {  	[smem:$0x3F96] =	sst s1;
	(tag) =	ssettag s2;
	_ =	strace s9  }
0x27: {  	s1 =	sld [smem:$0x3FA6]  }
0x28: {  	s2 =	sld [smem:$0x3FA7]  }
0x29: {  	s4 =	sld [smem:$0x3FA9]  }
0x2a: {  	p0 =	seq.s32 s5, $0x0;
	s5 =	sld [smem:$0x3FAA]  }
0x2b: {  	s6 =	sld [smem:$0x3FAB]  }
0x2c: {  	s7 =	sld [smem:$0x3FAC]  }
0x2d: {  	s3 =	simm.s32 $0x108;
	s8 =	sld [smem:$0x3FAD]  }
0x2e: {  	s3 =	simm.s32 @!p0 $0x1082;
	s9 =	sld [smem:$0x3FAE]  }
0x2f: {  	lr =	sadd.s32 s0, s3;
	s0 =	sld [smem:$0x3FA5]  }
0x30: {  	s3 =	sld [smem:$0x3FA8]  }
0x31: {  	[smem:$0x3FB1] =	sst s10  }
0x32: {  	s10 =	sld [smem:$0x3FAF];
	_ =	sdelay $0x3  }
0x33: {  	p0 =	seq.s32 s10, $0x1;
	s10 =	sld [smem:$0x3FB1];
	_ =	sdelay $0x3  }
0x34: {  	[smem:$0x3FB1] =	sst s10  }
0x35: {  	s10 =	sld [smem:$0x3FB0];
	_ =	sdelay $0x3  }
0x36: {  	p1 =	seq.s32 s10, $0x1;
	s10 =	sld [smem:$0x3FB1];
	_ =	sdelay $0x3  }
0x37: {  	[smem:$0x3FB1] =	sst s10  }
0x38: {  	s10 =	sld [smem:$0x3FB2]  }
0x39: {  	_ = 	snop;
	(pc) =	sbr.ind lr, $3  }
0x3a: {  	_ = 	snop  }
0x3b: {  	_ = 	snop  }
0x3c: {  	p2 =	seq.s32 s10, $0x1;
	s10 =	sld [smem:$0x3FB1]  }
0x3d: {  	_ =	shalt  }
0x3e: {  	_ =	shalt  }
0x3f: {  	_ =	shalt  }
0x40: {  	_ =	shalt  }
0x41: {  	_ =	shalt  }
0x42: {  	_ =	shalt  }
0x43: {  	_ =	shalt  }
0x44: {  	_ =	shalt  }
0x45: {  	_ =	shalt  }
0x46: {  	_ =	shalt  }
0x47: {  	_ =	shalt  }
0x48: {  	_ =	shalt  }
0x49: {  	_ =	shalt  }
0x4a: {  	_ =	shalt  }
0x4b: {  	_ =	shalt  }
0x4c: {  	_ =	shalt  }
0x4d: {  	_ =	shalt  }
0x4e: {  	_ =	shalt  }
0x4f: {  	_ =	shalt  }
0x50: {  	_ =	shalt  }
0x51: {  	_ =	shalt  }
0x52: {  	_ =	shalt  }
0x53: {  	_ =	shalt  }
0x54: {  	_ =	shalt  }
0x55: {  	_ =	shalt  }
0x56: {  	_ =	shalt  }
0x57: {  	_ =	shalt  }
0x58: {  	_ =	shalt  }
0x59: {  	_ =	shalt  }
0x5a: {  	_ =	shalt  }
0x5b: {  	_ =	shalt  }
0x5c: {  	_ =	shalt  }
0x5d: {  	_ =	shalt  }
0x5e: {  	_ =	shalt  }
0x5f: {  	_ =	shalt  }
0x60: {  	_ =	shalt  }
0x61: {  	_ =	shalt  }
0x62: {  	_ =	shalt  }
0x63: {  	_ =	shalt  }
0x64: {  	_ =	shalt  }
0x65: {  	_ =	shalt  }
0x66: {  	_ =	shalt  }
0x67: {  	_ =	shalt  }
0x68: {  	_ =	shalt  }
0x69: {  	_ =	shalt  }
0x6a: {  	_ =	shalt  }
0x6b: {  	_ =	shalt  }
0x6c: {  	_ =	shalt  }
0x6d: {  	_ =	shalt  }
0x6e: {  	_ =	shalt  }
0x6f: {  	_ =	shalt  }
0x70: {  	_ =	shalt  }
0x71: {  	_ =	shalt  }
0x72: {  	_ =	shalt  }
0x73: {  	_ =	shalt  }
0x74: {  	_ =	shalt  }
0x75: {  	_ =	shalt  }
0x76: {  	_ =	shalt  }
0x77: {  	_ =	shalt  }
0x78: {  	_ =	shalt  }
0x79: {  	_ =	shalt  }
0x7a: {  	_ =	shalt  }
0x7b: {  	_ =	shalt  }
0x7c: {  	_ =	shalt  }
0x7d: {  	_ =	shalt  }
0x7e: {  	_ =	shalt  }
0x7f: {  	_ =	shalt  }
0x80: {  	_ =	shalt  }
0x81: {  	_ =	shalt  }
0x82: {  	_ =	shalt  }
0x83: {  	_ =	shalt  }
0x84: {  	_ =	shalt  }
0x85: {  	_ =	shalt  }
0x86: {  	_ =	shalt  }
0x87: {  	_ =	shalt  }
.Lfunc_end0:
.L_simem_size_0:
called_computation_lowered:
.L_overlay_start_0:
0x88: {  	s0 =	sld [smem:$0x3FD9]  }
0x89: {  	s1 =	sld [smem:$0x3FFE];
	_ =	sdelay $0x3  }
0x8a: {  	s0 =	sadd.s32 s1, s0  }
0x8b: {  	[smem:$0x3FBD] =	sst s0  }
0x8c: {  	_ = 	snop  }
0x8d: {  	s0 =	sld [smem:$0x3FD0];
	_ =	sdelay $0x2  }
0x8e: {  	s13 =	simm.s32 $0xD;
	s2 =	simm.s32 $0x10  }
0x8f: {  	[smem:s2], [sflag:s13] =	dma.local [hbm:s0], $0x1  }
0x90: {  	_ =	swait.eq [sflag:s13], $0x1  }
0x91: {  	[sflag:s13] =	ssyncset.done $0x0  }
0x92: {  	[sflag:s13] =	ssyncadd.s32 $0xFFFFFFFF  }
0x93: {  	s14 =	sld [smem:$0x11];
	(tm) =	ssettm $0x1  }
0x94: {  	s15 =	sld [smem:$0x3FFB];
	_ =	sdelay $0x3  }
0x95: {  	_ =	strace s15  }
0x96: {  	s1 =	sld [smem:$0x3FFC];
	_ =	sdelay $0x3  }
0x97: {  	_ =	strace s1  }
0x98: {  	s1 =	sld [smem:$0x3FFD];
	_ =	sdelay $0x3  }
0x99: {  	_ =	strace s1  }
0x9a: {  	_ =	strace $0x8FFFFFFF  }
0x9b: {  	s16 =	sld [smem:$0x3FDB];
	_ =	sdelay $0x1  }
0x9c: {  	s17 =	simm.s32 $_scs_section_size  }
0x9d: {  	s3 =	simm.s32 $_size__tile_overlayer_lowered;
	s4 =	simm.s32 $_tile_overlayer_lowered  }
0x9e: {  	s20 =	simm.s32 $0x1BFF;
	s19 =	sshll.u32 s4, $0x1;
	s1 =	sadd.s32 s17, s16  }
0x9f: {  	s5 =	simm.s32 $0x0;
	s18 =	sshll.u32 s3, $0x1;
	s3 =	sadd.s32 s19, s1  }
0xa0: {  	[timem:s5], [sflag:s20] =	dma.local [hbm:s3], s18  }
0xa1: {  	_ =	swait.ge [sflag:s20], s18  }
0xa2: {  	s2 =	ssub.s32 $0x0, s18;
	[sflag:s20] =	ssyncset.done $0x0  }
0xa3: {  	[sflag:s20] =	ssyncadd.s32 s2;
	_ =	sdelay $0x1  }
0xa4: {  	s21 =	simm.s32 $0x1B8B  }
0xa5: {  	_ =	swait.ge [sflag:s21], $0x1  }
0xa6: {  	[sflag:s21] =	ssyncset.done $0x0  }
0xa7: {  	s23 =	simm.s32 $0x1B8E;
	s22 =	sld [smem:$0x3FFE];
	[sflag:s21] =	ssyncadd.s32 $0xFFFFFFFF  }
0xa8: {  	s24 =	simm.s32 $execute0_lowered;
	[smem:$0x3FD2] =	sst s23  }
0xa9: {  	s3 =	sshll.u32 s24, $0x1;
	_ =	strace $0x8000005B;
	[dreg:$0x1] =	wrdreg $0xFFFFFFFF  }
0xaa: {  	s25 =	simm.s32 $_size_execute0_lowered;
	s1 =	sadd.s32 s1, s3;
	[dreg:$0x0] =	wrdreg $0x0  }
0xab: {  	s3 =	sshll.u32 s25, $0x1;
	[dreg:$0x2] =	wrdreg s1  }
0xac: {  	[dreg:$0x3] =	wrdreg s3  }
0xad: {  	[dreg:$0x4] =	wrdreg $0xC0  }
0xae: {  	_ =	task [dreg:s5], $0x5FFFF  }
0xaf: {  	[dreg:$0x1] =	wrdreg $0xFFFFFFFF  }
0xb0: {  	[dreg:$0x0] =	wrdreg $0x60  }
0xb1: {  	[dreg:$0x2] =	wrdreg s14  }
0xb2: {  	[dreg:$0x3] =	wrdreg s22  }
0xb3: {  	[dreg:$0x4] =	wrdreg $0x9  }
0xb4: {  	_ =	task.clear_ibuf [dreg:s5], $0x5FFFF;
	_ =	strace $0x9000005B  }
0xb5: {  	s26 =	simm.s32 $0x9;
	_ =	strace $0x8000005D  }
0xb6: {  	_ =	swait.ge [sflag:s26], $0x1  }
0xb7: {  	[sflag:s26] =	ssyncadd.s32 $0xFFFFFFFF  }
0xb8: {  	_ =	strace $0x9000005D  }
0xb9: {  	_ =	sfence  }
0xba: {  	s28 =	sld [smem:$0x0];
	_ =	sdelay $0x1  }
0xbb: {  	s29 =	srdreg.scid  }
0xbc: {  	s30 =	sshll.u32 s29, $0xD;
	s31 =	sshrl.u32 s29, $0x2  }
0xbd: {  	s2 =	sand.u32 $0x4000, s30;
	s1 =	sand.u32 $0x1, s29;
	s0 =	sadd.s32 s31, s28  }
0xbe: {  	s1 =	sor.u32 s2, s1;
	s0 =	sshll.u32 s0, $0x11  }
0xbf: {  	s0 =	sor.u32 s0, s1  }
0xc0: {  	s0 =	sadd.s32 $0x8F2B, s0  }
0xc1: {  	[sflag:s0] =	ssyncadd.remote.s32 $0x1  }
0xc2: {  	_ =	sfence.sel $0xFFFF  }
0xc3: {  	[dreg:$0x0] =	wrdreg $0xFFFFFFFF;
	(pc) =	sbr.abs _section_cstart, $3  }
0xc4: {  	[dreg:$0x1] =	wrdreg $0xFFFFFFFF  }
0xc5: {  	_ =	task.clear_ibuf [dreg:s5], $0x2FFFF;
	_ =	strace $0x9FFFFFFF  }
0xc6: {  	(tm) =	ssettm $0x7FFFFFFF  }
0xc7: {  	_ =	shalt  }
tec
execute0_lowered:
.L_overlay_start_1:
0x0: {  	(tag) =	ssettag $0x1  }
0x1: {  	s2 =	rddreg [dreg:$0x0]  }
0x2: {  	s8 =	rddreg [dreg:$0x1]  }
0x3: {  	s0 =	rddreg [dreg:$0x2]  }
0x4: {  	_ =	strace $0x8000005C;
	s4 =	simm.s32 $0x1;
	s1 =	stileid.u32  }
0x5: {  	s7 =	simm.s32 $0x1;
	s9 =	simm.s32 $0x1;
	s6 =	simm.s32 $0x2  }
0x6: {  	s10 =	simm.s32 $0x3;
	s13 =	simm.s32 $0x0;
	s12 =	simm.s32 $0x0  }
.Ltmp0:
0x7: {  	s3 =	sadd.s32 $0x547600, s8;
	p0 =	slt.u32 s1, $0xA;
	(pc) =	sbr.rel .LBB2_1-.Ltmp0, $4  }
0x8: {  	[sflag:s4] =	ssyncpa.u1 $0x0;
	s7 =	simm.s32 @!p0 $0x0;
	p0 =	sne.s32 s1, $0x9  }
0x9: {  	s5 =	smul.u32 $0x190, s1;
	[sflag:s6] =	ssyncpa.u1 $0x0;
	s9 =	simm.s32 @!p0 $0x0  }
0xa: {  	s8 =	sadd.s32 $0x547C00, s8;
	[sflag:s10] =	ssyncpa.u1 $0x0;
	s7 =	sadd.s32 s9, s7  }
0xb: {  	vm0 =	vmmov $0xffff;
	s10 =	simm.s32 $0x0;
	s11 =	smov.u32 s5;
	s9 =	sadd.s32 $0x1, s7  }
.LBB2_4:
0xc: {  	v2 =	vnsel vm1, $0x0, v2  }
0xd: {  	vm1 =	vgt.s32 v0, $0x0;
	v2 =	vmin.u32 v2, $0x270FF  }
0xe: {  	v0 =	vnsel vm1, $0x0, v0  }
0xf: {  	v0 =	vmin.u32 v0, $0x270FF  }
0x10: {  	[tilespmem:s18], [sflag:$0x1] =	stream.indirect_vreg.gather [hbm4b:s2+s10], $0x1, v1, vm0, $0x4038;
	[tilespmem:$0x640] =	vst v63  }
0x11: {  	(ifvalue) =	ssetifvalue $0x7FFFFFFF  }
0x12: {  	[tilespmem:s15], [sflag:$0x1] =	stream.indirect_vreg.gather [hbm4b:s2+s10], $0x1, v2, vm0, $0x4038;
	[tilespmem:$0x640] =	vst v63  }
0x13: {  	s29 =	sadd.s32 $0x10, s15;
	(ifvalue) =	ssetifvalue $0x7FFFFFFF  }
0x14: {  	[tilespmem:s29], [sflag:$0x1] =	stream.indirect_vreg.gather [hbm4b:s2+s10], $0x1, v0, vm0, $0x4038;
	[tilespmem:$0x640] =	vst v63  }
0x15: {  	_ =	swait.ge [sflag:s4], $0x190  }
0x16: {  	s30 =	sshrl.u32 s13, $0x3;
	[sflag:s4] =	ssyncset.done $0x0  }
0x17: {  	s31 =	sand.u32 $0x7, s13;
	s15 =	sadd.s32 s8, s30;
	[sflag:s4] =	ssyncadd.s32 $0xFFFFFE70  }
0x18: {  	[hbm4b:s15+s31] =	stream.linear.scatter [tilespmem:s14], [sflag:$0x3], $0x190, $0x38;
	[tilespmem:$0x640] =	vst v63  }
.LBB2_5:
0x19: {  	s15 =	sadd.s32 $0x1900, s11  }
0x1a: {  	p1 =	sgt.s32 s15, $0x270F  }
0x1b: {  	s15 =	smov.u32 @p1 s5;
	p1 =	sne.s32 s12, s9  }
.Ltmp1:
0x1c: {  	p0 =	slt.u32 s12, $0x2;
	(pc) =	sbr.rel @!p1 .LBB2_6-.Ltmp1, $4  }
0x1d: {  	s14 =	simm.s32 @!p0 $0x3  }
0x1e: {  	_ =	swait.ge @!p0 [sflag:s14], $0x190  }
0x1f: {  	s16 =	sadd.s32 $0x1, s12;
	s13 =	smov.u32 s11;
	[sflag:s14] =	ssyncset.done @!p0 $0x0  }
0x20: {  	s12 =	smov.u32 s16;
	s11 =	smov.u32 s15;
	[sflag:s14] =	ssyncadd.s32 @!p0 $0xFFFFFE70  }
.LBB2_1:
0x21: {  	p0 =	sge.u32 s12, s7  }
0x22: {  	s14 =	sxor.u32 @!p0 $0x1, s12  }
0x23: {  	s14 =	smul.u32 @!p0 $0x640, s14  }
0x24: {  	s31 =	sadd.s32 $0xFFFFFFFF, s12;
	s15 =	sshrl.u32 @!p0 s11, $0x3  }
0x25: {  	s16 =	sand.u32 @!p0 $0x7, s11;
	s15 =	sadd.s32 @!p0 s3, s15;
	s14 =	sshra.s32 @!p0 s14, $0x2  }
0x26: {  	[tilespmem:s14], [sflag:$0x2] =	stream.linear.gather @!p0 [hbm4b:s15+s16], $0x190, $0x38;
	[tilespmem:$0x640] =	vst v63  }
0x27: {  	p0 =	sge.u32 s31, s7  }
.Ltmp2:
0x28: {  	_ = 	snop;
	(pc) =	sbr.rel @p0 .LBB2_5-.Ltmp2, $1  }
0x29: {  	_ =	sdelay $0x3  }
0x2a: {  	s14 =	sand.u32 $0x1, s12  }
0x2b: {  	_ =	swait.ge [sflag:s6], $0x190;
	p0 =	seq.s32 s14, $0x1;
	s14 =	simm.s32 $0x190  }
0x2c: {  	[sflag:s6] =	ssyncset.done $0x0;
	s14 =	simm.s32 @!p0 $0x0  }
0x2d: {  	[sflag:s6] =	ssyncadd.s32 $0xFFFFFE70;
	(ifvalue) =	ssetifvalue $0x7FFFFFFF;
	v0 =	vld.msk [tilespmem:s14+$0x0 ss:$0x1], $0xffff;
	_ =	sdelay $0x4  }
0x2e: {  	s15 =	sadd.s32 $0x10, s14;
	vm1 =	vgt.s32 v0, $0x0  }
0x2f: {  	v2 =	vld.msk [tilespmem:s15+$0x0 ss:$0x1], $0xffff;
	v1 =	vnsel vm1, $0x0, v0  }
0x30: {  	v1 =	vmin.u32 v1, $0x270FF;
	_ =	sdelay $0x2  }
0x31: {  	s17 =	simm.s32 $0x20;
	s14 =	sadd.s32 $0x320, s14;
	s16 =	sadd.s32 $0x10, s15  }
0x32: {  	s15 =	sadd.s32 $0x10, s14;
	s18 =	smov.u32 s14;
	v0 =	vld.msk [tilespmem:s16+$0x0 ss:$0x1], $0xffff;
	vm1 =	vgt.s32 v2, $0x0;
	(ifvalue) =	ssetifvalue $0x7FFFFFFF  }
.LBB2_3:
0x33: {  	[tilespmem:s18], [sflag:$0x1] =	stream.indirect_vreg.gather [hbm4b:s2+s10], $0x1, v1, vm0, $0x4038;
	[tilespmem:$0x640] =	vst v63  }
0x34: {  	s17 =	sadd.s32 $0x10, s17  }
0x35: {  	v2 =	vnsel vm1, $0x0, v2;
	p0 =	slt.u32 s17, $0x180  }
.Ltmp3:
0x36: {  	s18 =	smov.u32 s15;
	v1 =	vmin.u32 v2, $0x270FF;
	(pc) =	sbr.rel @p0 .LBB2_3-.Ltmp3, $3  }
0x37: {  	_ =	sdelay $0x1  }
0x38: {  	s16 =	sadd.s32 $0x10, s16  }
0x39: {  	vm1 =	vgt.s32 v0, $0x0;
	s15 =	sadd.s32 $0x10, s15;
	v2 =	vmov v0;
	(ifvalue) =	ssetifvalue $0x7FFFFFFF;
	v0 =	vld.msk [tilespmem:s16+$0x0 ss:$0x1], $0xffff  }
.Ltmp4:
0x3a: {  	_ = 	snop;
	(pc) =	sbr.rel .LBB2_4-.Ltmp4, $1  }
0x3b: {  	_ =	sdelay $0x3  }
.LBB2_6:
0x3c: {  	_ =	sfence.sel $0x180000  }
0x3d: {  	s2 =	simm.s32 $0x2;
	[bflag:$0x0] =	sbarrier.arrive $0xFFFF  }
0x3e: {  	s30 =	simm.s32 $0x3;
	[sflag:s2] =	ssyncpa.u1 $0x1  }
0x3f: {  	s31 =	simm.s32 $0x1;
	[sflag:s30] =	ssyncpa.u1 $0x1  }
0x40: {  	[sflag:s31] =	ssyncpa.u1 $0x1  }
0x41: {  	p0 =	sne.s32 s1, $0x0;
	_ =	strace $0x9000005C  }
0x42: {  	s0 =	sadd.s32 @!p0 $0x100000, s0;
	[bflag:$0x2] =	sbarrier.arrive $0xFFFF  }
0x43: {  	[sflag:s0] =	ssyncadd.tile.s32 @!p0 $0x1;
	_ =	shalt  }
.Lfunc_end2:
_tile_overlayer_lowered:
.L_overlay_start_2:
0x44: {  	(tag) =	ssettag $0x2  }
0x45: {  	s0 =	rddreg [dreg:$0x0];
	s2 =	stileid.u32  }
0x46: {  	s1 =	rddreg [dreg:$0x1];
	p0 =	sne.s32 s2, $0x0  }
0x47: {  	s3 =	rddreg [dreg:$0x2];
	[bflag:$0x3] =	sbarrier.arrive $0xFFFF;
	s2 =	simm.s32 @!p0 $0x1C01  }
0x48: {  	[timem:s3], [sflag:s2] =	dma.local @!p0 [hbm:s0], s1  }
0x49: {  	s0 =	simm.s32 @!p0 $0x1  }
0x4a: {  	_ =	swait.ge @!p0 [sflag:s0], s1  }
0x4b: {  	s1 =	ssub.s32 @!p0 $0x0, s1;
	[sflag:s0] =	ssyncset.done @!p0 $0x0  }
0x4c: {  	[sflag:s0] =	ssyncadd.s32 @!p0 s1  }
0x4d: {  	[bflag:$0x3] =	sbarrier.arrive $0xFFFF  }
0x4e: {  	_ =	shalt  }

// kernel: kernel.15.cloned.1.call-start
scs
__scs_entry_jumppad:
0x0: {  	(pc) =	sbr.rel $0x88, $3  }
0x1: {  	(tag) =	ssettag $0x0;
	lr =	simm.s32 $0x1  }
0x2: {  	[smem:$0x3F96] =	sst lr;
	_ =	strace $0xD0000000  }
0x3: {  	_ = 	snop  }
0x4: {  	_ = 	snop  }
0x5: {  	_ = 	snop  }
0x6: {  	_ = 	snop  }
0x7: {  	_ = 	snop  }
__scs_overlays_trampoline_lowered:
0x8: {  	[smem:$0x3FA5] =	sst s0  }
0x9: {  	[smem:$0x3FA6] =	sst s1  }
0xa: {  	[smem:$0x3FA7] =	sst s2  }
0xb: {  	[smem:$0x3FA8] =	sst s3  }
0xc: {  	[smem:$0x3FA9] =	sst s4  }
0xd: {  	[smem:$0x3FAA] =	sst s5  }
0xe: {  	[smem:$0x3FAB] =	sst s6  }
0xf: {  	[smem:$0x3FAC] =	sst s7  }
0x10: {  	[smem:$0x3FAD] =	sst s8  }
0x11: {  	[smem:$0x3FAE] =	sst s9;
	s0 =	simm.s32 @!p0 $0x0  }
0x12: {  	s1 =	sld [smem:$0x3F94];
	s0 =	simm.s32 @p0 $0x1  }
0x13: {  	[smem:$0x3FAF] =	sst s0;
	s0 =	simm.s32 @!p1 $0x0  }
0x14: {  	s2 =	sld [smem:$0x3F93];
	s0 =	simm.s32 @p1 $0x1  }
0x15: {  	[smem:$0x3FB0] =	sst s0;
	s0 =	simm.s32 @!p2 $0x0  }
0x16: {  	s3 =	sld [smem:$0x3FDB];
	s0 =	simm.s32 @p2 $0x1  }
0x17: {  	s4 =	simm.s32 $0x1BF5;
	[smem:$0x3FB2] =	sst s0  }
0x18: {  	s0 =	sld [smem:$0x3F95];
	_ =	swait.ge [sflag:s4], $0x0  }
0x19: {  	s7 =	sld [smem:$0x3F96]  }
0x1a: {  	s8 =	sadd.s32 $0xFFFFE003, lr  }
0x1b: {  	s9 =	sadd.s32 $0xFFFFFEF7, lr;
	s5 =	simm.s32 $0xFFFFFFFF;
	p2 =	slt.u32 s8, $0xFFFFF086  }
0x1c: {  	p1 =	slt.u32 s9, $0xF7A;
	s5 =	simm.s32 @!p2 $0x0  }
0x1d: {  	s5 =	simm.s32 @p1 $0x1;
	p0 =	seq.s32 s7, s2  }
0x1e: {  	s7 =	smul.u32 @!p0 $0xF7A, s2;
	p2 =	seq.s32 @!p0 s5, $0x0  }
0x1f: {  	s9 =	smul.u32 $0xF7A, s1;
	s8 =	simm.s32 @!p0 $0x1BF5;
	p2 =	por !p2, p0  }
0x20: {  	[sflag:s8] =	ssyncset.s32 @!p0 $0xFFFFF086;
	s6 =	sadd.s32 @!p0 s3, s7;
	s7 =	simm.s32 @!p0 $0x108  }
0x21: {  	s3 =	sadd.s32 s3, s9;
	s6 =	sadd.s32 @!p0 $0x88, s6;
	s7 =	simm.s32 @p2 $0x1082  }
0x22: {  	[simem:s7], [sflag:s8] =	dma.local @!p0 [hbm:s6], $0xF7A  }
0x23: {  	s9 =	sor.u32 $0xD0000000, s2;
	s6 =	simm.s32 $0x108;
	_ =	swait.ge @!p0 [sflag:s8], $0x0  }
0x24: {  	s3 =	sadd.s32 $0x88, s3;
	s6 =	simm.s32 @!p1 $0x1082;
	[sflag:s4] =	ssyncset.s32 $0xFFFFF086  }
0x25: {  	[simem:s6], [sflag:s4] =	dma.local [hbm:s3], $0xF7A  }
0x26: {  	[smem:$0x3F96] =	sst s1;
	(tag) =	ssettag s2;
	_ =	strace s9  }
0x27: {  	s1 =	sld [smem:$0x3FA6]  }
0x28: {  	s2 =	sld [smem:$0x3FA7]  }
0x29: {  	s4 =	sld [smem:$0x3FA9]  }
0x2a: {  	p0 =	seq.s32 s5, $0x0;
	s5 =	sld [smem:$0x3FAA]  }
0x2b: {  	s6 =	sld [smem:$0x3FAB]  }
0x2c: {  	s7 =	sld [smem:$0x3FAC]  }
0x2d: {  	s3 =	simm.s32 $0x108;
	s8 =	sld [smem:$0x3FAD]  }
0x2e: {  	s3 =	simm.s32 @!p0 $0x1082;
	s9 =	sld [smem:$0x3FAE]  }
0x2f: {  	lr =	sadd.s32 s0, s3;
	s0 =	sld [smem:$0x3FA5]  }
0x30: {  	s3 =	sld [smem:$0x3FA8]  }
0x31: {  	[smem:$0x3FB1] =	sst s10  }
0x32: {  	s10 =	sld [smem:$0x3FAF];
	_ =	sdelay $0x3  }
0x33: {  	p0 =	seq.s32 s10, $0x1;
	s10 =	sld [smem:$0x3FB1];
	_ =	sdelay $0x3  }
0x34: {  	[smem:$0x3FB1] =	sst s10  }
0x35: {  	s10 =	sld [smem:$0x3FB0];
	_ =	sdelay $0x3  }
0x36: {  	p1 =	seq.s32 s10, $0x1;
	s10 =	sld [smem:$0x3FB1];
	_ =	sdelay $0x3  }
0x37: {  	[smem:$0x3FB1] =	sst s10  }
0x38: {  	s10 =	sld [smem:$0x3FB2]  }
0x39: {  	_ = 	snop;
	(pc) =	sbr.ind lr, $3  }
0x3a: {  	_ = 	snop  }
0x3b: {  	_ = 	snop  }
0x3c: {  	p2 =	seq.s32 s10, $0x1;
	s10 =	sld [smem:$0x3FB1]  }
0x3d: {  	_ =	shalt  }
0x3e: {  	_ =	shalt  }
0x3f: {  	_ =	shalt  }
0x40: {  	_ =	shalt  }
0x41: {  	_ =	shalt  }
0x42: {  	_ =	shalt  }
0x43: {  	_ =	shalt  }
0x44: {  	_ =	shalt  }
0x45: {  	_ =	shalt  }
0x46: {  	_ =	shalt  }
0x47: {  	_ =	shalt  }
0x48: {  	_ =	shalt  }
0x49: {  	_ =	shalt  }
0x4a: {  	_ =	shalt  }
0x4b: {  	_ =	shalt  }
0x4c: {  	_ =	shalt  }
0x4d: {  	_ =	shalt  }
0x4e: {  	_ =	shalt  }
0x4f: {  	_ =	shalt  }
0x50: {  	_ =	shalt  }
0x51: {  	_ =	shalt  }
0x52: {  	_ =	shalt  }
0x53: {  	_ =	shalt  }
0x54: {  	_ =	shalt  }
0x55: {  	_ =	shalt  }
0x56: {  	_ =	shalt  }
0x57: {  	_ =	shalt  }
0x58: {  	_ =	shalt  }
0x59: {  	_ =	shalt  }
0x5a: {  	_ =	shalt  }
0x5b: {  	_ =	shalt  }
0x5c: {  	_ =	shalt  }
0x5d: {  	_ =	shalt  }
0x5e: {  	_ =	shalt  }
0x5f: {  	_ =	shalt  }
0x60: {  	_ =	shalt  }
0x61: {  	_ =	shalt  }
0x62: {  	_ =	shalt  }
0x63: {  	_ =	shalt  }
0x64: {  	_ =	shalt  }
0x65: {  	_ =	shalt  }
0x66: {  	_ =	shalt  }
0x67: {  	_ =	shalt  }
0x68: {  	_ =	shalt  }
0x69: {  	_ =	shalt  }
0x6a: {  	_ =	shalt  }
0x6b: {  	_ =	shalt  }
0x6c: {  	_ =	shalt  }
0x6d: {  	_ =	shalt  }
0x6e: {  	_ =	shalt  }
0x6f: {  	_ =	shalt  }
0x70: {  	_ =	shalt  }
0x71: {  	_ =	shalt  }
0x72: {  	_ =	shalt  }
0x73: {  	_ =	shalt  }
0x74: {  	_ =	shalt  }
0x75: {  	_ =	shalt  }
0x76: {  	_ =	shalt  }
0x77: {  	_ =	shalt  }
0x78: {  	_ =	shalt  }
0x79: {  	_ =	shalt  }
0x7a: {  	_ =	shalt  }
0x7b: {  	_ =	shalt  }
0x7c: {  	_ =	shalt  }
0x7d: {  	_ =	shalt  }
0x7e: {  	_ =	shalt  }
0x7f: {  	_ =	shalt  }
0x80: {  	_ =	shalt  }
0x81: {  	_ =	shalt  }
0x82: {  	_ =	shalt  }
0x83: {  	_ =	shalt  }
0x84: {  	_ =	shalt  }
0x85: {  	_ =	shalt  }
0x86: {  	_ =	shalt  }
0x87: {  	_ =	shalt  }
.Lfunc_end0:
.L_simem_size_0:
called_computation.4_lowered:
.L_overlay_start_0:
0x88: {  	s2 =	sld [smem:$0x3FD9]  }
0x89: {  	s3 =	sld [smem:$0x3FFE];
	_ =	sdelay $0x1  }
0x8a: {  	s1 =	srdreg.scid  }
0x8b: {  	s0 =	sand.u32 $0x1, s1  }
0x8c: {  	s14 =	sshll.u32 s0, $0xA;
	s2 =	sadd.s32 s3, s2  }
0x8d: {  	s2 =	sadd.s32 s2, s14  }
0x8e: {  	[smem:$0x3FBD] =	sst s2  }
0x8f: {  	_ = 	snop  }
0x90: {  	s2 =	sld [smem:$0x3FD0];
	_ =	sdelay $0x2  }
0x91: {  	s15 =	simm.s32 $0xD;
	s4 =	simm.s32 $0x10  }
0x92: {  	[smem:s4], [sflag:s15] =	dma.local [hbm:s2], $0x1  }
0x93: {  	_ =	swait.eq [sflag:s15], $0x1  }
0x94: {  	[sflag:s15] =	ssyncset.done $0x0  }
0x95: {  	[sflag:s15] =	ssyncadd.s32 $0xFFFFFFFF  }
0x96: {  	s16 =	sld [smem:$0x11];
	(tm) =	ssettm $0x1  }
0x97: {  	s17 =	sld [smem:$0x3FFB];
	_ =	sdelay $0x3  }
0x98: {  	_ =	strace s17  }
0x99: {  	s3 =	sld [smem:$0x3FFC];
	_ =	sdelay $0x3  }
0x9a: {  	_ =	strace s3  }
0x9b: {  	s3 =	sld [smem:$0x3FFD];
	_ =	sdelay $0x3  }
0x9c: {  	_ =	strace s3  }
0x9d: {  	_ =	strace $0x8FFFFFFF  }
0x9e: {  	s18 =	sld [smem:$0x3FDB];
	_ =	sdelay $0x1  }
0x9f: {  	s19 =	simm.s32 $_scs_section_size  }
0xa0: {  	s5 =	simm.s32 $_size__tile_overlayer_lowered;
	s6 =	simm.s32 $_tile_overlayer_lowered  }
0xa1: {  	s22 =	simm.s32 $0x1BFF;
	s21 =	sshll.u32 s6, $0x1;
	s3 =	sadd.s32 s19, s18  }
0xa2: {  	s7 =	simm.s32 $0x0;
	s20 =	sshll.u32 s5, $0x1;
	s5 =	sadd.s32 s21, s3  }
0xa3: {  	[timem:s7], [sflag:s22] =	dma.local [hbm:s5], s20  }
0xa4: {  	_ =	swait.ge [sflag:s22], s20  }
0xa5: {  	s4 =	ssub.s32 $0x0, s20;
	[sflag:s22] =	ssyncset.done $0x0  }
0xa6: {  	[sflag:s22] =	ssyncadd.s32 s4;
	_ =	sdelay $0x1  }
0xa7: {  	s23 =	simm.s32 $0x1B8B  }
0xa8: {  	_ =	swait.ge [sflag:s23], $0x1  }
0xa9: {  	[sflag:s23] =	ssyncset.done $0x0  }
0xaa: {  	s25 =	simm.s32 $0x1B8E;
	s24 =	sld [smem:$0x3FFE];
	[sflag:s23] =	ssyncadd.s32 $0xFFFFFFFF  }
0xab: {  	s26 =	simm.s32 $execute0_lowered;
	[smem:$0x3FD2] =	sst s25  }
0xac: {  	s5 =	sshll.u32 s26, $0x1;
	_ =	strace $0x80000046;
	[dreg:$0x1] =	wrdreg $0xFFFFFFFF  }
0xad: {  	s28 =	simm.s32 $_size_execute0_lowered;
	s3 =	sadd.s32 s3, s5;
	[dreg:$0x0] =	wrdreg $0x0  }
0xae: {  	s5 =	sshll.u32 s28, $0x1;
	[dreg:$0x2] =	wrdreg s3  }
0xaf: {  	[dreg:$0x3] =	wrdreg s5  }
0xb0: {  	[dreg:$0x4] =	wrdreg $0xC0  }
0xb1: {  	_ =	task [dreg:s7], $0x5FFFF  }
0xb2: {  	[dreg:$0x1] =	wrdreg $0xFFFFFFFF  }
0xb3: {  	[dreg:$0x0] =	wrdreg $0x60  }
0xb4: {  	[dreg:$0x2] =	wrdreg s24  }
0xb5: {  	[dreg:$0x3] =	wrdreg s16  }
0xb6: {  	[dreg:$0x4] =	wrdreg $0xA  }
0xb7: {  	_ =	task.clear_ibuf [dreg:s7], $0x5FFFF;
	_ =	strace $0x90000046  }
0xb8: {  	s29 =	simm.s32 $0xA;
	_ =	strace $0x80000048  }
0xb9: {  	_ =	swait.ge [sflag:s29], $0x1  }
0xba: {  	[sflag:s29] =	ssyncadd.s32 $0xFFFFFFFF  }
0xbb: {  	_ =	strace $0x90000048  }
0xbc: {  	_ =	sfence  }
0xbd: {  	s30 =	sld [smem:$0x0];
	_ =	sdelay $0x2  }
0xbe: {  	s31 =	sshll.u32 s1, $0xD;
	s1 =	sshrl.u32 s1, $0x2  }
0xbf: {  	s3 =	sand.u32 $0x4000, s31;
	s1 =	sadd.s32 s1, s30  }
0xc0: {  	s0 =	sor.u32 s3, s0;
	s1 =	sshll.u32 s1, $0x11  }
0xc1: {  	s0 =	sor.u32 s1, s0  }
0xc2: {  	s0 =	sadd.s32 $0x8F2B, s0  }
0xc3: {  	[sflag:s0] =	ssyncadd.remote.s32 $0x1  }
0xc4: {  	_ =	sfence.sel $0xFFFF  }
0xc5: {  	[dreg:$0x0] =	wrdreg $0xFFFFFFFF;
	(pc) =	sbr.abs _section_cstart, $3  }
0xc6: {  	[dreg:$0x1] =	wrdreg $0xFFFFFFFF  }
0xc7: {  	_ =	task.clear_ibuf [dreg:s7], $0x2FFFF;
	_ =	strace $0x9FFFFFFF  }
0xc8: {  	(tm) =	ssettm $0x7FFFFFFF  }
0xc9: {  	_ =	shalt  }
tec
execute0_lowered:
.L_overlay_start_1:
0x0: {  	(tag) =	ssettag $0x1  }
0x1: {  	s4 =	rddreg [dreg:$0x0]  }
0x2: {  	s6 =	rddreg [dreg:$0x1]  }
0x3: {  	s0 =	rddreg [dreg:$0x2]  }
0x4: {  	s1 =	stileid.u32;
	s2 =	simm.s32 $0x0;
	s3 =	srdreg.scid  }
0x5: {  	s11 =	simm.s32 $0xA0;
	s12 =	simm.s32 $0x5200;
	s13 =	simm.s32 $0xF0  }
0x6: {  	s14 =	simm.s32 $0x7A00;
	s15 =	simm.s32 $0x140;
	s16 =	simm.s32 $0xA200  }
0x7: {  	s17 =	simm.s32 $0x1;
	s18 =	simm.s32 $0x0;
	s5 =	smul.u32 $0x4E200, s1  }
0x8: {  	[smem:$0x7FF] =	sst s2;
	s7 =	sand.u32 $0x1, s3;
	s8 =	smul.u32 $0x4E20, s1  }
0x9: {  	s3 =	sadd.s32 $0xC400, s4;
	s9 =	smul.u32 $0x2710, s7;
	s10 =	ssub.s32 $0x2, s7  }
0xa: {  	_ =	strace $0x80000047;
	s7 =	smul.u32 $0x27100, s7;
	s31 =	sshrl.u32 s10, $0x1  }
0xb: {  	s4 =	sadd.s32 s5, s4;
	s8 =	sadd.s32 s9, s8;
	s5 =	ssub.s32 s10, s31  }
0xc: {  	s7 =	sadd.s32 s7, s4;
	s9 =	simm.s32 $0x200;
	s10 =	simm.s32 $0x2A00  }
0xd: {  	s8 =	sshrl.u32 s8, $0x3;
	s4 =	smax.u32 s5, $0x1;
	s5 =	sadd.s32 $0x5A600, s7  }
0xe: {  	s7 =	simm.s32 $0x2;
	s6 =	sadd.s32 s8, s6;
	s8 =	simm.s32 $0x50  }
.LBB2_1:
0xf: {  	[tilespmem:s2], [sflag:$0x2] =	stream.linear.gather [hbm4b:s6+s2], $0x190, $0x38;
	[tilespmem:$0xCA00] =	vst v63  }
0x10: {  	_ =	swait.ge [sflag:s7], $0x190  }
0x11: {  	[sflag:s7] =	ssyncset.done $0x0  }
0x12: {  	[sflag:s7] =	ssyncadd.s32 $0xFFFFFE70  }
0x13: {  	[tilespmem:s9], [sflag:$0x1] =	stream.indirect.gather [hbm4b:s3+s8], $0x80, s2, s8, $0xb8;
	[tilespmem:$0xCA00] =	vst v63  }
0x14: {  	_ = 	snop  }
0x15: {  	[tilespmem:s10], [sflag:$0x1] =	stream.indirect.gather [hbm4b:s3+s8], $0x80, s8, s8, $0xb8;
	[tilespmem:$0xCA00] =	vst v63  }
0x16: {  	_ = 	snop  }
0x17: {  	[tilespmem:s12], [sflag:$0x1] =	stream.indirect.gather [hbm4b:s3+s8], $0x80, s11, s8, $0xb8;
	[tilespmem:$0xCA00] =	vst v63  }
0x18: {  	_ = 	snop  }
0x19: {  	[tilespmem:s14], [sflag:$0x1] =	stream.indirect.gather [hbm4b:s3+s8], $0x80, s13, s8, $0xb8;
	[tilespmem:$0xCA00] =	vst v63  }
0x1a: {  	_ = 	snop  }
0x1b: {  	[tilespmem:s16], [sflag:$0x1] =	stream.indirect.gather [hbm4b:s3+s8], $0x80, s15, s8, $0xb8;
	[tilespmem:$0xCA00] =	vst v63  }
0x1c: {  	_ =	swait.ge [sflag:s17], $0x2800  }
0x1d: {  	[sflag:s17] =	ssyncset.done $0x0  }
0x1e: {  	[sflag:s17] =	ssyncadd.s32 $0xFFFFD800  }
0x1f: {  	_ =	swait.ge [sflag:s17], $0x2800  }
0x20: {  	[sflag:s17] =	ssyncset.done $0x0  }
0x21: {  	[sflag:s17] =	ssyncadd.s32 $0xFFFFD800  }
0x22: {  	_ =	swait.ge [sflag:s17], $0x2800  }
0x23: {  	[sflag:s17] =	ssyncset.done $0x0  }
0x24: {  	[sflag:s17] =	ssyncadd.s32 $0xFFFFD800  }
0x25: {  	_ =	swait.ge [sflag:s17], $0x2800  }
0x26: {  	[sflag:s17] =	ssyncset.done $0x0  }
0x27: {  	[sflag:s17] =	ssyncadd.s32 $0xFFFFD800  }
0x28: {  	_ =	swait.ge [sflag:s17], $0x2800  }
0x29: {  	[sflag:s17] =	ssyncset.done $0x0  }
0x2a: {  	s19 =	sadd.s32 $0x0, s5;
	[sflag:s17] =	ssyncadd.s32 $0xFFFFD800  }
0x2b: {  	[hbm4b:s19+s2] =	stream.linear.scatter [tilespmem:s9], [sflag:$0x2], $0x2800, $0x38;
	[tilespmem:$0xCA00] =	vst v63  }
0x2c: {  	_ =	swait.ge [sflag:s7], $0x2800  }
0x2d: {  	[sflag:s7] =	ssyncset.done $0x0  }
0x2e: {  	s20 =	sadd.s32 $0x500, s19;
	[sflag:s7] =	ssyncadd.s32 $0xFFFFD800  }
0x2f: {  	[hbm4b:s20+s2] =	stream.linear.scatter [tilespmem:s10], [sflag:$0x2], $0x2800, $0x38;
	[tilespmem:$0xCA00] =	vst v63  }
0x30: {  	_ =	swait.ge [sflag:s7], $0x2800  }
0x31: {  	[sflag:s7] =	ssyncset.done $0x0  }
0x32: {  	s30 =	sadd.s32 $0xA00, s19;
	[sflag:s7] =	ssyncadd.s32 $0xFFFFD800  }
0x33: {  	[hbm4b:s30+s2] =	stream.linear.scatter [tilespmem:s12], [sflag:$0x2], $0x2800, $0x38;
	[tilespmem:$0xCA00] =	vst v63  }
0x34: {  	_ =	swait.ge [sflag:s7], $0x2800  }
0x35: {  	[sflag:s7] =	ssyncset.done $0x0  }
0x36: {  	s31 =	sadd.s32 $0xF00, s19;
	[sflag:s7] =	ssyncadd.s32 $0xFFFFD800  }
0x37: {  	[hbm4b:s31+s2] =	stream.linear.scatter [tilespmem:s14], [sflag:$0x2], $0x2800, $0x38;
	[tilespmem:$0xCA00] =	vst v63  }
0x38: {  	_ =	swait.ge [sflag:s7], $0x2800  }
0x39: {  	[sflag:s7] =	ssyncset.done $0x0  }
0x3a: {  	s19 =	sadd.s32 $0x1400, s19;
	[sflag:s7] =	ssyncadd.s32 $0xFFFFD800  }
0x3b: {  	[hbm4b:s19+s2] =	stream.linear.scatter [tilespmem:s16], [sflag:$0x2], $0x2800, $0x38;
	[tilespmem:$0xCA00] =	vst v63  }
0x3c: {  	_ =	swait.ge [sflag:s7], $0x2800  }
0x3d: {  	s20 =	smov.u32 s6;
	s19 =	simm.s32 $0x1900;
	[sflag:s7] =	ssyncset.done $0x0  }
.LBB2_2:
0x3e: {  	p0 =	sne.s32 s19, $0x25800;
	[sflag:s7] =	ssyncadd.s32 $0xFFFFD800;
	s20 =	sadd.s32 $0x32, s20  }
0x3f: {  	[tilespmem:s2], [sflag:$0x2] =	stream.linear.gather [hbm4b:s20+s2], $0x190, $0x38;
	[tilespmem:$0xCA00] =	vst v63  }
0x40: {  	s21 =	smov.u32 s19;
	s19 =	sadd.s32 $0x1900, s19;
	_ =	swait.ge [sflag:s7], $0x190  }
0x41: {  	[sflag:s7] =	ssyncset.done $0x0  }
0x42: {  	[sflag:s7] =	ssyncadd.s32 $0xFFFFFE70  }
0x43: {  	[tilespmem:s9], [sflag:$0x1] =	stream.indirect.gather [hbm4b:s3+s8], $0x80, s2, s8, $0xb8;
	[tilespmem:$0xCA00] =	vst v63  }
0x44: {  	_ = 	snop  }
0x45: {  	[tilespmem:s10], [sflag:$0x1] =	stream.indirect.gather [hbm4b:s3+s8], $0x80, s8, s8, $0xb8;
	[tilespmem:$0xCA00] =	vst v63  }
0x46: {  	_ = 	snop  }
0x47: {  	[tilespmem:s12], [sflag:$0x1] =	stream.indirect.gather [hbm4b:s3+s8], $0x80, s11, s8, $0xb8;
	[tilespmem:$0xCA00] =	vst v63  }
0x48: {  	_ = 	snop  }
0x49: {  	[tilespmem:s14], [sflag:$0x1] =	stream.indirect.gather [hbm4b:s3+s8], $0x80, s13, s8, $0xb8;
	[tilespmem:$0xCA00] =	vst v63  }
0x4a: {  	_ = 	snop  }
0x4b: {  	[tilespmem:s16], [sflag:$0x1] =	stream.indirect.gather [hbm4b:s3+s8], $0x80, s15, s8, $0xb8;
	[tilespmem:$0xCA00] =	vst v63  }
0x4c: {  	_ =	swait.ge [sflag:s17], $0x2800  }
0x4d: {  	[sflag:s17] =	ssyncset.done $0x0  }
0x4e: {  	[sflag:s17] =	ssyncadd.s32 $0xFFFFD800  }
0x4f: {  	_ =	swait.ge [sflag:s17], $0x2800  }
0x50: {  	[sflag:s17] =	ssyncset.done $0x0  }
0x51: {  	[sflag:s17] =	ssyncadd.s32 $0xFFFFD800  }
0x52: {  	_ =	swait.ge [sflag:s17], $0x2800  }
0x53: {  	[sflag:s17] =	ssyncset.done $0x0  }
0x54: {  	[sflag:s17] =	ssyncadd.s32 $0xFFFFD800  }
0x55: {  	_ =	swait.ge [sflag:s17], $0x2800  }
0x56: {  	[sflag:s17] =	ssyncset.done $0x0  }
0x57: {  	[sflag:s17] =	ssyncadd.s32 $0xFFFFD800  }
0x58: {  	_ =	swait.ge [sflag:s17], $0x2800  }
0x59: {  	[sflag:s17] =	ssyncset.done $0x0  }
0x5a: {  	s21 =	sadd.s32 s21, s5;
	[sflag:s17] =	ssyncadd.s32 $0xFFFFD800  }
0x5b: {  	[hbm4b:s21+s2] =	stream.linear.scatter [tilespmem:s9], [sflag:$0x2], $0x2800, $0x38;
	[tilespmem:$0xCA00] =	vst v63  }
0x5c: {  	_ =	swait.ge [sflag:s7], $0x2800  }
0x5d: {  	[sflag:s7] =	ssyncset.done $0x0  }
0x5e: {  	s22 =	sadd.s32 $0x500, s21;
	[sflag:s7] =	ssyncadd.s32 $0xFFFFD800  }
0x5f: {  	[hbm4b:s22+s2] =	stream.linear.scatter [tilespmem:s10], [sflag:$0x2], $0x2800, $0x38;
	[tilespmem:$0xCA00] =	vst v63  }
0x60: {  	_ =	swait.ge [sflag:s7], $0x2800  }
0x61: {  	[sflag:s7] =	ssyncset.done $0x0  }
0x62: {  	s22 =	sadd.s32 $0xA00, s21;
	[sflag:s7] =	ssyncadd.s32 $0xFFFFD800  }
0x63: {  	[hbm4b:s22+s2] =	stream.linear.scatter [tilespmem:s12], [sflag:$0x2], $0x2800, $0x38;
	[tilespmem:$0xCA00] =	vst v63  }
0x64: {  	_ =	swait.ge [sflag:s7], $0x2800  }
0x65: {  	[sflag:s7] =	ssyncset.done $0x0  }
0x66: {  	s22 =	sadd.s32 $0xF00, s21;
	[sflag:s7] =	ssyncadd.s32 $0xFFFFD800  }
0x67: {  	[hbm4b:s22+s2] =	stream.linear.scatter [tilespmem:s14], [sflag:$0x2], $0x2800, $0x38;
	[tilespmem:$0xCA00] =	vst v63  }
0x68: {  	_ =	swait.ge [sflag:s7], $0x2800  }
.Ltmp0:
0x69: {  	[sflag:s7] =	ssyncset.done $0x0;
	(pc) =	sbr.rel @p0 .LBB2_2-.Ltmp0, $4  }
0x6a: {  	s21 =	sadd.s32 $0x1400, s21;
	[sflag:s7] =	ssyncadd.s32 $0xFFFFD800  }
0x6b: {  	[hbm4b:s21+s2] =	stream.linear.scatter [tilespmem:s16], [sflag:$0x2], $0x2800, $0x38;
	[tilespmem:$0xCA00] =	vst v63  }
0x6c: {  	_ =	swait.ge [sflag:s7], $0x2800  }
0x6d: {  	[sflag:s7] =	ssyncset.done $0x0  }
0x6e: {  	s18 =	sadd.s32 $0x1, s18  }
0x6f: {  	p0 =	sne.s32 s18, s4  }
.Ltmp1:
0x70: {  	_ = 	snop;
	(pc) =	sbr.rel @p0 .LBB2_1-.Ltmp1, $2  }
0x71: {  	_ =	sdelay $0x2  }
0x72: {  	[sflag:s7] =	ssyncadd.s32 $0xFFFFD800  }
0x73: {  	_ =	sfence.sel $0x180000  }
0x74: {  	[bflag:$0x0] =	sbarrier.arrive $0xFFFF  }
0x75: {  	p0 =	sne.s32 s1, $0x0;
	_ =	strace $0x90000047  }
0x76: {  	s0 =	sadd.s32 @!p0 $0x100000, s0;
	[bflag:$0x2] =	sbarrier.arrive $0xFFFF  }
0x77: {  	[sflag:s0] =	ssyncadd.tile.s32 @!p0 $0x1;
	_ =	shalt  }
.Lfunc_end2:
_tile_overlayer_lowered:
.L_overlay_start_2:
0x78: {  	(tag) =	ssettag $0x2  }
0x79: {  	s0 =	rddreg [dreg:$0x0];
	s2 =	stileid.u32  }
0x7a: {  	s1 =	rddreg [dreg:$0x1];
	p0 =	sne.s32 s2, $0x0  }
0x7b: {  	s3 =	rddreg [dreg:$0x2];
	[bflag:$0x3] =	sbarrier.arrive $0xFFFF;
	s2 =	simm.s32 @!p0 $0x1C02  }
0x7c: {  	[timem:s3], [sflag:s2] =	dma.local @!p0 [hbm:s0], s1  }
0x7d: {  	s0 =	simm.s32 @!p0 $0x2  }
0x7e: {  	_ =	swait.ge @!p0 [sflag:s0], s1  }
0x7f: {  	s1 =	ssub.s32 @!p0 $0x0, s1;
	[sflag:s0] =	ssyncset.done @!p0 $0x0  }
0x80: {  	[sflag:s0] =	ssyncadd.s32 @!p0 s1  }
0x81: {  	[bflag:$0x3] =	sbarrier.arrive $0xFFFF  }
0x82: {  	_ =	shalt  }

// kernel: kernel.18.cloned.1.call-start
scs
__scs_entry_jumppad:
0x0: {  	(pc) =	sbr.rel $0x88, $3  }
0x1: {  	(tag) =	ssettag $0x0;
	lr =	simm.s32 $0x1  }
0x2: {  	[smem:$0x3F96] =	sst lr;
	_ =	strace $0xD0000000  }
0x3: {  	_ = 	snop  }
0x4: {  	_ = 	snop  }
0x5: {  	_ = 	snop  }
0x6: {  	_ = 	snop  }
0x7: {  	_ = 	snop  }
__scs_overlays_trampoline_lowered:
0x8: {  	[smem:$0x3FA5] =	sst s0  }
0x9: {  	[smem:$0x3FA6] =	sst s1  }
0xa: {  	[smem:$0x3FA7] =	sst s2  }
0xb: {  	[smem:$0x3FA8] =	sst s3  }
0xc: {  	[smem:$0x3FA9] =	sst s4  }
0xd: {  	[smem:$0x3FAA] =	sst s5  }
0xe: {  	[smem:$0x3FAB] =	sst s6  }
0xf: {  	[smem:$0x3FAC] =	sst s7  }
0x10: {  	[smem:$0x3FAD] =	sst s8  }
0x11: {  	[smem:$0x3FAE] =	sst s9;
	s0 =	simm.s32 @!p0 $0x0  }
0x12: {  	s1 =	sld [smem:$0x3F94];
	s0 =	simm.s32 @p0 $0x1  }
0x13: {  	[smem:$0x3FAF] =	sst s0;
	s0 =	simm.s32 @!p1 $0x0  }
0x14: {  	s2 =	sld [smem:$0x3F93];
	s0 =	simm.s32 @p1 $0x1  }
0x15: {  	[smem:$0x3FB0] =	sst s0;
	s0 =	simm.s32 @!p2 $0x0  }
0x16: {  	s3 =	sld [smem:$0x3FDB];
	s0 =	simm.s32 @p2 $0x1  }
0x17: {  	s4 =	simm.s32 $0x1BF5;
	[smem:$0x3FB2] =	sst s0  }
0x18: {  	s0 =	sld [smem:$0x3F95];
	_ =	swait.ge [sflag:s4], $0x0  }
0x19: {  	s7 =	sld [smem:$0x3F96]  }
0x1a: {  	s8 =	sadd.s32 $0xFFFFE003, lr  }
0x1b: {  	s9 =	sadd.s32 $0xFFFFFEF7, lr;
	s5 =	simm.s32 $0xFFFFFFFF;
	p2 =	slt.u32 s8, $0xFFFFF086  }
0x1c: {  	p1 =	slt.u32 s9, $0xF7A;
	s5 =	simm.s32 @!p2 $0x0  }
0x1d: {  	s5 =	simm.s32 @p1 $0x1;
	p0 =	seq.s32 s7, s2  }
0x1e: {  	s7 =	smul.u32 @!p0 $0xF7A, s2;
	p2 =	seq.s32 @!p0 s5, $0x0  }
0x1f: {  	s9 =	smul.u32 $0xF7A, s1;
	s8 =	simm.s32 @!p0 $0x1BF5;
	p2 =	por !p2, p0  }
0x20: {  	[sflag:s8] =	ssyncset.s32 @!p0 $0xFFFFF086;
	s6 =	sadd.s32 @!p0 s3, s7;
	s7 =	simm.s32 @!p0 $0x108  }
0x21: {  	s3 =	sadd.s32 s3, s9;
	s6 =	sadd.s32 @!p0 $0x88, s6;
	s7 =	simm.s32 @p2 $0x1082  }
0x22: {  	[simem:s7], [sflag:s8] =	dma.local @!p0 [hbm:s6], $0xF7A  }
0x23: {  	s9 =	sor.u32 $0xD0000000, s2;
	s6 =	simm.s32 $0x108;
	_ =	swait.ge @!p0 [sflag:s8], $0x0  }
0x24: {  	s3 =	sadd.s32 $0x88, s3;
	s6 =	simm.s32 @!p1 $0x1082;
	[sflag:s4] =	ssyncset.s32 $0xFFFFF086  }
0x25: {  	[simem:s6], [sflag:s4] =	dma.local [hbm:s3], $0xF7A  }
0x26: {  	[smem:$0x3F96] =	sst s1;
	(tag) =	ssettag s2;
	_ =	strace s9  }
0x27: {  	s1 =	sld [smem:$0x3FA6]  }
0x28: {  	s2 =	sld [smem:$0x3FA7]  }
0x29: {  	s4 =	sld [smem:$0x3FA9]  }
0x2a: {  	p0 =	seq.s32 s5, $0x0;
	s5 =	sld [smem:$0x3FAA]  }
0x2b: {  	s6 =	sld [smem:$0x3FAB]  }
0x2c: {  	s7 =	sld [smem:$0x3FAC]  }
0x2d: {  	s3 =	simm.s32 $0x108;
	s8 =	sld [smem:$0x3FAD]  }
0x2e: {  	s3 =	simm.s32 @!p0 $0x1082;
	s9 =	sld [smem:$0x3FAE]  }
0x2f: {  	lr =	sadd.s32 s0, s3;
	s0 =	sld [smem:$0x3FA5]  }
0x30: {  	s3 =	sld [smem:$0x3FA8]  }
0x31: {  	[smem:$0x3FB1] =	sst s10  }
0x32: {  	s10 =	sld [smem:$0x3FAF];
	_ =	sdelay $0x3  }
0x33: {  	p0 =	seq.s32 s10, $0x1;
	s10 =	sld [smem:$0x3FB1];
	_ =	sdelay $0x3  }
0x34: {  	[smem:$0x3FB1] =	sst s10  }
0x35: {  	s10 =	sld [smem:$0x3FB0];
	_ =	sdelay $0x3  }
0x36: {  	p1 =	seq.s32 s10, $0x1;
	s10 =	sld [smem:$0x3FB1];
	_ =	sdelay $0x3  }
0x37: {  	[smem:$0x3FB1] =	sst s10  }
0x38: {  	s10 =	sld [smem:$0x3FB2]  }
0x39: {  	_ = 	snop;
	(pc) =	sbr.ind lr, $3  }
0x3a: {  	_ = 	snop  }
0x3b: {  	_ = 	snop  }
0x3c: {  	p2 =	seq.s32 s10, $0x1;
	s10 =	sld [smem:$0x3FB1]  }
0x3d: {  	_ =	shalt  }
0x3e: {  	_ =	shalt  }
0x3f: {  	_ =	shalt  }
0x40: {  	_ =	shalt  }
0x41: {  	_ =	shalt  }
0x42: {  	_ =	shalt  }
0x43: {  	_ =	shalt  }
0x44: {  	_ =	shalt  }
0x45: {  	_ =	shalt  }
0x46: {  	_ =	shalt  }
0x47: {  	_ =	shalt  }
0x48: {  	_ =	shalt  }
0x49: {  	_ =	shalt  }
0x4a: {  	_ =	shalt  }
0x4b: {  	_ =	shalt  }
0x4c: {  	_ =	shalt  }
0x4d: {  	_ =	shalt  }
0x4e: {  	_ =	shalt  }
0x4f: {  	_ =	shalt  }
0x50: {  	_ =	shalt  }
0x51: {  	_ =	shalt  }
0x52: {  	_ =	shalt  }
0x53: {  	_ =	shalt  }
0x54: {  	_ =	shalt  }
0x55: {  	_ =	shalt  }
0x56: {  	_ =	shalt  }
0x57: {  	_ =	shalt  }
0x58: {  	_ =	shalt  }
0x59: {  	_ =	shalt  }
0x5a: {  	_ =	shalt  }
0x5b: {  	_ =	shalt  }
0x5c: {  	_ =	shalt  }
0x5d: {  	_ =	shalt  }
0x5e: {  	_ =	shalt  }
0x5f: {  	_ =	shalt  }
0x60: {  	_ =	shalt  }
0x61: {  	_ =	shalt  }
0x62: {  	_ =	shalt  }
0x63: {  	_ =	shalt  }
0x64: {  	_ =	shalt  }
0x65: {  	_ =	shalt  }
0x66: {  	_ =	shalt  }
0x67: {  	_ =	shalt  }
0x68: {  	_ =	shalt  }
0x69: {  	_ =	shalt  }
0x6a: {  	_ =	shalt  }
0x6b: {  	_ =	shalt  }
0x6c: {  	_ =	shalt  }
0x6d: {  	_ =	shalt  }
0x6e: {  	_ =	shalt  }
0x6f: {  	_ =	shalt  }
0x70: {  	_ =	shalt  }
0x71: {  	_ =	shalt  }
0x72: {  	_ =	shalt  }
0x73: {  	_ =	shalt  }
0x74: {  	_ =	shalt  }
0x75: {  	_ =	shalt  }
0x76: {  	_ =	shalt  }
0x77: {  	_ =	shalt  }
0x78: {  	_ =	shalt  }
0x79: {  	_ =	shalt  }
0x7a: {  	_ =	shalt  }
0x7b: {  	_ =	shalt  }
0x7c: {  	_ =	shalt  }
0x7d: {  	_ =	shalt  }
0x7e: {  	_ =	shalt  }
0x7f: {  	_ =	shalt  }
0x80: {  	_ =	shalt  }
0x81: {  	_ =	shalt  }
0x82: {  	_ =	shalt  }
0x83: {  	_ =	shalt  }
0x84: {  	_ =	shalt  }
0x85: {  	_ =	shalt  }
0x86: {  	_ =	shalt  }
0x87: {  	_ =	shalt  }
.Lfunc_end0:
.L_simem_size_0:
called_computation.5_lowered:
.L_overlay_start_0:
0x88: {  	s2 =	sld [smem:$0x3FD9]  }
0x89: {  	s3 =	sld [smem:$0x3FFE];
	_ =	sdelay $0x1  }
0x8a: {  	s1 =	srdreg.scid  }
0x8b: {  	s0 =	sand.u32 $0x1, s1  }
0x8c: {  	s17 =	sshll.u32 s0, $0xA;
	s2 =	sadd.s32 s3, s2  }
0x8d: {  	s2 =	sadd.s32 s2, s17  }
0x8e: {  	[smem:$0x3FBD] =	sst s2  }
0x8f: {  	_ = 	snop  }
0x90: {  	(tm) =	ssettm $0x1  }
0x91: {  	s18 =	sld [smem:$0x3FFB];
	_ =	sdelay $0x3  }
0x92: {  	_ =	strace s18  }
0x93: {  	s2 =	sld [smem:$0x3FFC];
	_ =	sdelay $0x3  }
0x94: {  	_ =	strace s2  }
0x95: {  	s2 =	sld [smem:$0x3FFD];
	_ =	sdelay $0x3  }
0x96: {  	_ =	strace s2  }
0x97: {  	_ =	strace $0x8FFFFFFF  }
0x98: {  	s19 =	sld [smem:$0x3FDB];
	_ =	sdelay $0x1  }
0x99: {  	s20 =	simm.s32 $_scs_section_size  }
0x9a: {  	s4 =	simm.s32 $_size__tile_overlayer_lowered;
	s5 =	simm.s32 $_tile_overlayer_lowered  }
0x9b: {  	s6 =	simm.s32 $0x1BFF;
	s21 =	sshll.u32 s5, $0x1;
	s3 =	sadd.s32 s20, s19  }
0x9c: {  	s22 =	simm.s32 $0x0;
	s4 =	sshll.u32 s4, $0x1;
	s5 =	sadd.s32 s21, s3  }
0x9d: {  	[timem:s22], [sflag:s6] =	dma.local [hbm:s5], s4  }
0x9e: {  	_ =	swait.ge [sflag:s6], s4  }
0x9f: {  	s4 =	ssub.s32 $0x0, s4;
	[sflag:s6] =	ssyncset.done $0x0  }
0xa0: {  	[sflag:s6] =	ssyncadd.s32 s4;
	_ =	sdelay $0x1  }
0xa1: {  	s23 =	simm.s32 $0x1B8B  }
0xa2: {  	_ =	swait.ge [sflag:s23], $0x1  }
0xa3: {  	[sflag:s23] =	ssyncset.done $0x0  }
0xa4: {  	[sflag:s23] =	ssyncadd.s32 $0xFFFFFFFF  }
0xa5: {  	s4 =	sld [smem:$0x0]  }
0xa6: {  	s5 =	sand.u32 $0xFFFFFFFE, s1  }
0xa7: {  	p0 =	sne.s32 s1, s5  }
0xa8: {  	s5 =	sshll.u32 @p0 s5, $0xE  }
0xa9: {  	s5 =	sadd.s32 @p0 $0x11B8D, s5;
	s6 =	sshll.u32 @p0 s4, $0x11  }
0xaa: {  	s5 =	sor.u32 @p0 s6, s5  }
0xab: {  	[sflag:s5] =	ssyncadd.remote.s32 @p0 $0x1;
	_ =	sdelay $0x1  }
0xac: {  	s5 =	simm.s32 @p0 $0x1B8D  }
0xad: {  	_ =	swait.eq @p0 [sflag:s5], $0x1  }
0xae: {  	[sflag:s5] =	ssyncadd.s32 @p0 $0xFFFFFFFF  }
0xaf: {  	s6 =	sshll.u32 @!p0 s1, $0xE  }
0xb0: {  	s6 =	sor.u32 @!p0 $0x4000, s6;
	s5 =	simm.s32 @!p0 $0x1B8D  }
0xb1: {  	s4 =	sshll.u32 @!p0 s4, $0x11;
	s6 =	sadd.s32 @!p0 $0x11B8D, s6;
	_ =	swait.eq @!p0 [sflag:s5], $0x1  }
0xb2: {  	s4 =	sor.u32 @!p0 s4, s6;
	[sflag:s5] =	ssyncadd.s32 @!p0 $0xFFFFFFFF  }
0xb3: {  	s25 =	simm.s32 $0x1B8E;
	s24 =	sld [smem:$0x3FFE];
	[sflag:s4] =	ssyncadd.remote.s32 @!p0 $0x1  }
0xb4: {  	s26 =	simm.s32 $execute0_lowered;
	[smem:$0x3FD2] =	sst s25  }
0xb5: {  	s5 =	sshll.u32 s26, $0x1;
	_ =	strace $0x80000052;
	[dreg:$0x1] =	wrdreg $0xFFFFFFFF  }
0xb6: {  	s28 =	simm.s32 $_size_execute0_lowered;
	s3 =	sadd.s32 s3, s5;
	[dreg:$0x0] =	wrdreg $0x0  }
0xb7: {  	s5 =	sshll.u32 s28, $0x1;
	[dreg:$0x2] =	wrdreg s3  }
0xb8: {  	[dreg:$0x3] =	wrdreg s5  }
0xb9: {  	[dreg:$0x4] =	wrdreg $0xC0  }
0xba: {  	_ =	task [dreg:s22], $0x5FFFF  }
0xbb: {  	[dreg:$0x1] =	wrdreg $0xFFFFFFFF  }
0xbc: {  	[dreg:$0x0] =	wrdreg $0x60  }
0xbd: {  	[dreg:$0x2] =	wrdreg s24  }
0xbe: {  	[dreg:$0x3] =	wrdreg $0xB  }
0xbf: {  	_ =	task.clear_ibuf [dreg:s22], $0x4FFFF;
	_ =	strace $0x90000052  }
0xc0: {  	s29 =	simm.s32 $0xB;
	_ =	strace $0x80000054  }
0xc1: {  	_ =	swait.ge [sflag:s29], $0x1  }
0xc2: {  	[sflag:s29] =	ssyncadd.s32 $0xFFFFFFFF  }
0xc3: {  	_ =	strace $0x90000054  }
0xc4: {  	_ =	sfence  }
0xc5: {  	s30 =	sld [smem:$0x0];
	_ =	sdelay $0x2  }
0xc6: {  	s31 =	sshll.u32 s1, $0xD;
	s1 =	sshrl.u32 s1, $0x2  }
0xc7: {  	s4 =	sand.u32 $0x4000, s31;
	s1 =	sadd.s32 s1, s30  }
0xc8: {  	s0 =	sor.u32 s4, s0;
	s1 =	sshll.u32 s1, $0x11  }
0xc9: {  	s0 =	sor.u32 s1, s0  }
0xca: {  	s0 =	sadd.s32 $0x8F2B, s0  }
0xcb: {  	[sflag:s0] =	ssyncadd.remote.s32 $0x1  }
0xcc: {  	_ =	sfence.sel $0xFFFF  }
0xcd: {  	[dreg:$0x0] =	wrdreg $0xFFFFFFFF;
	(pc) =	sbr.abs _section_cstart, $3  }
0xce: {  	[dreg:$0x1] =	wrdreg $0xFFFFFFFF  }
0xcf: {  	_ =	task.clear_ibuf [dreg:s22], $0x2FFFF;
	_ =	strace $0x9FFFFFFF  }
0xd0: {  	(tm) =	ssettm $0x7FFFFFFF  }
0xd1: {  	_ =	shalt  }
tec
execute0_lowered:
.L_overlay_start_1:
0x0: {  	(tag) =	ssettag $0x1  }
0x1: {  	s4 =	rddreg [dreg:$0x0]  }
0x2: {  	s0 =	rddreg [dreg:$0x1];
	s3 =	srdreg.scid  }
0x3: {  	s1 =	stileid.u32;
	s2 =	simm.s32 $0x0;
	s10 =	simm.s32 $0x1500  }
0x4: {  	s11 =	simm.s32 $0x50;
	s12 =	simm.s32 $0x2900;
	s13 =	simm.s32 $0x78  }
0x5: {  	s14 =	simm.s32 $0x3D00;
	s15 =	simm.s32 $0xA0;
	s16 =	simm.s32 $0x5100  }
0x6: {  	s17 =	simm.s32 $0x1;
	s18 =	simm.s32 $0x0;
	s6 =	smul.u32 $0x2710, s1  }
0x7: {  	s5 =	sand.u32 $0x1, s3;
	[smem:$0x7FF] =	sst s2;
	s8 =	smul.u32 $0x27100, s1  }
0x8: {  	s3 =	sadd.s32 $0x11400, s4;
	s7 =	smul.u32 $0x1388, s5;
	s30 =	ssub.s32 $0x2, s5  }
0x9: {  	_ =	strace $0x80000053;
	s5 =	smul.u32 $0x13880, s5;
	s9 =	sshrl.u32 s30, $0x1  }
0xa: {  	s8 =	sadd.s32 s8, s4;
	s6 =	sadd.s32 s7, s6;
	s31 =	ssub.s32 s30, s9  }
0xb: {  	s5 =	sadd.s32 s5, s8;
	s7 =	simm.s32 $0x2;
	s6 =	sshrl.u32 s6, $0x3  }
0xc: {  	s8 =	simm.s32 $0x28;
	s9 =	simm.s32 $0x100;
	s6 =	sadd.s32 s6, s4  }
0xd: {  	s5 =	sadd.s32 $0x282400, s5;
	s4 =	smax.u32 s31, $0x1;
	s6 =	sadd.s32 $0x541600, s6  }
.LBB2_1:
0xe: {  	[tilespmem:s2], [sflag:$0x2] =	stream.linear.gather [hbm4b:s6+s2], $0xC8, $0x38;
	[tilespmem:$0x6500] =	vst v63  }
0xf: {  	_ =	swait.ge [sflag:s7], $0xC8  }
0x10: {  	[sflag:s7] =	ssyncset.done $0x0  }
0x11: {  	[sflag:s7] =	ssyncadd.s32 $0xFFFFFF38  }
0x12: {  	[tilespmem:s9], [sflag:$0x1] =	stream.indirect.gather [hbm4b:s3+s8], $0x80, s2, s8, $0xb8;
	[tilespmem:$0x6500] =	vst v63  }
0x13: {  	_ = 	snop  }
0x14: {  	[tilespmem:s10], [sflag:$0x1] =	stream.indirect.gather [hbm4b:s3+s8], $0x80, s8, s8, $0xb8;
	[tilespmem:$0x6500] =	vst v63  }
0x15: {  	_ = 	snop  }
0x16: {  	[tilespmem:s12], [sflag:$0x1] =	stream.indirect.gather [hbm4b:s3+s8], $0x80, s11, s8, $0xb8;
	[tilespmem:$0x6500] =	vst v63  }
0x17: {  	_ = 	snop  }
0x18: {  	[tilespmem:s14], [sflag:$0x1] =	stream.indirect.gather [hbm4b:s3+s8], $0x80, s13, s8, $0xb8;
	[tilespmem:$0x6500] =	vst v63  }
0x19: {  	_ = 	snop  }
0x1a: {  	[tilespmem:s16], [sflag:$0x1] =	stream.indirect.gather [hbm4b:s3+s8], $0x80, s15, s8, $0xb8;
	[tilespmem:$0x6500] =	vst v63  }
0x1b: {  	_ =	swait.ge [sflag:s17], $0x1400  }
0x1c: {  	[sflag:s17] =	ssyncset.done $0x0  }
0x1d: {  	[sflag:s17] =	ssyncadd.s32 $0xFFFFEC00  }
0x1e: {  	_ =	swait.ge [sflag:s17], $0x1400  }
0x1f: {  	[sflag:s17] =	ssyncset.done $0x0  }
0x20: {  	[sflag:s17] =	ssyncadd.s32 $0xFFFFEC00  }
0x21: {  	_ =	swait.ge [sflag:s17], $0x1400  }
0x22: {  	[sflag:s17] =	ssyncset.done $0x0  }
0x23: {  	[sflag:s17] =	ssyncadd.s32 $0xFFFFEC00  }
0x24: {  	_ =	swait.ge [sflag:s17], $0x1400  }
0x25: {  	[sflag:s17] =	ssyncset.done $0x0  }
0x26: {  	[sflag:s17] =	ssyncadd.s32 $0xFFFFEC00  }
0x27: {  	_ =	swait.ge [sflag:s17], $0x1400  }
0x28: {  	[sflag:s17] =	ssyncset.done $0x0  }
0x29: {  	s19 =	sadd.s32 $0x0, s5;
	[sflag:s17] =	ssyncadd.s32 $0xFFFFEC00  }
0x2a: {  	[hbm4b:s19+s2] =	stream.linear.scatter [tilespmem:s9], [sflag:$0x2], $0x1400, $0x38;
	[tilespmem:$0x6500] =	vst v63  }
0x2b: {  	_ =	swait.ge [sflag:s7], $0x1400  }
0x2c: {  	[sflag:s7] =	ssyncset.done $0x0  }
0x2d: {  	s20 =	sadd.s32 $0x280, s19;
	[sflag:s7] =	ssyncadd.s32 $0xFFFFEC00  }
0x2e: {  	[hbm4b:s20+s2] =	stream.linear.scatter [tilespmem:s10], [sflag:$0x2], $0x1400, $0x38;
	[tilespmem:$0x6500] =	vst v63  }
0x2f: {  	_ =	swait.ge [sflag:s7], $0x1400  }
0x30: {  	[sflag:s7] =	ssyncset.done $0x0  }
0x31: {  	s30 =	sadd.s32 $0x500, s19;
	[sflag:s7] =	ssyncadd.s32 $0xFFFFEC00  }
0x32: {  	[hbm4b:s30+s2] =	stream.linear.scatter [tilespmem:s12], [sflag:$0x2], $0x1400, $0x38;
	[tilespmem:$0x6500] =	vst v63  }
0x33: {  	_ =	swait.ge [sflag:s7], $0x1400  }
0x34: {  	[sflag:s7] =	ssyncset.done $0x0  }
0x35: {  	s31 =	sadd.s32 $0x780, s19;
	[sflag:s7] =	ssyncadd.s32 $0xFFFFEC00  }
0x36: {  	[hbm4b:s31+s2] =	stream.linear.scatter [tilespmem:s14], [sflag:$0x2], $0x1400, $0x38;
	[tilespmem:$0x6500] =	vst v63  }
0x37: {  	_ =	swait.ge [sflag:s7], $0x1400  }
0x38: {  	[sflag:s7] =	ssyncset.done $0x0  }
0x39: {  	s19 =	sadd.s32 $0xA00, s19;
	[sflag:s7] =	ssyncadd.s32 $0xFFFFEC00  }
0x3a: {  	[hbm4b:s19+s2] =	stream.linear.scatter [tilespmem:s16], [sflag:$0x2], $0x1400, $0x38;
	[tilespmem:$0x6500] =	vst v63  }
0x3b: {  	_ =	swait.ge [sflag:s7], $0x1400  }
0x3c: {  	s20 =	smov.u32 s6;
	s19 =	simm.s32 $0xC80;
	[sflag:s7] =	ssyncset.done $0x0  }
.LBB2_2:
0x3d: {  	p0 =	sne.s32 s19, $0x12C00;
	[sflag:s7] =	ssyncadd.s32 $0xFFFFEC00;
	s20 =	sadd.s32 $0x19, s20  }
0x3e: {  	[tilespmem:s2], [sflag:$0x2] =	stream.linear.gather [hbm4b:s20+s2], $0xC8, $0x38;
	[tilespmem:$0x6500] =	vst v63  }
0x3f: {  	s21 =	smov.u32 s19;
	s19 =	sadd.s32 $0xC80, s19;
	_ =	swait.ge [sflag:s7], $0xC8  }
0x40: {  	[sflag:s7] =	ssyncset.done $0x0  }
0x41: {  	[sflag:s7] =	ssyncadd.s32 $0xFFFFFF38  }
0x42: {  	[tilespmem:s9], [sflag:$0x1] =	stream.indirect.gather [hbm4b:s3+s8], $0x80, s2, s8, $0xb8;
	[tilespmem:$0x6500] =	vst v63  }
0x43: {  	_ = 	snop  }
0x44: {  	[tilespmem:s10], [sflag:$0x1] =	stream.indirect.gather [hbm4b:s3+s8], $0x80, s8, s8, $0xb8;
	[tilespmem:$0x6500] =	vst v63  }
0x45: {  	_ = 	snop  }
0x46: {  	[tilespmem:s12], [sflag:$0x1] =	stream.indirect.gather [hbm4b:s3+s8], $0x80, s11, s8, $0xb8;
	[tilespmem:$0x6500] =	vst v63  }
0x47: {  	_ = 	snop  }
0x48: {  	[tilespmem:s14], [sflag:$0x1] =	stream.indirect.gather [hbm4b:s3+s8], $0x80, s13, s8, $0xb8;
	[tilespmem:$0x6500] =	vst v63  }
0x49: {  	_ = 	snop  }
0x4a: {  	[tilespmem:s16], [sflag:$0x1] =	stream.indirect.gather [hbm4b:s3+s8], $0x80, s15, s8, $0xb8;
	[tilespmem:$0x6500] =	vst v63  }
0x4b: {  	_ =	swait.ge [sflag:s17], $0x1400  }
0x4c: {  	[sflag:s17] =	ssyncset.done $0x0  }
0x4d: {  	[sflag:s17] =	ssyncadd.s32 $0xFFFFEC00  }
0x4e: {  	_ =	swait.ge [sflag:s17], $0x1400  }
0x4f: {  	[sflag:s17] =	ssyncset.done $0x0  }
0x50: {  	[sflag:s17] =	ssyncadd.s32 $0xFFFFEC00  }
0x51: {  	_ =	swait.ge [sflag:s17], $0x1400  }
0x52: {  	[sflag:s17] =	ssyncset.done $0x0  }
0x53: {  	[sflag:s17] =	ssyncadd.s32 $0xFFFFEC00  }
0x54: {  	_ =	swait.ge [sflag:s17], $0x1400  }
0x55: {  	[sflag:s17] =	ssyncset.done $0x0  }
0x56: {  	[sflag:s17] =	ssyncadd.s32 $0xFFFFEC00  }
0x57: {  	_ =	swait.ge [sflag:s17], $0x1400  }
0x58: {  	[sflag:s17] =	ssyncset.done $0x0  }
0x59: {  	s21 =	sadd.s32 s21, s5;
	[sflag:s17] =	ssyncadd.s32 $0xFFFFEC00  }
0x5a: {  	[hbm4b:s21+s2] =	stream.linear.scatter [tilespmem:s9], [sflag:$0x2], $0x1400, $0x38;
	[tilespmem:$0x6500] =	vst v63  }
0x5b: {  	_ =	swait.ge [sflag:s7], $0x1400  }
0x5c: {  	[sflag:s7] =	ssyncset.done $0x0  }
0x5d: {  	s22 =	sadd.s32 $0x280, s21;
	[sflag:s7] =	ssyncadd.s32 $0xFFFFEC00  }
0x5e: {  	[hbm4b:s22+s2] =	stream.linear.scatter [tilespmem:s10], [sflag:$0x2], $0x1400, $0x38;
	[tilespmem:$0x6500] =	vst v63  }
0x5f: {  	_ =	swait.ge [sflag:s7], $0x1400  }
0x60: {  	[sflag:s7] =	ssyncset.done $0x0  }
0x61: {  	s22 =	sadd.s32 $0x500, s21;
	[sflag:s7] =	ssyncadd.s32 $0xFFFFEC00  }
0x62: {  	[hbm4b:s22+s2] =	stream.linear.scatter [tilespmem:s12], [sflag:$0x2], $0x1400, $0x38;
	[tilespmem:$0x6500] =	vst v63  }
0x63: {  	_ =	swait.ge [sflag:s7], $0x1400  }
0x64: {  	[sflag:s7] =	ssyncset.done $0x0  }
0x65: {  	s22 =	sadd.s32 $0x780, s21;
	[sflag:s7] =	ssyncadd.s32 $0xFFFFEC00  }
0x66: {  	[hbm4b:s22+s2] =	stream.linear.scatter [tilespmem:s14], [sflag:$0x2], $0x1400, $0x38;
	[tilespmem:$0x6500] =	vst v63  }
0x67: {  	_ =	swait.ge [sflag:s7], $0x1400  }
.Ltmp0:
0x68: {  	[sflag:s7] =	ssyncset.done $0x0;
	(pc) =	sbr.rel @p0 .LBB2_2-.Ltmp0, $4  }
0x69: {  	s21 =	sadd.s32 $0xA00, s21;
	[sflag:s7] =	ssyncadd.s32 $0xFFFFEC00  }
0x6a: {  	[hbm4b:s21+s2] =	stream.linear.scatter [tilespmem:s16], [sflag:$0x2], $0x1400, $0x38;
	[tilespmem:$0x6500] =	vst v63  }
0x6b: {  	_ =	swait.ge [sflag:s7], $0x1400  }
0x6c: {  	[sflag:s7] =	ssyncset.done $0x0  }
0x6d: {  	s18 =	sadd.s32 $0x1, s18  }
0x6e: {  	p0 =	sne.s32 s18, s4  }
.Ltmp1:
0x6f: {  	_ = 	snop;
	(pc) =	sbr.rel @p0 .LBB2_1-.Ltmp1, $2  }
0x70: {  	_ =	sdelay $0x2  }
0x71: {  	[sflag:s7] =	ssyncadd.s32 $0xFFFFEC00  }
0x72: {  	_ =	sfence.sel $0x180000  }
0x73: {  	[bflag:$0x0] =	sbarrier.arrive $0xFFFF  }
0x74: {  	p0 =	sne.s32 s1, $0x0;
	_ =	strace $0x90000053  }
0x75: {  	s0 =	sadd.s32 @!p0 $0x100000, s0;
	[bflag:$0x2] =	sbarrier.arrive $0xFFFF  }
0x76: {  	[sflag:s0] =	ssyncadd.tile.s32 @!p0 $0x1;
	_ =	shalt  }
.Lfunc_end2:
_tile_overlayer_lowered:
.L_overlay_start_2:
0x77: {  	(tag) =	ssettag $0x2  }
0x78: {  	s0 =	rddreg [dreg:$0x0];
	s2 =	stileid.u32  }
0x79: {  	s1 =	rddreg [dreg:$0x1];
	p0 =	sne.s32 s2, $0x0  }
0x7a: {  	s3 =	rddreg [dreg:$0x2];
	[bflag:$0x3] =	sbarrier.arrive $0xFFFF;
	s2 =	simm.s32 @!p0 $0x1C02  }
0x7b: {  	[timem:s3], [sflag:s2] =	dma.local @!p0 [hbm:s0], s1  }
0x7c: {  	s0 =	simm.s32 @!p0 $0x2  }
0x7d: {  	_ =	swait.ge @!p0 [sflag:s0], s1  }
0x7e: {  	s1 =	ssub.s32 @!p0 $0x0, s1;
	[sflag:s0] =	ssyncset.done @!p0 $0x0  }
0x7f: {  	[sflag:s0] =	ssyncadd.s32 @!p0 s1  }
0x80: {  	[bflag:$0x3] =	sbarrier.arrive $0xFFFF  }
0x81: {  	_ =	shalt  }

// kernel: kernel.21.cloned.1.call-start
scs
__scs_entry_jumppad:
0x0: {  	(pc) =	sbr.rel $0x88, $3  }
0x1: {  	(tag) =	ssettag $0x0;
	lr =	simm.s32 $0x1  }
0x2: {  	[smem:$0x3F96] =	sst lr;
	_ =	strace $0xD0000000  }
0x3: {  	_ = 	snop  }
0x4: {  	_ = 	snop  }
0x5: {  	_ = 	snop  }
0x6: {  	_ = 	snop  }
0x7: {  	_ = 	snop  }
__scs_overlays_trampoline_lowered:
0x8: {  	[smem:$0x3FA5] =	sst s0  }
0x9: {  	[smem:$0x3FA6] =	sst s1  }
0xa: {  	[smem:$0x3FA7] =	sst s2  }
0xb: {  	[smem:$0x3FA8] =	sst s3  }
0xc: {  	[smem:$0x3FA9] =	sst s4  }
0xd: {  	[smem:$0x3FAA] =	sst s5  }
0xe: {  	[smem:$0x3FAB] =	sst s6  }
0xf: {  	[smem:$0x3FAC] =	sst s7  }
0x10: {  	[smem:$0x3FAD] =	sst s8  }
0x11: {  	[smem:$0x3FAE] =	sst s9;
	s0 =	simm.s32 @!p0 $0x0  }
0x12: {  	s1 =	sld [smem:$0x3F94];
	s0 =	simm.s32 @p0 $0x1  }
0x13: {  	[smem:$0x3FAF] =	sst s0;
	s0 =	simm.s32 @!p1 $0x0  }
0x14: {  	s2 =	sld [smem:$0x3F93];
	s0 =	simm.s32 @p1 $0x1  }
0x15: {  	[smem:$0x3FB0] =	sst s0;
	s0 =	simm.s32 @!p2 $0x0  }
0x16: {  	s3 =	sld [smem:$0x3FDB];
	s0 =	simm.s32 @p2 $0x1  }
0x17: {  	s4 =	simm.s32 $0x1BF5;
	[smem:$0x3FB2] =	sst s0  }
0x18: {  	s0 =	sld [smem:$0x3F95];
	_ =	swait.ge [sflag:s4], $0x0  }
0x19: {  	s7 =	sld [smem:$0x3F96]  }
0x1a: {  	s8 =	sadd.s32 $0xFFFFE003, lr  }
0x1b: {  	s9 =	sadd.s32 $0xFFFFFEF7, lr;
	s5 =	simm.s32 $0xFFFFFFFF;
	p2 =	slt.u32 s8, $0xFFFFF086  }
0x1c: {  	p1 =	slt.u32 s9, $0xF7A;
	s5 =	simm.s32 @!p2 $0x0  }
0x1d: {  	s5 =	simm.s32 @p1 $0x1;
	p0 =	seq.s32 s7, s2  }
0x1e: {  	s7 =	smul.u32 @!p0 $0xF7A, s2;
	p2 =	seq.s32 @!p0 s5, $0x0  }
0x1f: {  	s9 =	smul.u32 $0xF7A, s1;
	s8 =	simm.s32 @!p0 $0x1BF5;
	p2 =	por !p2, p0  }
0x20: {  	[sflag:s8] =	ssyncset.s32 @!p0 $0xFFFFF086;
	s6 =	sadd.s32 @!p0 s3, s7;
	s7 =	simm.s32 @!p0 $0x108  }
0x21: {  	s3 =	sadd.s32 s3, s9;
	s6 =	sadd.s32 @!p0 $0x88, s6;
	s7 =	simm.s32 @p2 $0x1082  }
0x22: {  	[simem:s7], [sflag:s8] =	dma.local @!p0 [hbm:s6], $0xF7A  }
0x23: {  	s9 =	sor.u32 $0xD0000000, s2;
	s6 =	simm.s32 $0x108;
	_ =	swait.ge @!p0 [sflag:s8], $0x0  }
0x24: {  	s3 =	sadd.s32 $0x88, s3;
	s6 =	simm.s32 @!p1 $0x1082;
	[sflag:s4] =	ssyncset.s32 $0xFFFFF086  }
0x25: {  	[simem:s6], [sflag:s4] =	dma.local [hbm:s3], $0xF7A  }
0x26: {  	[smem:$0x3F96] =	sst s1;
	(tag) =	ssettag s2;
	_ =	strace s9  }
0x27: {  	s1 =	sld [smem:$0x3FA6]  }
0x28: {  	s2 =	sld [smem:$0x3FA7]  }
0x29: {  	s4 =	sld [smem:$0x3FA9]  }
0x2a: {  	p0 =	seq.s32 s5, $0x0;
	s5 =	sld [smem:$0x3FAA]  }
0x2b: {  	s6 =	sld [smem:$0x3FAB]  }
0x2c: {  	s7 =	sld [smem:$0x3FAC]  }
0x2d: {  	s3 =	simm.s32 $0x108;
	s8 =	sld [smem:$0x3FAD]  }
0x2e: {  	s3 =	simm.s32 @!p0 $0x1082;
	s9 =	sld [smem:$0x3FAE]  }
0x2f: {  	lr =	sadd.s32 s0, s3;
	s0 =	sld [smem:$0x3FA5]  }
0x30: {  	s3 =	sld [smem:$0x3FA8]  }
0x31: {  	[smem:$0x3FB1] =	sst s10  }
0x32: {  	s10 =	sld [smem:$0x3FAF];
	_ =	sdelay $0x3  }
0x33: {  	p0 =	seq.s32 s10, $0x1;
	s10 =	sld [smem:$0x3FB1];
	_ =	sdelay $0x3  }
0x34: {  	[smem:$0x3FB1] =	sst s10  }
0x35: {  	s10 =	sld [smem:$0x3FB0];
	_ =	sdelay $0x3  }
0x36: {  	p1 =	seq.s32 s10, $0x1;
	s10 =	sld [smem:$0x3FB1];
	_ =	sdelay $0x3  }
0x37: {  	[smem:$0x3FB1] =	sst s10  }
0x38: {  	s10 =	sld [smem:$0x3FB2]  }
0x39: {  	_ = 	snop;
	(pc) =	sbr.ind lr, $3  }
0x3a: {  	_ = 	snop  }
0x3b: {  	_ = 	snop  }
0x3c: {  	p2 =	seq.s32 s10, $0x1;
	s10 =	sld [smem:$0x3FB1]  }
0x3d: {  	_ =	shalt  }
0x3e: {  	_ =	shalt  }
0x3f: {  	_ =	shalt  }
0x40: {  	_ =	shalt  }
0x41: {  	_ =	shalt  }
0x42: {  	_ =	shalt  }
0x43: {  	_ =	shalt  }
0x44: {  	_ =	shalt  }
0x45: {  	_ =	shalt  }
0x46: {  	_ =	shalt  }
0x47: {  	_ =	shalt  }
0x48: {  	_ =	shalt  }
0x49: {  	_ =	shalt  }
0x4a: {  	_ =	shalt  }
0x4b: {  	_ =	shalt  }
0x4c: {  	_ =	shalt  }
0x4d: {  	_ =	shalt  }
0x4e: {  	_ =	shalt  }
0x4f: {  	_ =	shalt  }
0x50: {  	_ =	shalt  }
0x51: {  	_ =	shalt  }
0x52: {  	_ =	shalt  }
0x53: {  	_ =	shalt  }
0x54: {  	_ =	shalt  }
0x55: {  	_ =	shalt  }
0x56: {  	_ =	shalt  }
0x57: {  	_ =	shalt  }
0x58: {  	_ =	shalt  }
0x59: {  	_ =	shalt  }
0x5a: {  	_ =	shalt  }
0x5b: {  	_ =	shalt  }
0x5c: {  	_ =	shalt  }
0x5d: {  	_ =	shalt  }
0x5e: {  	_ =	shalt  }
0x5f: {  	_ =	shalt  }
0x60: {  	_ =	shalt  }
0x61: {  	_ =	shalt  }
0x62: {  	_ =	shalt  }
0x63: {  	_ =	shalt  }
0x64: {  	_ =	shalt  }
0x65: {  	_ =	shalt  }
0x66: {  	_ =	shalt  }
0x67: {  	_ =	shalt  }
0x68: {  	_ =	shalt  }
0x69: {  	_ =	shalt  }
0x6a: {  	_ =	shalt  }
0x6b: {  	_ =	shalt  }
0x6c: {  	_ =	shalt  }
0x6d: {  	_ =	shalt  }
0x6e: {  	_ =	shalt  }
0x6f: {  	_ =	shalt  }
0x70: {  	_ =	shalt  }
0x71: {  	_ =	shalt  }
0x72: {  	_ =	shalt  }
0x73: {  	_ =	shalt  }
0x74: {  	_ =	shalt  }
0x75: {  	_ =	shalt  }
0x76: {  	_ =	shalt  }
0x77: {  	_ =	shalt  }
0x78: {  	_ =	shalt  }
0x79: {  	_ =	shalt  }
0x7a: {  	_ =	shalt  }
0x7b: {  	_ =	shalt  }
0x7c: {  	_ =	shalt  }
0x7d: {  	_ =	shalt  }
0x7e: {  	_ =	shalt  }
0x7f: {  	_ =	shalt  }
0x80: {  	_ =	shalt  }
0x81: {  	_ =	shalt  }
0x82: {  	_ =	shalt  }
0x83: {  	_ =	shalt  }
0x84: {  	_ =	shalt  }
0x85: {  	_ =	shalt  }
0x86: {  	_ =	shalt  }
0x87: {  	_ =	shalt  }
.Lfunc_end0:
.L_simem_size_0:
called_computation.6_lowered:
.L_overlay_start_0:
0x88: {  	s2 =	sld [smem:$0x3FD9]  }
0x89: {  	s3 =	sld [smem:$0x3FFE];
	_ =	sdelay $0x1  }
0x8a: {  	s1 =	srdreg.scid  }
0x8b: {  	s0 =	sand.u32 $0x1, s1  }
0x8c: {  	s17 =	sshll.u32 s0, $0xA;
	s2 =	sadd.s32 s3, s2  }
0x8d: {  	s2 =	sadd.s32 s2, s17  }
0x8e: {  	[smem:$0x3FBD] =	sst s2  }
0x8f: {  	_ = 	snop  }
0x90: {  	(tm) =	ssettm $0x1  }
0x91: {  	s18 =	sld [smem:$0x3FFB];
	_ =	sdelay $0x3  }
0x92: {  	_ =	strace s18  }
0x93: {  	s2 =	sld [smem:$0x3FFC];
	_ =	sdelay $0x3  }
0x94: {  	_ =	strace s2  }
0x95: {  	s2 =	sld [smem:$0x3FFD];
	_ =	sdelay $0x3  }
0x96: {  	_ =	strace s2  }
0x97: {  	_ =	strace $0x8FFFFFFF  }
0x98: {  	s19 =	sld [smem:$0x3FDB];
	_ =	sdelay $0x1  }
0x99: {  	s20 =	simm.s32 $_scs_section_size  }
0x9a: {  	s4 =	simm.s32 $_size__tile_overlayer_lowered;
	s5 =	simm.s32 $_tile_overlayer_lowered  }
0x9b: {  	s6 =	simm.s32 $0x1BFF;
	s21 =	sshll.u32 s5, $0x1;
	s3 =	sadd.s32 s20, s19  }
0x9c: {  	s22 =	simm.s32 $0x0;
	s4 =	sshll.u32 s4, $0x1;
	s5 =	sadd.s32 s21, s3  }
0x9d: {  	[timem:s22], [sflag:s6] =	dma.local [hbm:s5], s4  }
0x9e: {  	_ =	swait.ge [sflag:s6], s4  }
0x9f: {  	s4 =	ssub.s32 $0x0, s4;
	[sflag:s6] =	ssyncset.done $0x0  }
0xa0: {  	[sflag:s6] =	ssyncadd.s32 s4;
	_ =	sdelay $0x1  }
0xa1: {  	s23 =	simm.s32 $0x1B8B  }
0xa2: {  	_ =	swait.ge [sflag:s23], $0x1  }
0xa3: {  	[sflag:s23] =	ssyncset.done $0x0  }
0xa4: {  	[sflag:s23] =	ssyncadd.s32 $0xFFFFFFFF  }
0xa5: {  	s4 =	sld [smem:$0x0]  }
0xa6: {  	s5 =	sand.u32 $0xFFFFFFFE, s1  }
0xa7: {  	p0 =	sne.s32 s1, s5  }
0xa8: {  	s5 =	sshll.u32 @p0 s5, $0xE  }
0xa9: {  	s5 =	sadd.s32 @p0 $0x11B8D, s5;
	s6 =	sshll.u32 @p0 s4, $0x11  }
0xaa: {  	s5 =	sor.u32 @p0 s6, s5  }
0xab: {  	[sflag:s5] =	ssyncadd.remote.s32 @p0 $0x1;
	_ =	sdelay $0x1  }
0xac: {  	s5 =	simm.s32 @p0 $0x1B8D  }
0xad: {  	_ =	swait.eq @p0 [sflag:s5], $0x1  }
0xae: {  	[sflag:s5] =	ssyncadd.s32 @p0 $0xFFFFFFFF  }
0xaf: {  	s6 =	sshll.u32 @!p0 s1, $0xE  }
0xb0: {  	s6 =	sor.u32 @!p0 $0x4000, s6;
	s5 =	simm.s32 @!p0 $0x1B8D  }
0xb1: {  	s4 =	sshll.u32 @!p0 s4, $0x11;
	s6 =	sadd.s32 @!p0 $0x11B8D, s6;
	_ =	swait.eq @!p0 [sflag:s5], $0x1  }
0xb2: {  	s4 =	sor.u32 @!p0 s4, s6;
	[sflag:s5] =	ssyncadd.s32 @!p0 $0xFFFFFFFF  }
0xb3: {  	s25 =	simm.s32 $0x1B8E;
	s24 =	sld [smem:$0x3FFE];
	[sflag:s4] =	ssyncadd.remote.s32 @!p0 $0x1  }
0xb4: {  	s26 =	simm.s32 $execute0_lowered;
	[smem:$0x3FD2] =	sst s25  }
0xb5: {  	s5 =	sshll.u32 s26, $0x1;
	_ =	strace $0x80000058;
	[dreg:$0x1] =	wrdreg $0xFFFFFFFF  }
0xb6: {  	s28 =	simm.s32 $_size_execute0_lowered;
	s3 =	sadd.s32 s3, s5;
	[dreg:$0x0] =	wrdreg $0x0  }
0xb7: {  	s5 =	sshll.u32 s28, $0x1;
	[dreg:$0x2] =	wrdreg s3  }
0xb8: {  	[dreg:$0x3] =	wrdreg s5  }
0xb9: {  	[dreg:$0x4] =	wrdreg $0xC0  }
0xba: {  	_ =	task [dreg:s22], $0x5FFFF  }
0xbb: {  	[dreg:$0x1] =	wrdreg $0xFFFFFFFF  }
0xbc: {  	[dreg:$0x0] =	wrdreg $0x60  }
0xbd: {  	[dreg:$0x2] =	wrdreg s24  }
0xbe: {  	[dreg:$0x3] =	wrdreg $0x9  }
0xbf: {  	_ =	task.clear_ibuf [dreg:s22], $0x4FFFF;
	_ =	strace $0x90000058  }
0xc0: {  	s29 =	simm.s32 $0x9;
	_ =	strace $0x8000005A  }
0xc1: {  	_ =	swait.ge [sflag:s29], $0x1  }
0xc2: {  	[sflag:s29] =	ssyncadd.s32 $0xFFFFFFFF  }
0xc3: {  	_ =	strace $0x9000005A  }
0xc4: {  	_ =	sfence  }
0xc5: {  	s30 =	sld [smem:$0x0];
	_ =	sdelay $0x2  }
0xc6: {  	s31 =	sshll.u32 s1, $0xD;
	s1 =	sshrl.u32 s1, $0x2  }
0xc7: {  	s4 =	sand.u32 $0x4000, s31;
	s1 =	sadd.s32 s1, s30  }
0xc8: {  	s0 =	sor.u32 s4, s0;
	s1 =	sshll.u32 s1, $0x11  }
0xc9: {  	s0 =	sor.u32 s1, s0  }
0xca: {  	s0 =	sadd.s32 $0x8F2B, s0  }
0xcb: {  	[sflag:s0] =	ssyncadd.remote.s32 $0x1  }
0xcc: {  	_ =	sfence.sel $0xFFFF  }
0xcd: {  	[dreg:$0x0] =	wrdreg $0xFFFFFFFF;
	(pc) =	sbr.abs _section_cstart, $3  }
0xce: {  	[dreg:$0x1] =	wrdreg $0xFFFFFFFF  }
0xcf: {  	_ =	task.clear_ibuf [dreg:s22], $0x2FFFF;
	_ =	strace $0x9FFFFFFF  }
0xd0: {  	(tm) =	ssettm $0x7FFFFFFF  }
0xd1: {  	_ =	shalt  }
tec
execute0_lowered:
.L_overlay_start_1:
0x0: {  	(tag) =	ssettag $0x1  }
0x1: {  	s1 =	srdreg.scid;
	s0 =	stileid.u32  }
0x2: {  	s19 =	sand.u32 $0x1, s1;
	s31 =	sshll.u32 s0, $0x1  }
0x3: {  	s17 =	sor.u32 s19, s31  }
0x4: {  	s16 =	rddreg [dreg:$0x0];
	s3 =	smul.u32 $0x28, s17  }
0x5: {  	s2 =	simm.s32 $0x0;
	s1 =	rddreg [dreg:$0x1]  }
0x6: {  	[smem:$0x7FF] =	sst s2;
	s3 =	sadd.s32 s3, s16  }
0x7: {  	_ =	strace $0x80000059;
	s4 =	sadd.s32 $0x278400, s3;
	s3 =	simm.s32 $0x2  }
0x8: {  	[tilespmem:s2], [sflag:$0x2] =	stream.linear.gather [hbm4b:s4+s2], $0x140, $0x38;
	[tilespmem:$0xA180] =	vst v63  }
0x9: {  	_ =	swait.ge [sflag:s3], $0x140  }
0xa: {  	s6 =	simm.s32 $0x40;
	[sflag:s3] =	ssyncset.done $0x0  }
0xb: {  	s7 =	simm.s32 $0x180;
	s5 =	sadd.s32 $0x51C600, s16;
	[sflag:s3] =	ssyncadd.s32 $0xFFFFFEC0  }
0xc: {  	[tilespmem:s7], [sflag:$0x1] =	stream.indirect.gather [hbm4b:s5+s6], $0x80, s2, s6, $0xb8;
	[tilespmem:$0xA180] =	vst v63  }
0xd: {  	s8 =	simm.s32 $0x2180  }
0xe: {  	[tilespmem:s8], [sflag:$0x1] =	stream.indirect.gather [hbm4b:s5+s6], $0x80, s6, s6, $0xb8;
	[tilespmem:$0xA180] =	vst v63  }
0xf: {  	s9 =	simm.s32 $0x80;
	s10 =	simm.s32 $0x4180  }
0x10: {  	[tilespmem:s10], [sflag:$0x1] =	stream.indirect.gather [hbm4b:s5+s6], $0x80, s9, s6, $0xb8;
	[tilespmem:$0xA180] =	vst v63  }
0x11: {  	s11 =	simm.s32 $0xC0;
	s12 =	simm.s32 $0x6180  }
0x12: {  	[tilespmem:s12], [sflag:$0x1] =	stream.indirect.gather [hbm4b:s5+s6], $0x80, s11, s6, $0xb8;
	[tilespmem:$0xA180] =	vst v63  }
0x13: {  	s13 =	simm.s32 $0x100;
	s14 =	simm.s32 $0x8180;
	s15 =	simm.s32 $0x1  }
0x14: {  	[tilespmem:s14], [sflag:$0x1] =	stream.indirect.gather [hbm4b:s5+s6], $0x80, s13, s6, $0xb8;
	[tilespmem:$0xA180] =	vst v63  }
0x15: {  	_ =	swait.ge [sflag:s15], $0x2000  }
0x16: {  	[sflag:s15] =	ssyncset.done $0x0  }
0x17: {  	[sflag:s15] =	ssyncadd.s32 $0xFFFFE000  }
0x18: {  	_ =	swait.ge [sflag:s15], $0x2000  }
0x19: {  	[sflag:s15] =	ssyncset.done $0x0  }
0x1a: {  	[sflag:s15] =	ssyncadd.s32 $0xFFFFE000  }
0x1b: {  	_ =	swait.ge [sflag:s15], $0x2000  }
0x1c: {  	[sflag:s15] =	ssyncset.done $0x0  }
0x1d: {  	[sflag:s15] =	ssyncadd.s32 $0xFFFFE000  }
0x1e: {  	_ =	swait.ge [sflag:s15], $0x2000  }
0x1f: {  	[sflag:s15] =	ssyncset.done $0x0  }
0x20: {  	[sflag:s15] =	ssyncadd.s32 $0xFFFFE000  }
0x21: {  	s18 =	smul.u32 $0x1400, s17;
	_ =	swait.ge [sflag:s15], $0x2000  }
0x22: {  	s20 =	sadd.s32 $0x278A00, s16;
	[sflag:s15] =	ssyncset.done $0x0  }
0x23: {  	s17 =	smul.u32 $0xA000, s17;
	s16 =	sadd.s32 s20, s18;
	[sflag:s15] =	ssyncadd.s32 $0xFFFFE000  }
0x24: {  	[hbm4b:s16+s2] =	stream.linear.scatter [tilespmem:s7], [sflag:$0x2], $0x2000, $0x38;
	[tilespmem:$0xA180] =	vst v63  }
0x25: {  	s17 =	sshrl.u32 s17, $0x3;
	_ =	swait.ge [sflag:s3], $0x2000  }
0x26: {  	s20 =	sadd.s32 s20, s17;
	[sflag:s3] =	ssyncset.done $0x0  }
0x27: {  	s17 =	sadd.s32 $0x400, s20;
	[sflag:s3] =	ssyncadd.s32 $0xFFFFE000  }
0x28: {  	[hbm4b:s17+s2] =	stream.linear.scatter [tilespmem:s8], [sflag:$0x2], $0x2000, $0x38;
	[tilespmem:$0xA180] =	vst v63  }
0x29: {  	_ =	swait.ge [sflag:s3], $0x2000  }
0x2a: {  	[sflag:s3] =	ssyncset.done $0x0  }
0x2b: {  	s21 =	ssub.s32 $0x2, s19;
	s18 =	sadd.s32 $0x800, s20;
	[sflag:s3] =	ssyncadd.s32 $0xFFFFE000  }
0x2c: {  	[hbm4b:s18+s2] =	stream.linear.scatter [tilespmem:s10], [sflag:$0x2], $0x2000, $0x38;
	[tilespmem:$0xA180] =	vst v63  }
0x2d: {  	s22 =	sshrl.u32 s21, $0x1;
	_ =	swait.ge [sflag:s3], $0x2000  }
0x2e: {  	s21 =	ssub.s32 s21, s22;
	[sflag:s3] =	ssyncset.done $0x0  }
0x2f: {  	s21 =	smax.u32 s21, $0x1;
	s19 =	sadd.s32 $0xC00, s20;
	[sflag:s3] =	ssyncadd.s32 $0xFFFFE000  }
0x30: {  	[hbm4b:s19+s2] =	stream.linear.scatter [tilespmem:s12], [sflag:$0x2], $0x2000, $0x38;
	[tilespmem:$0xA180] =	vst v63  }
0x31: {  	p0 =	sne.s32 s21, $0x1;
	_ =	swait.ge [sflag:s3], $0x2000  }
.Ltmp0:
0x32: {  	[sflag:s3] =	ssyncset.done $0x0;
	(pc) =	sbr.rel @!p0 .LBB2_2-.Ltmp0, $4  }
0x33: {  	s20 =	sadd.s32 $0x1000, s20;
	[sflag:s3] =	ssyncadd.s32 $0xFFFFE000  }
0x34: {  	[hbm4b:s20+s2] =	stream.linear.scatter [tilespmem:s14], [sflag:$0x2], $0x2000, $0x38;
	[tilespmem:$0xA180] =	vst v63  }
0x35: {  	_ =	swait.ge [sflag:s3], $0x2000  }
0x36: {  	s21 =	sadd.s32 $0xFFFFFFFF, s21;
	[sflag:s3] =	ssyncset.done $0x0  }
.LBB2_1:
0x37: {  	p0 =	sne.s32 s21, $0x1;
	s21 =	sadd.s32 $0xFFFFFFFF, s21;
	[sflag:s3] =	ssyncadd.s32 $0xFFFFE000  }
0x38: {  	[tilespmem:s2], [sflag:$0x2] =	stream.linear.gather [hbm4b:s4+s2], $0x140, $0x38;
	[tilespmem:$0xA180] =	vst v63  }
0x39: {  	_ =	swait.ge [sflag:s3], $0x140  }
0x3a: {  	[sflag:s3] =	ssyncset.done $0x0  }
0x3b: {  	[sflag:s3] =	ssyncadd.s32 $0xFFFFFEC0  }
0x3c: {  	[tilespmem:s7], [sflag:$0x1] =	stream.indirect.gather [hbm4b:s5+s6], $0x80, s2, s6, $0xb8;
	[tilespmem:$0xA180] =	vst v63  }
0x3d: {  	_ = 	snop  }
0x3e: {  	[tilespmem:s8], [sflag:$0x1] =	stream.indirect.gather [hbm4b:s5+s6], $0x80, s6, s6, $0xb8;
	[tilespmem:$0xA180] =	vst v63  }
0x3f: {  	_ = 	snop  }
0x40: {  	[tilespmem:s10], [sflag:$0x1] =	stream.indirect.gather [hbm4b:s5+s6], $0x80, s9, s6, $0xb8;
	[tilespmem:$0xA180] =	vst v63  }
0x41: {  	_ = 	snop  }
0x42: {  	[tilespmem:s12], [sflag:$0x1] =	stream.indirect.gather [hbm4b:s5+s6], $0x80, s11, s6, $0xb8;
	[tilespmem:$0xA180] =	vst v63  }
0x43: {  	_ = 	snop  }
0x44: {  	[tilespmem:s14], [sflag:$0x1] =	stream.indirect.gather [hbm4b:s5+s6], $0x80, s13, s6, $0xb8;
	[tilespmem:$0xA180] =	vst v63  }
0x45: {  	_ =	swait.ge [sflag:s15], $0x2000  }
0x46: {  	[sflag:s15] =	ssyncset.done $0x0  }
0x47: {  	[sflag:s15] =	ssyncadd.s32 $0xFFFFE000  }
0x48: {  	_ =	swait.ge [sflag:s15], $0x2000  }
0x49: {  	[sflag:s15] =	ssyncset.done $0x0  }
0x4a: {  	[sflag:s15] =	ssyncadd.s32 $0xFFFFE000  }
0x4b: {  	_ =	swait.ge [sflag:s15], $0x2000  }
0x4c: {  	[sflag:s15] =	ssyncset.done $0x0  }
0x4d: {  	[sflag:s15] =	ssyncadd.s32 $0xFFFFE000  }
0x4e: {  	_ =	swait.ge [sflag:s15], $0x2000  }
0x4f: {  	[sflag:s15] =	ssyncset.done $0x0  }
0x50: {  	[sflag:s15] =	ssyncadd.s32 $0xFFFFE000  }
0x51: {  	_ =	swait.ge [sflag:s15], $0x2000  }
0x52: {  	[sflag:s15] =	ssyncset.done $0x0  }
0x53: {  	[sflag:s15] =	ssyncadd.s32 $0xFFFFE000  }
0x54: {  	[hbm4b:s16+s2] =	stream.linear.scatter [tilespmem:s7], [sflag:$0x2], $0x2000, $0x38;
	[tilespmem:$0xA180] =	vst v63  }
0x55: {  	_ =	swait.ge [sflag:s3], $0x2000  }
0x56: {  	[sflag:s3] =	ssyncset.done $0x0  }
0x57: {  	[sflag:s3] =	ssyncadd.s32 $0xFFFFE000  }
0x58: {  	[hbm4b:s17+s2] =	stream.linear.scatter [tilespmem:s8], [sflag:$0x2], $0x2000, $0x38;
	[tilespmem:$0xA180] =	vst v63  }
0x59: {  	_ =	swait.ge [sflag:s3], $0x2000  }
0x5a: {  	[sflag:s3] =	ssyncset.done $0x0  }
0x5b: {  	[sflag:s3] =	ssyncadd.s32 $0xFFFFE000  }
0x5c: {  	[hbm4b:s18+s2] =	stream.linear.scatter [tilespmem:s10], [sflag:$0x2], $0x2000, $0x38;
	[tilespmem:$0xA180] =	vst v63  }
0x5d: {  	_ =	swait.ge [sflag:s3], $0x2000  }
0x5e: {  	[sflag:s3] =	ssyncset.done $0x0  }
0x5f: {  	[sflag:s3] =	ssyncadd.s32 $0xFFFFE000  }
0x60: {  	[hbm4b:s19+s2] =	stream.linear.scatter [tilespmem:s12], [sflag:$0x2], $0x2000, $0x38;
	[tilespmem:$0xA180] =	vst v63  }
0x61: {  	_ =	swait.ge [sflag:s3], $0x2000  }
.Ltmp1:
0x62: {  	[sflag:s3] =	ssyncset.done $0x0;
	(pc) =	sbr.rel @p0 .LBB2_1-.Ltmp1, $4  }
0x63: {  	[sflag:s3] =	ssyncadd.s32 $0xFFFFE000  }
0x64: {  	[hbm4b:s20+s2] =	stream.linear.scatter [tilespmem:s14], [sflag:$0x2], $0x2000, $0x38;
	[tilespmem:$0xA180] =	vst v63  }
0x65: {  	_ =	swait.ge [sflag:s3], $0x2000  }
0x66: {  	[sflag:s3] =	ssyncset.done $0x0  }
.LBB2_2:
0x67: {  	[sflag:s3] =	ssyncadd.s32 $0xFFFFE000  }
0x68: {  	_ =	sfence.sel $0x180000  }
0x69: {  	[bflag:$0x0] =	sbarrier.arrive $0xFFFF  }
0x6a: {  	p0 =	sne.s32 s0, $0x0;
	_ =	strace $0x90000059  }
0x6b: {  	s0 =	sadd.s32 @!p0 $0x100000, s1;
	[bflag:$0x2] =	sbarrier.arrive $0xFFFF  }
0x6c: {  	[sflag:s0] =	ssyncadd.tile.s32 @!p0 $0x1;
	_ =	shalt  }
.Lfunc_end2:
_tile_overlayer_lowered:
.L_overlay_start_2:
0x6d: {  	(tag) =	ssettag $0x2  }
0x6e: {  	s0 =	rddreg [dreg:$0x0];
	s2 =	stileid.u32  }
0x6f: {  	s1 =	rddreg [dreg:$0x1];
	p0 =	sne.s32 s2, $0x0  }
0x70: {  	s3 =	rddreg [dreg:$0x2];
	[bflag:$0x3] =	sbarrier.arrive $0xFFFF;
	s2 =	simm.s32 @!p0 $0x1C02  }
0x71: {  	[timem:s3], [sflag:s2] =	dma.local @!p0 [hbm:s0], s1  }
0x72: {  	s0 =	simm.s32 @!p0 $0x2  }
0x73: {  	_ =	swait.ge @!p0 [sflag:s0], s1  }
0x74: {  	s1 =	ssub.s32 @!p0 $0x0, s1;
	[sflag:s0] =	ssyncset.done @!p0 $0x0  }
0x75: {  	[sflag:s0] =	ssyncadd.s32 @!p0 s1  }
0x76: {  	[bflag:$0x3] =	sbarrier.arrive $0xFFFF  }
0x77: {  	_ =	shalt  }

// kernel: kernel.24.cloned.1.call-start
scs
__scs_entry_jumppad:
0x0: {  	(pc) =	sbr.rel $0x88, $3  }
0x1: {  	(tag) =	ssettag $0x0;
	lr =	simm.s32 $0x1  }
0x2: {  	[smem:$0x3F96] =	sst lr;
	_ =	strace $0xD0000000  }
0x3: {  	_ = 	snop  }
0x4: {  	_ = 	snop  }
0x5: {  	_ = 	snop  }
0x6: {  	_ = 	snop  }
0x7: {  	_ = 	snop  }
__scs_overlays_trampoline_lowered:
0x8: {  	[smem:$0x3FA5] =	sst s0  }
0x9: {  	[smem:$0x3FA6] =	sst s1  }
0xa: {  	[smem:$0x3FA7] =	sst s2  }
0xb: {  	[smem:$0x3FA8] =	sst s3  }
0xc: {  	[smem:$0x3FA9] =	sst s4  }
0xd: {  	[smem:$0x3FAA] =	sst s5  }
0xe: {  	[smem:$0x3FAB] =	sst s6  }
0xf: {  	[smem:$0x3FAC] =	sst s7  }
0x10: {  	[smem:$0x3FAD] =	sst s8  }
0x11: {  	[smem:$0x3FAE] =	sst s9;
	s0 =	simm.s32 @!p0 $0x0  }
0x12: {  	s1 =	sld [smem:$0x3F94];
	s0 =	simm.s32 @p0 $0x1  }
0x13: {  	[smem:$0x3FAF] =	sst s0;
	s0 =	simm.s32 @!p1 $0x0  }
0x14: {  	s2 =	sld [smem:$0x3F93];
	s0 =	simm.s32 @p1 $0x1  }
0x15: {  	[smem:$0x3FB0] =	sst s0;
	s0 =	simm.s32 @!p2 $0x0  }
0x16: {  	s3 =	sld [smem:$0x3FDB];
	s0 =	simm.s32 @p2 $0x1  }
0x17: {  	s4 =	simm.s32 $0x1BF5;
	[smem:$0x3FB2] =	sst s0  }
0x18: {  	s0 =	sld [smem:$0x3F95];
	_ =	swait.ge [sflag:s4], $0x0  }
0x19: {  	s7 =	sld [smem:$0x3F96]  }
0x1a: {  	s8 =	sadd.s32 $0xFFFFE003, lr  }
0x1b: {  	s9 =	sadd.s32 $0xFFFFFEF7, lr;
	s5 =	simm.s32 $0xFFFFFFFF;
	p2 =	slt.u32 s8, $0xFFFFF086  }
0x1c: {  	p1 =	slt.u32 s9, $0xF7A;
	s5 =	simm.s32 @!p2 $0x0  }
0x1d: {  	s5 =	simm.s32 @p1 $0x1;
	p0 =	seq.s32 s7, s2  }
0x1e: {  	s7 =	smul.u32 @!p0 $0xF7A, s2;
	p2 =	seq.s32 @!p0 s5, $0x0  }
0x1f: {  	s9 =	smul.u32 $0xF7A, s1;
	s8 =	simm.s32 @!p0 $0x1BF5;
	p2 =	por !p2, p0  }
0x20: {  	[sflag:s8] =	ssyncset.s32 @!p0 $0xFFFFF086;
	s6 =	sadd.s32 @!p0 s3, s7;
	s7 =	simm.s32 @!p0 $0x108  }
0x21: {  	s3 =	sadd.s32 s3, s9;
	s6 =	sadd.s32 @!p0 $0x88, s6;
	s7 =	simm.s32 @p2 $0x1082  }
0x22: {  	[simem:s7], [sflag:s8] =	dma.local @!p0 [hbm:s6], $0xF7A  }
0x23: {  	s9 =	sor.u32 $0xD0000000, s2;
	s6 =	simm.s32 $0x108;
	_ =	swait.ge @!p0 [sflag:s8], $0x0  }
0x24: {  	s3 =	sadd.s32 $0x88, s3;
	s6 =	simm.s32 @!p1 $0x1082;
	[sflag:s4] =	ssyncset.s32 $0xFFFFF086  }
0x25: {  	[simem:s6], [sflag:s4] =	dma.local [hbm:s3], $0xF7A  }
0x26: {  	[smem:$0x3F96] =	sst s1;
	(tag) =	ssettag s2;
	_ =	strace s9  }
0x27: {  	s1 =	sld [smem:$0x3FA6]  }
0x28: {  	s2 =	sld [smem:$0x3FA7]  }
0x29: {  	s4 =	sld [smem:$0x3FA9]  }
0x2a: {  	p0 =	seq.s32 s5, $0x0;
	s5 =	sld [smem:$0x3FAA]  }
0x2b: {  	s6 =	sld [smem:$0x3FAB]  }
0x2c: {  	s7 =	sld [smem:$0x3FAC]  }
0x2d: {  	s3 =	simm.s32 $0x108;
	s8 =	sld [smem:$0x3FAD]  }
0x2e: {  	s3 =	simm.s32 @!p0 $0x1082;
	s9 =	sld [smem:$0x3FAE]  }
0x2f: {  	lr =	sadd.s32 s0, s3;
	s0 =	sld [smem:$0x3FA5]  }
0x30: {  	s3 =	sld [smem:$0x3FA8]  }
0x31: {  	[smem:$0x3FB1] =	sst s10  }
0x32: {  	s10 =	sld [smem:$0x3FAF];
	_ =	sdelay $0x3  }
0x33: {  	p0 =	seq.s32 s10, $0x1;
	s10 =	sld [smem:$0x3FB1];
	_ =	sdelay $0x3  }
0x34: {  	[smem:$0x3FB1] =	sst s10  }
0x35: {  	s10 =	sld [smem:$0x3FB0];
	_ =	sdelay $0x3  }
0x36: {  	p1 =	seq.s32 s10, $0x1;
	s10 =	sld [smem:$0x3FB1];
	_ =	sdelay $0x3  }
0x37: {  	[smem:$0x3FB1] =	sst s10  }
0x38: {  	s10 =	sld [smem:$0x3FB2]  }
0x39: {  	_ = 	snop;
	(pc) =	sbr.ind lr, $3  }
0x3a: {  	_ = 	snop  }
0x3b: {  	_ = 	snop  }
0x3c: {  	p2 =	seq.s32 s10, $0x1;
	s10 =	sld [smem:$0x3FB1]  }
0x3d: {  	_ =	shalt  }
0x3e: {  	_ =	shalt  }
0x3f: {  	_ =	shalt  }
0x40: {  	_ =	shalt  }
0x41: {  	_ =	shalt  }
0x42: {  	_ =	shalt  }
0x43: {  	_ =	shalt  }
0x44: {  	_ =	shalt  }
0x45: {  	_ =	shalt  }
0x46: {  	_ =	shalt  }
0x47: {  	_ =	shalt  }
0x48: {  	_ =	shalt  }
0x49: {  	_ =	shalt  }
0x4a: {  	_ =	shalt  }
0x4b: {  	_ =	shalt  }
0x4c: {  	_ =	shalt  }
0x4d: {  	_ =	shalt  }
0x4e: {  	_ =	shalt  }
0x4f: {  	_ =	shalt  }
0x50: {  	_ =	shalt  }
0x51: {  	_ =	shalt  }
0x52: {  	_ =	shalt  }
0x53: {  	_ =	shalt  }
0x54: {  	_ =	shalt  }
0x55: {  	_ =	shalt  }
0x56: {  	_ =	shalt  }
0x57: {  	_ =	shalt  }
0x58: {  	_ =	shalt  }
0x59: {  	_ =	shalt  }
0x5a: {  	_ =	shalt  }
0x5b: {  	_ =	shalt  }
0x5c: {  	_ =	shalt  }
0x5d: {  	_ =	shalt  }
0x5e: {  	_ =	shalt  }
0x5f: {  	_ =	shalt  }
0x60: {  	_ =	shalt  }
0x61: {  	_ =	shalt  }
0x62: {  	_ =	shalt  }
0x63: {  	_ =	shalt  }
0x64: {  	_ =	shalt  }
0x65: {  	_ =	shalt  }
0x66: {  	_ =	shalt  }
0x67: {  	_ =	shalt  }
0x68: {  	_ =	shalt  }
0x69: {  	_ =	shalt  }
0x6a: {  	_ =	shalt  }
0x6b: {  	_ =	shalt  }
0x6c: {  	_ =	shalt  }
0x6d: {  	_ =	shalt  }
0x6e: {  	_ =	shalt  }
0x6f: {  	_ =	shalt  }
0x70: {  	_ =	shalt  }
0x71: {  	_ =	shalt  }
0x72: {  	_ =	shalt  }
0x73: {  	_ =	shalt  }
0x74: {  	_ =	shalt  }
0x75: {  	_ =	shalt  }
0x76: {  	_ =	shalt  }
0x77: {  	_ =	shalt  }
0x78: {  	_ =	shalt  }
0x79: {  	_ =	shalt  }
0x7a: {  	_ =	shalt  }
0x7b: {  	_ =	shalt  }
0x7c: {  	_ =	shalt  }
0x7d: {  	_ =	shalt  }
0x7e: {  	_ =	shalt  }
0x7f: {  	_ =	shalt  }
0x80: {  	_ =	shalt  }
0x81: {  	_ =	shalt  }
0x82: {  	_ =	shalt  }
0x83: {  	_ =	shalt  }
0x84: {  	_ =	shalt  }
0x85: {  	_ =	shalt  }
0x86: {  	_ =	shalt  }
0x87: {  	_ =	shalt  }
.Lfunc_end0:
.L_simem_size_0:
called_computation.7_lowered:
.L_overlay_start_0:
0x88: {  	s2 =	sld [smem:$0x3FD9]  }
0x89: {  	s3 =	sld [smem:$0x3FFE];
	_ =	sdelay $0x1  }
0x8a: {  	s1 =	srdreg.scid  }
0x8b: {  	s0 =	sand.u32 $0x1, s1  }
0x8c: {  	s17 =	sshll.u32 s0, $0xA;
	s2 =	sadd.s32 s3, s2  }
0x8d: {  	s2 =	sadd.s32 s2, s17  }
0x8e: {  	[smem:$0x3FBD] =	sst s2  }
0x8f: {  	_ = 	snop  }
0x90: {  	(tm) =	ssettm $0x1  }
0x91: {  	s18 =	sld [smem:$0x3FFB];
	_ =	sdelay $0x3  }
0x92: {  	_ =	strace s18  }
0x93: {  	s2 =	sld [smem:$0x3FFC];
	_ =	sdelay $0x3  }
0x94: {  	_ =	strace s2  }
0x95: {  	s2 =	sld [smem:$0x3FFD];
	_ =	sdelay $0x3  }
0x96: {  	_ =	strace s2  }
0x97: {  	_ =	strace $0x8FFFFFFF  }
0x98: {  	s19 =	sld [smem:$0x3FDB];
	_ =	sdelay $0x1  }
0x99: {  	s20 =	simm.s32 $_scs_section_size  }
0x9a: {  	s4 =	simm.s32 $_size__tile_overlayer_lowered;
	s5 =	simm.s32 $_tile_overlayer_lowered  }
0x9b: {  	s6 =	simm.s32 $0x1BFF;
	s21 =	sshll.u32 s5, $0x1;
	s3 =	sadd.s32 s20, s19  }
0x9c: {  	s22 =	simm.s32 $0x0;
	s4 =	sshll.u32 s4, $0x1;
	s5 =	sadd.s32 s21, s3  }
0x9d: {  	[timem:s22], [sflag:s6] =	dma.local [hbm:s5], s4  }
0x9e: {  	_ =	swait.ge [sflag:s6], s4  }
0x9f: {  	s4 =	ssub.s32 $0x0, s4;
	[sflag:s6] =	ssyncset.done $0x0  }
0xa0: {  	[sflag:s6] =	ssyncadd.s32 s4;
	_ =	sdelay $0x1  }
0xa1: {  	s23 =	simm.s32 $0x1B8B  }
0xa2: {  	_ =	swait.ge [sflag:s23], $0x1  }
0xa3: {  	[sflag:s23] =	ssyncset.done $0x0  }
0xa4: {  	[sflag:s23] =	ssyncadd.s32 $0xFFFFFFFF  }
0xa5: {  	s4 =	sld [smem:$0x0]  }
0xa6: {  	s5 =	sand.u32 $0xFFFFFFFE, s1  }
0xa7: {  	p0 =	sne.s32 s1, s5  }
0xa8: {  	s5 =	sshll.u32 @p0 s5, $0xE  }
0xa9: {  	s5 =	sadd.s32 @p0 $0x11B8D, s5;
	s6 =	sshll.u32 @p0 s4, $0x11  }
0xaa: {  	s5 =	sor.u32 @p0 s6, s5  }
0xab: {  	[sflag:s5] =	ssyncadd.remote.s32 @p0 $0x1;
	_ =	sdelay $0x1  }
0xac: {  	s5 =	simm.s32 @p0 $0x1B8D  }
0xad: {  	_ =	swait.eq @p0 [sflag:s5], $0x1  }
0xae: {  	[sflag:s5] =	ssyncadd.s32 @p0 $0xFFFFFFFF  }
0xaf: {  	s6 =	sshll.u32 @!p0 s1, $0xE  }
0xb0: {  	s6 =	sor.u32 @!p0 $0x4000, s6;
	s5 =	simm.s32 @!p0 $0x1B8D  }
0xb1: {  	s4 =	sshll.u32 @!p0 s4, $0x11;
	s6 =	sadd.s32 @!p0 $0x11B8D, s6;
	_ =	swait.eq @!p0 [sflag:s5], $0x1  }
0xb2: {  	s4 =	sor.u32 @!p0 s4, s6;
	[sflag:s5] =	ssyncadd.s32 @!p0 $0xFFFFFFFF  }
0xb3: {  	s25 =	simm.s32 $0x1B8E;
	s24 =	sld [smem:$0x3FFE];
	[sflag:s4] =	ssyncadd.remote.s32 @!p0 $0x1  }
0xb4: {  	s26 =	simm.s32 $execute0_lowered;
	[smem:$0x3FD2] =	sst s25  }
0xb5: {  	s5 =	sshll.u32 s26, $0x1;
	_ =	strace $0x8000004F;
	[dreg:$0x1] =	wrdreg $0xFFFFFFFF  }
0xb6: {  	s28 =	simm.s32 $_size_execute0_lowered;
	s3 =	sadd.s32 s3, s5;
	[dreg:$0x0] =	wrdreg $0x0  }
0xb7: {  	s5 =	sshll.u32 s28, $0x1;
	[dreg:$0x2] =	wrdreg s3  }
0xb8: {  	[dreg:$0x3] =	wrdreg s5  }
0xb9: {  	[dreg:$0x4] =	wrdreg $0xC0  }
0xba: {  	_ =	task [dreg:s22], $0x5FFFF  }
0xbb: {  	[dreg:$0x1] =	wrdreg $0xFFFFFFFF  }
0xbc: {  	[dreg:$0x0] =	wrdreg $0x60  }
0xbd: {  	[dreg:$0x2] =	wrdreg s24  }
0xbe: {  	[dreg:$0x3] =	wrdreg $0xC  }
0xbf: {  	_ =	task.clear_ibuf [dreg:s22], $0x4FFFF;
	_ =	strace $0x9000004F  }
0xc0: {  	s29 =	simm.s32 $0xC;
	_ =	strace $0x80000051  }
0xc1: {  	_ =	swait.ge [sflag:s29], $0x1  }
0xc2: {  	[sflag:s29] =	ssyncadd.s32 $0xFFFFFFFF  }
0xc3: {  	_ =	strace $0x90000051  }
0xc4: {  	_ =	sfence  }
0xc5: {  	s30 =	sld [smem:$0x0];
	_ =	sdelay $0x2  }
0xc6: {  	s31 =	sshll.u32 s1, $0xD;
	s1 =	sshrl.u32 s1, $0x2  }
0xc7: {  	s4 =	sand.u32 $0x4000, s31;
	s1 =	sadd.s32 s1, s30  }
0xc8: {  	s0 =	sor.u32 s4, s0;
	s1 =	sshll.u32 s1, $0x11  }
0xc9: {  	s0 =	sor.u32 s1, s0  }
0xca: {  	s0 =	sadd.s32 $0x8F2B, s0  }
0xcb: {  	[sflag:s0] =	ssyncadd.remote.s32 $0x1  }
0xcc: {  	_ =	sfence.sel $0xFFFF  }
0xcd: {  	[dreg:$0x0] =	wrdreg $0xFFFFFFFF;
	(pc) =	sbr.abs _section_cstart, $3  }
0xce: {  	[dreg:$0x1] =	wrdreg $0xFFFFFFFF  }
0xcf: {  	_ =	task.clear_ibuf [dreg:s22], $0x2FFFF;
	_ =	strace $0x9FFFFFFF  }
0xd0: {  	(tm) =	ssettm $0x7FFFFFFF  }
0xd1: {  	_ =	shalt  }
tec
execute0_lowered:
.L_overlay_start_1:
0x0: {  	(tag) =	ssettag $0x1  }
0x1: {  	s4 =	rddreg [dreg:$0x0]  }
0x2: {  	s0 =	rddreg [dreg:$0x1];
	s2 =	simm.s32 $0x0  }
0x3: {  	s3 =	srdreg.scid;
	s1 =	stileid.u32;
	s10 =	simm.s32 $0x1500  }
0x4: {  	s11 =	simm.s32 $0x50;
	s12 =	simm.s32 $0x2900;
	s13 =	simm.s32 $0x78  }
0x5: {  	s14 =	simm.s32 $0x3D00;
	s15 =	simm.s32 $0xA0;
	s16 =	simm.s32 $0x5100  }
0x6: {  	s17 =	simm.s32 $0x1;
	s18 =	simm.s32 $0x0;
	s6 =	smul.u32 $0x2710, s1  }
0x7: {  	[smem:$0x7FF] =	sst s2;
	s5 =	sand.u32 $0x1, s3;
	s8 =	smul.u32 $0x27100, s1  }
0x8: {  	s3 =	sadd.s32 $0x7C8600, s4;
	s7 =	smul.u32 $0x1388, s5;
	s30 =	ssub.s32 $0x2, s5  }
0x9: {  	_ =	strace $0x80000050;
	s5 =	smul.u32 $0x13880, s5;
	s9 =	sshrl.u32 s30, $0x1  }
0xa: {  	s8 =	sadd.s32 s8, s4;
	s6 =	sadd.s32 s7, s6;
	s31 =	ssub.s32 s30, s9  }
0xb: {  	s5 =	sadd.s32 s5, s8;
	s7 =	simm.s32 $0x2;
	s6 =	sshrl.u32 s6, $0x3  }
0xc: {  	s8 =	simm.s32 $0x28;
	s9 =	simm.s32 $0x100;
	s6 =	sadd.s32 s6, s4  }
0xd: {  	s5 =	sadd.s32 $0x557600, s5;
	s4 =	smax.u32 s31, $0x1;
	s6 =	sadd.s32 $0x53C600, s6  }
.LBB2_1:
0xe: {  	[tilespmem:s2], [sflag:$0x2] =	stream.linear.gather [hbm4b:s6+s2], $0xC8, $0x38;
	[tilespmem:$0x6500] =	vst v63  }
0xf: {  	_ =	swait.ge [sflag:s7], $0xC8  }
0x10: {  	[sflag:s7] =	ssyncset.done $0x0  }
0x11: {  	[sflag:s7] =	ssyncadd.s32 $0xFFFFFF38  }
0x12: {  	[tilespmem:s9], [sflag:$0x1] =	stream.indirect.gather [hbm4b:s3+s8], $0x80, s2, s8, $0xb8;
	[tilespmem:$0x6500] =	vst v63  }
0x13: {  	_ = 	snop  }
0x14: {  	[tilespmem:s10], [sflag:$0x1] =	stream.indirect.gather [hbm4b:s3+s8], $0x80, s8, s8, $0xb8;
	[tilespmem:$0x6500] =	vst v63  }
0x15: {  	_ = 	snop  }
0x16: {  	[tilespmem:s12], [sflag:$0x1] =	stream.indirect.gather [hbm4b:s3+s8], $0x80, s11, s8, $0xb8;
	[tilespmem:$0x6500] =	vst v63  }
0x17: {  	_ = 	snop  }
0x18: {  	[tilespmem:s14], [sflag:$0x1] =	stream.indirect.gather [hbm4b:s3+s8], $0x80, s13, s8, $0xb8;
	[tilespmem:$0x6500] =	vst v63  }
0x19: {  	_ = 	snop  }
0x1a: {  	[tilespmem:s16], [sflag:$0x1] =	stream.indirect.gather [hbm4b:s3+s8], $0x80, s15, s8, $0xb8;
	[tilespmem:$0x6500] =	vst v63  }
0x1b: {  	_ =	swait.ge [sflag:s17], $0x1400  }
0x1c: {  	[sflag:s17] =	ssyncset.done $0x0  }
0x1d: {  	[sflag:s17] =	ssyncadd.s32 $0xFFFFEC00  }
0x1e: {  	_ =	swait.ge [sflag:s17], $0x1400  }
0x1f: {  	[sflag:s17] =	ssyncset.done $0x0  }
0x20: {  	[sflag:s17] =	ssyncadd.s32 $0xFFFFEC00  }
0x21: {  	_ =	swait.ge [sflag:s17], $0x1400  }
0x22: {  	[sflag:s17] =	ssyncset.done $0x0  }
0x23: {  	[sflag:s17] =	ssyncadd.s32 $0xFFFFEC00  }
0x24: {  	_ =	swait.ge [sflag:s17], $0x1400  }
0x25: {  	[sflag:s17] =	ssyncset.done $0x0  }
0x26: {  	[sflag:s17] =	ssyncadd.s32 $0xFFFFEC00  }
0x27: {  	_ =	swait.ge [sflag:s17], $0x1400  }
0x28: {  	[sflag:s17] =	ssyncset.done $0x0  }
0x29: {  	s19 =	sadd.s32 $0x0, s5;
	[sflag:s17] =	ssyncadd.s32 $0xFFFFEC00  }
0x2a: {  	[hbm4b:s19+s2] =	stream.linear.scatter [tilespmem:s9], [sflag:$0x2], $0x1400, $0x38;
	[tilespmem:$0x6500] =	vst v63  }
0x2b: {  	_ =	swait.ge [sflag:s7], $0x1400  }
0x2c: {  	[sflag:s7] =	ssyncset.done $0x0  }
0x2d: {  	s20 =	sadd.s32 $0x280, s19;
	[sflag:s7] =	ssyncadd.s32 $0xFFFFEC00  }
0x2e: {  	[hbm4b:s20+s2] =	stream.linear.scatter [tilespmem:s10], [sflag:$0x2], $0x1400, $0x38;
	[tilespmem:$0x6500] =	vst v63  }
0x2f: {  	_ =	swait.ge [sflag:s7], $0x1400  }
0x30: {  	[sflag:s7] =	ssyncset.done $0x0  }
0x31: {  	s30 =	sadd.s32 $0x500, s19;
	[sflag:s7] =	ssyncadd.s32 $0xFFFFEC00  }
0x32: {  	[hbm4b:s30+s2] =	stream.linear.scatter [tilespmem:s12], [sflag:$0x2], $0x1400, $0x38;
	[tilespmem:$0x6500] =	vst v63  }
0x33: {  	_ =	swait.ge [sflag:s7], $0x1400  }
0x34: {  	[sflag:s7] =	ssyncset.done $0x0  }
0x35: {  	s31 =	sadd.s32 $0x780, s19;
	[sflag:s7] =	ssyncadd.s32 $0xFFFFEC00  }
0x36: {  	[hbm4b:s31+s2] =	stream.linear.scatter [tilespmem:s14], [sflag:$0x2], $0x1400, $0x38;
	[tilespmem:$0x6500] =	vst v63  }
0x37: {  	_ =	swait.ge [sflag:s7], $0x1400  }
0x38: {  	[sflag:s7] =	ssyncset.done $0x0  }
0x39: {  	s19 =	sadd.s32 $0xA00, s19;
	[sflag:s7] =	ssyncadd.s32 $0xFFFFEC00  }
0x3a: {  	[hbm4b:s19+s2] =	stream.linear.scatter [tilespmem:s16], [sflag:$0x2], $0x1400, $0x38;
	[tilespmem:$0x6500] =	vst v63  }
0x3b: {  	_ =	swait.ge [sflag:s7], $0x1400  }
0x3c: {  	s20 =	smov.u32 s6;
	s19 =	simm.s32 $0xC80;
	[sflag:s7] =	ssyncset.done $0x0  }
.LBB2_2:
0x3d: {  	p0 =	sne.s32 s19, $0x12C00;
	[sflag:s7] =	ssyncadd.s32 $0xFFFFEC00;
	s20 =	sadd.s32 $0x19, s20  }
0x3e: {  	[tilespmem:s2], [sflag:$0x2] =	stream.linear.gather [hbm4b:s20+s2], $0xC8, $0x38;
	[tilespmem:$0x6500] =	vst v63  }
0x3f: {  	s21 =	smov.u32 s19;
	s19 =	sadd.s32 $0xC80, s19;
	_ =	swait.ge [sflag:s7], $0xC8  }
0x40: {  	[sflag:s7] =	ssyncset.done $0x0  }
0x41: {  	[sflag:s7] =	ssyncadd.s32 $0xFFFFFF38  }
0x42: {  	[tilespmem:s9], [sflag:$0x1] =	stream.indirect.gather [hbm4b:s3+s8], $0x80, s2, s8, $0xb8;
	[tilespmem:$0x6500] =	vst v63  }
0x43: {  	_ = 	snop  }
0x44: {  	[tilespmem:s10], [sflag:$0x1] =	stream.indirect.gather [hbm4b:s3+s8], $0x80, s8, s8, $0xb8;
	[tilespmem:$0x6500] =	vst v63  }
0x45: {  	_ = 	snop  }
0x46: {  	[tilespmem:s12], [sflag:$0x1] =	stream.indirect.gather [hbm4b:s3+s8], $0x80, s11, s8, $0xb8;
	[tilespmem:$0x6500] =	vst v63  }
0x47: {  	_ = 	snop  }
0x48: {  	[tilespmem:s14], [sflag:$0x1] =	stream.indirect.gather [hbm4b:s3+s8], $0x80, s13, s8, $0xb8;
	[tilespmem:$0x6500] =	vst v63  }
0x49: {  	_ = 	snop  }
0x4a: {  	[tilespmem:s16], [sflag:$0x1] =	stream.indirect.gather [hbm4b:s3+s8], $0x80, s15, s8, $0xb8;
	[tilespmem:$0x6500] =	vst v63  }
0x4b: {  	_ =	swait.ge [sflag:s17], $0x1400  }
0x4c: {  	[sflag:s17] =	ssyncset.done $0x0  }
0x4d: {  	[sflag:s17] =	ssyncadd.s32 $0xFFFFEC00  }
0x4e: {  	_ =	swait.ge [sflag:s17], $0x1400  }
0x4f: {  	[sflag:s17] =	ssyncset.done $0x0  }
0x50: {  	[sflag:s17] =	ssyncadd.s32 $0xFFFFEC00  }
0x51: {  	_ =	swait.ge [sflag:s17], $0x1400  }
0x52: {  	[sflag:s17] =	ssyncset.done $0x0  }
0x53: {  	[sflag:s17] =	ssyncadd.s32 $0xFFFFEC00  }
0x54: {  	_ =	swait.ge [sflag:s17], $0x1400  }
0x55: {  	[sflag:s17] =	ssyncset.done $0x0  }
0x56: {  	[sflag:s17] =	ssyncadd.s32 $0xFFFFEC00  }
0x57: {  	_ =	swait.ge [sflag:s17], $0x1400  }
0x58: {  	[sflag:s17] =	ssyncset.done $0x0  }
0x59: {  	s21 =	sadd.s32 s21, s5;
	[sflag:s17] =	ssyncadd.s32 $0xFFFFEC00  }
0x5a: {  	[hbm4b:s21+s2] =	stream.linear.scatter [tilespmem:s9], [sflag:$0x2], $0x1400, $0x38;
	[tilespmem:$0x6500] =	vst v63  }
0x5b: {  	_ =	swait.ge [sflag:s7], $0x1400  }
0x5c: {  	[sflag:s7] =	ssyncset.done $0x0  }
0x5d: {  	s22 =	sadd.s32 $0x280, s21;
	[sflag:s7] =	ssyncadd.s32 $0xFFFFEC00  }
0x5e: {  	[hbm4b:s22+s2] =	stream.linear.scatter [tilespmem:s10], [sflag:$0x2], $0x1400, $0x38;
	[tilespmem:$0x6500] =	vst v63  }
0x5f: {  	_ =	swait.ge [sflag:s7], $0x1400  }
0x60: {  	[sflag:s7] =	ssyncset.done $0x0  }
0x61: {  	s22 =	sadd.s32 $0x500, s21;
	[sflag:s7] =	ssyncadd.s32 $0xFFFFEC00  }
0x62: {  	[hbm4b:s22+s2] =	stream.linear.scatter [tilespmem:s12], [sflag:$0x2], $0x1400, $0x38;
	[tilespmem:$0x6500] =	vst v63  }
0x63: {  	_ =	swait.ge [sflag:s7], $0x1400  }
0x64: {  	[sflag:s7] =	ssyncset.done $0x0  }
0x65: {  	s22 =	sadd.s32 $0x780, s21;
	[sflag:s7] =	ssyncadd.s32 $0xFFFFEC00  }
0x66: {  	[hbm4b:s22+s2] =	stream.linear.scatter [tilespmem:s14], [sflag:$0x2], $0x1400, $0x38;
	[tilespmem:$0x6500] =	vst v63  }
0x67: {  	_ =	swait.ge [sflag:s7], $0x1400  }
.Ltmp0:
0x68: {  	[sflag:s7] =	ssyncset.done $0x0;
	(pc) =	sbr.rel @p0 .LBB2_2-.Ltmp0, $4  }
0x69: {  	s21 =	sadd.s32 $0xA00, s21;
	[sflag:s7] =	ssyncadd.s32 $0xFFFFEC00  }
0x6a: {  	[hbm4b:s21+s2] =	stream.linear.scatter [tilespmem:s16], [sflag:$0x2], $0x1400, $0x38;
	[tilespmem:$0x6500] =	vst v63  }
0x6b: {  	_ =	swait.ge [sflag:s7], $0x1400  }
0x6c: {  	[sflag:s7] =	ssyncset.done $0x0  }
0x6d: {  	s18 =	sadd.s32 $0x1, s18  }
0x6e: {  	p0 =	sne.s32 s18, s4  }
.Ltmp1:
0x6f: {  	_ = 	snop;
	(pc) =	sbr.rel @p0 .LBB2_1-.Ltmp1, $2  }
0x70: {  	_ =	sdelay $0x2  }
0x71: {  	[sflag:s7] =	ssyncadd.s32 $0xFFFFEC00  }
0x72: {  	_ =	sfence.sel $0x180000  }
0x73: {  	[bflag:$0x0] =	sbarrier.arrive $0xFFFF  }
0x74: {  	p0 =	sne.s32 s1, $0x0;
	_ =	strace $0x90000050  }
0x75: {  	s0 =	sadd.s32 @!p0 $0x100000, s0;
	[bflag:$0x2] =	sbarrier.arrive $0xFFFF  }
0x76: {  	[sflag:s0] =	ssyncadd.tile.s32 @!p0 $0x1;
	_ =	shalt  }
.Lfunc_end2:
_tile_overlayer_lowered:
.L_overlay_start_2:
0x77: {  	(tag) =	ssettag $0x2  }
0x78: {  	s0 =	rddreg [dreg:$0x0];
	s2 =	stileid.u32  }
0x79: {  	s1 =	rddreg [dreg:$0x1];
	p0 =	sne.s32 s2, $0x0  }
0x7a: {  	s3 =	rddreg [dreg:$0x2];
	[bflag:$0x3] =	sbarrier.arrive $0xFFFF;
	s2 =	simm.s32 @!p0 $0x1C02  }
0x7b: {  	[timem:s3], [sflag:s2] =	dma.local @!p0 [hbm:s0], s1  }
0x7c: {  	s0 =	simm.s32 @!p0 $0x2  }
0x7d: {  	_ =	swait.ge @!p0 [sflag:s0], s1  }
0x7e: {  	s1 =	ssub.s32 @!p0 $0x0, s1;
	[sflag:s0] =	ssyncset.done @!p0 $0x0  }
0x7f: {  	[sflag:s0] =	ssyncadd.s32 @!p0 s1  }
0x80: {  	[bflag:$0x3] =	sbarrier.arrive $0xFFFF  }
0x81: {  	_ =	shalt  }

// kernel: kernel.27.cloned.1.call-start
scs
__scs_entry_jumppad:
0x0: {  	(pc) =	sbr.rel $0x88, $3  }
0x1: {  	(tag) =	ssettag $0x0;
	lr =	simm.s32 $0x1  }
0x2: {  	[smem:$0x3F96] =	sst lr;
	_ =	strace $0xD0000000  }
0x3: {  	_ = 	snop  }
0x4: {  	_ = 	snop  }
0x5: {  	_ = 	snop  }
0x6: {  	_ = 	snop  }
0x7: {  	_ = 	snop  }
__scs_overlays_trampoline_lowered:
0x8: {  	[smem:$0x3FA5] =	sst s0  }
0x9: {  	[smem:$0x3FA6] =	sst s1  }
0xa: {  	[smem:$0x3FA7] =	sst s2  }
0xb: {  	[smem:$0x3FA8] =	sst s3  }
0xc: {  	[smem:$0x3FA9] =	sst s4  }
0xd: {  	[smem:$0x3FAA] =	sst s5  }
0xe: {  	[smem:$0x3FAB] =	sst s6  }
0xf: {  	[smem:$0x3FAC] =	sst s7  }
0x10: {  	[smem:$0x3FAD] =	sst s8  }
0x11: {  	[smem:$0x3FAE] =	sst s9;
	s0 =	simm.s32 @!p0 $0x0  }
0x12: {  	s1 =	sld [smem:$0x3F94];
	s0 =	simm.s32 @p0 $0x1  }
0x13: {  	[smem:$0x3FAF] =	sst s0;
	s0 =	simm.s32 @!p1 $0x0  }
0x14: {  	s2 =	sld [smem:$0x3F93];
	s0 =	simm.s32 @p1 $0x1  }
0x15: {  	[smem:$0x3FB0] =	sst s0;
	s0 =	simm.s32 @!p2 $0x0  }
0x16: {  	s3 =	sld [smem:$0x3FDB];
	s0 =	simm.s32 @p2 $0x1  }
0x17: {  	s4 =	simm.s32 $0x1BF5;
	[smem:$0x3FB2] =	sst s0  }
0x18: {  	s0 =	sld [smem:$0x3F95];
	_ =	swait.ge [sflag:s4], $0x0  }
0x19: {  	s7 =	sld [smem:$0x3F96]  }
0x1a: {  	s8 =	sadd.s32 $0xFFFFE003, lr  }
0x1b: {  	s9 =	sadd.s32 $0xFFFFFEF7, lr;
	s5 =	simm.s32 $0xFFFFFFFF;
	p2 =	slt.u32 s8, $0xFFFFF086  }
0x1c: {  	p1 =	slt.u32 s9, $0xF7A;
	s5 =	simm.s32 @!p2 $0x0  }
0x1d: {  	s5 =	simm.s32 @p1 $0x1;
	p0 =	seq.s32 s7, s2  }
0x1e: {  	s7 =	smul.u32 @!p0 $0xF7A, s2;
	p2 =	seq.s32 @!p0 s5, $0x0  }
0x1f: {  	s9 =	smul.u32 $0xF7A, s1;
	s8 =	simm.s32 @!p0 $0x1BF5;
	p2 =	por !p2, p0  }
0x20: {  	[sflag:s8] =	ssyncset.s32 @!p0 $0xFFFFF086;
	s6 =	sadd.s32 @!p0 s3, s7;
	s7 =	simm.s32 @!p0 $0x108  }
0x21: {  	s3 =	sadd.s32 s3, s9;
	s6 =	sadd.s32 @!p0 $0x88, s6;
	s7 =	simm.s32 @p2 $0x1082  }
0x22: {  	[simem:s7], [sflag:s8] =	dma.local @!p0 [hbm:s6], $0xF7A  }
0x23: {  	s9 =	sor.u32 $0xD0000000, s2;
	s6 =	simm.s32 $0x108;
	_ =	swait.ge @!p0 [sflag:s8], $0x0  }
0x24: {  	s3 =	sadd.s32 $0x88, s3;
	s6 =	simm.s32 @!p1 $0x1082;
	[sflag:s4] =	ssyncset.s32 $0xFFFFF086  }
0x25: {  	[simem:s6], [sflag:s4] =	dma.local [hbm:s3], $0xF7A  }
0x26: {  	[smem:$0x3F96] =	sst s1;
	(tag) =	ssettag s2;
	_ =	strace s9  }
0x27: {  	s1 =	sld [smem:$0x3FA6]  }
0x28: {  	s2 =	sld [smem:$0x3FA7]  }
0x29: {  	s4 =	sld [smem:$0x3FA9]  }
0x2a: {  	p0 =	seq.s32 s5, $0x0;
	s5 =	sld [smem:$0x3FAA]  }
0x2b: {  	s6 =	sld [smem:$0x3FAB]  }
0x2c: {  	s7 =	sld [smem:$0x3FAC]  }
0x2d: {  	s3 =	simm.s32 $0x108;
	s8 =	sld [smem:$0x3FAD]  }
0x2e: {  	s3 =	simm.s32 @!p0 $0x1082;
	s9 =	sld [smem:$0x3FAE]  }
0x2f: {  	lr =	sadd.s32 s0, s3;
	s0 =	sld [smem:$0x3FA5]  }
0x30: {  	s3 =	sld [smem:$0x3FA8]  }
0x31: {  	[smem:$0x3FB1] =	sst s10  }
0x32: {  	s10 =	sld [smem:$0x3FAF];
	_ =	sdelay $0x3  }
0x33: {  	p0 =	seq.s32 s10, $0x1;
	s10 =	sld [smem:$0x3FB1];
	_ =	sdelay $0x3  }
0x34: {  	[smem:$0x3FB1] =	sst s10  }
0x35: {  	s10 =	sld [smem:$0x3FB0];
	_ =	sdelay $0x3  }
0x36: {  	p1 =	seq.s32 s10, $0x1;
	s10 =	sld [smem:$0x3FB1];
	_ =	sdelay $0x3  }
0x37: {  	[smem:$0x3FB1] =	sst s10  }
0x38: {  	s10 =	sld [smem:$0x3FB2]  }
0x39: {  	_ = 	snop;
	(pc) =	sbr.ind lr, $3  }
0x3a: {  	_ = 	snop  }
0x3b: {  	_ = 	snop  }
0x3c: {  	p2 =	seq.s32 s10, $0x1;
	s10 =	sld [smem:$0x3FB1]  }
0x3d: {  	_ =	shalt  }
0x3e: {  	_ =	shalt  }
0x3f: {  	_ =	shalt  }
0x40: {  	_ =	shalt  }
0x41: {  	_ =	shalt  }
0x42: {  	_ =	shalt  }
0x43: {  	_ =	shalt  }
0x44: {  	_ =	shalt  }
0x45: {  	_ =	shalt  }
0x46: {  	_ =	shalt  }
0x47: {  	_ =	shalt  }
0x48: {  	_ =	shalt  }
0x49: {  	_ =	shalt  }
0x4a: {  	_ =	shalt  }
0x4b: {  	_ =	shalt  }
0x4c: {  	_ =	shalt  }
0x4d: {  	_ =	shalt  }
0x4e: {  	_ =	shalt  }
0x4f: {  	_ =	shalt  }
0x50: {  	_ =	shalt  }
0x51: {  	_ =	shalt  }
0x52: {  	_ =	shalt  }
0x53: {  	_ =	shalt  }
0x54: {  	_ =	shalt  }
0x55: {  	_ =	shalt  }
0x56: {  	_ =	shalt  }
0x57: {  	_ =	shalt  }
0x58: {  	_ =	shalt  }
0x59: {  	_ =	shalt  }
0x5a: {  	_ =	shalt  }
0x5b: {  	_ =	shalt  }
0x5c: {  	_ =	shalt  }
0x5d: {  	_ =	shalt  }
0x5e: {  	_ =	shalt  }
0x5f: {  	_ =	shalt  }
0x60: {  	_ =	shalt  }
0x61: {  	_ =	shalt  }
0x62: {  	_ =	shalt  }
0x63: {  	_ =	shalt  }
0x64: {  	_ =	shalt  }
0x65: {  	_ =	shalt  }
0x66: {  	_ =	shalt  }
0x67: {  	_ =	shalt  }
0x68: {  	_ =	shalt  }
0x69: {  	_ =	shalt  }
0x6a: {  	_ =	shalt  }
0x6b: {  	_ =	shalt  }
0x6c: {  	_ =	shalt  }
0x6d: {  	_ =	shalt  }
0x6e: {  	_ =	shalt  }
0x6f: {  	_ =	shalt  }
0x70: {  	_ =	shalt  }
0x71: {  	_ =	shalt  }
0x72: {  	_ =	shalt  }
0x73: {  	_ =	shalt  }
0x74: {  	_ =	shalt  }
0x75: {  	_ =	shalt  }
0x76: {  	_ =	shalt  }
0x77: {  	_ =	shalt  }
0x78: {  	_ =	shalt  }
0x79: {  	_ =	shalt  }
0x7a: {  	_ =	shalt  }
0x7b: {  	_ =	shalt  }
0x7c: {  	_ =	shalt  }
0x7d: {  	_ =	shalt  }
0x7e: {  	_ =	shalt  }
0x7f: {  	_ =	shalt  }
0x80: {  	_ =	shalt  }
0x81: {  	_ =	shalt  }
0x82: {  	_ =	shalt  }
0x83: {  	_ =	shalt  }
0x84: {  	_ =	shalt  }
0x85: {  	_ =	shalt  }
0x86: {  	_ =	shalt  }
0x87: {  	_ =	shalt  }
.Lfunc_end0:
.L_simem_size_0:
called_computation.8_lowered:
.L_overlay_start_0:
0x88: {  	s2 =	sld [smem:$0x3FD9]  }
0x89: {  	s3 =	sld [smem:$0x3FFE];
	_ =	sdelay $0x1  }
0x8a: {  	s1 =	srdreg.scid  }
0x8b: {  	s0 =	sand.u32 $0x1, s1  }
0x8c: {  	s16 =	sshll.u32 s0, $0xA;
	s2 =	sadd.s32 s3, s2  }
0x8d: {  	s2 =	sadd.s32 s2, s16  }
0x8e: {  	[smem:$0x3FBD] =	sst s2  }
0x8f: {  	_ = 	snop  }
0x90: {  	(tm) =	ssettm $0x1  }
0x91: {  	s17 =	sld [smem:$0x3FFB];
	_ =	sdelay $0x3  }
0x92: {  	_ =	strace s17  }
0x93: {  	s2 =	sld [smem:$0x3FFC];
	_ =	sdelay $0x3  }
0x94: {  	_ =	strace s2  }
0x95: {  	s2 =	sld [smem:$0x3FFD];
	_ =	sdelay $0x3  }
0x96: {  	_ =	strace s2  }
0x97: {  	_ =	strace $0x8FFFFFFF  }
0x98: {  	s18 =	sld [smem:$0x3FDB];
	_ =	sdelay $0x1  }
0x99: {  	s19 =	simm.s32 $_scs_section_size  }
0x9a: {  	s4 =	simm.s32 $_size__tile_overlayer_lowered;
	s5 =	simm.s32 $_tile_overlayer_lowered  }
0x9b: {  	s22 =	simm.s32 $0x1BFF;
	s21 =	sshll.u32 s5, $0x1;
	s2 =	sadd.s32 s19, s18  }
0x9c: {  	s6 =	simm.s32 $0x0;
	s20 =	sshll.u32 s4, $0x1;
	s4 =	sadd.s32 s21, s2  }
0x9d: {  	[timem:s6], [sflag:s22] =	dma.local [hbm:s4], s20  }
0x9e: {  	_ =	swait.ge [sflag:s22], s20  }
0x9f: {  	s3 =	ssub.s32 $0x0, s20;
	[sflag:s22] =	ssyncset.done $0x0  }
0xa0: {  	[sflag:s22] =	ssyncadd.s32 s3;
	_ =	sdelay $0x1  }
0xa1: {  	s23 =	simm.s32 $0x1B8B  }
0xa2: {  	_ =	swait.ge [sflag:s23], $0x1  }
0xa3: {  	[sflag:s23] =	ssyncset.done $0x0  }
0xa4: {  	s25 =	simm.s32 $0x1B8E;
	s24 =	sld [smem:$0x3FFE];
	[sflag:s23] =	ssyncadd.s32 $0xFFFFFFFF  }
0xa5: {  	s26 =	simm.s32 $execute0_lowered;
	[smem:$0x3FD2] =	sst s25  }
0xa6: {  	s4 =	sshll.u32 s26, $0x1;
	_ =	strace $0x80000055;
	[dreg:$0x1] =	wrdreg $0xFFFFFFFF  }
0xa7: {  	s28 =	simm.s32 $_size_execute0_lowered;
	s2 =	sadd.s32 s2, s4;
	[dreg:$0x0] =	wrdreg $0x0  }
0xa8: {  	s4 =	sshll.u32 s28, $0x1;
	[dreg:$0x2] =	wrdreg s2  }
0xa9: {  	[dreg:$0x3] =	wrdreg s4  }
0xaa: {  	[dreg:$0x4] =	wrdreg $0xC0  }
0xab: {  	_ =	task [dreg:s6], $0x5FFFF  }
0xac: {  	[dreg:$0x1] =	wrdreg $0xFFFFFFFF  }
0xad: {  	[dreg:$0x0] =	wrdreg $0x60  }
0xae: {  	[dreg:$0x2] =	wrdreg s24  }
0xaf: {  	[dreg:$0x3] =	wrdreg $0xA  }
0xb0: {  	_ =	task.clear_ibuf [dreg:s6], $0x4FFFF;
	_ =	strace $0x90000055  }
0xb1: {  	s29 =	simm.s32 $0xA;
	_ =	strace $0x80000057  }
0xb2: {  	_ =	swait.ge [sflag:s29], $0x1  }
0xb3: {  	[sflag:s29] =	ssyncadd.s32 $0xFFFFFFFF  }
0xb4: {  	_ =	strace $0x90000057  }
0xb5: {  	_ =	sfence  }
0xb6: {  	s30 =	sld [smem:$0x0];
	_ =	sdelay $0x2  }
0xb7: {  	s31 =	sshll.u32 s1, $0xD;
	s1 =	sshrl.u32 s1, $0x2  }
0xb8: {  	s3 =	sand.u32 $0x4000, s31;
	s1 =	sadd.s32 s1, s30  }
0xb9: {  	s0 =	sor.u32 s3, s0;
	s1 =	sshll.u32 s1, $0x11  }
0xba: {  	s0 =	sor.u32 s1, s0  }
0xbb: {  	s0 =	sadd.s32 $0x8F2B, s0  }
0xbc: {  	[sflag:s0] =	ssyncadd.remote.s32 $0x1  }
0xbd: {  	_ =	sfence.sel $0xFFFF  }
0xbe: {  	[dreg:$0x0] =	wrdreg $0xFFFFFFFF;
	(pc) =	sbr.abs _section_cstart, $3  }
0xbf: {  	[dreg:$0x1] =	wrdreg $0xFFFFFFFF  }
0xc0: {  	_ =	task.clear_ibuf [dreg:s6], $0x2FFFF;
	_ =	strace $0x9FFFFFFF  }
0xc1: {  	(tm) =	ssettm $0x7FFFFFFF  }
tec
execute0_lowered:
.L_overlay_start_1:
0x0: {  	(tag) =	ssettag $0x1  }
0x1: {  	s1 =	srdreg.scid;
	s0 =	stileid.u32  }
0x2: {  	s19 =	sand.u32 $0x1, s1;
	s31 =	sshll.u32 s0, $0x1  }
0x3: {  	s17 =	sor.u32 s19, s31  }
0x4: {  	s16 =	rddreg [dreg:$0x0];
	s3 =	smul.u32 $0x28, s17  }
0x5: {  	s2 =	simm.s32 $0x0;
	s1 =	rddreg [dreg:$0x1]  }
0x6: {  	[smem:$0x7FF] =	sst s2;
	s3 =	sadd.s32 s3, s16  }
0x7: {  	_ =	strace $0x80000056;
	s4 =	sadd.s32 $0x4F4000, s3;
	s3 =	simm.s32 $0x2  }
0x8: {  	[tilespmem:s2], [sflag:$0x2] =	stream.linear.gather [hbm4b:s4+s2], $0x140, $0x38;
	[tilespmem:$0xA180] =	vst v63  }
0x9: {  	_ =	swait.ge [sflag:s3], $0x140  }
0xa: {  	s6 =	simm.s32 $0x40;
	[sflag:s3] =	ssyncset.done $0x0  }
0xb: {  	s7 =	simm.s32 $0x180;
	s5 =	sadd.s32 $0x7400, s16;
	[sflag:s3] =	ssyncadd.s32 $0xFFFFFEC0  }
0xc: {  	[tilespmem:s7], [sflag:$0x1] =	stream.indirect.gather [hbm4b:s5+s6], $0x80, s2, s6, $0xb8;
	[tilespmem:$0xA180] =	vst v63  }
0xd: {  	s8 =	simm.s32 $0x2180  }
0xe: {  	[tilespmem:s8], [sflag:$0x1] =	stream.indirect.gather [hbm4b:s5+s6], $0x80, s6, s6, $0xb8;
	[tilespmem:$0xA180] =	vst v63  }
0xf: {  	s9 =	simm.s32 $0x80;
	s10 =	simm.s32 $0x4180  }
0x10: {  	[tilespmem:s10], [sflag:$0x1] =	stream.indirect.gather [hbm4b:s5+s6], $0x80, s9, s6, $0xb8;
	[tilespmem:$0xA180] =	vst v63  }
0x11: {  	s11 =	simm.s32 $0xC0;
	s12 =	simm.s32 $0x6180  }
0x12: {  	[tilespmem:s12], [sflag:$0x1] =	stream.indirect.gather [hbm4b:s5+s6], $0x80, s11, s6, $0xb8;
	[tilespmem:$0xA180] =	vst v63  }
0x13: {  	s13 =	simm.s32 $0x100;
	s14 =	simm.s32 $0x8180;
	s15 =	simm.s32 $0x1  }
0x14: {  	[tilespmem:s14], [sflag:$0x1] =	stream.indirect.gather [hbm4b:s5+s6], $0x80, s13, s6, $0xb8;
	[tilespmem:$0xA180] =	vst v63  }
0x15: {  	_ =	swait.ge [sflag:s15], $0x2000  }
0x16: {  	[sflag:s15] =	ssyncset.done $0x0  }
0x17: {  	[sflag:s15] =	ssyncadd.s32 $0xFFFFE000  }
0x18: {  	_ =	swait.ge [sflag:s15], $0x2000  }
0x19: {  	[sflag:s15] =	ssyncset.done $0x0  }
0x1a: {  	[sflag:s15] =	ssyncadd.s32 $0xFFFFE000  }
0x1b: {  	_ =	swait.ge [sflag:s15], $0x2000  }
0x1c: {  	[sflag:s15] =	ssyncset.done $0x0  }
0x1d: {  	[sflag:s15] =	ssyncadd.s32 $0xFFFFE000  }
0x1e: {  	_ =	swait.ge [sflag:s15], $0x2000  }
0x1f: {  	[sflag:s15] =	ssyncset.done $0x0  }
0x20: {  	[sflag:s15] =	ssyncadd.s32 $0xFFFFE000  }
0x21: {  	s18 =	smul.u32 $0x1400, s17;
	_ =	swait.ge [sflag:s15], $0x2000  }
0x22: {  	s20 =	sadd.s32 $0x4F4600, s16;
	[sflag:s15] =	ssyncset.done $0x0  }
0x23: {  	s17 =	smul.u32 $0xA000, s17;
	s16 =	sadd.s32 s20, s18;
	[sflag:s15] =	ssyncadd.s32 $0xFFFFE000  }
0x24: {  	[hbm4b:s16+s2] =	stream.linear.scatter [tilespmem:s7], [sflag:$0x2], $0x2000, $0x38;
	[tilespmem:$0xA180] =	vst v63  }
0x25: {  	s17 =	sshrl.u32 s17, $0x3;
	_ =	swait.ge [sflag:s3], $0x2000  }
0x26: {  	s20 =	sadd.s32 s20, s17;
	[sflag:s3] =	ssyncset.done $0x0  }
0x27: {  	s17 =	sadd.s32 $0x400, s20;
	[sflag:s3] =	ssyncadd.s32 $0xFFFFE000  }
0x28: {  	[hbm4b:s17+s2] =	stream.linear.scatter [tilespmem:s8], [sflag:$0x2], $0x2000, $0x38;
	[tilespmem:$0xA180] =	vst v63  }
0x29: {  	_ =	swait.ge [sflag:s3], $0x2000  }
0x2a: {  	[sflag:s3] =	ssyncset.done $0x0  }
0x2b: {  	s21 =	ssub.s32 $0x2, s19;
	s18 =	sadd.s32 $0x800, s20;
	[sflag:s3] =	ssyncadd.s32 $0xFFFFE000  }
0x2c: {  	[hbm4b:s18+s2] =	stream.linear.scatter [tilespmem:s10], [sflag:$0x2], $0x2000, $0x38;
	[tilespmem:$0xA180] =	vst v63  }
0x2d: {  	s22 =	sshrl.u32 s21, $0x1;
	_ =	swait.ge [sflag:s3], $0x2000  }
0x2e: {  	s21 =	ssub.s32 s21, s22;
	[sflag:s3] =	ssyncset.done $0x0  }
0x2f: {  	s21 =	smax.u32 s21, $0x1;
	s19 =	sadd.s32 $0xC00, s20;
	[sflag:s3] =	ssyncadd.s32 $0xFFFFE000  }
0x30: {  	[hbm4b:s19+s2] =	stream.linear.scatter [tilespmem:s12], [sflag:$0x2], $0x2000, $0x38;
	[tilespmem:$0xA180] =	vst v63  }
0x31: {  	p0 =	sne.s32 s21, $0x1;
	_ =	swait.ge [sflag:s3], $0x2000  }
.Ltmp0:
0x32: {  	[sflag:s3] =	ssyncset.done $0x0;
	(pc) =	sbr.rel @!p0 .LBB2_2-.Ltmp0, $4  }
0x33: {  	s20 =	sadd.s32 $0x1000, s20;
	[sflag:s3] =	ssyncadd.s32 $0xFFFFE000  }
0x34: {  	[hbm4b:s20+s2] =	stream.linear.scatter [tilespmem:s14], [sflag:$0x2], $0x2000, $0x38;
	[tilespmem:$0xA180] =	vst v63  }
0x35: {  	_ =	swait.ge [sflag:s3], $0x2000  }
0x36: {  	s21 =	sadd.s32 $0xFFFFFFFF, s21;
	[sflag:s3] =	ssyncset.done $0x0  }
.LBB2_1:
0x37: {  	p0 =	sne.s32 s21, $0x1;
	s21 =	sadd.s32 $0xFFFFFFFF, s21;
	[sflag:s3] =	ssyncadd.s32 $0xFFFFE000  }
0x38: {  	[tilespmem:s2], [sflag:$0x2] =	stream.linear.gather [hbm4b:s4+s2], $0x140, $0x38;
	[tilespmem:$0xA180] =	vst v63  }
0x39: {  	_ =	swait.ge [sflag:s3], $0x140  }
0x3a: {  	[sflag:s3] =	ssyncset.done $0x0  }
0x3b: {  	[sflag:s3] =	ssyncadd.s32 $0xFFFFFEC0  }
0x3c: {  	[tilespmem:s7], [sflag:$0x1] =	stream.indirect.gather [hbm4b:s5+s6], $0x80, s2, s6, $0xb8;
	[tilespmem:$0xA180] =	vst v63  }
0x3d: {  	_ = 	snop  }
0x3e: {  	[tilespmem:s8], [sflag:$0x1] =	stream.indirect.gather [hbm4b:s5+s6], $0x80, s6, s6, $0xb8;
	[tilespmem:$0xA180] =	vst v63  }
0x3f: {  	_ = 	snop  }
0x40: {  	[tilespmem:s10], [sflag:$0x1] =	stream.indirect.gather [hbm4b:s5+s6], $0x80, s9, s6, $0xb8;
	[tilespmem:$0xA180] =	vst v63  }
0x41: {  	_ = 	snop  }
0x42: {  	[tilespmem:s12], [sflag:$0x1] =	stream.indirect.gather [hbm4b:s5+s6], $0x80, s11, s6, $0xb8;
	[tilespmem:$0xA180] =	vst v63  }
0x43: {  	_ = 	snop  }
0x44: {  	[tilespmem:s14], [sflag:$0x1] =	stream.indirect.gather [hbm4b:s5+s6], $0x80, s13, s6, $0xb8;
	[tilespmem:$0xA180] =	vst v63  }
0x45: {  	_ =	swait.ge [sflag:s15], $0x2000  }
0x46: {  	[sflag:s15] =	ssyncset.done $0x0  }
0x47: {  	[sflag:s15] =	ssyncadd.s32 $0xFFFFE000  }
0x48: {  	_ =	swait.ge [sflag:s15], $0x2000  }
0x49: {  	[sflag:s15] =	ssyncset.done $0x0  }
0x4a: {  	[sflag:s15] =	ssyncadd.s32 $0xFFFFE000  }
0x4b: {  	_ =	swait.ge [sflag:s15], $0x2000  }
0x4c: {  	[sflag:s15] =	ssyncset.done $0x0  }
0x4d: {  	[sflag:s15] =	ssyncadd.s32 $0xFFFFE000  }
0x4e: {  	_ =	swait.ge [sflag:s15], $0x2000  }
0x4f: {  	[sflag:s15] =	ssyncset.done $0x0  }
0x50: {  	[sflag:s15] =	ssyncadd.s32 $0xFFFFE000  }
0x51: {  	_ =	swait.ge [sflag:s15], $0x2000  }
0x52: {  	[sflag:s15] =	ssyncset.done $0x0  }
0x53: {  	[sflag:s15] =	ssyncadd.s32 $0xFFFFE000  }
0x54: {  	[hbm4b:s16+s2] =	stream.linear.scatter [tilespmem:s7], [sflag:$0x2], $0x2000, $0x38;
	[tilespmem:$0xA180] =	vst v63  }
0x55: {  	_ =	swait.ge [sflag:s3], $0x2000  }
0x56: {  	[sflag:s3] =	ssyncset.done $0x0  }
0x57: {  	[sflag:s3] =	ssyncadd.s32 $0xFFFFE000  }
0x58: {  	[hbm4b:s17+s2] =	stream.linear.scatter [tilespmem:s8], [sflag:$0x2], $0x2000, $0x38;
	[tilespmem:$0xA180] =	vst v63  }
0x59: {  	_ =	swait.ge [sflag:s3], $0x2000  }
0x5a: {  	[sflag:s3] =	ssyncset.done $0x0  }
0x5b: {  	[sflag:s3] =	ssyncadd.s32 $0xFFFFE000  }
0x5c: {  	[hbm4b:s18+s2] =	stream.linear.scatter [tilespmem:s10], [sflag:$0x2], $0x2000, $0x38;
	[tilespmem:$0xA180] =	vst v63  }
0x5d: {  	_ =	swait.ge [sflag:s3], $0x2000  }
0x5e: {  	[sflag:s3] =	ssyncset.done $0x0  }
0x5f: {  	[sflag:s3] =	ssyncadd.s32 $0xFFFFE000  }
0x60: {  	[hbm4b:s19+s2] =	stream.linear.scatter [tilespmem:s12], [sflag:$0x2], $0x2000, $0x38;
	[tilespmem:$0xA180] =	vst v63  }
0x61: {  	_ =	swait.ge [sflag:s3], $0x2000  }
.Ltmp1:
0x62: {  	[sflag:s3] =	ssyncset.done $0x0;
	(pc) =	sbr.rel @p0 .LBB2_1-.Ltmp1, $4  }
0x63: {  	[sflag:s3] =	ssyncadd.s32 $0xFFFFE000  }
0x64: {  	[hbm4b:s20+s2] =	stream.linear.scatter [tilespmem:s14], [sflag:$0x2], $0x2000, $0x38;
	[tilespmem:$0xA180] =	vst v63  }
0x65: {  	_ =	swait.ge [sflag:s3], $0x2000  }
0x66: {  	[sflag:s3] =	ssyncset.done $0x0  }
.LBB2_2:
0x67: {  	[sflag:s3] =	ssyncadd.s32 $0xFFFFE000  }
0x68: {  	_ =	sfence.sel $0x180000  }
0x69: {  	[bflag:$0x0] =	sbarrier.arrive $0xFFFF  }
0x6a: {  	p0 =	sne.s32 s0, $0x0;
	_ =	strace $0x90000056  }
0x6b: {  	s0 =	sadd.s32 @!p0 $0x100000, s1;
	[bflag:$0x2] =	sbarrier.arrive $0xFFFF  }
0x6c: {  	[sflag:s0] =	ssyncadd.tile.s32 @!p0 $0x1;
	_ =	shalt  }
.Lfunc_end2:
_tile_overlayer_lowered:
.L_overlay_start_2:
0x6d: {  	(tag) =	ssettag $0x2  }
0x6e: {  	s0 =	rddreg [dreg:$0x0];
	s2 =	stileid.u32  }
0x6f: {  	s1 =	rddreg [dreg:$0x1];
	p0 =	sne.s32 s2, $0x0  }
0x70: {  	s3 =	rddreg [dreg:$0x2];
	[bflag:$0x3] =	sbarrier.arrive $0xFFFF;
	s2 =	simm.s32 @!p0 $0x1C02  }
0x71: {  	[timem:s3], [sflag:s2] =	dma.local @!p0 [hbm:s0], s1  }
0x72: {  	s0 =	simm.s32 @!p0 $0x2  }
0x73: {  	_ =	swait.ge @!p0 [sflag:s0], s1  }
0x74: {  	s1 =	ssub.s32 @!p0 $0x0, s1;
	[sflag:s0] =	ssyncset.done @!p0 $0x0  }
0x75: {  	[sflag:s0] =	ssyncadd.s32 @!p0 s1  }
0x76: {  	[bflag:$0x3] =	sbarrier.arrive $0xFFFF  }
0x77: {  	_ =	shalt  }

</sc_bundles>
